<compile_context>
chip_gen: v7x
topology: tpu7x:2x2x1
jax: 0.10.2.dev20260603
libtpu: 0.0.44.dev20260713+nightly
codegen_flags: <defaults>
</compile_context>

<pallas_src>
import functools

import jax
import jax.numpy as jnp
from jax import lax
from jax.experimental import pallas as pl
from jax.experimental.pallas import tpu as pltpu
from jax.experimental.pallas import tpu_sc as plsc

NC = 2
NS = 16
NW = NC * NS
L = 16

EPS = 1e-12
CHUNK = 48
NBUF = 2


def _embed_ln(ids, word, pos, ttype, gamma, beta, *, n_tok, hid, seq):
    tpw = n_tok // NW
    sizes = [CHUNK] * (tpw // CHUNK)
    if tpw % CHUNK:
        sizes.append(tpw % CHUNK)
    starts = [sum(sizes[:i]) for i in range(len(sizes))]
    n_chunks = len(sizes)
    mesh = plsc.VectorSubcoreMesh(core_axis_name="c", subcore_axis_name="s")

    @functools.partial(
        pl.kernel,
        out_type=jax.ShapeDtypeStruct((n_tok, hid), jnp.float32),
        mesh=mesh,
        scratch_types=[
            pltpu.VMEM((tpw,), jnp.int32),
            [pltpu.VMEM((CHUNK, hid), jnp.float32)] * NBUF,
            pltpu.VMEM((CHUNK, hid), jnp.float32),
            pltpu.VMEM((hid,), jnp.float32),
            pltpu.VMEM((hid,), jnp.float32),
            pltpu.VMEM((hid,), jnp.float32),
            [pltpu.SemaphoreType.DMA] * NBUF,
            pltpu.SemaphoreType.DMA,
            [pltpu.SemaphoreType.DMA] * NBUF,
        ],
        compiler_params=pltpu.CompilerParams(use_tc_tiling_on_sc=True,
                                             needs_layout_passes=False,
                                             disable_semaphore_checks=True,
                                             disable_bounds_checks=True),
    )
    def body(ids_hbm, w_hbm, p_hbm, t_hbm, g_hbm, b_hbm, out_hbm,
             idx_all, wbufs, pbuf, tb, gb, bb, semg, semp, semo):
        wid = lax.axis_index("s") * NC + lax.axis_index("c")
        base = wid * tpw

        pltpu.sync_copy(ids_hbm.at[pl.ds(base, tpw)], idx_all)
        pltpu.sync_copy(t_hbm.at[0], tb)
        pltpu.sync_copy(g_hbm, gb)
        pltpu.sync_copy(b_hbm, bb)

        inv_h = jnp.float32(1.0 / hid)
        zero = jnp.zeros((L,), jnp.float32)
        lane = lax.iota(jnp.int32, 16)
        rows0 = [lane + g * L for g in range(CHUNK // L)]

        def issue_gather(c, b):
            return pltpu.async_copy(
                w_hbm.at[idx_all.at[pl.ds(starts[c], sizes[c])]],
                wbufs[b].at[pl.ds(0, sizes[c])], semg[b])

        def issue_pos(c):
            s0 = lax.rem(base + starts[c], seq)
            return pltpu.async_copy(p_hbm.at[pl.ds(s0, sizes[c])],
                                    pbuf.at[pl.ds(0, sizes[c])], semp)

        inflight = [None] * NBUF
        outflight = [None] * NBUF

        inflight[0] = issue_gather(0, 0)
        pflight = issue_pos(0)

        for c in range(n_chunks):
            b = c % NBUF
            nb = (c + 1) % NBUF
            ngrp = sizes[c] // L
            if c + 1 < n_chunks:
                if outflight[nb] is not None:
                    outflight[nb].wait()
                    outflight[nb] = None
                inflight[nb] = issue_gather(c + 1, nb)
            inflight[b].wait()
            pflight.wait()
            wbuf = wbufs[b]

            @plsc.parallel_loop(0, hid, unroll=4,
                                carry=tuple([zero] * (2 * ngrp)))
            def _p1(j, acc, wbuf=wbuf, ngrp=ngrp):
                jf = jnp.full((L,), j, jnp.int32) ^ lane
                tv = plsc.load_gather(tb, [jf])
                out = []
                for g in range(ngrp):
                    wv = plsc.load_gather(wbuf, [rows0[g], jf])
                    pv = plsc.load_gather(pbuf, [rows0[g], jf])
                    x = wv + pv + tv
                    plsc.store_scatter(wbuf, [rows0[g], jf], x)
                    out.append(acc[2 * g] + x)
                    out.append(acc[2 * g + 1] + x * x)
                return tuple(out)

            if c + 1 < n_chunks:
                pflight = issue_pos(c + 1)

            stats = []
            for g in range(ngrp):
                mu = _p1[2 * g] * inv_h
                var = _p1[2 * g + 1] * inv_h - mu * mu
                v = var + jnp.float32(EPS)
                bits = plsc.bitcast(v, jnp.int32)
                y = plsc.bitcast(jnp.int32(0x5F3759DF) - (bits >> 1),
                                 jnp.float32)
                for _ in range(4):
                    y = y * (jnp.float32(1.5) - jnp.float32(0.5) * v * y * y)
                stats.append((mu, y))

            @plsc.parallel_loop(0, hid, unroll=4)
            def _p2(j, wbuf=wbuf, stats=stats, ngrp=ngrp):
                jf = jnp.full((L,), j, jnp.int32) ^ lane
                gv = plsc.load_gather(gb, [jf])
                bv = plsc.load_gather(bb, [jf])
                for g in range(ngrp):
                    x = plsc.load_gather(wbuf, [rows0[g], jf])
                    mu, y = stats[g]
                    o = (x - mu) * y * gv + bv
                    plsc.store_scatter(wbuf, [rows0[g], jf], o)

            outflight[b] = pltpu.async_copy(
                wbuf.at[pl.ds(0, sizes[c])],
                out_hbm.at[pl.ds(base + starts[c], sizes[c])], semo[b])

        for b in range(NBUF):
            if outflight[b] is not None:
                outflight[b].wait()

    return body(ids, word, pos, ttype, gamma, beta)


def kernel(input_ids, turn_ids, position_ids, role_ids, word_embeddings,
           position_embeddings, token_type_embeddings, ln_gamma, ln_beta):
    b, s = input_ids.shape
    hid = word_embeddings.shape[1]
    ids = input_ids.reshape(-1).astype(jnp.int32)
    out = _embed_ln(ids, word_embeddings, position_embeddings,
                    token_type_embeddings, ln_gamma, ln_beta,
                    n_tok=b * s, hid=hid, seq=s)
    return out.reshape(b, s, hid)

# --- scband reference (transcript-rebuilt; emitter-appended) ---
"""Pipeline reference for scband-dialog-bert-embeddings-19301583028348 (READ-ONLY COPY).

The authoritative reference and input builder live on the scoring server;
editing this copy changes nothing except your own understanding.
"""

import jax, jax.numpy as jnp
import numpy as np

VOCAB = 100000
HID = 768
MAXPOS = 2048
TYPES = 2
EPS = 1e-12
B = 4
S = 2048


def layer_norm(x, gamma, beta):
    mu = jnp.mean(x, axis=-1, keepdims=True)
    var = jnp.mean((x - mu) ** 2, axis=-1, keepdims=True)
    return (x - mu) / jnp.sqrt(var + EPS) * gamma + beta


def setup_inputs(seed: int = 0) -> dict:
    key = jax.random.key(seed)
    ks = jax.random.split(key, 8)
    input_ids = jax.random.randint(ks[0], (B, S), 0, VOCAB)
    turn_ids = jax.random.randint(ks[1], (B, S), 0, TYPES)
    position_ids = jax.random.randint(ks[2], (B, S), 0, MAXPOS)
    role_ids = jax.random.randint(ks[3], (B, S), 0, TYPES)
    word_embeddings = jax.random.normal(ks[4], (VOCAB, HID), dtype=jnp.float32) * 0.02
    word_embeddings = word_embeddings.at[0].set(0.0)  # padding_idx = 0
    position_embeddings = jax.random.normal(ks[5], (MAXPOS, HID), dtype=jnp.float32) * 0.02
    token_type_embeddings = jax.random.normal(ks[6], (TYPES, HID), dtype=jnp.float32) * 0.02
    ln_gamma = jnp.ones((HID,), dtype=jnp.float32)
    ln_beta = jnp.zeros((HID,), dtype=jnp.float32)
    return {
        "input_ids": input_ids,
        "turn_ids": turn_ids,
        "position_ids": position_ids,
        "role_ids": role_ids,
        "word_embeddings": word_embeddings,
        "position_embeddings": position_embeddings,
        "token_type_embeddings": token_type_embeddings,
        "ln_gamma": ln_gamma,
        "ln_beta": ln_beta,
    }


def reference(input_ids, turn_ids, position_ids, role_ids, word_embeddings,
              position_embeddings, token_type_embeddings, ln_gamma, ln_beta):
    # NOTE: the torch forward IGNORES the passed position_ids/turn_ids/role_ids:
    # it recomputes position_ids = arange(seq_len) and token_type_ids = zeros.
    b, s = input_ids.shape
    pos_ids = jnp.broadcast_to(jnp.arange(s, dtype=jnp.int32)[None, :], (b, s))
    token_type_ids = jnp.zeros((b, s), dtype=jnp.int32)
    inputs_embeds = jnp.take(word_embeddings, input_ids, axis=0)
    pos_embeds = jnp.take(position_embeddings, pos_ids, axis=0)
    type_embeds = jnp.take(token_type_embeddings, token_type_ids, axis=0)
    embeddings = inputs_embeds + pos_embeds + type_embeds
    embeddings = layer_norm(embeddings, ln_gamma, ln_beta)
    # dropout is identity in eval mode
    return embeddings

if __name__ == "__main__":
    import jax
    _d = setup_inputs()
    print(jax.jit(kernel)(*tuple(_d.values())))

</pallas_src>

<mosaic_0001>
#map = affine_map<(d0, d1) -> (0)>
#map1 = affine_map<(d0, d1) -> (0, 0)>
module attributes {stable_mosaic.version = 14 : i64} {
  func.func @body(%arg0: i32, %arg1: i32, %arg2: memref<8192xi32, #tpu.memory_space<hbm>>, %arg3: memref<100000x768xf32, #tpu.memory_space<hbm>>, %arg4: memref<2048x768xf32, #tpu.memory_space<hbm>>, %arg5: memref<2x768xf32, #tpu.memory_space<hbm>>, %arg6: memref<768xf32, #tpu.memory_space<hbm>>, %arg7: memref<768xf32, #tpu.memory_space<hbm>>, %arg8: memref<8192x768xf32, #tpu.memory_space<hbm>>, %arg9: memref<256xi32, #tpu.memory_space<vmem>>, %arg10: memref<48x768xf32, #tpu.memory_space<vmem>>, %arg11: memref<48x768xf32, #tpu.memory_space<vmem>>, %arg12: memref<48x768xf32, #tpu.memory_space<vmem>>, %arg13: memref<768xf32, #tpu.memory_space<vmem>>, %arg14: memref<768xf32, #tpu.memory_space<vmem>>, %arg15: memref<768xf32, #tpu.memory_space<vmem>>, %arg16: memref<!tpu.dma_semaphore, #tpu.memory_space<semaphore_mem>>, %arg17: memref<!tpu.dma_semaphore, #tpu.memory_space<semaphore_mem>>, %arg18: memref<!tpu.dma_semaphore, #tpu.memory_space<semaphore_mem>>, %arg19: memref<!tpu.dma_semaphore, #tpu.memory_space<semaphore_mem>>, %arg20: memref<!tpu.dma_semaphore, #tpu.memory_space<semaphore_mem>>) attributes {dimension_semantics = [#tpu.dimension_semantics<core_parallel>, #tpu.dimension_semantics<subcore_parallel>], iteration_bounds = array<i64: 2, 16>, scalar_prefetch = 0 : i64, scratch_operands = 12 : i64, tpu.core_type = #tpu.core_type<sc_vector_subcore>, window_params = [{transform_indices = #map}, {transform_indices = #map1}, {transform_indices = #map1}, {transform_indices = #map1}, {transform_indices = #map}, {transform_indices = #map}, {transform_indices = #map1}]} {
    %mul3A = arith.constant 2 : i32
    %mul3A_0 = arith.muli %arg1, %mul3A : i32
    %add3A = arith.addi %mul3A_0, %arg0 : i32
    %mul3A_1 = arith.constant 256 : i32
    %mul3A_2 = arith.muli %add3A, %mul3A_1 : i32
    "tpu.region"() ({
      %run_scoped3A_1300 = tpu.sem_alloc : memref<!tpu.dma_semaphore, #tpu.memory_space<semaphore_mem>>
      %dma_start3A_1301 = tpu.memref_slice %arg2[%mul3A_2] : memref<8192xi32, #tpu.memory_space<hbm>> -> memref<256xi32, #tpu.memory_space<hbm>>
      %dma_start3A_1302 = tpu.memref_slice %arg2[%mul3A_2] : memref<8192xi32, #tpu.memory_space<hbm>> -> memref<256xi32, #tpu.memory_space<hbm>>
      tpu.enqueue_dma source(%dma_start3A_1302 : memref<256xi32, #tpu.memory_space<hbm>>) target(%arg9 : memref<256xi32, #tpu.memory_space<vmem>>) target_semaphore(%run_scoped3A_1300 : memref<!tpu.dma_semaphore, #tpu.memory_space<semaphore_mem>>)
      %dma_wait3A_1303 = tpu.memref_slice %arg2[%mul3A_2] : memref<8192xi32, #tpu.memory_space<hbm>> -> memref<256xi32, #tpu.memory_space<hbm>>
      %dma_wait3A_1304 = tpu.memref_slice %arg2[%mul3A_2] : memref<8192xi32, #tpu.memory_space<hbm>> -> memref<256xi32, #tpu.memory_space<hbm>>
      tpu.wait_dma2 semaphore(%run_scoped3A_1300 : memref<!tpu.dma_semaphore, #tpu.memory_space<semaphore_mem>>) src(%dma_wait3A_1304 : memref<256xi32, #tpu.memory_space<hbm>>) dst(%arg9 : memref<256xi32, #tpu.memory_space<vmem>>)
      tpu.yield
    }) : () -> ()
    %run_scoped3A = arith.constant 0 : i32
    "tpu.region"() ({
      %run_scoped3A_1300 = tpu.sem_alloc : memref<!tpu.dma_semaphore, #tpu.memory_space<semaphore_mem>>
      %dma_start3A_1301 = arith.constant 0 : i32
      %dma_start3A_1302 = tpu.memref_slice %arg5[%run_scoped3A, %dma_start3A_1301] : memref<2x768xf32, #tpu.memory_space<hbm>> -> memref<1x768xf32, #tpu.memory_space<hbm>>
      %dma_start3A_1303 = tpu.memref_squeeze %dma_start3A_1302 : memref<1x768xf32, #tpu.memory_space<hbm>> -> memref<768xf32, #tpu.memory_space<hbm>>
      %dma_start3A_1304 = arith.constant 0 : i32
      %dma_start3A_1305 = tpu.memref_slice %arg5[%run_scoped3A, %dma_start3A_1304] : memref<2x768xf32, #tpu.memory_space<hbm>> -> memref<1x768xf32, #tpu.memory_space<hbm>>
      %dma_start3A_1306 = tpu.memref_squeeze %dma_start3A_1305 : memref<1x768xf32, #tpu.memory_space<hbm>> -> memref<768xf32, #tpu.memory_space<hbm>>
      tpu.enqueue_dma source(%dma_start3A_1306 : memref<768xf32, #tpu.memory_space<hbm>>) target(%arg13 : memref<768xf32, #tpu.memory_space<vmem>>) target_semaphore(%run_scoped3A_1300 : memref<!tpu.dma_semaphore, #tpu.memory_space<semaphore_mem>>)
      %dma_wait3A_1307 = arith.constant 0 : i32
      %dma_wait3A_1308 = tpu.memref_slice %arg5[%run_scoped3A, %dma_wait3A_1307] : memref<2x768xf32, #tpu.memory_space<hbm>> -> memref<1x768xf32, #tpu.memory_space<hbm>>
      %dma_wait3A_1309 = tpu.memref_squeeze %dma_wait3A_1308 : memref<1x768xf32, #tpu.memory_space<hbm>> -> memref<768xf32, #tpu.memory_space<hbm>>
      %dma_wait3A_1310 = arith.constant 0 : i32
      %dma_wait3A_1311 = tpu.memref_slice %arg5[%run_scoped3A, %dma_wait3A_1310] : memref<2x768xf32, #tpu.memory_space<hbm>> -> memref<1x768xf32, #tpu.memory_space<hbm>>
      %dma_wait3A_1312 = tpu.memref_squeeze %dma_wait3A_1311 : memref<1x768xf32, #tpu.memory_space<hbm>> -> memref<768xf32, #tpu.memory_space<hbm>>
      tpu.wait_dma2 semaphore(%run_scoped3A_1300 : memref<!tpu.dma_semaphore, #tpu.memory_space<semaphore_mem>>) src(%dma_wait3A_1312 : memref<768xf32, #tpu.memory_space<hbm>>) dst(%arg13 : memref<768xf32, #tpu.memory_space<vmem>>)
      tpu.yield
    }) : () -> ()
    "tpu.region"() ({
      %run_scoped3A_1300 = tpu.sem_alloc : memref<!tpu.dma_semaphore, #tpu.memory_space<semaphore_mem>>
      tpu.enqueue_dma source(%arg6 : memref<768xf32, #tpu.memory_space<hbm>>) target(%arg14 : memref<768xf32, #tpu.memory_space<vmem>>) target_semaphore(%run_scoped3A_1300 : memref<!tpu.dma_semaphore, #tpu.memory_space<semaphore_mem>>)
      tpu.wait_dma2 semaphore(%run_scoped3A_1300 : memref<!tpu.dma_semaphore, #tpu.memory_space<semaphore_mem>>) src(%arg6 : memref<768xf32, #tpu.memory_space<hbm>>) dst(%arg14 : memref<768xf32, #tpu.memory_space<vmem>>)
      tpu.yield
    }) : () -> ()
    "tpu.region"() ({
      %run_scoped3A_1300 = tpu.sem_alloc : memref<!tpu.dma_semaphore, #tpu.memory_space<semaphore_mem>>
      tpu.enqueue_dma source(%arg7 : memref<768xf32, #tpu.memory_space<hbm>>) target(%arg15 : memref<768xf32, #tpu.memory_space<vmem>>) target_semaphore(%run_scoped3A_1300 : memref<!tpu.dma_semaphore, #tpu.memory_space<semaphore_mem>>)
      tpu.wait_dma2 semaphore(%run_scoped3A_1300 : memref<!tpu.dma_semaphore, #tpu.memory_space<semaphore_mem>>) src(%arg7 : memref<768xf32, #tpu.memory_space<hbm>>) dst(%arg15 : memref<768xf32, #tpu.memory_space<vmem>>)
      tpu.yield
    }) : () -> ()
    %broadcast_in_dim3A = arith.constant 0.000000e+00 : f32
    %broadcast_in_dim3A_3 = vector.broadcast %broadcast_in_dim3A : f32 to vector<16xf32>
    %iota3A = tpu.iota {dimensions = array<i32: 0>} : vector<16xi32>
    %add3A_4 = arith.constant 0 : i32
    %add3A_5 = vector.broadcast %add3A_4 : i32 to vector<16xi32>
    %add3A_6 = arith.addi %iota3A, %add3A_5 : vector<16xi32>
    %add3A_7 = arith.constant 16 : i32
    %add3A_8 = vector.broadcast %add3A_7 : i32 to vector<16xi32>
    %add3A_9 = arith.addi %iota3A, %add3A_8 : vector<16xi32>
    %add3A_10 = arith.constant 32 : i32
    %add3A_11 = vector.broadcast %add3A_10 : i32 to vector<16xi32>
    %add3A_12 = arith.addi %iota3A, %add3A_11 : vector<16xi32>
    %dma_start3A = arith.constant 0 : i32
    %dma_start3A_13 = arith.constant 0 : i32
    %dma_start3A_14 = tpu.memref_slice %arg10[%dma_start3A, %dma_start3A_13] : memref<48x768xf32, #tpu.memory_space<vmem>> -> memref<48x768xf32, #tpu.memory_space<vmem>>
    %dma_start3A_15 = arith.constant 0 : i32
    %dma_start3A_16 = tpu.memref_slice %arg9[%dma_start3A_15] : memref<256xi32, #tpu.memory_space<vmem>> -> memref<48xi32, #tpu.memory_space<vmem>>
    %dma_start3A_17 = arith.constant 0 : i32
    %dma_start3A_18 = arith.constant 0 : i32
    %dma_start3A_19 = tpu.memref_slice %arg3[%dma_start3A_17, %dma_start3A_18] : memref<100000x768xf32, #tpu.memory_space<hbm>> -> memref<100000x768xf32, #tpu.memory_space<hbm>>
    tpu.enqueue_indirect_dma source(%dma_start3A_19 : memref<100000x768xf32, #tpu.memory_space<hbm>>) target(%dma_start3A_14 : memref<48x768xf32, #tpu.memory_space<vmem>>) offsets(%dma_start3A_16 : memref<48xi32, #tpu.memory_space<vmem>>) semaphore(%arg16 : memref<!tpu.dma_semaphore, #tpu.memory_space<semaphore_mem>>)
    %add3A_20 = arith.constant 0 : i32
    %add3A_21 = arith.addi %mul3A_2, %add3A_20 : i32
    %rem3A = arith.constant 2048 : i32
    %rem3A_22 = arith.remsi %add3A_21, %rem3A : i32
    %dma_start3A_23 = arith.constant 0 : i32
    %dma_start3A_24 = arith.constant 0 : i32
    %dma_start3A_25 = tpu.memref_slice %arg12[%dma_start3A_23, %dma_start3A_24] : memref<48x768xf32, #tpu.memory_space<vmem>> -> memref<48x768xf32, #tpu.memory_space<vmem>>
    %dma_start3A_26 = arith.constant 0 : i32
    %dma_start3A_27 = tpu.memref_slice %arg4[%rem3A_22, %dma_start3A_26] : memref<2048x768xf32, #tpu.memory_space<hbm>> -> memref<48x768xf32, #tpu.memory_space<hbm>>
    %dma_start3A_28 = arith.constant 0 : i32
    %dma_start3A_29 = arith.constant 0 : i32
    %dma_start3A_30 = tpu.memref_slice %arg12[%dma_start3A_28, %dma_start3A_29] : memref<48x768xf32, #tpu.memory_space<vmem>> -> memref<48x768xf32, #tpu.memory_space<vmem>>
    %dma_start3A_31 = arith.constant 0 : i32
    %dma_start3A_32 = tpu.memref_slice %arg4[%rem3A_22, %dma_start3A_31] : memref<2048x768xf32, #tpu.memory_space<hbm>> -> memref<48x768xf32, #tpu.memory_space<hbm>>
    tpu.enqueue_dma source(%dma_start3A_32 : memref<48x768xf32, #tpu.memory_space<hbm>>) target(%dma_start3A_30 : memref<48x768xf32, #tpu.memory_space<vmem>>) target_semaphore(%arg18 : memref<!tpu.dma_semaphore, #tpu.memory_space<semaphore_mem>>)
    %dma_start3A_33 = arith.constant 0 : i32
    %dma_start3A_34 = arith.constant 0 : i32
    %dma_start3A_35 = tpu.memref_slice %arg11[%dma_start3A_33, %dma_start3A_34] : memref<48x768xf32, #tpu.memory_space<vmem>> -> memref<48x768xf32, #tpu.memory_space<vmem>>
    %dma_start3A_36 = arith.constant 48 : i32
    %dma_start3A_37 = tpu.memref_slice %arg9[%dma_start3A_36] : memref<256xi32, #tpu.memory_space<vmem>> -> memref<48xi32, #tpu.memory_space<vmem>>
    %dma_start3A_38 = arith.constant 0 : i32
    %dma_start3A_39 = arith.constant 0 : i32
    %dma_start3A_40 = tpu.memref_slice %arg3[%dma_start3A_38, %dma_start3A_39] : memref<100000x768xf32, #tpu.memory_space<hbm>> -> memref<100000x768xf32, #tpu.memory_space<hbm>>
    tpu.enqueue_indirect_dma source(%dma_start3A_40 : memref<100000x768xf32, #tpu.memory_space<hbm>>) target(%dma_start3A_35 : memref<48x768xf32, #tpu.memory_space<vmem>>) offsets(%dma_start3A_37 : memref<48xi32, #tpu.memory_space<vmem>>) semaphore(%arg17 : memref<!tpu.dma_semaphore, #tpu.memory_space<semaphore_mem>>)
    %dma_wait3A = arith.constant 0 : i32
    %dma_wait3A_41 = arith.constant 0 : i32
    %dma_wait3A_42 = tpu.memref_slice %arg10[%dma_wait3A, %dma_wait3A_41] : memref<48x768xf32, #tpu.memory_space<vmem>> -> memref<48x768xf32, #tpu.memory_space<vmem>>
    %dma_wait3A_43 = arith.constant 0 : i32
    %dma_wait3A_44 = tpu.memref_slice %arg9[%dma_wait3A_43] : memref<256xi32, #tpu.memory_space<vmem>> -> memref<48xi32, #tpu.memory_space<vmem>>
    %dma_wait3A_45 = arith.constant 0 : i32
    %dma_wait3A_46 = arith.constant 0 : i32
    %dma_wait3A_47 = tpu.memref_slice %arg3[%dma_wait3A_45, %dma_wait3A_46] : memref<100000x768xf32, #tpu.memory_space<hbm>> -> memref<100000x768xf32, #tpu.memory_space<hbm>>
    tpu.wait_indirect_dma semaphore(%arg16 : memref<!tpu.dma_semaphore, #tpu.memory_space<semaphore_mem>>) src(%dma_wait3A_47 : memref<100000x768xf32, #tpu.memory_space<hbm>>) dst(%dma_wait3A_42 : memref<48x768xf32, #tpu.memory_space<vmem>>)
    %dma_wait3A_48 = arith.constant 0 : i32
    %dma_wait3A_49 = arith.constant 0 : i32
    %dma_wait3A_50 = tpu.memref_slice %arg12[%dma_wait3A_48, %dma_wait3A_49] : memref<48x768xf32, #tpu.memory_space<vmem>> -> memref<48x768xf32, #tpu.memory_space<vmem>>
    %dma_wait3A_51 = arith.constant 0 : i32
    %dma_wait3A_52 = tpu.memref_slice %arg4[%rem3A_22, %dma_wait3A_51] : memref<2048x768xf32, #tpu.memory_space<hbm>> -> memref<48x768xf32, #tpu.memory_space<hbm>>
    %dma_wait3A_53 = arith.constant 0 : i32
    %dma_wait3A_54 = arith.constant 0 : i32
    %dma_wait3A_55 = tpu.memref_slice %arg12[%dma_wait3A_53, %dma_wait3A_54] : memref<48x768xf32, #tpu.memory_space<vmem>> -> memref<48x768xf32, #tpu.memory_space<vmem>>
    %dma_wait3A_56 = arith.constant 0 : i32
    %dma_wait3A_57 = tpu.memref_slice %arg4[%rem3A_22, %dma_wait3A_56] : memref<2048x768xf32, #tpu.memory_space<hbm>> -> memref<48x768xf32, #tpu.memory_space<hbm>>
    tpu.wait_dma2 semaphore(%arg18 : memref<!tpu.dma_semaphore, #tpu.memory_space<semaphore_mem>>) src(%dma_wait3A_57 : memref<48x768xf32, #tpu.memory_space<hbm>>) dst(%dma_wait3A_55 : memref<48x768xf32, #tpu.memory_space<vmem>>)
    %parallel_loop3A = arith.constant 0 : i32
    %parallel_loop3A_58 = arith.constant 768 : i32
    %parallel_loop3A_59 = arith.constant 1 : i32
    %parallel_loop3A_60:6 = scf.for %parallel_loop3A_1300 = %parallel_loop3A to %parallel_loop3A_58 step %parallel_loop3A_59 iter_args(%parallel_loop3A_1301 = %broadcast_in_dim3A_3, %parallel_loop3A_1302 = %broadcast_in_dim3A_3, %parallel_loop3A_1303 = %broadcast_in_dim3A_3, %parallel_loop3A_1304 = %broadcast_in_dim3A_3, %parallel_loop3A_1305 = %broadcast_in_dim3A_3, %parallel_loop3A_1306 = %broadcast_in_dim3A_3) -> (vector<16xf32>, vector<16xf32>, vector<16xf32>, vector<16xf32>, vector<16xf32>, vector<16xf32>)  : i32 {
      %parallel_loop3A_1307 = vector.broadcast %parallel_loop3A_1300 : i32 to vector<16xi32>
      %parallel_loop3A_1308 = arith.xori %parallel_loop3A_1307, %iota3A : vector<16xi32>
      %parallel_loop3A_1309 = tpu.vector_load_idx %arg13[%parallel_loop3A_1308] : memref<768xf32, #tpu.memory_space<vmem>>[vector<16xi32>], vector<16xf32>,
      %parallel_loop3A_1310 = tpu.vector_load_idx %arg10[%add3A_6, %parallel_loop3A_1308] : memref<48x768xf32, #tpu.memory_space<vmem>>[vector<16xi32>, vector<16xi32>], vector<16xf32>,
      %parallel_loop3A_1311 = tpu.vector_load_idx %arg12[%add3A_6, %parallel_loop3A_1308] : memref<48x768xf32, #tpu.memory_space<vmem>>[vector<16xi32>, vector<16xi32>], vector<16xf32>,
      %parallel_loop3A_1312 = arith.addf %parallel_loop3A_1310, %parallel_loop3A_1311 : vector<16xf32>
      %parallel_loop3A_1313 = arith.addf %parallel_loop3A_1312, %parallel_loop3A_1309 : vector<16xf32>
      tpu.vector_store_idx %arg10[%add3A_6, %parallel_loop3A_1308], %parallel_loop3A_1313 : memref<48x768xf32, #tpu.memory_space<vmem>>[vector<16xi32>, vector<16xi32>], vector<16xf32>,
      %parallel_loop3A_1314 = arith.addf %parallel_loop3A_1301, %parallel_loop3A_1313 : vector<16xf32>
      %parallel_loop3A_1315 = arith.mulf %parallel_loop3A_1313, %parallel_loop3A_1313 : vector<16xf32>
      %parallel_loop3A_1316 = arith.addf %parallel_loop3A_1302, %parallel_loop3A_1315 : vector<16xf32>
      %parallel_loop3A_1317 = tpu.vector_load_idx %arg10[%add3A_9, %parallel_loop3A_1308] : memref<48x768xf32, #tpu.memory_space<vmem>>[vector<16xi32>, vector<16xi32>], vector<16xf32>,
      %parallel_loop3A_1318 = tpu.vector_load_idx %arg12[%add3A_9, %parallel_loop3A_1308] : memref<48x768xf32, #tpu.memory_space<vmem>>[vector<16xi32>, vector<16xi32>], vector<16xf32>,
      %parallel_loop3A_1319 = arith.addf %parallel_loop3A_1317, %parallel_loop3A_1318 : vector<16xf32>
      %parallel_loop3A_1320 = arith.addf %parallel_loop3A_1319, %parallel_loop3A_1309 : vector<16xf32>
      tpu.vector_store_idx %arg10[%add3A_9, %parallel_loop3A_1308], %parallel_loop3A_1320 : memref<48x768xf32, #tpu.memory_space<vmem>>[vector<16xi32>, vector<16xi32>], vector<16xf32>,
      %parallel_loop3A_1321 = arith.addf %parallel_loop3A_1303, %parallel_loop3A_1320 : vector<16xf32>
      %parallel_loop3A_1322 = arith.mulf %parallel_loop3A_1320, %parallel_loop3A_1320 : vector<16xf32>
      %parallel_loop3A_1323 = arith.addf %parallel_loop3A_1304, %parallel_loop3A_1322 : vector<16xf32>
      %parallel_loop3A_1324 = tpu.vector_load_idx %arg10[%add3A_12, %parallel_loop3A_1308] : memref<48x768xf32, #tpu.memory_space<vmem>>[vector<16xi32>, vector<16xi32>], vector<16xf32>,
      %parallel_loop3A_1325 = tpu.vector_load_idx %arg12[%add3A_12, %parallel_loop3A_1308] : memref<48x768xf32, #tpu.memory_space<vmem>>[vector<16xi32>, vector<16xi32>], vector<16xf32>,
      %parallel_loop3A_1326 = arith.addf %parallel_loop3A_1324, %parallel_loop3A_1325 : vector<16xf32>
      %parallel_loop3A_1327 = arith.addf %parallel_loop3A_1326, %parallel_loop3A_1309 : vector<16xf32>
      tpu.vector_store_idx %arg10[%add3A_12, %parallel_loop3A_1308], %parallel_loop3A_1327 : memref<48x768xf32, #tpu.memory_space<vmem>>[vector<16xi32>, vector<16xi32>], vector<16xf32>,
      %parallel_loop3A_1328 = arith.addf %parallel_loop3A_1305, %parallel_loop3A_1327 : vector<16xf32>
      %parallel_loop3A_1329 = arith.mulf %parallel_loop3A_1327, %parallel_loop3A_1327 : vector<16xf32>
      %parallel_loop3A_1330 = arith.addf %parallel_loop3A_1306, %parallel_loop3A_1329 : vector<16xf32>
      scf.yield %parallel_loop3A_1314, %parallel_loop3A_1316, %parallel_loop3A_1321, %parallel_loop3A_1323, %parallel_loop3A_1328, %parallel_loop3A_1330 : vector<16xf32>, vector<16xf32>, vector<16xf32>, vector<16xf32>, vector<16xf32>, vector<16xf32>
    } {sc.loop_unroll_factor = 4 : i64, sc.parallel_access}
    %add3A_61 = arith.constant 48 : i32
    %add3A_62 = arith.addi %mul3A_2, %add3A_61 : i32
    %rem3A_63 = arith.constant 2048 : i32
    %rem3A_64 = arith.remsi %add3A_62, %rem3A_63 : i32
    %dma_start3A_65 = arith.constant 0 : i32
    %dma_start3A_66 = arith.constant 0 : i32
    %dma_start3A_67 = tpu.memref_slice %arg12[%dma_start3A_65, %dma_start3A_66] : memref<48x768xf32, #tpu.memory_space<vmem>> -> memref<48x768xf32, #tpu.memory_space<vmem>>
    %dma_start3A_68 = arith.constant 0 : i32
    %dma_start3A_69 = tpu.memref_slice %arg4[%rem3A_64, %dma_start3A_68] : memref<2048x768xf32, #tpu.memory_space<hbm>> -> memref<48x768xf32, #tpu.memory_space<hbm>>
    %dma_start3A_70 = arith.constant 0 : i32
    %dma_start3A_71 = arith.constant 0 : i32
    %dma_start3A_72 = tpu.memref_slice %arg12[%dma_start3A_70, %dma_start3A_71] : memref<48x768xf32, #tpu.memory_space<vmem>> -> memref<48x768xf32, #tpu.memory_space<vmem>>
    %dma_start3A_73 = arith.constant 0 : i32
    %dma_start3A_74 = tpu.memref_slice %arg4[%rem3A_64, %dma_start3A_73] : memref<2048x768xf32, #tpu.memory_space<hbm>> -> memref<48x768xf32, #tpu.memory_space<hbm>>
    tpu.enqueue_dma source(%dma_start3A_74 : memref<48x768xf32, #tpu.memory_space<hbm>>) target(%dma_start3A_72 : memref<48x768xf32, #tpu.memory_space<vmem>>) target_semaphore(%arg18 : memref<!tpu.dma_semaphore, #tpu.memory_space<semaphore_mem>>)
    %mul3A_75 = arith.constant 0.00130208337 : f32
    %mul3A_76 = vector.broadcast %mul3A_75 : f32 to vector<16xf32>
    %mul3A_77 = arith.mulf %parallel_loop3A_60#0, %mul3A_76 : vector<16xf32>
    %mul3A_78 = arith.constant 0.00130208337 : f32
    %mul3A_79 = vector.broadcast %mul3A_78 : f32 to vector<16xf32>
    %mul3A_80 = arith.mulf %parallel_loop3A_60#1, %mul3A_79 : vector<16xf32>
    %mul3A_81 = arith.mulf %mul3A_77, %mul3A_77 : vector<16xf32>
    %sub3A = arith.subf %mul3A_80, %mul3A_81 : vector<16xf32>
    %add3A_82 = arith.constant 9.99999996E-13 : f32
    %add3A_83 = vector.broadcast %add3A_82 : f32 to vector<16xf32>
    %add3A_84 = arith.addf %sub3A, %add3A_83 : vector<16xf32>
    %bitcast3A = vector.bitcast %add3A_84 : vector<16xf32> to vector<16xi32>
    %shift_right_arithmetic3A = arith.constant 1 : i32
    %shift_right_arithmetic3A_85 = vector.broadcast %shift_right_arithmetic3A : i32 to vector<16xi32>
    %shift_right_arithmetic3A_86 = arith.shrsi %bitcast3A, %shift_right_arithmetic3A_85 : vector<16xi32>
    %sub3A_87 = arith.constant 1597463007 : i32
    %sub3A_88 = vector.broadcast %sub3A_87 : i32 to vector<16xi32>
    %sub3A_89 = arith.subi %sub3A_88, %shift_right_arithmetic3A_86 : vector<16xi32>
    %bitcast3A_90 = vector.bitcast %sub3A_89 : vector<16xi32> to vector<16xf32>
    %mul3A_91 = arith.constant 5.000000e-01 : f32
    %mul3A_92 = vector.broadcast %mul3A_91 : f32 to vector<16xf32>
    %mul3A_93 = arith.mulf %mul3A_92, %add3A_84 : vector<16xf32>
    %mul3A_94 = arith.mulf %mul3A_93, %bitcast3A_90 : vector<16xf32>
    %mul3A_95 = arith.mulf %mul3A_94, %bitcast3A_90 : vector<16xf32>
    %sub3A_96 = arith.constant 1.500000e+00 : f32
    %sub3A_97 = vector.broadcast %sub3A_96 : f32 to vector<16xf32>
    %sub3A_98 = arith.subf %sub3A_97, %mul3A_95 : vector<16xf32>
    %mul3A_99 = arith.mulf %bitcast3A_90, %sub3A_98 : vector<16xf32>
    %mul3A_100 = arith.constant 5.000000e-01 : f32
    %mul3A_101 = vector.broadcast %mul3A_100 : f32 to vector<16xf32>
    %mul3A_102 = arith.mulf %mul3A_101, %add3A_84 : vector<16xf32>
    %mul3A_103 = arith.mulf %mul3A_102, %mul3A_99 : vector<16xf32>
    %mul3A_104 = arith.mulf %mul3A_103, %mul3A_99 : vector<16xf32>
    %sub3A_105 = arith.constant 1.500000e+00 : f32
    %sub3A_106 = vector.broadcast %sub3A_105 : f32 to vector<16xf32>
    %sub3A_107 = arith.subf %sub3A_106, %mul3A_104 : vector<16xf32>
    %mul3A_108 = arith.mulf %mul3A_99, %sub3A_107 : vector<16xf32>
    %mul3A_109 = arith.constant 5.000000e-01 : f32
    %mul3A_110 = vector.broadcast %mul3A_109 : f32 to vector<16xf32>
    %mul3A_111 = arith.mulf %mul3A_110, %add3A_84 : vector<16xf32>
    %mul3A_112 = arith.mulf %mul3A_111, %mul3A_108 : vector<16xf32>
    %mul3A_113 = arith.mulf %mul3A_112, %mul3A_108 : vector<16xf32>
    %sub3A_114 = arith.constant 1.500000e+00 : f32
    %sub3A_115 = vector.broadcast %sub3A_114 : f32 to vector<16xf32>
    %sub3A_116 = arith.subf %sub3A_115, %mul3A_113 : vector<16xf32>
    %mul3A_117 = arith.mulf %mul3A_108, %sub3A_116 : vector<16xf32>
    %mul3A_118 = arith.constant 5.000000e-01 : f32
    %mul3A_119 = vector.broadcast %mul3A_118 : f32 to vector<16xf32>
    %mul3A_120 = arith.mulf %mul3A_119, %add3A_84 : vector<16xf32>
    %mul3A_121 = arith.mulf %mul3A_120, %mul3A_117 : vector<16xf32>
    %mul3A_122 = arith.mulf %mul3A_121, %mul3A_117 : vector<16xf32>
    %sub3A_123 = arith.constant 1.500000e+00 : f32
    %sub3A_124 = vector.broadcast %sub3A_123 : f32 to vector<16xf32>
    %sub3A_125 = arith.subf %sub3A_124, %mul3A_122 : vector<16xf32>
    %mul3A_126 = arith.mulf %mul3A_117, %sub3A_125 : vector<16xf32>
    %mul3A_127 = arith.constant 0.00130208337 : f32
    %mul3A_128 = vector.broadcast %mul3A_127 : f32 to vector<16xf32>
    %mul3A_129 = arith.mulf %parallel_loop3A_60#2, %mul3A_128 : vector<16xf32>
    %mul3A_130 = arith.constant 0.00130208337 : f32
    %mul3A_131 = vector.broadcast %mul3A_130 : f32 to vector<16xf32>
    %mul3A_132 = arith.mulf %parallel_loop3A_60#3, %mul3A_131 : vector<16xf32>
    %mul3A_133 = arith.mulf %mul3A_129, %mul3A_129 : vector<16xf32>
    %sub3A_134 = arith.subf %mul3A_132, %mul3A_133 : vector<16xf32>
    %add3A_135 = arith.constant 9.99999996E-13 : f32
    %add3A_136 = vector.broadcast %add3A_135 : f32 to vector<16xf32>
    %add3A_137 = arith.addf %sub3A_134, %add3A_136 : vector<16xf32>
    %bitcast3A_138 = vector.bitcast %add3A_137 : vector<16xf32> to vector<16xi32>
    %shift_right_arithmetic3A_139 = arith.constant 1 : i32
    %shift_right_arithmetic3A_140 = vector.broadcast %shift_right_arithmetic3A_139 : i32 to vector<16xi32>
    %shift_right_arithmetic3A_141 = arith.shrsi %bitcast3A_138, %shift_right_arithmetic3A_140 : vector<16xi32>
    %sub3A_142 = arith.constant 1597463007 : i32
    %sub3A_143 = vector.broadcast %sub3A_142 : i32 to vector<16xi32>
    %sub3A_144 = arith.subi %sub3A_143, %shift_right_arithmetic3A_141 : vector<16xi32>
    %bitcast3A_145 = vector.bitcast %sub3A_144 : vector<16xi32> to vector<16xf32>
    %mul3A_146 = arith.constant 5.000000e-01 : f32
    %mul3A_147 = vector.broadcast %mul3A_146 : f32 to vector<16xf32>
    %mul3A_148 = arith.mulf %mul3A_147, %add3A_137 : vector<16xf32>
    %mul3A_149 = arith.mulf %mul3A_148, %bitcast3A_145 : vector<16xf32>
    %mul3A_150 = arith.mulf %mul3A_149, %bitcast3A_145 : vector<16xf32>
    %sub3A_151 = arith.constant 1.500000e+00 : f32
    %sub3A_152 = vector.broadcast %sub3A_151 : f32 to vector<16xf32>
    %sub3A_153 = arith.subf %sub3A_152, %mul3A_150 : vector<16xf32>
    %mul3A_154 = arith.mulf %bitcast3A_145, %sub3A_153 : vector<16xf32>
    %mul3A_155 = arith.constant 5.000000e-01 : f32
    %mul3A_156 = vector.broadcast %mul3A_155 : f32 to vector<16xf32>
    %mul3A_157 = arith.mulf %mul3A_156, %add3A_137 : vector<16xf32>
    %mul3A_158 = arith.mulf %mul3A_157, %mul3A_154 : vector<16xf32>
    %mul3A_159 = arith.mulf %mul3A_158, %mul3A_154 : vector<16xf32>
    %sub3A_160 = arith.constant 1.500000e+00 : f32
    %sub3A_161 = vector.broadcast %sub3A_160 : f32 to vector<16xf32>
    %sub3A_162 = arith.subf %sub3A_161, %mul3A_159 : vector<16xf32>
    %mul3A_163 = arith.mulf %mul3A_154, %sub3A_162 : vector<16xf32>
    %mul3A_164 = arith.constant 5.000000e-01 : f32
    %mul3A_165 = vector.broadcast %mul3A_164 : f32 to vector<16xf32>
    %mul3A_166 = arith.mulf %mul3A_165, %add3A_137 : vector<16xf32>
    %mul3A_167 = arith.mulf %mul3A_166, %mul3A_163 : vector<16xf32>
    %mul3A_168 = arith.mulf %mul3A_167, %mul3A_163 : vector<16xf32>
    %sub3A_169 = arith.constant 1.500000e+00 : f32
    %sub3A_170 = vector.broadcast %sub3A_169 : f32 to vector<16xf32>
    %sub3A_171 = arith.subf %sub3A_170, %mul3A_168 : vector<16xf32>
    %mul3A_172 = arith.mulf %mul3A_163, %sub3A_171 : vector<16xf32>
    %mul3A_173 = arith.constant 5.000000e-01 : f32
    %mul3A_174 = vector.broadcast %mul3A_173 : f32 to vector<16xf32>
    %mul3A_175 = arith.mulf %mul3A_174, %add3A_137 : vector<16xf32>
    %mul3A_176 = arith.mulf %mul3A_175, %mul3A_172 : vector<16xf32>
    %mul3A_177 = arith.mulf %mul3A_176, %mul3A_172 : vector<16xf32>
    %sub3A_178 = arith.constant 1.500000e+00 : f32
    %sub3A_179 = vector.broadcast %sub3A_178 : f32 to vector<16xf32>
    %sub3A_180 = arith.subf %sub3A_179, %mul3A_177 : vector<16xf32>
    %mul3A_181 = arith.mulf %mul3A_172, %sub3A_180 : vector<16xf32>
    %mul3A_182 = arith.constant 0.00130208337 : f32
    %mul3A_183 = vector.broadcast %mul3A_182 : f32 to vector<16xf32>
    %mul3A_184 = arith.mulf %parallel_loop3A_60#4, %mul3A_183 : vector<16xf32>
    %mul3A_185 = arith.constant 0.00130208337 : f32
    %mul3A_186 = vector.broadcast %mul3A_185 : f32 to vector<16xf32>
    %mul3A_187 = arith.mulf %parallel_loop3A_60#5, %mul3A_186 : vector<16xf32>
    %mul3A_188 = arith.mulf %mul3A_184, %mul3A_184 : vector<16xf32>
    %sub3A_189 = arith.subf %mul3A_187, %mul3A_188 : vector<16xf32>
    %add3A_190 = arith.constant 9.99999996E-13 : f32
    %add3A_191 = vector.broadcast %add3A_190 : f32 to vector<16xf32>
    %add3A_192 = arith.addf %sub3A_189, %add3A_191 : vector<16xf32>
    %bitcast3A_193 = vector.bitcast %add3A_192 : vector<16xf32> to vector<16xi32>
    %shift_right_arithmetic3A_194 = arith.constant 1 : i32
    %shift_right_arithmetic3A_195 = vector.broadcast %shift_right_arithmetic3A_194 : i32 to vector<16xi32>
    %shift_right_arithmetic3A_196 = arith.shrsi %bitcast3A_193, %shift_right_arithmetic3A_195 : vector<16xi32>
    %sub3A_197 = arith.constant 1597463007 : i32
    %sub3A_198 = vector.broadcast %sub3A_197 : i32 to vector<16xi32>
    %sub3A_199 = arith.subi %sub3A_198, %shift_right_arithmetic3A_196 : vector<16xi32>
    %bitcast3A_200 = vector.bitcast %sub3A_199 : vector<16xi32> to vector<16xf32>
    %mul3A_201 = arith.constant 5.000000e-01 : f32
    %mul3A_202 = vector.broadcast %mul3A_201 : f32 to vector<16xf32>
    %mul3A_203 = arith.mulf %mul3A_202, %add3A_192 : vector<16xf32>
    %mul3A_204 = arith.mulf %mul3A_203, %bitcast3A_200 : vector<16xf32>
    %mul3A_205 = arith.mulf %mul3A_204, %bitcast3A_200 : vector<16xf32>
    %sub3A_206 = arith.constant 1.500000e+00 : f32
    %sub3A_207 = vector.broadcast %sub3A_206 : f32 to vector<16xf32>
    %sub3A_208 = arith.subf %sub3A_207, %mul3A_205 : vector<16xf32>
    %mul3A_209 = arith.mulf %bitcast3A_200, %sub3A_208 : vector<16xf32>
    %mul3A_210 = arith.constant 5.000000e-01 : f32
    %mul3A_211 = vector.broadcast %mul3A_210 : f32 to vector<16xf32>
    %mul3A_212 = arith.mulf %mul3A_211, %add3A_192 : vector<16xf32>
    %mul3A_213 = arith.mulf %mul3A_212, %mul3A_209 : vector<16xf32>
    %mul3A_214 = arith.mulf %mul3A_213, %mul3A_209 : vector<16xf32>
    %sub3A_215 = arith.constant 1.500000e+00 : f32
    %sub3A_216 = vector.broadcast %sub3A_215 : f32 to vector<16xf32>
    %sub3A_217 = arith.subf %sub3A_216, %mul3A_214 : vector<16xf32>
    %mul3A_218 = arith.mulf %mul3A_209, %sub3A_217 : vector<16xf32>
    %mul3A_219 = arith.constant 5.000000e-01 : f32
    %mul3A_220 = vector.broadcast %mul3A_219 : f32 to vector<16xf32>
    %mul3A_221 = arith.mulf %mul3A_220, %add3A_192 : vector<16xf32>
    %mul3A_222 = arith.mulf %mul3A_221, %mul3A_218 : vector<16xf32>
    %mul3A_223 = arith.mulf %mul3A_222, %mul3A_218 : vector<16xf32>
    %sub3A_224 = arith.constant 1.500000e+00 : f32
    %sub3A_225 = vector.broadcast %sub3A_224 : f32 to vector<16xf32>
    %sub3A_226 = arith.subf %sub3A_225, %mul3A_223 : vector<16xf32>
    %mul3A_227 = arith.mulf %mul3A_218, %sub3A_226 : vector<16xf32>
    %mul3A_228 = arith.constant 5.000000e-01 : f32
    %mul3A_229 = vector.broadcast %mul3A_228 : f32 to vector<16xf32>
    %mul3A_230 = arith.mulf %mul3A_229, %add3A_192 : vector<16xf32>
    %mul3A_231 = arith.mulf %mul3A_230, %mul3A_227 : vector<16xf32>
    %mul3A_232 = arith.mulf %mul3A_231, %mul3A_227 : vector<16xf32>
    %sub3A_233 = arith.constant 1.500000e+00 : f32
    %sub3A_234 = vector.broadcast %sub3A_233 : f32 to vector<16xf32>
    %sub3A_235 = arith.subf %sub3A_234, %mul3A_232 : vector<16xf32>
    %mul3A_236 = arith.mulf %mul3A_227, %sub3A_235 : vector<16xf32>
    %parallel_loop3A_237 = arith.constant 0 : i32
    %parallel_loop3A_238 = arith.constant 768 : i32
    %parallel_loop3A_239 = arith.constant 1 : i32
    scf.for %parallel_loop3A_1300 = %parallel_loop3A_237 to %parallel_loop3A_238 step %parallel_loop3A_239  : i32 {
      %parallel_loop3A_1301 = vector.broadcast %parallel_loop3A_1300 : i32 to vector<16xi32>
      %parallel_loop3A_1302 = arith.xori %parallel_loop3A_1301, %iota3A : vector<16xi32>
      %parallel_loop3A_1303 = tpu.vector_load_idx %arg14[%parallel_loop3A_1302] : memref<768xf32, #tpu.memory_space<vmem>>[vector<16xi32>], vector<16xf32>,
      %parallel_loop3A_1304 = tpu.vector_load_idx %arg15[%parallel_loop3A_1302] : memref<768xf32, #tpu.memory_space<vmem>>[vector<16xi32>], vector<16xf32>,
      %parallel_loop3A_1305 = tpu.vector_load_idx %arg10[%add3A_6, %parallel_loop3A_1302] : memref<48x768xf32, #tpu.memory_space<vmem>>[vector<16xi32>, vector<16xi32>], vector<16xf32>,
      %parallel_loop3A_1306 = arith.subf %parallel_loop3A_1305, %mul3A_77 : vector<16xf32>
      %parallel_loop3A_1307 = arith.mulf %parallel_loop3A_1306, %mul3A_126 : vector<16xf32>
      %parallel_loop3A_1308 = arith.mulf %parallel_loop3A_1307, %parallel_loop3A_1303 : vector<16xf32>
      %parallel_loop3A_1309 = arith.addf %parallel_loop3A_1308, %parallel_loop3A_1304 : vector<16xf32>
      tpu.vector_store_idx %arg10[%add3A_6, %parallel_loop3A_1302], %parallel_loop3A_1309 : memref<48x768xf32, #tpu.memory_space<vmem>>[vector<16xi32>, vector<16xi32>], vector<16xf32>,
      %parallel_loop3A_1310 = tpu.vector_load_idx %arg10[%add3A_9, %parallel_loop3A_1302] : memref<48x768xf32, #tpu.memory_space<vmem>>[vector<16xi32>, vector<16xi32>], vector<16xf32>,
      %parallel_loop3A_1311 = arith.subf %parallel_loop3A_1310, %mul3A_129 : vector<16xf32>
      %parallel_loop3A_1312 = arith.mulf %parallel_loop3A_1311, %mul3A_181 : vector<16xf32>
      %parallel_loop3A_1313 = arith.mulf %parallel_loop3A_1312, %parallel_loop3A_1303 : vector<16xf32>
      %parallel_loop3A_1314 = arith.addf %parallel_loop3A_1313, %parallel_loop3A_1304 : vector<16xf32>
      tpu.vector_store_idx %arg10[%add3A_9, %parallel_loop3A_1302], %parallel_loop3A_1314 : memref<48x768xf32, #tpu.memory_space<vmem>>[vector<16xi32>, vector<16xi32>], vector<16xf32>,
      %parallel_loop3A_1315 = tpu.vector_load_idx %arg10[%add3A_12, %parallel_loop3A_1302] : memref<48x768xf32, #tpu.memory_space<vmem>>[vector<16xi32>, vector<16xi32>], vector<16xf32>,
      %parallel_loop3A_1316 = arith.subf %parallel_loop3A_1315, %mul3A_184 : vector<16xf32>
      %parallel_loop3A_1317 = arith.mulf %parallel_loop3A_1316, %mul3A_236 : vector<16xf32>
      %parallel_loop3A_1318 = arith.mulf %parallel_loop3A_1317, %parallel_loop3A_1303 : vector<16xf32>
      %parallel_loop3A_1319 = arith.addf %parallel_loop3A_1318, %parallel_loop3A_1304 : vector<16xf32>
      tpu.vector_store_idx %arg10[%add3A_12, %parallel_loop3A_1302], %parallel_loop3A_1319 : memref<48x768xf32, #tpu.memory_space<vmem>>[vector<16xi32>, vector<16xi32>], vector<16xf32>,
    } {sc.loop_unroll_factor = 4 : i64, sc.parallel_access}
    %add3A_240 = arith.constant 0 : i32
    %add3A_241 = arith.addi %mul3A_2, %add3A_240 : i32
    %dma_start3A_242 = arith.constant 0 : i32
    %dma_start3A_243 = arith.constant 0 : i32
    %dma_start3A_244 = tpu.memref_slice %arg10[%dma_start3A_242, %dma_start3A_243] : memref<48x768xf32, #tpu.memory_space<vmem>> -> memref<48x768xf32, #tpu.memory_space<vmem>>
    %dma_start3A_245 = arith.constant 0 : i32
    %dma_start3A_246 = tpu.memref_slice %arg8[%add3A_241, %dma_start3A_245] : memref<8192x768xf32, #tpu.memory_space<hbm>> -> memref<48x768xf32, #tpu.memory_space<hbm>>
    %dma_start3A_247 = arith.constant 0 : i32
    %dma_start3A_248 = tpu.memref_slice %arg8[%add3A_241, %dma_start3A_247] : memref<8192x768xf32, #tpu.memory_space<hbm>> -> memref<48x768xf32, #tpu.memory_space<hbm>>
    %dma_start3A_249 = arith.constant 0 : i32
    %dma_start3A_250 = arith.constant 0 : i32
    %dma_start3A_251 = tpu.memref_slice %arg10[%dma_start3A_249, %dma_start3A_250] : memref<48x768xf32, #tpu.memory_space<vmem>> -> memref<48x768xf32, #tpu.memory_space<vmem>>
    tpu.enqueue_dma source(%dma_start3A_251 : memref<48x768xf32, #tpu.memory_space<vmem>>) target(%dma_start3A_248 : memref<48x768xf32, #tpu.memory_space<hbm>>) target_semaphore(%arg19 : memref<!tpu.dma_semaphore, #tpu.memory_space<semaphore_mem>>)
    %dma_wait3A_252 = arith.constant 0 : i32
    %dma_wait3A_253 = arith.constant 0 : i32
    %dma_wait3A_254 = tpu.memref_slice %arg10[%dma_wait3A_252, %dma_wait3A_253] : memref<48x768xf32, #tpu.memory_space<vmem>> -> memref<48x768xf32, #tpu.memory_space<vmem>>
    %dma_wait3A_255 = arith.constant 0 : i32
    %dma_wait3A_256 = tpu.memref_slice %arg8[%add3A_241, %dma_wait3A_255] : memref<8192x768xf32, #tpu.memory_space<hbm>> -> memref<48x768xf32, #tpu.memory_space<hbm>>
    %dma_wait3A_257 = arith.constant 0 : i32
    %dma_wait3A_258 = tpu.memref_slice %arg8[%add3A_241, %dma_wait3A_257] : memref<8192x768xf32, #tpu.memory_space<hbm>> -> memref<48x768xf32, #tpu.memory_space<hbm>>
    %dma_wait3A_259 = arith.constant 0 : i32
    %dma_wait3A_260 = arith.constant 0 : i32
    %dma_wait3A_261 = tpu.memref_slice %arg10[%dma_wait3A_259, %dma_wait3A_260] : memref<48x768xf32, #tpu.memory_space<vmem>> -> memref<48x768xf32, #tpu.memory_space<vmem>>
    tpu.wait_dma2 semaphore(%arg19 : memref<!tpu.dma_semaphore, #tpu.memory_space<semaphore_mem>>) src(%dma_wait3A_261 : memref<48x768xf32, #tpu.memory_space<vmem>>) dst(%dma_wait3A_258 : memref<48x768xf32, #tpu.memory_space<hbm>>)
    %dma_start3A_262 = arith.constant 0 : i32
    %dma_start3A_263 = arith.constant 0 : i32
    %dma_start3A_264 = tpu.memref_slice %arg10[%dma_start3A_262, %dma_start3A_263] : memref<48x768xf32, #tpu.memory_space<vmem>> -> memref<48x768xf32, #tpu.memory_space<vmem>>
    %dma_start3A_265 = arith.constant 96 : i32
    %dma_start3A_266 = tpu.memref_slice %arg9[%dma_start3A_265] : memref<256xi32, #tpu.memory_space<vmem>> -> memref<48xi32, #tpu.memory_space<vmem>>
    %dma_start3A_267 = arith.constant 0 : i32
    %dma_start3A_268 = arith.constant 0 : i32
    %dma_start3A_269 = tpu.memref_slice %arg3[%dma_start3A_267, %dma_start3A_268] : memref<100000x768xf32, #tpu.memory_space<hbm>> -> memref<100000x768xf32, #tpu.memory_space<hbm>>
    tpu.enqueue_indirect_dma source(%dma_start3A_269 : memref<100000x768xf32, #tpu.memory_space<hbm>>) target(%dma_start3A_264 : memref<48x768xf32, #tpu.memory_space<vmem>>) offsets(%dma_start3A_266 : memref<48xi32, #tpu.memory_space<vmem>>) semaphore(%arg16 : memref<!tpu.dma_semaphore, #tpu.memory_space<semaphore_mem>>)
    %dma_wait3A_270 = arith.constant 0 : i32
    %dma_wait3A_271 = arith.constant 0 : i32
    %dma_wait3A_272 = tpu.memref_slice %arg11[%dma_wait3A_270, %dma_wait3A_271] : memref<48x768xf32, #tpu.memory_space<vmem>> -> memref<48x768xf32, #tpu.memory_space<vmem>>
    %dma_wait3A_273 = arith.constant 48 : i32
    %dma_wait3A_274 = tpu.memref_slice %arg9[%dma_wait3A_273] : memref<256xi32, #tpu.memory_space<vmem>> -> memref<48xi32, #tpu.memory_space<vmem>>
    %dma_wait3A_275 = arith.constant 0 : i32
    %dma_wait3A_276 = arith.constant 0 : i32
    %dma_wait3A_277 = tpu.memref_slice %arg3[%dma_wait3A_275, %dma_wait3A_276] : memref<100000x768xf32, #tpu.memory_space<hbm>> -> memref<100000x768xf32, #tpu.memory_space<hbm>>
    tpu.wait_indirect_dma semaphore(%arg17 : memref<!tpu.dma_semaphore, #tpu.memory_space<semaphore_mem>>) src(%dma_wait3A_277 : memref<100000x768xf32, #tpu.memory_space<hbm>>) dst(%dma_wait3A_272 : memref<48x768xf32, #tpu.memory_space<vmem>>)
    %dma_wait3A_278 = arith.constant 0 : i32
    %dma_wait3A_279 = arith.constant 0 : i32
    %dma_wait3A_280 = tpu.memref_slice %arg12[%dma_wait3A_278, %dma_wait3A_279] : memref<48x768xf32, #tpu.memory_space<vmem>> -> memref<48x768xf32, #tpu.memory_space<vmem>>
    %dma_wait3A_281 = arith.constant 0 : i32
    %dma_wait3A_282 = tpu.memref_slice %arg4[%rem3A_64, %dma_wait3A_281] : memref<2048x768xf32, #tpu.memory_space<hbm>> -> memref<48x768xf32, #tpu.memory_space<hbm>>
    %dma_wait3A_283 = arith.constant 0 : i32
    %dma_wait3A_284 = arith.constant 0 : i32
    %dma_wait3A_285 = tpu.memref_slice %arg12[%dma_wait3A_283, %dma_wait3A_284] : memref<48x768xf32, #tpu.memory_space<vmem>> -> memref<48x768xf32, #tpu.memory_space<vmem>>
    %dma_wait3A_286 = arith.constant 0 : i32
    %dma_wait3A_287 = tpu.memref_slice %arg4[%rem3A_64, %dma_wait3A_286] : memref<2048x768xf32, #tpu.memory_space<hbm>> -> memref<48x768xf32, #tpu.memory_space<hbm>>
    tpu.wait_dma2 semaphore(%arg18 : memref<!tpu.dma_semaphore, #tpu.memory_space<semaphore_mem>>) src(%dma_wait3A_287 : memref<48x768xf32, #tpu.memory_space<hbm>>) dst(%dma_wait3A_285 : memref<48x768xf32, #tpu.memory_space<vmem>>)
    %parallel_loop3A_288 = arith.constant 0 : i32
    %parallel_loop3A_289 = arith.constant 768 : i32
    %parallel_loop3A_290 = arith.constant 1 : i32
    %parallel_loop3A_291:6 = scf.for %parallel_loop3A_1300 = %parallel_loop3A_288 to %parallel_loop3A_289 step %parallel_loop3A_290 iter_args(%parallel_loop3A_1301 = %broadcast_in_dim3A_3, %parallel_loop3A_1302 = %broadcast_in_dim3A_3, %parallel_loop3A_1303 = %broadcast_in_dim3A_3, %parallel_loop3A_1304 = %broadcast_in_dim3A_3, %parallel_loop3A_1305 = %broadcast_in_dim3A_3, %parallel_loop3A_1306 = %broadcast_in_dim3A_3) -> (vector<16xf32>, vector<16xf32>, vector<16xf32>, vector<16xf32>, vector<16xf32>, vector<16xf32>)  : i32 {
      %parallel_loop3A_1307 = vector.broadcast %parallel_loop3A_1300 : i32 to vector<16xi32>
      %parallel_loop3A_1308 = arith.xori %parallel_loop3A_1307, %iota3A : vector<16xi32>
      %parallel_loop3A_1309 = tpu.vector_load_idx %arg13[%parallel_loop3A_1308] : memref<768xf32, #tpu.memory_space<vmem>>[vector<16xi32>], vector<16xf32>,
      %parallel_loop3A_1310 = tpu.vector_load_idx %arg11[%add3A_6, %parallel_loop3A_1308] : memref<48x768xf32, #tpu.memory_space<vmem>>[vector<16xi32>, vector<16xi32>], vector<16xf32>,
      %parallel_loop3A_1311 = tpu.vector_load_idx %arg12[%add3A_6, %parallel_loop3A_1308] : memref<48x768xf32, #tpu.memory_space<vmem>>[vector<16xi32>, vector<16xi32>], vector<16xf32>,
      %parallel_loop3A_1312 = arith.addf %parallel_loop3A_1310, %parallel_loop3A_1311 : vector<16xf32>
      %parallel_loop3A_1313 = arith.addf %parallel_loop3A_1312, %parallel_loop3A_1309 : vector<16xf32>
      tpu.vector_store_idx %arg11[%add3A_6, %parallel_loop3A_1308], %parallel_loop3A_1313 : memref<48x768xf32, #tpu.memory_space<vmem>>[vector<16xi32>, vector<16xi32>], vector<16xf32>,
      %parallel_loop3A_1314 = arith.addf %parallel_loop3A_1301, %parallel_loop3A_1313 : vector<16xf32>
      %parallel_loop3A_1315 = arith.mulf %parallel_loop3A_1313, %parallel_loop3A_1313 : vector<16xf32>
      %parallel_loop3A_1316 = arith.addf %parallel_loop3A_1302, %parallel_loop3A_1315 : vector<16xf32>
      %parallel_loop3A_1317 = tpu.vector_load_idx %arg11[%add3A_9, %parallel_loop3A_1308] : memref<48x768xf32, #tpu.memory_space<vmem>>[vector<16xi32>, vector<16xi32>], vector<16xf32>,
      %parallel_loop3A_1318 = tpu.vector_load_idx %arg12[%add3A_9, %parallel_loop3A_1308] : memref<48x768xf32, #tpu.memory_space<vmem>>[vector<16xi32>, vector<16xi32>], vector<16xf32>,
      %parallel_loop3A_1319 = arith.addf %parallel_loop3A_1317, %parallel_loop3A_1318 : vector<16xf32>
      %parallel_loop3A_1320 = arith.addf %parallel_loop3A_1319, %parallel_loop3A_1309 : vector<16xf32>
      tpu.vector_store_idx %arg11[%add3A_9, %parallel_loop3A_1308], %parallel_loop3A_1320 : memref<48x768xf32, #tpu.memory_space<vmem>>[vector<16xi32>, vector<16xi32>], vector<16xf32>,
      %parallel_loop3A_1321 = arith.addf %parallel_loop3A_1303, %parallel_loop3A_1320 : vector<16xf32>
      %parallel_loop3A_1322 = arith.mulf %parallel_loop3A_1320, %parallel_loop3A_1320 : vector<16xf32>
      %parallel_loop3A_1323 = arith.addf %parallel_loop3A_1304, %parallel_loop3A_1322 : vector<16xf32>
      %parallel_loop3A_1324 = tpu.vector_load_idx %arg11[%add3A_12, %parallel_loop3A_1308] : memref<48x768xf32, #tpu.memory_space<vmem>>[vector<16xi32>, vector<16xi32>], vector<16xf32>,
      %parallel_loop3A_1325 = tpu.vector_load_idx %arg12[%add3A_12, %parallel_loop3A_1308] : memref<48x768xf32, #tpu.memory_space<vmem>>[vector<16xi32>, vector<16xi32>], vector<16xf32>,
      %parallel_loop3A_1326 = arith.addf %parallel_loop3A_1324, %parallel_loop3A_1325 : vector<16xf32>
      %parallel_loop3A_1327 = arith.addf %parallel_loop3A_1326, %parallel_loop3A_1309 : vector<16xf32>
      tpu.vector_store_idx %arg11[%add3A_12, %parallel_loop3A_1308], %parallel_loop3A_1327 : memref<48x768xf32, #tpu.memory_space<vmem>>[vector<16xi32>, vector<16xi32>], vector<16xf32>,
      %parallel_loop3A_1328 = arith.addf %parallel_loop3A_1305, %parallel_loop3A_1327 : vector<16xf32>
      %parallel_loop3A_1329 = arith.mulf %parallel_loop3A_1327, %parallel_loop3A_1327 : vector<16xf32>
      %parallel_loop3A_1330 = arith.addf %parallel_loop3A_1306, %parallel_loop3A_1329 : vector<16xf32>
      scf.yield %parallel_loop3A_1314, %parallel_loop3A_1316, %parallel_loop3A_1321, %parallel_loop3A_1323, %parallel_loop3A_1328, %parallel_loop3A_1330 : vector<16xf32>, vector<16xf32>, vector<16xf32>, vector<16xf32>, vector<16xf32>, vector<16xf32>
    } {sc.loop_unroll_factor = 4 : i64, sc.parallel_access}
    %add3A_292 = arith.constant 96 : i32
    %add3A_293 = arith.addi %mul3A_2, %add3A_292 : i32
    %rem3A_294 = arith.constant 2048 : i32
    %rem3A_295 = arith.remsi %add3A_293, %rem3A_294 : i32
    %dma_start3A_296 = arith.constant 0 : i32
    %dma_start3A_297 = arith.constant 0 : i32
    %dma_start3A_298 = tpu.memref_slice %arg12[%dma_start3A_296, %dma_start3A_297] : memref<48x768xf32, #tpu.memory_space<vmem>> -> memref<48x768xf32, #tpu.memory_space<vmem>>
    %dma_start3A_299 = arith.constant 0 : i32
    %dma_start3A_300 = tpu.memref_slice %arg4[%rem3A_295, %dma_start3A_299] : memref<2048x768xf32, #tpu.memory_space<hbm>> -> memref<48x768xf32, #tpu.memory_space<hbm>>
    %dma_start3A_301 = arith.constant 0 : i32
    %dma_start3A_302 = arith.constant 0 : i32
    %dma_start3A_303 = tpu.memref_slice %arg12[%dma_start3A_301, %dma_start3A_302] : memref<48x768xf32, #tpu.memory_space<vmem>> -> memref<48x768xf32, #tpu.memory_space<vmem>>
    %dma_start3A_304 = arith.constant 0 : i32
    %dma_start3A_305 = tpu.memref_slice %arg4[%rem3A_295, %dma_start3A_304] : memref<2048x768xf32, #tpu.memory_space<hbm>> -> memref<48x768xf32, #tpu.memory_space<hbm>>
    tpu.enqueue_dma source(%dma_start3A_305 : memref<48x768xf32, #tpu.memory_space<hbm>>) target(%dma_start3A_303 : memref<48x768xf32, #tpu.memory_space<vmem>>) target_semaphore(%arg18 : memref<!tpu.dma_semaphore, #tpu.memory_space<semaphore_mem>>)
    %mul3A_306 = arith.constant 0.00130208337 : f32
    %mul3A_307 = vector.broadcast %mul3A_306 : f32 to vector<16xf32>
    %mul3A_308 = arith.mulf %parallel_loop3A_291#0, %mul3A_307 : vector<16xf32>
    %mul3A_309 = arith.constant 0.00130208337 : f32
    %mul3A_310 = vector.broadcast %mul3A_309 : f32 to vector<16xf32>
    %mul3A_311 = arith.mulf %parallel_loop3A_291#1, %mul3A_310 : vector<16xf32>
    %mul3A_312 = arith.mulf %mul3A_308, %mul3A_308 : vector<16xf32>
    %sub3A_313 = arith.subf %mul3A_311, %mul3A_312 : vector<16xf32>
    %add3A_314 = arith.constant 9.99999996E-13 : f32
    %add3A_315 = vector.broadcast %add3A_314 : f32 to vector<16xf32>
    %add3A_316 = arith.addf %sub3A_313, %add3A_315 : vector<16xf32>
    %bitcast3A_317 = vector.bitcast %add3A_316 : vector<16xf32> to vector<16xi32>
    %shift_right_arithmetic3A_318 = arith.constant 1 : i32
    %shift_right_arithmetic3A_319 = vector.broadcast %shift_right_arithmetic3A_318 : i32 to vector<16xi32>
    %shift_right_arithmetic3A_320 = arith.shrsi %bitcast3A_317, %shift_right_arithmetic3A_319 : vector<16xi32>
    %sub3A_321 = arith.constant 1597463007 : i32
    %sub3A_322 = vector.broadcast %sub3A_321 : i32 to vector<16xi32>
    %sub3A_323 = arith.subi %sub3A_322, %shift_right_arithmetic3A_320 : vector<16xi32>
    %bitcast3A_324 = vector.bitcast %sub3A_323 : vector<16xi32> to vector<16xf32>
    %mul3A_325 = arith.constant 5.000000e-01 : f32
    %mul3A_326 = vector.broadcast %mul3A_325 : f32 to vector<16xf32>
    %mul3A_327 = arith.mulf %mul3A_326, %add3A_316 : vector<16xf32>
    %mul3A_328 = arith.mulf %mul3A_327, %bitcast3A_324 : vector<16xf32>
    %mul3A_329 = arith.mulf %mul3A_328, %bitcast3A_324 : vector<16xf32>
    %sub3A_330 = arith.constant 1.500000e+00 : f32
    %sub3A_331 = vector.broadcast %sub3A_330 : f32 to vector<16xf32>
    %sub3A_332 = arith.subf %sub3A_331, %mul3A_329 : vector<16xf32>
    %mul3A_333 = arith.mulf %bitcast3A_324, %sub3A_332 : vector<16xf32>
    %mul3A_334 = arith.constant 5.000000e-01 : f32
    %mul3A_335 = vector.broadcast %mul3A_334 : f32 to vector<16xf32>
    %mul3A_336 = arith.mulf %mul3A_335, %add3A_316 : vector<16xf32>
    %mul3A_337 = arith.mulf %mul3A_336, %mul3A_333 : vector<16xf32>
    %mul3A_338 = arith.mulf %mul3A_337, %mul3A_333 : vector<16xf32>
    %sub3A_339 = arith.constant 1.500000e+00 : f32
    %sub3A_340 = vector.broadcast %sub3A_339 : f32 to vector<16xf32>
    %sub3A_341 = arith.subf %sub3A_340, %mul3A_338 : vector<16xf32>
    %mul3A_342 = arith.mulf %mul3A_333, %sub3A_341 : vector<16xf32>
    %mul3A_343 = arith.constant 5.000000e-01 : f32
    %mul3A_344 = vector.broadcast %mul3A_343 : f32 to vector<16xf32>
    %mul3A_345 = arith.mulf %mul3A_344, %add3A_316 : vector<16xf32>
    %mul3A_346 = arith.mulf %mul3A_345, %mul3A_342 : vector<16xf32>
    %mul3A_347 = arith.mulf %mul3A_346, %mul3A_342 : vector<16xf32>
    %sub3A_348 = arith.constant 1.500000e+00 : f32
    %sub3A_349 = vector.broadcast %sub3A_348 : f32 to vector<16xf32>
    %sub3A_350 = arith.subf %sub3A_349, %mul3A_347 : vector<16xf32>
    %mul3A_351 = arith.mulf %mul3A_342, %sub3A_350 : vector<16xf32>
    %mul3A_352 = arith.constant 5.000000e-01 : f32
    %mul3A_353 = vector.broadcast %mul3A_352 : f32 to vector<16xf32>
    %mul3A_354 = arith.mulf %mul3A_353, %add3A_316 : vector<16xf32>
    %mul3A_355 = arith.mulf %mul3A_354, %mul3A_351 : vector<16xf32>
    %mul3A_356 = arith.mulf %mul3A_355, %mul3A_351 : vector<16xf32>
    %sub3A_357 = arith.constant 1.500000e+00 : f32
    %sub3A_358 = vector.broadcast %sub3A_357 : f32 to vector<16xf32>
    %sub3A_359 = arith.subf %sub3A_358, %mul3A_356 : vector<16xf32>
    %mul3A_360 = arith.mulf %mul3A_351, %sub3A_359 : vector<16xf32>
    %mul3A_361 = arith.constant 0.00130208337 : f32
    %mul3A_362 = vector.broadcast %mul3A_361 : f32 to vector<16xf32>
    %mul3A_363 = arith.mulf %parallel_loop3A_291#2, %mul3A_362 : vector<16xf32>
    %mul3A_364 = arith.constant 0.00130208337 : f32
    %mul3A_365 = vector.broadcast %mul3A_364 : f32 to vector<16xf32>
    %mul3A_366 = arith.mulf %parallel_loop3A_291#3, %mul3A_365 : vector<16xf32>
    %mul3A_367 = arith.mulf %mul3A_363, %mul3A_363 : vector<16xf32>
    %sub3A_368 = arith.subf %mul3A_366, %mul3A_367 : vector<16xf32>
    %add3A_369 = arith.constant 9.99999996E-13 : f32
    %add3A_370 = vector.broadcast %add3A_369 : f32 to vector<16xf32>
    %add3A_371 = arith.addf %sub3A_368, %add3A_370 : vector<16xf32>
    %bitcast3A_372 = vector.bitcast %add3A_371 : vector<16xf32> to vector<16xi32>
    %shift_right_arithmetic3A_373 = arith.constant 1 : i32
    %shift_right_arithmetic3A_374 = vector.broadcast %shift_right_arithmetic3A_373 : i32 to vector<16xi32>
    %shift_right_arithmetic3A_375 = arith.shrsi %bitcast3A_372, %shift_right_arithmetic3A_374 : vector<16xi32>
    %sub3A_376 = arith.constant 1597463007 : i32
    %sub3A_377 = vector.broadcast %sub3A_376 : i32 to vector<16xi32>
    %sub3A_378 = arith.subi %sub3A_377, %shift_right_arithmetic3A_375 : vector<16xi32>
    %bitcast3A_379 = vector.bitcast %sub3A_378 : vector<16xi32> to vector<16xf32>
    %mul3A_380 = arith.constant 5.000000e-01 : f32
    %mul3A_381 = vector.broadcast %mul3A_380 : f32 to vector<16xf32>
    %mul3A_382 = arith.mulf %mul3A_381, %add3A_371 : vector<16xf32>
    %mul3A_383 = arith.mulf %mul3A_382, %bitcast3A_379 : vector<16xf32>
    %mul3A_384 = arith.mulf %mul3A_383, %bitcast3A_379 : vector<16xf32>
    %sub3A_385 = arith.constant 1.500000e+00 : f32
    %sub3A_386 = vector.broadcast %sub3A_385 : f32 to vector<16xf32>
    %sub3A_387 = arith.subf %sub3A_386, %mul3A_384 : vector<16xf32>
    %mul3A_388 = arith.mulf %bitcast3A_379, %sub3A_387 : vector<16xf32>
    %mul3A_389 = arith.constant 5.000000e-01 : f32
    %mul3A_390 = vector.broadcast %mul3A_389 : f32 to vector<16xf32>
    %mul3A_391 = arith.mulf %mul3A_390, %add3A_371 : vector<16xf32>
    %mul3A_392 = arith.mulf %mul3A_391, %mul3A_388 : vector<16xf32>
    %mul3A_393 = arith.mulf %mul3A_392, %mul3A_388 : vector<16xf32>
    %sub3A_394 = arith.constant 1.500000e+00 : f32
    %sub3A_395 = vector.broadcast %sub3A_394 : f32 to vector<16xf32>
    %sub3A_396 = arith.subf %sub3A_395, %mul3A_393 : vector<16xf32>
    %mul3A_397 = arith.mulf %mul3A_388, %sub3A_396 : vector<16xf32>
    %mul3A_398 = arith.constant 5.000000e-01 : f32
    %mul3A_399 = vector.broadcast %mul3A_398 : f32 to vector<16xf32>
    %mul3A_400 = arith.mulf %mul3A_399, %add3A_371 : vector<16xf32>
    %mul3A_401 = arith.mulf %mul3A_400, %mul3A_397 : vector<16xf32>
    %mul3A_402 = arith.mulf %mul3A_401, %mul3A_397 : vector<16xf32>
    %sub3A_403 = arith.constant 1.500000e+00 : f32
    %sub3A_404 = vector.broadcast %sub3A_403 : f32 to vector<16xf32>
    %sub3A_405 = arith.subf %sub3A_404, %mul3A_402 : vector<16xf32>
    %mul3A_406 = arith.mulf %mul3A_397, %sub3A_405 : vector<16xf32>
    %mul3A_407 = arith.constant 5.000000e-01 : f32
    %mul3A_408 = vector.broadcast %mul3A_407 : f32 to vector<16xf32>
    %mul3A_409 = arith.mulf %mul3A_408, %add3A_371 : vector<16xf32>
    %mul3A_410 = arith.mulf %mul3A_409, %mul3A_406 : vector<16xf32>
    %mul3A_411 = arith.mulf %mul3A_410, %mul3A_406 : vector<16xf32>
    %sub3A_412 = arith.constant 1.500000e+00 : f32
    %sub3A_413 = vector.broadcast %sub3A_412 : f32 to vector<16xf32>
    %sub3A_414 = arith.subf %sub3A_413, %mul3A_411 : vector<16xf32>
    %mul3A_415 = arith.mulf %mul3A_406, %sub3A_414 : vector<16xf32>
    %mul3A_416 = arith.constant 0.00130208337 : f32
    %mul3A_417 = vector.broadcast %mul3A_416 : f32 to vector<16xf32>
    %mul3A_418 = arith.mulf %parallel_loop3A_291#4, %mul3A_417 : vector<16xf32>
    %mul3A_419 = arith.constant 0.00130208337 : f32
    %mul3A_420 = vector.broadcast %mul3A_419 : f32 to vector<16xf32>
    %mul3A_421 = arith.mulf %parallel_loop3A_291#5, %mul3A_420 : vector<16xf32>
    %mul3A_422 = arith.mulf %mul3A_418, %mul3A_418 : vector<16xf32>
    %sub3A_423 = arith.subf %mul3A_421, %mul3A_422 : vector<16xf32>
    %add3A_424 = arith.constant 9.99999996E-13 : f32
    %add3A_425 = vector.broadcast %add3A_424 : f32 to vector<16xf32>
    %add3A_426 = arith.addf %sub3A_423, %add3A_425 : vector<16xf32>
    %bitcast3A_427 = vector.bitcast %add3A_426 : vector<16xf32> to vector<16xi32>
    %shift_right_arithmetic3A_428 = arith.constant 1 : i32
    %shift_right_arithmetic3A_429 = vector.broadcast %shift_right_arithmetic3A_428 : i32 to vector<16xi32>
    %shift_right_arithmetic3A_430 = arith.shrsi %bitcast3A_427, %shift_right_arithmetic3A_429 : vector<16xi32>
    %sub3A_431 = arith.constant 1597463007 : i32
    %sub3A_432 = vector.broadcast %sub3A_431 : i32 to vector<16xi32>
    %sub3A_433 = arith.subi %sub3A_432, %shift_right_arithmetic3A_430 : vector<16xi32>
    %bitcast3A_434 = vector.bitcast %sub3A_433 : vector<16xi32> to vector<16xf32>
    %mul3A_435 = arith.constant 5.000000e-01 : f32
    %mul3A_436 = vector.broadcast %mul3A_435 : f32 to vector<16xf32>
    %mul3A_437 = arith.mulf %mul3A_436, %add3A_426 : vector<16xf32>
    %mul3A_438 = arith.mulf %mul3A_437, %bitcast3A_434 : vector<16xf32>
    %mul3A_439 = arith.mulf %mul3A_438, %bitcast3A_434 : vector<16xf32>
    %sub3A_440 = arith.constant 1.500000e+00 : f32
    %sub3A_441 = vector.broadcast %sub3A_440 : f32 to vector<16xf32>
    %sub3A_442 = arith.subf %sub3A_441, %mul3A_439 : vector<16xf32>
    %mul3A_443 = arith.mulf %bitcast3A_434, %sub3A_442 : vector<16xf32>
    %mul3A_444 = arith.constant 5.000000e-01 : f32
    %mul3A_445 = vector.broadcast %mul3A_444 : f32 to vector<16xf32>
    %mul3A_446 = arith.mulf %mul3A_445, %add3A_426 : vector<16xf32>
    %mul3A_447 = arith.mulf %mul3A_446, %mul3A_443 : vector<16xf32>
    %mul3A_448 = arith.mulf %mul3A_447, %mul3A_443 : vector<16xf32>
    %sub3A_449 = arith.constant 1.500000e+00 : f32
    %sub3A_450 = vector.broadcast %sub3A_449 : f32 to vector<16xf32>
    %sub3A_451 = arith.subf %sub3A_450, %mul3A_448 : vector<16xf32>
    %mul3A_452 = arith.mulf %mul3A_443, %sub3A_451 : vector<16xf32>
    %mul3A_453 = arith.constant 5.000000e-01 : f32
    %mul3A_454 = vector.broadcast %mul3A_453 : f32 to vector<16xf32>
    %mul3A_455 = arith.mulf %mul3A_454, %add3A_426 : vector<16xf32>
    %mul3A_456 = arith.mulf %mul3A_455, %mul3A_452 : vector<16xf32>
    %mul3A_457 = arith.mulf %mul3A_456, %mul3A_452 : vector<16xf32>
    %sub3A_458 = arith.constant 1.500000e+00 : f32
    %sub3A_459 = vector.broadcast %sub3A_458 : f32 to vector<16xf32>
    %sub3A_460 = arith.subf %sub3A_459, %mul3A_457 : vector<16xf32>
    %mul3A_461 = arith.mulf %mul3A_452, %sub3A_460 : vector<16xf32>
    %mul3A_462 = arith.constant 5.000000e-01 : f32
    %mul3A_463 = vector.broadcast %mul3A_462 : f32 to vector<16xf32>
    %mul3A_464 = arith.mulf %mul3A_463, %add3A_426 : vector<16xf32>
    %mul3A_465 = arith.mulf %mul3A_464, %mul3A_461 : vector<16xf32>
    %mul3A_466 = arith.mulf %mul3A_465, %mul3A_461 : vector<16xf32>
    %sub3A_467 = arith.constant 1.500000e+00 : f32
    %sub3A_468 = vector.broadcast %sub3A_467 : f32 to vector<16xf32>
    %sub3A_469 = arith.subf %sub3A_468, %mul3A_466 : vector<16xf32>
    %mul3A_470 = arith.mulf %mul3A_461, %sub3A_469 : vector<16xf32>
    %parallel_loop3A_471 = arith.constant 0 : i32
    %parallel_loop3A_472 = arith.constant 768 : i32
    %parallel_loop3A_473 = arith.constant 1 : i32
    scf.for %parallel_loop3A_1300 = %parallel_loop3A_471 to %parallel_loop3A_472 step %parallel_loop3A_473  : i32 {
      %parallel_loop3A_1301 = vector.broadcast %parallel_loop3A_1300 : i32 to vector<16xi32>
      %parallel_loop3A_1302 = arith.xori %parallel_loop3A_1301, %iota3A : vector<16xi32>
      %parallel_loop3A_1303 = tpu.vector_load_idx %arg14[%parallel_loop3A_1302] : memref<768xf32, #tpu.memory_space<vmem>>[vector<16xi32>], vector<16xf32>,
      %parallel_loop3A_1304 = tpu.vector_load_idx %arg15[%parallel_loop3A_1302] : memref<768xf32, #tpu.memory_space<vmem>>[vector<16xi32>], vector<16xf32>,
      %parallel_loop3A_1305 = tpu.vector_load_idx %arg11[%add3A_6, %parallel_loop3A_1302] : memref<48x768xf32, #tpu.memory_space<vmem>>[vector<16xi32>, vector<16xi32>], vector<16xf32>,
      %parallel_loop3A_1306 = arith.subf %parallel_loop3A_1305, %mul3A_308 : vector<16xf32>
      %parallel_loop3A_1307 = arith.mulf %parallel_loop3A_1306, %mul3A_360 : vector<16xf32>
      %parallel_loop3A_1308 = arith.mulf %parallel_loop3A_1307, %parallel_loop3A_1303 : vector<16xf32>
      %parallel_loop3A_1309 = arith.addf %parallel_loop3A_1308, %parallel_loop3A_1304 : vector<16xf32>
      tpu.vector_store_idx %arg11[%add3A_6, %parallel_loop3A_1302], %parallel_loop3A_1309 : memref<48x768xf32, #tpu.memory_space<vmem>>[vector<16xi32>, vector<16xi32>], vector<16xf32>,
      %parallel_loop3A_1310 = tpu.vector_load_idx %arg11[%add3A_9, %parallel_loop3A_1302] : memref<48x768xf32, #tpu.memory_space<vmem>>[vector<16xi32>, vector<16xi32>], vector<16xf32>,
      %parallel_loop3A_1311 = arith.subf %parallel_loop3A_1310, %mul3A_363 : vector<16xf32>
      %parallel_loop3A_1312 = arith.mulf %parallel_loop3A_1311, %mul3A_415 : vector<16xf32>
      %parallel_loop3A_1313 = arith.mulf %parallel_loop3A_1312, %parallel_loop3A_1303 : vector<16xf32>
      %parallel_loop3A_1314 = arith.addf %parallel_loop3A_1313, %parallel_loop3A_1304 : vector<16xf32>
      tpu.vector_store_idx %arg11[%add3A_9, %parallel_loop3A_1302], %parallel_loop3A_1314 : memref<48x768xf32, #tpu.memory_space<vmem>>[vector<16xi32>, vector<16xi32>], vector<16xf32>,
      %parallel_loop3A_1315 = tpu.vector_load_idx %arg11[%add3A_12, %parallel_loop3A_1302] : memref<48x768xf32, #tpu.memory_space<vmem>>[vector<16xi32>, vector<16xi32>], vector<16xf32>,
      %parallel_loop3A_1316 = arith.subf %parallel_loop3A_1315, %mul3A_418 : vector<16xf32>
      %parallel_loop3A_1317 = arith.mulf %parallel_loop3A_1316, %mul3A_470 : vector<16xf32>
      %parallel_loop3A_1318 = arith.mulf %parallel_loop3A_1317, %parallel_loop3A_1303 : vector<16xf32>
      %parallel_loop3A_1319 = arith.addf %parallel_loop3A_1318, %parallel_loop3A_1304 : vector<16xf32>
      tpu.vector_store_idx %arg11[%add3A_12, %parallel_loop3A_1302], %parallel_loop3A_1319 : memref<48x768xf32, #tpu.memory_space<vmem>>[vector<16xi32>, vector<16xi32>], vector<16xf32>,
    } {sc.loop_unroll_factor = 4 : i64, sc.parallel_access}
    %add3A_474 = arith.constant 48 : i32
    %add3A_475 = arith.addi %mul3A_2, %add3A_474 : i32
    %dma_start3A_476 = arith.constant 0 : i32
    %dma_start3A_477 = arith.constant 0 : i32
    %dma_start3A_478 = tpu.memref_slice %arg11[%dma_start3A_476, %dma_start3A_477] : memref<48x768xf32, #tpu.memory_space<vmem>> -> memref<48x768xf32, #tpu.memory_space<vmem>>
    %dma_start3A_479 = arith.constant 0 : i32
    %dma_start3A_480 = tpu.memref_slice %arg8[%add3A_475, %dma_start3A_479] : memref<8192x768xf32, #tpu.memory_space<hbm>> -> memref<48x768xf32, #tpu.memory_space<hbm>>
    %dma_start3A_481 = arith.constant 0 : i32
    %dma_start3A_482 = tpu.memref_slice %arg8[%add3A_475, %dma_start3A_481] : memref<8192x768xf32, #tpu.memory_space<hbm>> -> memref<48x768xf32, #tpu.memory_space<hbm>>
    %dma_start3A_483 = arith.constant 0 : i32
    %dma_start3A_484 = arith.constant 0 : i32
    %dma_start3A_485 = tpu.memref_slice %arg11[%dma_start3A_483, %dma_start3A_484] : memref<48x768xf32, #tpu.memory_space<vmem>> -> memref<48x768xf32, #tpu.memory_space<vmem>>
    tpu.enqueue_dma source(%dma_start3A_485 : memref<48x768xf32, #tpu.memory_space<vmem>>) target(%dma_start3A_482 : memref<48x768xf32, #tpu.memory_space<hbm>>) target_semaphore(%arg20 : memref<!tpu.dma_semaphore, #tpu.memory_space<semaphore_mem>>)
    %dma_wait3A_486 = arith.constant 0 : i32
    %dma_wait3A_487 = arith.constant 0 : i32
    %dma_wait3A_488 = tpu.memref_slice %arg11[%dma_wait3A_486, %dma_wait3A_487] : memref<48x768xf32, #tpu.memory_space<vmem>> -> memref<48x768xf32, #tpu.memory_space<vmem>>
    %dma_wait3A_489 = arith.constant 0 : i32
    %dma_wait3A_490 = tpu.memref_slice %arg8[%add3A_475, %dma_wait3A_489] : memref<8192x768xf32, #tpu.memory_space<hbm>> -> memref<48x768xf32, #tpu.memory_space<hbm>>
    %dma_wait3A_491 = arith.constant 0 : i32
    %dma_wait3A_492 = tpu.memref_slice %arg8[%add3A_475, %dma_wait3A_491] : memref<8192x768xf32, #tpu.memory_space<hbm>> -> memref<48x768xf32, #tpu.memory_space<hbm>>
    %dma_wait3A_493 = arith.constant 0 : i32
    %dma_wait3A_494 = arith.constant 0 : i32
    %dma_wait3A_495 = tpu.memref_slice %arg11[%dma_wait3A_493, %dma_wait3A_494] : memref<48x768xf32, #tpu.memory_space<vmem>> -> memref<48x768xf32, #tpu.memory_space<vmem>>
    tpu.wait_dma2 semaphore(%arg20 : memref<!tpu.dma_semaphore, #tpu.memory_space<semaphore_mem>>) src(%dma_wait3A_495 : memref<48x768xf32, #tpu.memory_space<vmem>>) dst(%dma_wait3A_492 : memref<48x768xf32, #tpu.memory_space<hbm>>)
    %dma_start3A_496 = arith.constant 0 : i32
    %dma_start3A_497 = arith.constant 0 : i32
    %dma_start3A_498 = tpu.memref_slice %arg11[%dma_start3A_496, %dma_start3A_497] : memref<48x768xf32, #tpu.memory_space<vmem>> -> memref<48x768xf32, #tpu.memory_space<vmem>>
    %dma_start3A_499 = arith.constant 144 : i32
    %dma_start3A_500 = tpu.memref_slice %arg9[%dma_start3A_499] : memref<256xi32, #tpu.memory_space<vmem>> -> memref<48xi32, #tpu.memory_space<vmem>>
    %dma_start3A_501 = arith.constant 0 : i32
    %dma_start3A_502 = arith.constant 0 : i32
    %dma_start3A_503 = tpu.memref_slice %arg3[%dma_start3A_501, %dma_start3A_502] : memref<100000x768xf32, #tpu.memory_space<hbm>> -> memref<100000x768xf32, #tpu.memory_space<hbm>>
    tpu.enqueue_indirect_dma source(%dma_start3A_503 : memref<100000x768xf32, #tpu.memory_space<hbm>>) target(%dma_start3A_498 : memref<48x768xf32, #tpu.memory_space<vmem>>) offsets(%dma_start3A_500 : memref<48xi32, #tpu.memory_space<vmem>>) semaphore(%arg17 : memref<!tpu.dma_semaphore, #tpu.memory_space<semaphore_mem>>)
    %dma_wait3A_504 = arith.constant 0 : i32
    %dma_wait3A_505 = arith.constant 0 : i32
    %dma_wait3A_506 = tpu.memref_slice %arg10[%dma_wait3A_504, %dma_wait3A_505] : memref<48x768xf32, #tpu.memory_space<vmem>> -> memref<48x768xf32, #tpu.memory_space<vmem>>
    %dma_wait3A_507 = arith.constant 96 : i32
    %dma_wait3A_508 = tpu.memref_slice %arg9[%dma_wait3A_507] : memref<256xi32, #tpu.memory_space<vmem>> -> memref<48xi32, #tpu.memory_space<vmem>>
    %dma_wait3A_509 = arith.constant 0 : i32
    %dma_wait3A_510 = arith.constant 0 : i32
    %dma_wait3A_511 = tpu.memref_slice %arg3[%dma_wait3A_509, %dma_wait3A_510] : memref<100000x768xf32, #tpu.memory_space<hbm>> -> memref<100000x768xf32, #tpu.memory_space<hbm>>
    tpu.wait_indirect_dma semaphore(%arg16 : memref<!tpu.dma_semaphore, #tpu.memory_space<semaphore_mem>>) src(%dma_wait3A_511 : memref<100000x768xf32, #tpu.memory_space<hbm>>) dst(%dma_wait3A_506 : memref<48x768xf32, #tpu.memory_space<vmem>>)
    %dma_wait3A_512 = arith.constant 0 : i32
    %dma_wait3A_513 = arith.constant 0 : i32
    %dma_wait3A_514 = tpu.memref_slice %arg12[%dma_wait3A_512, %dma_wait3A_513] : memref<48x768xf32, #tpu.memory_space<vmem>> -> memref<48x768xf32, #tpu.memory_space<vmem>>
    %dma_wait3A_515 = arith.constant 0 : i32
    %dma_wait3A_516 = tpu.memref_slice %arg4[%rem3A_295, %dma_wait3A_515] : memref<2048x768xf32, #tpu.memory_space<hbm>> -> memref<48x768xf32, #tpu.memory_space<hbm>>
    %dma_wait3A_517 = arith.constant 0 : i32
    %dma_wait3A_518 = arith.constant 0 : i32
    %dma_wait3A_519 = tpu.memref_slice %arg12[%dma_wait3A_517, %dma_wait3A_518] : memref<48x768xf32, #tpu.memory_space<vmem>> -> memref<48x768xf32, #tpu.memory_space<vmem>>
    %dma_wait3A_520 = arith.constant 0 : i32
    %dma_wait3A_521 = tpu.memref_slice %arg4[%rem3A_295, %dma_wait3A_520] : memref<2048x768xf32, #tpu.memory_space<hbm>> -> memref<48x768xf32, #tpu.memory_space<hbm>>
    tpu.wait_dma2 semaphore(%arg18 : memref<!tpu.dma_semaphore, #tpu.memory_space<semaphore_mem>>) src(%dma_wait3A_521 : memref<48x768xf32, #tpu.memory_space<hbm>>) dst(%dma_wait3A_519 : memref<48x768xf32, #tpu.memory_space<vmem>>)
    %parallel_loop3A_522 = arith.constant 0 : i32
    %parallel_loop3A_523 = arith.constant 768 : i32
    %parallel_loop3A_524 = arith.constant 1 : i32
    %parallel_loop3A_525:6 = scf.for %parallel_loop3A_1300 = %parallel_loop3A_522 to %parallel_loop3A_523 step %parallel_loop3A_524 iter_args(%parallel_loop3A_1301 = %broadcast_in_dim3A_3, %parallel_loop3A_1302 = %broadcast_in_dim3A_3, %parallel_loop3A_1303 = %broadcast_in_dim3A_3, %parallel_loop3A_1304 = %broadcast_in_dim3A_3, %parallel_loop3A_1305 = %broadcast_in_dim3A_3, %parallel_loop3A_1306 = %broadcast_in_dim3A_3) -> (vector<16xf32>, vector<16xf32>, vector<16xf32>, vector<16xf32>, vector<16xf32>, vector<16xf32>)  : i32 {
      %parallel_loop3A_1307 = vector.broadcast %parallel_loop3A_1300 : i32 to vector<16xi32>
      %parallel_loop3A_1308 = arith.xori %parallel_loop3A_1307, %iota3A : vector<16xi32>
      %parallel_loop3A_1309 = tpu.vector_load_idx %arg13[%parallel_loop3A_1308] : memref<768xf32, #tpu.memory_space<vmem>>[vector<16xi32>], vector<16xf32>,
      %parallel_loop3A_1310 = tpu.vector_load_idx %arg10[%add3A_6, %parallel_loop3A_1308] : memref<48x768xf32, #tpu.memory_space<vmem>>[vector<16xi32>, vector<16xi32>], vector<16xf32>,
      %parallel_loop3A_1311 = tpu.vector_load_idx %arg12[%add3A_6, %parallel_loop3A_1308] : memref<48x768xf32, #tpu.memory_space<vmem>>[vector<16xi32>, vector<16xi32>], vector<16xf32>,
      %parallel_loop3A_1312 = arith.addf %parallel_loop3A_1310, %parallel_loop3A_1311 : vector<16xf32>
      %parallel_loop3A_1313 = arith.addf %parallel_loop3A_1312, %parallel_loop3A_1309 : vector<16xf32>
      tpu.vector_store_idx %arg10[%add3A_6, %parallel_loop3A_1308], %parallel_loop3A_1313 : memref<48x768xf32, #tpu.memory_space<vmem>>[vector<16xi32>, vector<16xi32>], vector<16xf32>,
      %parallel_loop3A_1314 = arith.addf %parallel_loop3A_1301, %parallel_loop3A_1313 : vector<16xf32>
      %parallel_loop3A_1315 = arith.mulf %parallel_loop3A_1313, %parallel_loop3A_1313 : vector<16xf32>
      %parallel_loop3A_1316 = arith.addf %parallel_loop3A_1302, %parallel_loop3A_1315 : vector<16xf32>
      %parallel_loop3A_1317 = tpu.vector_load_idx %arg10[%add3A_9, %parallel_loop3A_1308] : memref<48x768xf32, #tpu.memory_space<vmem>>[vector<16xi32>, vector<16xi32>], vector<16xf32>,
      %parallel_loop3A_1318 = tpu.vector_load_idx %arg12[%add3A_9, %parallel_loop3A_1308] : memref<48x768xf32, #tpu.memory_space<vmem>>[vector<16xi32>, vector<16xi32>], vector<16xf32>,
      %parallel_loop3A_1319 = arith.addf %parallel_loop3A_1317, %parallel_loop3A_1318 : vector<16xf32>
      %parallel_loop3A_1320 = arith.addf %parallel_loop3A_1319, %parallel_loop3A_1309 : vector<16xf32>
      tpu.vector_store_idx %arg10[%add3A_9, %parallel_loop3A_1308], %parallel_loop3A_1320 : memref<48x768xf32, #tpu.memory_space<vmem>>[vector<16xi32>, vector<16xi32>], vector<16xf32>,
      %parallel_loop3A_1321 = arith.addf %parallel_loop3A_1303, %parallel_loop3A_1320 : vector<16xf32>
      %parallel_loop3A_1322 = arith.mulf %parallel_loop3A_1320, %parallel_loop3A_1320 : vector<16xf32>
      %parallel_loop3A_1323 = arith.addf %parallel_loop3A_1304, %parallel_loop3A_1322 : vector<16xf32>
      %parallel_loop3A_1324 = tpu.vector_load_idx %arg10[%add3A_12, %parallel_loop3A_1308] : memref<48x768xf32, #tpu.memory_space<vmem>>[vector<16xi32>, vector<16xi32>], vector<16xf32>,
      %parallel_loop3A_1325 = tpu.vector_load_idx %arg12[%add3A_12, %parallel_loop3A_1308] : memref<48x768xf32, #tpu.memory_space<vmem>>[vector<16xi32>, vector<16xi32>], vector<16xf32>,
      %parallel_loop3A_1326 = arith.addf %parallel_loop3A_1324, %parallel_loop3A_1325 : vector<16xf32>
      %parallel_loop3A_1327 = arith.addf %parallel_loop3A_1326, %parallel_loop3A_1309 : vector<16xf32>
      tpu.vector_store_idx %arg10[%add3A_12, %parallel_loop3A_1308], %parallel_loop3A_1327 : memref<48x768xf32, #tpu.memory_space<vmem>>[vector<16xi32>, vector<16xi32>], vector<16xf32>,
      %parallel_loop3A_1328 = arith.addf %parallel_loop3A_1305, %parallel_loop3A_1327 : vector<16xf32>
      %parallel_loop3A_1329 = arith.mulf %parallel_loop3A_1327, %parallel_loop3A_1327 : vector<16xf32>
      %parallel_loop3A_1330 = arith.addf %parallel_loop3A_1306, %parallel_loop3A_1329 : vector<16xf32>
      scf.yield %parallel_loop3A_1314, %parallel_loop3A_1316, %parallel_loop3A_1321, %parallel_loop3A_1323, %parallel_loop3A_1328, %parallel_loop3A_1330 : vector<16xf32>, vector<16xf32>, vector<16xf32>, vector<16xf32>, vector<16xf32>, vector<16xf32>
    } {sc.loop_unroll_factor = 4 : i64, sc.parallel_access}
    %add3A_526 = arith.constant 144 : i32
    %add3A_527 = arith.addi %mul3A_2, %add3A_526 : i32
    %rem3A_528 = arith.constant 2048 : i32
    %rem3A_529 = arith.remsi %add3A_527, %rem3A_528 : i32
    %dma_start3A_530 = arith.constant 0 : i32
    %dma_start3A_531 = arith.constant 0 : i32
    %dma_start3A_532 = tpu.memref_slice %arg12[%dma_start3A_530, %dma_start3A_531] : memref<48x768xf32, #tpu.memory_space<vmem>> -> memref<48x768xf32, #tpu.memory_space<vmem>>
    %dma_start3A_533 = arith.constant 0 : i32
    %dma_start3A_534 = tpu.memref_slice %arg4[%rem3A_529, %dma_start3A_533] : memref<2048x768xf32, #tpu.memory_space<hbm>> -> memref<48x768xf32, #tpu.memory_space<hbm>>
    %dma_start3A_535 = arith.constant 0 : i32
    %dma_start3A_536 = arith.constant 0 : i32
    %dma_start3A_537 = tpu.memref_slice %arg12[%dma_start3A_535, %dma_start3A_536] : memref<48x768xf32, #tpu.memory_space<vmem>> -> memref<48x768xf32, #tpu.memory_space<vmem>>
    %dma_start3A_538 = arith.constant 0 : i32
    %dma_start3A_539 = tpu.memref_slice %arg4[%rem3A_529, %dma_start3A_538] : memref<2048x768xf32, #tpu.memory_space<hbm>> -> memref<48x768xf32, #tpu.memory_space<hbm>>
    tpu.enqueue_dma source(%dma_start3A_539 : memref<48x768xf32, #tpu.memory_space<hbm>>) target(%dma_start3A_537 : memref<48x768xf32, #tpu.memory_space<vmem>>) target_semaphore(%arg18 : memref<!tpu.dma_semaphore, #tpu.memory_space<semaphore_mem>>)
    %mul3A_540 = arith.constant 0.00130208337 : f32
    %mul3A_541 = vector.broadcast %mul3A_540 : f32 to vector<16xf32>
    %mul3A_542 = arith.mulf %parallel_loop3A_525#0, %mul3A_541 : vector<16xf32>
    %mul3A_543 = arith.constant 0.00130208337 : f32
    %mul3A_544 = vector.broadcast %mul3A_543 : f32 to vector<16xf32>
    %mul3A_545 = arith.mulf %parallel_loop3A_525#1, %mul3A_544 : vector<16xf32>
    %mul3A_546 = arith.mulf %mul3A_542, %mul3A_542 : vector<16xf32>
    %sub3A_547 = arith.subf %mul3A_545, %mul3A_546 : vector<16xf32>
    %add3A_548 = arith.constant 9.99999996E-13 : f32
    %add3A_549 = vector.broadcast %add3A_548 : f32 to vector<16xf32>
    %add3A_550 = arith.addf %sub3A_547, %add3A_549 : vector<16xf32>
    %bitcast3A_551 = vector.bitcast %add3A_550 : vector<16xf32> to vector<16xi32>
    %shift_right_arithmetic3A_552 = arith.constant 1 : i32
    %shift_right_arithmetic3A_553 = vector.broadcast %shift_right_arithmetic3A_552 : i32 to vector<16xi32>
    %shift_right_arithmetic3A_554 = arith.shrsi %bitcast3A_551, %shift_right_arithmetic3A_553 : vector<16xi32>
    %sub3A_555 = arith.constant 1597463007 : i32
    %sub3A_556 = vector.broadcast %sub3A_555 : i32 to vector<16xi32>
    %sub3A_557 = arith.subi %sub3A_556, %shift_right_arithmetic3A_554 : vector<16xi32>
    %bitcast3A_558 = vector.bitcast %sub3A_557 : vector<16xi32> to vector<16xf32>
    %mul3A_559 = arith.constant 5.000000e-01 : f32
    %mul3A_560 = vector.broadcast %mul3A_559 : f32 to vector<16xf32>
    %mul3A_561 = arith.mulf %mul3A_560, %add3A_550 : vector<16xf32>
    %mul3A_562 = arith.mulf %mul3A_561, %bitcast3A_558 : vector<16xf32>
    %mul3A_563 = arith.mulf %mul3A_562, %bitcast3A_558 : vector<16xf32>
    %sub3A_564 = arith.constant 1.500000e+00 : f32
    %sub3A_565 = vector.broadcast %sub3A_564 : f32 to vector<16xf32>
    %sub3A_566 = arith.subf %sub3A_565, %mul3A_563 : vector<16xf32>
    %mul3A_567 = arith.mulf %bitcast3A_558, %sub3A_566 : vector<16xf32>
    %mul3A_568 = arith.constant 5.000000e-01 : f32
    %mul3A_569 = vector.broadcast %mul3A_568 : f32 to vector<16xf32>
    %mul3A_570 = arith.mulf %mul3A_569, %add3A_550 : vector<16xf32>
    %mul3A_571 = arith.mulf %mul3A_570, %mul3A_567 : vector<16xf32>
    %mul3A_572 = arith.mulf %mul3A_571, %mul3A_567 : vector<16xf32>
    %sub3A_573 = arith.constant 1.500000e+00 : f32
    %sub3A_574 = vector.broadcast %sub3A_573 : f32 to vector<16xf32>
    %sub3A_575 = arith.subf %sub3A_574, %mul3A_572 : vector<16xf32>
    %mul3A_576 = arith.mulf %mul3A_567, %sub3A_575 : vector<16xf32>
    %mul3A_577 = arith.constant 5.000000e-01 : f32
    %mul3A_578 = vector.broadcast %mul3A_577 : f32 to vector<16xf32>
    %mul3A_579 = arith.mulf %mul3A_578, %add3A_550 : vector<16xf32>
    %mul3A_580 = arith.mulf %mul3A_579, %mul3A_576 : vector<16xf32>
    %mul3A_581 = arith.mulf %mul3A_580, %mul3A_576 : vector<16xf32>
    %sub3A_582 = arith.constant 1.500000e+00 : f32
    %sub3A_583 = vector.broadcast %sub3A_582 : f32 to vector<16xf32>
    %sub3A_584 = arith.subf %sub3A_583, %mul3A_581 : vector<16xf32>
    %mul3A_585 = arith.mulf %mul3A_576, %sub3A_584 : vector<16xf32>
    %mul3A_586 = arith.constant 5.000000e-01 : f32
    %mul3A_587 = vector.broadcast %mul3A_586 : f32 to vector<16xf32>
    %mul3A_588 = arith.mulf %mul3A_587, %add3A_550 : vector<16xf32>
    %mul3A_589 = arith.mulf %mul3A_588, %mul3A_585 : vector<16xf32>
    %mul3A_590 = arith.mulf %mul3A_589, %mul3A_585 : vector<16xf32>
    %sub3A_591 = arith.constant 1.500000e+00 : f32
    %sub3A_592 = vector.broadcast %sub3A_591 : f32 to vector<16xf32>
    %sub3A_593 = arith.subf %sub3A_592, %mul3A_590 : vector<16xf32>
    %mul3A_594 = arith.mulf %mul3A_585, %sub3A_593 : vector<16xf32>
    %mul3A_595 = arith.constant 0.00130208337 : f32
    %mul3A_596 = vector.broadcast %mul3A_595 : f32 to vector<16xf32>
    %mul3A_597 = arith.mulf %parallel_loop3A_525#2, %mul3A_596 : vector<16xf32>
    %mul3A_598 = arith.constant 0.00130208337 : f32
    %mul3A_599 = vector.broadcast %mul3A_598 : f32 to vector<16xf32>
    %mul3A_600 = arith.mulf %parallel_loop3A_525#3, %mul3A_599 : vector<16xf32>
    %mul3A_601 = arith.mulf %mul3A_597, %mul3A_597 : vector<16xf32>
    %sub3A_602 = arith.subf %mul3A_600, %mul3A_601 : vector<16xf32>
    %add3A_603 = arith.constant 9.99999996E-13 : f32
    %add3A_604 = vector.broadcast %add3A_603 : f32 to vector<16xf32>
    %add3A_605 = arith.addf %sub3A_602, %add3A_604 : vector<16xf32>
    %bitcast3A_606 = vector.bitcast %add3A_605 : vector<16xf32> to vector<16xi32>
    %shift_right_arithmetic3A_607 = arith.constant 1 : i32
    %shift_right_arithmetic3A_608 = vector.broadcast %shift_right_arithmetic3A_607 : i32 to vector<16xi32>
    %shift_right_arithmetic3A_609 = arith.shrsi %bitcast3A_606, %shift_right_arithmetic3A_608 : vector<16xi32>
    %sub3A_610 = arith.constant 1597463007 : i32
    %sub3A_611 = vector.broadcast %sub3A_610 : i32 to vector<16xi32>
    %sub3A_612 = arith.subi %sub3A_611, %shift_right_arithmetic3A_609 : vector<16xi32>
    %bitcast3A_613 = vector.bitcast %sub3A_612 : vector<16xi32> to vector<16xf32>
    %mul3A_614 = arith.constant 5.000000e-01 : f32
    %mul3A_615 = vector.broadcast %mul3A_614 : f32 to vector<16xf32>
    %mul3A_616 = arith.mulf %mul3A_615, %add3A_605 : vector<16xf32>
    %mul3A_617 = arith.mulf %mul3A_616, %bitcast3A_613 : vector<16xf32>
    %mul3A_618 = arith.mulf %mul3A_617, %bitcast3A_613 : vector<16xf32>
    %sub3A_619 = arith.constant 1.500000e+00 : f32
    %sub3A_620 = vector.broadcast %sub3A_619 : f32 to vector<16xf32>
    %sub3A_621 = arith.subf %sub3A_620, %mul3A_618 : vector<16xf32>
    %mul3A_622 = arith.mulf %bitcast3A_613, %sub3A_621 : vector<16xf32>
    %mul3A_623 = arith.constant 5.000000e-01 : f32
    %mul3A_624 = vector.broadcast %mul3A_623 : f32 to vector<16xf32>
    %mul3A_625 = arith.mulf %mul3A_624, %add3A_605 : vector<16xf32>
    %mul3A_626 = arith.mulf %mul3A_625, %mul3A_622 : vector<16xf32>
    %mul3A_627 = arith.mulf %mul3A_626, %mul3A_622 : vector<16xf32>
    %sub3A_628 = arith.constant 1.500000e+00 : f32
    %sub3A_629 = vector.broadcast %sub3A_628 : f32 to vector<16xf32>
    %sub3A_630 = arith.subf %sub3A_629, %mul3A_627 : vector<16xf32>
    %mul3A_631 = arith.mulf %mul3A_622, %sub3A_630 : vector<16xf32>
    %mul3A_632 = arith.constant 5.000000e-01 : f32
    %mul3A_633 = vector.broadcast %mul3A_632 : f32 to vector<16xf32>
    %mul3A_634 = arith.mulf %mul3A_633, %add3A_605 : vector<16xf32>
    %mul3A_635 = arith.mulf %mul3A_634, %mul3A_631 : vector<16xf32>
    %mul3A_636 = arith.mulf %mul3A_635, %mul3A_631 : vector<16xf32>
    %sub3A_637 = arith.constant 1.500000e+00 : f32
    %sub3A_638 = vector.broadcast %sub3A_637 : f32 to vector<16xf32>
    %sub3A_639 = arith.subf %sub3A_638, %mul3A_636 : vector<16xf32>
    %mul3A_640 = arith.mulf %mul3A_631, %sub3A_639 : vector<16xf32>
    %mul3A_641 = arith.constant 5.000000e-01 : f32
    %mul3A_642 = vector.broadcast %mul3A_641 : f32 to vector<16xf32>
    %mul3A_643 = arith.mulf %mul3A_642, %add3A_605 : vector<16xf32>
    %mul3A_644 = arith.mulf %mul3A_643, %mul3A_640 : vector<16xf32>
    %mul3A_645 = arith.mulf %mul3A_644, %mul3A_640 : vector<16xf32>
    %sub3A_646 = arith.constant 1.500000e+00 : f32
    %sub3A_647 = vector.broadcast %sub3A_646 : f32 to vector<16xf32>
    %sub3A_648 = arith.subf %sub3A_647, %mul3A_645 : vector<16xf32>
    %mul3A_649 = arith.mulf %mul3A_640, %sub3A_648 : vector<16xf32>
    %mul3A_650 = arith.constant 0.00130208337 : f32
    %mul3A_651 = vector.broadcast %mul3A_650 : f32 to vector<16xf32>
    %mul3A_652 = arith.mulf %parallel_loop3A_525#4, %mul3A_651 : vector<16xf32>
    %mul3A_653 = arith.constant 0.00130208337 : f32
    %mul3A_654 = vector.broadcast %mul3A_653 : f32 to vector<16xf32>
    %mul3A_655 = arith.mulf %parallel_loop3A_525#5, %mul3A_654 : vector<16xf32>
    %mul3A_656 = arith.mulf %mul3A_652, %mul3A_652 : vector<16xf32>
    %sub3A_657 = arith.subf %mul3A_655, %mul3A_656 : vector<16xf32>
    %add3A_658 = arith.constant 9.99999996E-13 : f32
    %add3A_659 = vector.broadcast %add3A_658 : f32 to vector<16xf32>
    %add3A_660 = arith.addf %sub3A_657, %add3A_659 : vector<16xf32>
    %bitcast3A_661 = vector.bitcast %add3A_660 : vector<16xf32> to vector<16xi32>
    %shift_right_arithmetic3A_662 = arith.constant 1 : i32
    %shift_right_arithmetic3A_663 = vector.broadcast %shift_right_arithmetic3A_662 : i32 to vector<16xi32>
    %shift_right_arithmetic3A_664 = arith.shrsi %bitcast3A_661, %shift_right_arithmetic3A_663 : vector<16xi32>
    %sub3A_665 = arith.constant 1597463007 : i32
    %sub3A_666 = vector.broadcast %sub3A_665 : i32 to vector<16xi32>
    %sub3A_667 = arith.subi %sub3A_666, %shift_right_arithmetic3A_664 : vector<16xi32>
    %bitcast3A_668 = vector.bitcast %sub3A_667 : vector<16xi32> to vector<16xf32>
    %mul3A_669 = arith.constant 5.000000e-01 : f32
    %mul3A_670 = vector.broadcast %mul3A_669 : f32 to vector<16xf32>
    %mul3A_671 = arith.mulf %mul3A_670, %add3A_660 : vector<16xf32>
    %mul3A_672 = arith.mulf %mul3A_671, %bitcast3A_668 : vector<16xf32>
    %mul3A_673 = arith.mulf %mul3A_672, %bitcast3A_668 : vector<16xf32>
    %sub3A_674 = arith.constant 1.500000e+00 : f32
    %sub3A_675 = vector.broadcast %sub3A_674 : f32 to vector<16xf32>
    %sub3A_676 = arith.subf %sub3A_675, %mul3A_673 : vector<16xf32>
    %mul3A_677 = arith.mulf %bitcast3A_668, %sub3A_676 : vector<16xf32>
    %mul3A_678 = arith.constant 5.000000e-01 : f32
    %mul3A_679 = vector.broadcast %mul3A_678 : f32 to vector<16xf32>
    %mul3A_680 = arith.mulf %mul3A_679, %add3A_660 : vector<16xf32>
    %mul3A_681 = arith.mulf %mul3A_680, %mul3A_677 : vector<16xf32>
    %mul3A_682 = arith.mulf %mul3A_681, %mul3A_677 : vector<16xf32>
    %sub3A_683 = arith.constant 1.500000e+00 : f32
    %sub3A_684 = vector.broadcast %sub3A_683 : f32 to vector<16xf32>
    %sub3A_685 = arith.subf %sub3A_684, %mul3A_682 : vector<16xf32>
    %mul3A_686 = arith.mulf %mul3A_677, %sub3A_685 : vector<16xf32>
    %mul3A_687 = arith.constant 5.000000e-01 : f32
    %mul3A_688 = vector.broadcast %mul3A_687 : f32 to vector<16xf32>
    %mul3A_689 = arith.mulf %mul3A_688, %add3A_660 : vector<16xf32>
    %mul3A_690 = arith.mulf %mul3A_689, %mul3A_686 : vector<16xf32>
    %mul3A_691 = arith.mulf %mul3A_690, %mul3A_686 : vector<16xf32>
    %sub3A_692 = arith.constant 1.500000e+00 : f32
    %sub3A_693 = vector.broadcast %sub3A_692 : f32 to vector<16xf32>
    %sub3A_694 = arith.subf %sub3A_693, %mul3A_691 : vector<16xf32>
    %mul3A_695 = arith.mulf %mul3A_686, %sub3A_694 : vector<16xf32>
    %mul3A_696 = arith.constant 5.000000e-01 : f32
    %mul3A_697 = vector.broadcast %mul3A_696 : f32 to vector<16xf32>
    %mul3A_698 = arith.mulf %mul3A_697, %add3A_660 : vector<16xf32>
    %mul3A_699 = arith.mulf %mul3A_698, %mul3A_695 : vector<16xf32>
    %mul3A_700 = arith.mulf %mul3A_699, %mul3A_695 : vector<16xf32>
    %sub3A_701 = arith.constant 1.500000e+00 : f32
    %sub3A_702 = vector.broadcast %sub3A_701 : f32 to vector<16xf32>
    %sub3A_703 = arith.subf %sub3A_702, %mul3A_700 : vector<16xf32>
    %mul3A_704 = arith.mulf %mul3A_695, %sub3A_703 : vector<16xf32>
    %parallel_loop3A_705 = arith.constant 0 : i32
    %parallel_loop3A_706 = arith.constant 768 : i32
    %parallel_loop3A_707 = arith.constant 1 : i32
    scf.for %parallel_loop3A_1300 = %parallel_loop3A_705 to %parallel_loop3A_706 step %parallel_loop3A_707  : i32 {
      %parallel_loop3A_1301 = vector.broadcast %parallel_loop3A_1300 : i32 to vector<16xi32>
      %parallel_loop3A_1302 = arith.xori %parallel_loop3A_1301, %iota3A : vector<16xi32>
      %parallel_loop3A_1303 = tpu.vector_load_idx %arg14[%parallel_loop3A_1302] : memref<768xf32, #tpu.memory_space<vmem>>[vector<16xi32>], vector<16xf32>,
      %parallel_loop3A_1304 = tpu.vector_load_idx %arg15[%parallel_loop3A_1302] : memref<768xf32, #tpu.memory_space<vmem>>[vector<16xi32>], vector<16xf32>,
      %parallel_loop3A_1305 = tpu.vector_load_idx %arg10[%add3A_6, %parallel_loop3A_1302] : memref<48x768xf32, #tpu.memory_space<vmem>>[vector<16xi32>, vector<16xi32>], vector<16xf32>,
      %parallel_loop3A_1306 = arith.subf %parallel_loop3A_1305, %mul3A_542 : vector<16xf32>
      %parallel_loop3A_1307 = arith.mulf %parallel_loop3A_1306, %mul3A_594 : vector<16xf32>
      %parallel_loop3A_1308 = arith.mulf %parallel_loop3A_1307, %parallel_loop3A_1303 : vector<16xf32>
      %parallel_loop3A_1309 = arith.addf %parallel_loop3A_1308, %parallel_loop3A_1304 : vector<16xf32>
      tpu.vector_store_idx %arg10[%add3A_6, %parallel_loop3A_1302], %parallel_loop3A_1309 : memref<48x768xf32, #tpu.memory_space<vmem>>[vector<16xi32>, vector<16xi32>], vector<16xf32>,
      %parallel_loop3A_1310 = tpu.vector_load_idx %arg10[%add3A_9, %parallel_loop3A_1302] : memref<48x768xf32, #tpu.memory_space<vmem>>[vector<16xi32>, vector<16xi32>], vector<16xf32>,
      %parallel_loop3A_1311 = arith.subf %parallel_loop3A_1310, %mul3A_597 : vector<16xf32>
      %parallel_loop3A_1312 = arith.mulf %parallel_loop3A_1311, %mul3A_649 : vector<16xf32>
      %parallel_loop3A_1313 = arith.mulf %parallel_loop3A_1312, %parallel_loop3A_1303 : vector<16xf32>
      %parallel_loop3A_1314 = arith.addf %parallel_loop3A_1313, %parallel_loop3A_1304 : vector<16xf32>
      tpu.vector_store_idx %arg10[%add3A_9, %parallel_loop3A_1302], %parallel_loop3A_1314 : memref<48x768xf32, #tpu.memory_space<vmem>>[vector<16xi32>, vector<16xi32>], vector<16xf32>,
      %parallel_loop3A_1315 = tpu.vector_load_idx %arg10[%add3A_12, %parallel_loop3A_1302] : memref<48x768xf32, #tpu.memory_space<vmem>>[vector<16xi32>, vector<16xi32>], vector<16xf32>,
      %parallel_loop3A_1316 = arith.subf %parallel_loop3A_1315, %mul3A_652 : vector<16xf32>
      %parallel_loop3A_1317 = arith.mulf %parallel_loop3A_1316, %mul3A_704 : vector<16xf32>
      %parallel_loop3A_1318 = arith.mulf %parallel_loop3A_1317, %parallel_loop3A_1303 : vector<16xf32>
      %parallel_loop3A_1319 = arith.addf %parallel_loop3A_1318, %parallel_loop3A_1304 : vector<16xf32>
      tpu.vector_store_idx %arg10[%add3A_12, %parallel_loop3A_1302], %parallel_loop3A_1319 : memref<48x768xf32, #tpu.memory_space<vmem>>[vector<16xi32>, vector<16xi32>], vector<16xf32>,
    } {sc.loop_unroll_factor = 4 : i64, sc.parallel_access}
    %add3A_708 = arith.constant 96 : i32
    %add3A_709 = arith.addi %mul3A_2, %add3A_708 : i32
    %dma_start3A_710 = arith.constant 0 : i32
    %dma_start3A_711 = arith.constant 0 : i32
    %dma_start3A_712 = tpu.memref_slice %arg10[%dma_start3A_710, %dma_start3A_711] : memref<48x768xf32, #tpu.memory_space<vmem>> -> memref<48x768xf32, #tpu.memory_space<vmem>>
    %dma_start3A_713 = arith.constant 0 : i32
    %dma_start3A_714 = tpu.memref_slice %arg8[%add3A_709, %dma_start3A_713] : memref<8192x768xf32, #tpu.memory_space<hbm>> -> memref<48x768xf32, #tpu.memory_space<hbm>>
    %dma_start3A_715 = arith.constant 0 : i32
    %dma_start3A_716 = tpu.memref_slice %arg8[%add3A_709, %dma_start3A_715] : memref<8192x768xf32, #tpu.memory_space<hbm>> -> memref<48x768xf32, #tpu.memory_space<hbm>>
    %dma_start3A_717 = arith.constant 0 : i32
    %dma_start3A_718 = arith.constant 0 : i32
    %dma_start3A_719 = tpu.memref_slice %arg10[%dma_start3A_717, %dma_start3A_718] : memref<48x768xf32, #tpu.memory_space<vmem>> -> memref<48x768xf32, #tpu.memory_space<vmem>>
    tpu.enqueue_dma source(%dma_start3A_719 : memref<48x768xf32, #tpu.memory_space<vmem>>) target(%dma_start3A_716 : memref<48x768xf32, #tpu.memory_space<hbm>>) target_semaphore(%arg19 : memref<!tpu.dma_semaphore, #tpu.memory_space<semaphore_mem>>)
    %dma_wait3A_720 = arith.constant 0 : i32
    %dma_wait3A_721 = arith.constant 0 : i32
    %dma_wait3A_722 = tpu.memref_slice %arg10[%dma_wait3A_720, %dma_wait3A_721] : memref<48x768xf32, #tpu.memory_space<vmem>> -> memref<48x768xf32, #tpu.memory_space<vmem>>
    %dma_wait3A_723 = arith.constant 0 : i32
    %dma_wait3A_724 = tpu.memref_slice %arg8[%add3A_709, %dma_wait3A_723] : memref<8192x768xf32, #tpu.memory_space<hbm>> -> memref<48x768xf32, #tpu.memory_space<hbm>>
    %dma_wait3A_725 = arith.constant 0 : i32
    %dma_wait3A_726 = tpu.memref_slice %arg8[%add3A_709, %dma_wait3A_725] : memref<8192x768xf32, #tpu.memory_space<hbm>> -> memref<48x768xf32, #tpu.memory_space<hbm>>
    %dma_wait3A_727 = arith.constant 0 : i32
    %dma_wait3A_728 = arith.constant 0 : i32
    %dma_wait3A_729 = tpu.memref_slice %arg10[%dma_wait3A_727, %dma_wait3A_728] : memref<48x768xf32, #tpu.memory_space<vmem>> -> memref<48x768xf32, #tpu.memory_space<vmem>>
    tpu.wait_dma2 semaphore(%arg19 : memref<!tpu.dma_semaphore, #tpu.memory_space<semaphore_mem>>) src(%dma_wait3A_729 : memref<48x768xf32, #tpu.memory_space<vmem>>) dst(%dma_wait3A_726 : memref<48x768xf32, #tpu.memory_space<hbm>>)
    %dma_start3A_730 = arith.constant 0 : i32
    %dma_start3A_731 = arith.constant 0 : i32
    %dma_start3A_732 = tpu.memref_slice %arg10[%dma_start3A_730, %dma_start3A_731] : memref<48x768xf32, #tpu.memory_space<vmem>> -> memref<48x768xf32, #tpu.memory_space<vmem>>
    %dma_start3A_733 = arith.constant 192 : i32
    %dma_start3A_734 = tpu.memref_slice %arg9[%dma_start3A_733] : memref<256xi32, #tpu.memory_space<vmem>> -> memref<48xi32, #tpu.memory_space<vmem>>
    %dma_start3A_735 = arith.constant 0 : i32
    %dma_start3A_736 = arith.constant 0 : i32
    %dma_start3A_737 = tpu.memref_slice %arg3[%dma_start3A_735, %dma_start3A_736] : memref<100000x768xf32, #tpu.memory_space<hbm>> -> memref<100000x768xf32, #tpu.memory_space<hbm>>
    tpu.enqueue_indirect_dma source(%dma_start3A_737 : memref<100000x768xf32, #tpu.memory_space<hbm>>) target(%dma_start3A_732 : memref<48x768xf32, #tpu.memory_space<vmem>>) offsets(%dma_start3A_734 : memref<48xi32, #tpu.memory_space<vmem>>) semaphore(%arg16 : memref<!tpu.dma_semaphore, #tpu.memory_space<semaphore_mem>>)
    %dma_wait3A_738 = arith.constant 0 : i32
    %dma_wait3A_739 = arith.constant 0 : i32
    %dma_wait3A_740 = tpu.memref_slice %arg11[%dma_wait3A_738, %dma_wait3A_739] : memref<48x768xf32, #tpu.memory_space<vmem>> -> memref<48x768xf32, #tpu.memory_space<vmem>>
    %dma_wait3A_741 = arith.constant 144 : i32
    %dma_wait3A_742 = tpu.memref_slice %arg9[%dma_wait3A_741] : memref<256xi32, #tpu.memory_space<vmem>> -> memref<48xi32, #tpu.memory_space<vmem>>
    %dma_wait3A_743 = arith.constant 0 : i32
    %dma_wait3A_744 = arith.constant 0 : i32
    %dma_wait3A_745 = tpu.memref_slice %arg3[%dma_wait3A_743, %dma_wait3A_744] : memref<100000x768xf32, #tpu.memory_space<hbm>> -> memref<100000x768xf32, #tpu.memory_space<hbm>>
    tpu.wait_indirect_dma semaphore(%arg17 : memref<!tpu.dma_semaphore, #tpu.memory_space<semaphore_mem>>) src(%dma_wait3A_745 : memref<100000x768xf32, #tpu.memory_space<hbm>>) dst(%dma_wait3A_740 : memref<48x768xf32, #tpu.memory_space<vmem>>)
    %dma_wait3A_746 = arith.constant 0 : i32
    %dma_wait3A_747 = arith.constant 0 : i32
    %dma_wait3A_748 = tpu.memref_slice %arg12[%dma_wait3A_746, %dma_wait3A_747] : memref<48x768xf32, #tpu.memory_space<vmem>> -> memref<48x768xf32, #tpu.memory_space<vmem>>
    %dma_wait3A_749 = arith.constant 0 : i32
    %dma_wait3A_750 = tpu.memref_slice %arg4[%rem3A_529, %dma_wait3A_749] : memref<2048x768xf32, #tpu.memory_space<hbm>> -> memref<48x768xf32, #tpu.memory_space<hbm>>
    %dma_wait3A_751 = arith.constant 0 : i32
    %dma_wait3A_752 = arith.constant 0 : i32
    %dma_wait3A_753 = tpu.memref_slice %arg12[%dma_wait3A_751, %dma_wait3A_752] : memref<48x768xf32, #tpu.memory_space<vmem>> -> memref<48x768xf32, #tpu.memory_space<vmem>>
    %dma_wait3A_754 = arith.constant 0 : i32
    %dma_wait3A_755 = tpu.memref_slice %arg4[%rem3A_529, %dma_wait3A_754] : memref<2048x768xf32, #tpu.memory_space<hbm>> -> memref<48x768xf32, #tpu.memory_space<hbm>>
    tpu.wait_dma2 semaphore(%arg18 : memref<!tpu.dma_semaphore, #tpu.memory_space<semaphore_mem>>) src(%dma_wait3A_755 : memref<48x768xf32, #tpu.memory_space<hbm>>) dst(%dma_wait3A_753 : memref<48x768xf32, #tpu.memory_space<vmem>>)
    %parallel_loop3A_756 = arith.constant 0 : i32
    %parallel_loop3A_757 = arith.constant 768 : i32
    %parallel_loop3A_758 = arith.constant 1 : i32
    %parallel_loop3A_759:6 = scf.for %parallel_loop3A_1300 = %parallel_loop3A_756 to %parallel_loop3A_757 step %parallel_loop3A_758 iter_args(%parallel_loop3A_1301 = %broadcast_in_dim3A_3, %parallel_loop3A_1302 = %broadcast_in_dim3A_3, %parallel_loop3A_1303 = %broadcast_in_dim3A_3, %parallel_loop3A_1304 = %broadcast_in_dim3A_3, %parallel_loop3A_1305 = %broadcast_in_dim3A_3, %parallel_loop3A_1306 = %broadcast_in_dim3A_3) -> (vector<16xf32>, vector<16xf32>, vector<16xf32>, vector<16xf32>, vector<16xf32>, vector<16xf32>)  : i32 {
      %parallel_loop3A_1307 = vector.broadcast %parallel_loop3A_1300 : i32 to vector<16xi32>
      %parallel_loop3A_1308 = arith.xori %parallel_loop3A_1307, %iota3A : vector<16xi32>
      %parallel_loop3A_1309 = tpu.vector_load_idx %arg13[%parallel_loop3A_1308] : memref<768xf32, #tpu.memory_space<vmem>>[vector<16xi32>], vector<16xf32>,
      %parallel_loop3A_1310 = tpu.vector_load_idx %arg11[%add3A_6, %parallel_loop3A_1308] : memref<48x768xf32, #tpu.memory_space<vmem>>[vector<16xi32>, vector<16xi32>], vector<16xf32>,
      %parallel_loop3A_1311 = tpu.vector_load_idx %arg12[%add3A_6, %parallel_loop3A_1308] : memref<48x768xf32, #tpu.memory_space<vmem>>[vector<16xi32>, vector<16xi32>], vector<16xf32>,
      %parallel_loop3A_1312 = arith.addf %parallel_loop3A_1310, %parallel_loop3A_1311 : vector<16xf32>
      %parallel_loop3A_1313 = arith.addf %parallel_loop3A_1312, %parallel_loop3A_1309 : vector<16xf32>
      tpu.vector_store_idx %arg11[%add3A_6, %parallel_loop3A_1308], %parallel_loop3A_1313 : memref<48x768xf32, #tpu.memory_space<vmem>>[vector<16xi32>, vector<16xi32>], vector<16xf32>,
      %parallel_loop3A_1314 = arith.addf %parallel_loop3A_1301, %parallel_loop3A_1313 : vector<16xf32>
      %parallel_loop3A_1315 = arith.mulf %parallel_loop3A_1313, %parallel_loop3A_1313 : vector<16xf32>
      %parallel_loop3A_1316 = arith.addf %parallel_loop3A_1302, %parallel_loop3A_1315 : vector<16xf32>
      %parallel_loop3A_1317 = tpu.vector_load_idx %arg11[%add3A_9, %parallel_loop3A_1308] : memref<48x768xf32, #tpu.memory_space<vmem>>[vector<16xi32>, vector<16xi32>], vector<16xf32>,
      %parallel_loop3A_1318 = tpu.vector_load_idx %arg12[%add3A_9, %parallel_loop3A_1308] : memref<48x768xf32, #tpu.memory_space<vmem>>[vector<16xi32>, vector<16xi32>], vector<16xf32>,
      %parallel_loop3A_1319 = arith.addf %parallel_loop3A_1317, %parallel_loop3A_1318 : vector<16xf32>
      %parallel_loop3A_1320 = arith.addf %parallel_loop3A_1319, %parallel_loop3A_1309 : vector<16xf32>
      tpu.vector_store_idx %arg11[%add3A_9, %parallel_loop3A_1308], %parallel_loop3A_1320 : memref<48x768xf32, #tpu.memory_space<vmem>>[vector<16xi32>, vector<16xi32>], vector<16xf32>,
      %parallel_loop3A_1321 = arith.addf %parallel_loop3A_1303, %parallel_loop3A_1320 : vector<16xf32>
      %parallel_loop3A_1322 = arith.mulf %parallel_loop3A_1320, %parallel_loop3A_1320 : vector<16xf32>
      %parallel_loop3A_1323 = arith.addf %parallel_loop3A_1304, %parallel_loop3A_1322 : vector<16xf32>
      %parallel_loop3A_1324 = tpu.vector_load_idx %arg11[%add3A_12, %parallel_loop3A_1308] : memref<48x768xf32, #tpu.memory_space<vmem>>[vector<16xi32>, vector<16xi32>], vector<16xf32>,
      %parallel_loop3A_1325 = tpu.vector_load_idx %arg12[%add3A_12, %parallel_loop3A_1308] : memref<48x768xf32, #tpu.memory_space<vmem>>[vector<16xi32>, vector<16xi32>], vector<16xf32>,
      %parallel_loop3A_1326 = arith.addf %parallel_loop3A_1324, %parallel_loop3A_1325 : vector<16xf32>
      %parallel_loop3A_1327 = arith.addf %parallel_loop3A_1326, %parallel_loop3A_1309 : vector<16xf32>
      tpu.vector_store_idx %arg11[%add3A_12, %parallel_loop3A_1308], %parallel_loop3A_1327 : memref<48x768xf32, #tpu.memory_space<vmem>>[vector<16xi32>, vector<16xi32>], vector<16xf32>,
      %parallel_loop3A_1328 = arith.addf %parallel_loop3A_1305, %parallel_loop3A_1327 : vector<16xf32>
      %parallel_loop3A_1329 = arith.mulf %parallel_loop3A_1327, %parallel_loop3A_1327 : vector<16xf32>
      %parallel_loop3A_1330 = arith.addf %parallel_loop3A_1306, %parallel_loop3A_1329 : vector<16xf32>
      scf.yield %parallel_loop3A_1314, %parallel_loop3A_1316, %parallel_loop3A_1321, %parallel_loop3A_1323, %parallel_loop3A_1328, %parallel_loop3A_1330 : vector<16xf32>, vector<16xf32>, vector<16xf32>, vector<16xf32>, vector<16xf32>, vector<16xf32>
    } {sc.loop_unroll_factor = 4 : i64, sc.parallel_access}
    %add3A_760 = arith.constant 192 : i32
    %add3A_761 = arith.addi %mul3A_2, %add3A_760 : i32
    %rem3A_762 = arith.constant 2048 : i32
    %rem3A_763 = arith.remsi %add3A_761, %rem3A_762 : i32
    %dma_start3A_764 = arith.constant 0 : i32
    %dma_start3A_765 = arith.constant 0 : i32
    %dma_start3A_766 = tpu.memref_slice %arg12[%dma_start3A_764, %dma_start3A_765] : memref<48x768xf32, #tpu.memory_space<vmem>> -> memref<48x768xf32, #tpu.memory_space<vmem>>
    %dma_start3A_767 = arith.constant 0 : i32
    %dma_start3A_768 = tpu.memref_slice %arg4[%rem3A_763, %dma_start3A_767] : memref<2048x768xf32, #tpu.memory_space<hbm>> -> memref<48x768xf32, #tpu.memory_space<hbm>>
    %dma_start3A_769 = arith.constant 0 : i32
    %dma_start3A_770 = arith.constant 0 : i32
    %dma_start3A_771 = tpu.memref_slice %arg12[%dma_start3A_769, %dma_start3A_770] : memref<48x768xf32, #tpu.memory_space<vmem>> -> memref<48x768xf32, #tpu.memory_space<vmem>>
    %dma_start3A_772 = arith.constant 0 : i32
    %dma_start3A_773 = tpu.memref_slice %arg4[%rem3A_763, %dma_start3A_772] : memref<2048x768xf32, #tpu.memory_space<hbm>> -> memref<48x768xf32, #tpu.memory_space<hbm>>
    tpu.enqueue_dma source(%dma_start3A_773 : memref<48x768xf32, #tpu.memory_space<hbm>>) target(%dma_start3A_771 : memref<48x768xf32, #tpu.memory_space<vmem>>) target_semaphore(%arg18 : memref<!tpu.dma_semaphore, #tpu.memory_space<semaphore_mem>>)
    %mul3A_774 = arith.constant 0.00130208337 : f32
    %mul3A_775 = vector.broadcast %mul3A_774 : f32 to vector<16xf32>
    %mul3A_776 = arith.mulf %parallel_loop3A_759#0, %mul3A_775 : vector<16xf32>
    %mul3A_777 = arith.constant 0.00130208337 : f32
    %mul3A_778 = vector.broadcast %mul3A_777 : f32 to vector<16xf32>
    %mul3A_779 = arith.mulf %parallel_loop3A_759#1, %mul3A_778 : vector<16xf32>
    %mul3A_780 = arith.mulf %mul3A_776, %mul3A_776 : vector<16xf32>
    %sub3A_781 = arith.subf %mul3A_779, %mul3A_780 : vector<16xf32>
    %add3A_782 = arith.constant 9.99999996E-13 : f32
    %add3A_783 = vector.broadcast %add3A_782 : f32 to vector<16xf32>
    %add3A_784 = arith.addf %sub3A_781, %add3A_783 : vector<16xf32>
    %bitcast3A_785 = vector.bitcast %add3A_784 : vector<16xf32> to vector<16xi32>
    %shift_right_arithmetic3A_786 = arith.constant 1 : i32
    %shift_right_arithmetic3A_787 = vector.broadcast %shift_right_arithmetic3A_786 : i32 to vector<16xi32>
    %shift_right_arithmetic3A_788 = arith.shrsi %bitcast3A_785, %shift_right_arithmetic3A_787 : vector<16xi32>
    %sub3A_789 = arith.constant 1597463007 : i32
    %sub3A_790 = vector.broadcast %sub3A_789 : i32 to vector<16xi32>
    %sub3A_791 = arith.subi %sub3A_790, %shift_right_arithmetic3A_788 : vector<16xi32>
    %bitcast3A_792 = vector.bitcast %sub3A_791 : vector<16xi32> to vector<16xf32>
    %mul3A_793 = arith.constant 5.000000e-01 : f32
    %mul3A_794 = vector.broadcast %mul3A_793 : f32 to vector<16xf32>
    %mul3A_795 = arith.mulf %mul3A_794, %add3A_784 : vector<16xf32>
    %mul3A_796 = arith.mulf %mul3A_795, %bitcast3A_792 : vector<16xf32>
    %mul3A_797 = arith.mulf %mul3A_796, %bitcast3A_792 : vector<16xf32>
    %sub3A_798 = arith.constant 1.500000e+00 : f32
    %sub3A_799 = vector.broadcast %sub3A_798 : f32 to vector<16xf32>
    %sub3A_800 = arith.subf %sub3A_799, %mul3A_797 : vector<16xf32>
    %mul3A_801 = arith.mulf %bitcast3A_792, %sub3A_800 : vector<16xf32>
    %mul3A_802 = arith.constant 5.000000e-01 : f32
    %mul3A_803 = vector.broadcast %mul3A_802 : f32 to vector<16xf32>
    %mul3A_804 = arith.mulf %mul3A_803, %add3A_784 : vector<16xf32>
    %mul3A_805 = arith.mulf %mul3A_804, %mul3A_801 : vector<16xf32>
    %mul3A_806 = arith.mulf %mul3A_805, %mul3A_801 : vector<16xf32>
    %sub3A_807 = arith.constant 1.500000e+00 : f32
    %sub3A_808 = vector.broadcast %sub3A_807 : f32 to vector<16xf32>
    %sub3A_809 = arith.subf %sub3A_808, %mul3A_806 : vector<16xf32>
    %mul3A_810 = arith.mulf %mul3A_801, %sub3A_809 : vector<16xf32>
    %mul3A_811 = arith.constant 5.000000e-01 : f32
    %mul3A_812 = vector.broadcast %mul3A_811 : f32 to vector<16xf32>
    %mul3A_813 = arith.mulf %mul3A_812, %add3A_784 : vector<16xf32>
    %mul3A_814 = arith.mulf %mul3A_813, %mul3A_810 : vector<16xf32>
    %mul3A_815 = arith.mulf %mul3A_814, %mul3A_810 : vector<16xf32>
    %sub3A_816 = arith.constant 1.500000e+00 : f32
    %sub3A_817 = vector.broadcast %sub3A_816 : f32 to vector<16xf32>
    %sub3A_818 = arith.subf %sub3A_817, %mul3A_815 : vector<16xf32>
    %mul3A_819 = arith.mulf %mul3A_810, %sub3A_818 : vector<16xf32>
    %mul3A_820 = arith.constant 5.000000e-01 : f32
    %mul3A_821 = vector.broadcast %mul3A_820 : f32 to vector<16xf32>
    %mul3A_822 = arith.mulf %mul3A_821, %add3A_784 : vector<16xf32>
    %mul3A_823 = arith.mulf %mul3A_822, %mul3A_819 : vector<16xf32>
    %mul3A_824 = arith.mulf %mul3A_823, %mul3A_819 : vector<16xf32>
    %sub3A_825 = arith.constant 1.500000e+00 : f32
    %sub3A_826 = vector.broadcast %sub3A_825 : f32 to vector<16xf32>
    %sub3A_827 = arith.subf %sub3A_826, %mul3A_824 : vector<16xf32>
    %mul3A_828 = arith.mulf %mul3A_819, %sub3A_827 : vector<16xf32>
    %mul3A_829 = arith.constant 0.00130208337 : f32
    %mul3A_830 = vector.broadcast %mul3A_829 : f32 to vector<16xf32>
    %mul3A_831 = arith.mulf %parallel_loop3A_759#2, %mul3A_830 : vector<16xf32>
    %mul3A_832 = arith.constant 0.00130208337 : f32
    %mul3A_833 = vector.broadcast %mul3A_832 : f32 to vector<16xf32>
    %mul3A_834 = arith.mulf %parallel_loop3A_759#3, %mul3A_833 : vector<16xf32>
    %mul3A_835 = arith.mulf %mul3A_831, %mul3A_831 : vector<16xf32>
    %sub3A_836 = arith.subf %mul3A_834, %mul3A_835 : vector<16xf32>
    %add3A_837 = arith.constant 9.99999996E-13 : f32
    %add3A_838 = vector.broadcast %add3A_837 : f32 to vector<16xf32>
    %add3A_839 = arith.addf %sub3A_836, %add3A_838 : vector<16xf32>
    %bitcast3A_840 = vector.bitcast %add3A_839 : vector<16xf32> to vector<16xi32>
    %shift_right_arithmetic3A_841 = arith.constant 1 : i32
    %shift_right_arithmetic3A_842 = vector.broadcast %shift_right_arithmetic3A_841 : i32 to vector<16xi32>
    %shift_right_arithmetic3A_843 = arith.shrsi %bitcast3A_840, %shift_right_arithmetic3A_842 : vector<16xi32>
    %sub3A_844 = arith.constant 1597463007 : i32
    %sub3A_845 = vector.broadcast %sub3A_844 : i32 to vector<16xi32>
    %sub3A_846 = arith.subi %sub3A_845, %shift_right_arithmetic3A_843 : vector<16xi32>
    %bitcast3A_847 = vector.bitcast %sub3A_846 : vector<16xi32> to vector<16xf32>
    %mul3A_848 = arith.constant 5.000000e-01 : f32
    %mul3A_849 = vector.broadcast %mul3A_848 : f32 to vector<16xf32>
    %mul3A_850 = arith.mulf %mul3A_849, %add3A_839 : vector<16xf32>
    %mul3A_851 = arith.mulf %mul3A_850, %bitcast3A_847 : vector<16xf32>
    %mul3A_852 = arith.mulf %mul3A_851, %bitcast3A_847 : vector<16xf32>
    %sub3A_853 = arith.constant 1.500000e+00 : f32
    %sub3A_854 = vector.broadcast %sub3A_853 : f32 to vector<16xf32>
    %sub3A_855 = arith.subf %sub3A_854, %mul3A_852 : vector<16xf32>
    %mul3A_856 = arith.mulf %bitcast3A_847, %sub3A_855 : vector<16xf32>
    %mul3A_857 = arith.constant 5.000000e-01 : f32
    %mul3A_858 = vector.broadcast %mul3A_857 : f32 to vector<16xf32>
    %mul3A_859 = arith.mulf %mul3A_858, %add3A_839 : vector<16xf32>
    %mul3A_860 = arith.mulf %mul3A_859, %mul3A_856 : vector<16xf32>
    %mul3A_861 = arith.mulf %mul3A_860, %mul3A_856 : vector<16xf32>
    %sub3A_862 = arith.constant 1.500000e+00 : f32
    %sub3A_863 = vector.broadcast %sub3A_862 : f32 to vector<16xf32>
    %sub3A_864 = arith.subf %sub3A_863, %mul3A_861 : vector<16xf32>
    %mul3A_865 = arith.mulf %mul3A_856, %sub3A_864 : vector<16xf32>
    %mul3A_866 = arith.constant 5.000000e-01 : f32
    %mul3A_867 = vector.broadcast %mul3A_866 : f32 to vector<16xf32>
    %mul3A_868 = arith.mulf %mul3A_867, %add3A_839 : vector<16xf32>
    %mul3A_869 = arith.mulf %mul3A_868, %mul3A_865 : vector<16xf32>
    %mul3A_870 = arith.mulf %mul3A_869, %mul3A_865 : vector<16xf32>
    %sub3A_871 = arith.constant 1.500000e+00 : f32
    %sub3A_872 = vector.broadcast %sub3A_871 : f32 to vector<16xf32>
    %sub3A_873 = arith.subf %sub3A_872, %mul3A_870 : vector<16xf32>
    %mul3A_874 = arith.mulf %mul3A_865, %sub3A_873 : vector<16xf32>
    %mul3A_875 = arith.constant 5.000000e-01 : f32
    %mul3A_876 = vector.broadcast %mul3A_875 : f32 to vector<16xf32>
    %mul3A_877 = arith.mulf %mul3A_876, %add3A_839 : vector<16xf32>
    %mul3A_878 = arith.mulf %mul3A_877, %mul3A_874 : vector<16xf32>
    %mul3A_879 = arith.mulf %mul3A_878, %mul3A_874 : vector<16xf32>
    %sub3A_880 = arith.constant 1.500000e+00 : f32
    %sub3A_881 = vector.broadcast %sub3A_880 : f32 to vector<16xf32>
    %sub3A_882 = arith.subf %sub3A_881, %mul3A_879 : vector<16xf32>
    %mul3A_883 = arith.mulf %mul3A_874, %sub3A_882 : vector<16xf32>
    %mul3A_884 = arith.constant 0.00130208337 : f32
    %mul3A_885 = vector.broadcast %mul3A_884 : f32 to vector<16xf32>
    %mul3A_886 = arith.mulf %parallel_loop3A_759#4, %mul3A_885 : vector<16xf32>
    %mul3A_887 = arith.constant 0.00130208337 : f32
    %mul3A_888 = vector.broadcast %mul3A_887 : f32 to vector<16xf32>
    %mul3A_889 = arith.mulf %parallel_loop3A_759#5, %mul3A_888 : vector<16xf32>
    %mul3A_890 = arith.mulf %mul3A_886, %mul3A_886 : vector<16xf32>
    %sub3A_891 = arith.subf %mul3A_889, %mul3A_890 : vector<16xf32>
    %add3A_892 = arith.constant 9.99999996E-13 : f32
    %add3A_893 = vector.broadcast %add3A_892 : f32 to vector<16xf32>
    %add3A_894 = arith.addf %sub3A_891, %add3A_893 : vector<16xf32>
    %bitcast3A_895 = vector.bitcast %add3A_894 : vector<16xf32> to vector<16xi32>
    %shift_right_arithmetic3A_896 = arith.constant 1 : i32
    %shift_right_arithmetic3A_897 = vector.broadcast %shift_right_arithmetic3A_896 : i32 to vector<16xi32>
    %shift_right_arithmetic3A_898 = arith.shrsi %bitcast3A_895, %shift_right_arithmetic3A_897 : vector<16xi32>
    %sub3A_899 = arith.constant 1597463007 : i32
    %sub3A_900 = vector.broadcast %sub3A_899 : i32 to vector<16xi32>
    %sub3A_901 = arith.subi %sub3A_900, %shift_right_arithmetic3A_898 : vector<16xi32>
    %bitcast3A_902 = vector.bitcast %sub3A_901 : vector<16xi32> to vector<16xf32>
    %mul3A_903 = arith.constant 5.000000e-01 : f32
    %mul3A_904 = vector.broadcast %mul3A_903 : f32 to vector<16xf32>
    %mul3A_905 = arith.mulf %mul3A_904, %add3A_894 : vector<16xf32>
    %mul3A_906 = arith.mulf %mul3A_905, %bitcast3A_902 : vector<16xf32>
    %mul3A_907 = arith.mulf %mul3A_906, %bitcast3A_902 : vector<16xf32>
    %sub3A_908 = arith.constant 1.500000e+00 : f32
    %sub3A_909 = vector.broadcast %sub3A_908 : f32 to vector<16xf32>
    %sub3A_910 = arith.subf %sub3A_909, %mul3A_907 : vector<16xf32>
    %mul3A_911 = arith.mulf %bitcast3A_902, %sub3A_910 : vector<16xf32>
    %mul3A_912 = arith.constant 5.000000e-01 : f32
    %mul3A_913 = vector.broadcast %mul3A_912 : f32 to vector<16xf32>
    %mul3A_914 = arith.mulf %mul3A_913, %add3A_894 : vector<16xf32>
    %mul3A_915 = arith.mulf %mul3A_914, %mul3A_911 : vector<16xf32>
    %mul3A_916 = arith.mulf %mul3A_915, %mul3A_911 : vector<16xf32>
    %sub3A_917 = arith.constant 1.500000e+00 : f32
    %sub3A_918 = vector.broadcast %sub3A_917 : f32 to vector<16xf32>
    %sub3A_919 = arith.subf %sub3A_918, %mul3A_916 : vector<16xf32>
    %mul3A_920 = arith.mulf %mul3A_911, %sub3A_919 : vector<16xf32>
    %mul3A_921 = arith.constant 5.000000e-01 : f32
    %mul3A_922 = vector.broadcast %mul3A_921 : f32 to vector<16xf32>
    %mul3A_923 = arith.mulf %mul3A_922, %add3A_894 : vector<16xf32>
    %mul3A_924 = arith.mulf %mul3A_923, %mul3A_920 : vector<16xf32>
    %mul3A_925 = arith.mulf %mul3A_924, %mul3A_920 : vector<16xf32>
    %sub3A_926 = arith.constant 1.500000e+00 : f32
    %sub3A_927 = vector.broadcast %sub3A_926 : f32 to vector<16xf32>
    %sub3A_928 = arith.subf %sub3A_927, %mul3A_925 : vector<16xf32>
    %mul3A_929 = arith.mulf %mul3A_920, %sub3A_928 : vector<16xf32>
    %mul3A_930 = arith.constant 5.000000e-01 : f32
    %mul3A_931 = vector.broadcast %mul3A_930 : f32 to vector<16xf32>
    %mul3A_932 = arith.mulf %mul3A_931, %add3A_894 : vector<16xf32>
    %mul3A_933 = arith.mulf %mul3A_932, %mul3A_929 : vector<16xf32>
    %mul3A_934 = arith.mulf %mul3A_933, %mul3A_929 : vector<16xf32>
    %sub3A_935 = arith.constant 1.500000e+00 : f32
    %sub3A_936 = vector.broadcast %sub3A_935 : f32 to vector<16xf32>
    %sub3A_937 = arith.subf %sub3A_936, %mul3A_934 : vector<16xf32>
    %mul3A_938 = arith.mulf %mul3A_929, %sub3A_937 : vector<16xf32>
    %parallel_loop3A_939 = arith.constant 0 : i32
    %parallel_loop3A_940 = arith.constant 768 : i32
    %parallel_loop3A_941 = arith.constant 1 : i32
    scf.for %parallel_loop3A_1300 = %parallel_loop3A_939 to %parallel_loop3A_940 step %parallel_loop3A_941  : i32 {
      %parallel_loop3A_1301 = vector.broadcast %parallel_loop3A_1300 : i32 to vector<16xi32>
      %parallel_loop3A_1302 = arith.xori %parallel_loop3A_1301, %iota3A : vector<16xi32>
      %parallel_loop3A_1303 = tpu.vector_load_idx %arg14[%parallel_loop3A_1302] : memref<768xf32, #tpu.memory_space<vmem>>[vector<16xi32>], vector<16xf32>,
      %parallel_loop3A_1304 = tpu.vector_load_idx %arg15[%parallel_loop3A_1302] : memref<768xf32, #tpu.memory_space<vmem>>[vector<16xi32>], vector<16xf32>,
      %parallel_loop3A_1305 = tpu.vector_load_idx %arg11[%add3A_6, %parallel_loop3A_1302] : memref<48x768xf32, #tpu.memory_space<vmem>>[vector<16xi32>, vector<16xi32>], vector<16xf32>,
      %parallel_loop3A_1306 = arith.subf %parallel_loop3A_1305, %mul3A_776 : vector<16xf32>
      %parallel_loop3A_1307 = arith.mulf %parallel_loop3A_1306, %mul3A_828 : vector<16xf32>
      %parallel_loop3A_1308 = arith.mulf %parallel_loop3A_1307, %parallel_loop3A_1303 : vector<16xf32>
      %parallel_loop3A_1309 = arith.addf %parallel_loop3A_1308, %parallel_loop3A_1304 : vector<16xf32>
      tpu.vector_store_idx %arg11[%add3A_6, %parallel_loop3A_1302], %parallel_loop3A_1309 : memref<48x768xf32, #tpu.memory_space<vmem>>[vector<16xi32>, vector<16xi32>], vector<16xf32>,
      %parallel_loop3A_1310 = tpu.vector_load_idx %arg11[%add3A_9, %parallel_loop3A_1302] : memref<48x768xf32, #tpu.memory_space<vmem>>[vector<16xi32>, vector<16xi32>], vector<16xf32>,
      %parallel_loop3A_1311 = arith.subf %parallel_loop3A_1310, %mul3A_831 : vector<16xf32>
      %parallel_loop3A_1312 = arith.mulf %parallel_loop3A_1311, %mul3A_883 : vector<16xf32>
      %parallel_loop3A_1313 = arith.mulf %parallel_loop3A_1312, %parallel_loop3A_1303 : vector<16xf32>
      %parallel_loop3A_1314 = arith.addf %parallel_loop3A_1313, %parallel_loop3A_1304 : vector<16xf32>
      tpu.vector_store_idx %arg11[%add3A_9, %parallel_loop3A_1302], %parallel_loop3A_1314 : memref<48x768xf32, #tpu.memory_space<vmem>>[vector<16xi32>, vector<16xi32>], vector<16xf32>,
      %parallel_loop3A_1315 = tpu.vector_load_idx %arg11[%add3A_12, %parallel_loop3A_1302] : memref<48x768xf32, #tpu.memory_space<vmem>>[vector<16xi32>, vector<16xi32>], vector<16xf32>,
      %parallel_loop3A_1316 = arith.subf %parallel_loop3A_1315, %mul3A_886 : vector<16xf32>
      %parallel_loop3A_1317 = arith.mulf %parallel_loop3A_1316, %mul3A_938 : vector<16xf32>
      %parallel_loop3A_1318 = arith.mulf %parallel_loop3A_1317, %parallel_loop3A_1303 : vector<16xf32>
      %parallel_loop3A_1319 = arith.addf %parallel_loop3A_1318, %parallel_loop3A_1304 : vector<16xf32>
      tpu.vector_store_idx %arg11[%add3A_12, %parallel_loop3A_1302], %parallel_loop3A_1319 : memref<48x768xf32, #tpu.memory_space<vmem>>[vector<16xi32>, vector<16xi32>], vector<16xf32>,
    } {sc.loop_unroll_factor = 4 : i64, sc.parallel_access}
    %add3A_942 = arith.constant 144 : i32
    %add3A_943 = arith.addi %mul3A_2, %add3A_942 : i32
    %dma_start3A_944 = arith.constant 0 : i32
    %dma_start3A_945 = arith.constant 0 : i32
    %dma_start3A_946 = tpu.memref_slice %arg11[%dma_start3A_944, %dma_start3A_945] : memref<48x768xf32, #tpu.memory_space<vmem>> -> memref<48x768xf32, #tpu.memory_space<vmem>>
    %dma_start3A_947 = arith.constant 0 : i32
    %dma_start3A_948 = tpu.memref_slice %arg8[%add3A_943, %dma_start3A_947] : memref<8192x768xf32, #tpu.memory_space<hbm>> -> memref<48x768xf32, #tpu.memory_space<hbm>>
    %dma_start3A_949 = arith.constant 0 : i32
    %dma_start3A_950 = tpu.memref_slice %arg8[%add3A_943, %dma_start3A_949] : memref<8192x768xf32, #tpu.memory_space<hbm>> -> memref<48x768xf32, #tpu.memory_space<hbm>>
    %dma_start3A_951 = arith.constant 0 : i32
    %dma_start3A_952 = arith.constant 0 : i32
    %dma_start3A_953 = tpu.memref_slice %arg11[%dma_start3A_951, %dma_start3A_952] : memref<48x768xf32, #tpu.memory_space<vmem>> -> memref<48x768xf32, #tpu.memory_space<vmem>>
    tpu.enqueue_dma source(%dma_start3A_953 : memref<48x768xf32, #tpu.memory_space<vmem>>) target(%dma_start3A_950 : memref<48x768xf32, #tpu.memory_space<hbm>>) target_semaphore(%arg20 : memref<!tpu.dma_semaphore, #tpu.memory_space<semaphore_mem>>)
    %dma_wait3A_954 = arith.constant 0 : i32
    %dma_wait3A_955 = arith.constant 0 : i32
    %dma_wait3A_956 = tpu.memref_slice %arg11[%dma_wait3A_954, %dma_wait3A_955] : memref<48x768xf32, #tpu.memory_space<vmem>> -> memref<48x768xf32, #tpu.memory_space<vmem>>
    %dma_wait3A_957 = arith.constant 0 : i32
    %dma_wait3A_958 = tpu.memref_slice %arg8[%add3A_943, %dma_wait3A_957] : memref<8192x768xf32, #tpu.memory_space<hbm>> -> memref<48x768xf32, #tpu.memory_space<hbm>>
    %dma_wait3A_959 = arith.constant 0 : i32
    %dma_wait3A_960 = tpu.memref_slice %arg8[%add3A_943, %dma_wait3A_959] : memref<8192x768xf32, #tpu.memory_space<hbm>> -> memref<48x768xf32, #tpu.memory_space<hbm>>
    %dma_wait3A_961 = arith.constant 0 : i32
    %dma_wait3A_962 = arith.constant 0 : i32
    %dma_wait3A_963 = tpu.memref_slice %arg11[%dma_wait3A_961, %dma_wait3A_962] : memref<48x768xf32, #tpu.memory_space<vmem>> -> memref<48x768xf32, #tpu.memory_space<vmem>>
    tpu.wait_dma2 semaphore(%arg20 : memref<!tpu.dma_semaphore, #tpu.memory_space<semaphore_mem>>) src(%dma_wait3A_963 : memref<48x768xf32, #tpu.memory_space<vmem>>) dst(%dma_wait3A_960 : memref<48x768xf32, #tpu.memory_space<hbm>>)
    %dma_start3A_964 = arith.constant 0 : i32
    %dma_start3A_965 = arith.constant 0 : i32
    %dma_start3A_966 = tpu.memref_slice %arg11[%dma_start3A_964, %dma_start3A_965] : memref<48x768xf32, #tpu.memory_space<vmem>> -> memref<16x768xf32, #tpu.memory_space<vmem>>
    %dma_start3A_967 = arith.constant 240 : i32
    %dma_start3A_968 = tpu.memref_slice %arg9[%dma_start3A_967] : memref<256xi32, #tpu.memory_space<vmem>> -> memref<16xi32, #tpu.memory_space<vmem>>
    %dma_start3A_969 = arith.constant 0 : i32
    %dma_start3A_970 = arith.constant 0 : i32
    %dma_start3A_971 = tpu.memref_slice %arg3[%dma_start3A_969, %dma_start3A_970] : memref<100000x768xf32, #tpu.memory_space<hbm>> -> memref<100000x768xf32, #tpu.memory_space<hbm>>
    tpu.enqueue_indirect_dma source(%dma_start3A_971 : memref<100000x768xf32, #tpu.memory_space<hbm>>) target(%dma_start3A_966 : memref<16x768xf32, #tpu.memory_space<vmem>>) offsets(%dma_start3A_968 : memref<16xi32, #tpu.memory_space<vmem>>) semaphore(%arg17 : memref<!tpu.dma_semaphore, #tpu.memory_space<semaphore_mem>>)
    %dma_wait3A_972 = arith.constant 0 : i32
    %dma_wait3A_973 = arith.constant 0 : i32
    %dma_wait3A_974 = tpu.memref_slice %arg10[%dma_wait3A_972, %dma_wait3A_973] : memref<48x768xf32, #tpu.memory_space<vmem>> -> memref<48x768xf32, #tpu.memory_space<vmem>>
    %dma_wait3A_975 = arith.constant 192 : i32
    %dma_wait3A_976 = tpu.memref_slice %arg9[%dma_wait3A_975] : memref<256xi32, #tpu.memory_space<vmem>> -> memref<48xi32, #tpu.memory_space<vmem>>
    %dma_wait3A_977 = arith.constant 0 : i32
    %dma_wait3A_978 = arith.constant 0 : i32
    %dma_wait3A_979 = tpu.memref_slice %arg3[%dma_wait3A_977, %dma_wait3A_978] : memref<100000x768xf32, #tpu.memory_space<hbm>> -> memref<100000x768xf32, #tpu.memory_space<hbm>>
    tpu.wait_indirect_dma semaphore(%arg16 : memref<!tpu.dma_semaphore, #tpu.memory_space<semaphore_mem>>) src(%dma_wait3A_979 : memref<100000x768xf32, #tpu.memory_space<hbm>>) dst(%dma_wait3A_974 : memref<48x768xf32, #tpu.memory_space<vmem>>)
    %dma_wait3A_980 = arith.constant 0 : i32
    %dma_wait3A_981 = arith.constant 0 : i32
    %dma_wait3A_982 = tpu.memref_slice %arg12[%dma_wait3A_980, %dma_wait3A_981] : memref<48x768xf32, #tpu.memory_space<vmem>> -> memref<48x768xf32, #tpu.memory_space<vmem>>
    %dma_wait3A_983 = arith.constant 0 : i32
    %dma_wait3A_984 = tpu.memref_slice %arg4[%rem3A_763, %dma_wait3A_983] : memref<2048x768xf32, #tpu.memory_space<hbm>> -> memref<48x768xf32, #tpu.memory_space<hbm>>
    %dma_wait3A_985 = arith.constant 0 : i32
    %dma_wait3A_986 = arith.constant 0 : i32
    %dma_wait3A_987 = tpu.memref_slice %arg12[%dma_wait3A_985, %dma_wait3A_986] : memref<48x768xf32, #tpu.memory_space<vmem>> -> memref<48x768xf32, #tpu.memory_space<vmem>>
    %dma_wait3A_988 = arith.constant 0 : i32
    %dma_wait3A_989 = tpu.memref_slice %arg4[%rem3A_763, %dma_wait3A_988] : memref<2048x768xf32, #tpu.memory_space<hbm>> -> memref<48x768xf32, #tpu.memory_space<hbm>>
    tpu.wait_dma2 semaphore(%arg18 : memref<!tpu.dma_semaphore, #tpu.memory_space<semaphore_mem>>) src(%dma_wait3A_989 : memref<48x768xf32, #tpu.memory_space<hbm>>) dst(%dma_wait3A_987 : memref<48x768xf32, #tpu.memory_space<vmem>>)
    %parallel_loop3A_990 = arith.constant 0 : i32
    %parallel_loop3A_991 = arith.constant 768 : i32
    %parallel_loop3A_992 = arith.constant 1 : i32
    %parallel_loop3A_993:6 = scf.for %parallel_loop3A_1300 = %parallel_loop3A_990 to %parallel_loop3A_991 step %parallel_loop3A_992 iter_args(%parallel_loop3A_1301 = %broadcast_in_dim3A_3, %parallel_loop3A_1302 = %broadcast_in_dim3A_3, %parallel_loop3A_1303 = %broadcast_in_dim3A_3, %parallel_loop3A_1304 = %broadcast_in_dim3A_3, %parallel_loop3A_1305 = %broadcast_in_dim3A_3, %parallel_loop3A_1306 = %broadcast_in_dim3A_3) -> (vector<16xf32>, vector<16xf32>, vector<16xf32>, vector<16xf32>, vector<16xf32>, vector<16xf32>)  : i32 {
      %parallel_loop3A_1307 = vector.broadcast %parallel_loop3A_1300 : i32 to vector<16xi32>
      %parallel_loop3A_1308 = arith.xori %parallel_loop3A_1307, %iota3A : vector<16xi32>
      %parallel_loop3A_1309 = tpu.vector_load_idx %arg13[%parallel_loop3A_1308] : memref<768xf32, #tpu.memory_space<vmem>>[vector<16xi32>], vector<16xf32>,
      %parallel_loop3A_1310 = tpu.vector_load_idx %arg10[%add3A_6, %parallel_loop3A_1308] : memref<48x768xf32, #tpu.memory_space<vmem>>[vector<16xi32>, vector<16xi32>], vector<16xf32>,
      %parallel_loop3A_1311 = tpu.vector_load_idx %arg12[%add3A_6, %parallel_loop3A_1308] : memref<48x768xf32, #tpu.memory_space<vmem>>[vector<16xi32>, vector<16xi32>], vector<16xf32>,
      %parallel_loop3A_1312 = arith.addf %parallel_loop3A_1310, %parallel_loop3A_1311 : vector<16xf32>
      %parallel_loop3A_1313 = arith.addf %parallel_loop3A_1312, %parallel_loop3A_1309 : vector<16xf32>
      tpu.vector_store_idx %arg10[%add3A_6, %parallel_loop3A_1308], %parallel_loop3A_1313 : memref<48x768xf32, #tpu.memory_space<vmem>>[vector<16xi32>, vector<16xi32>], vector<16xf32>,
      %parallel_loop3A_1314 = arith.addf %parallel_loop3A_1301, %parallel_loop3A_1313 : vector<16xf32>
      %parallel_loop3A_1315 = arith.mulf %parallel_loop3A_1313, %parallel_loop3A_1313 : vector<16xf32>
      %parallel_loop3A_1316 = arith.addf %parallel_loop3A_1302, %parallel_loop3A_1315 : vector<16xf32>
      %parallel_loop3A_1317 = tpu.vector_load_idx %arg10[%add3A_9, %parallel_loop3A_1308] : memref<48x768xf32, #tpu.memory_space<vmem>>[vector<16xi32>, vector<16xi32>], vector<16xf32>,
      %parallel_loop3A_1318 = tpu.vector_load_idx %arg12[%add3A_9, %parallel_loop3A_1308] : memref<48x768xf32, #tpu.memory_space<vmem>>[vector<16xi32>, vector<16xi32>], vector<16xf32>,
      %parallel_loop3A_1319 = arith.addf %parallel_loop3A_1317, %parallel_loop3A_1318 : vector<16xf32>
      %parallel_loop3A_1320 = arith.addf %parallel_loop3A_1319, %parallel_loop3A_1309 : vector<16xf32>
      tpu.vector_store_idx %arg10[%add3A_9, %parallel_loop3A_1308], %parallel_loop3A_1320 : memref<48x768xf32, #tpu.memory_space<vmem>>[vector<16xi32>, vector<16xi32>], vector<16xf32>,
      %parallel_loop3A_1321 = arith.addf %parallel_loop3A_1303, %parallel_loop3A_1320 : vector<16xf32>
      %parallel_loop3A_1322 = arith.mulf %parallel_loop3A_1320, %parallel_loop3A_1320 : vector<16xf32>
      %parallel_loop3A_1323 = arith.addf %parallel_loop3A_1304, %parallel_loop3A_1322 : vector<16xf32>
      %parallel_loop3A_1324 = tpu.vector_load_idx %arg10[%add3A_12, %parallel_loop3A_1308] : memref<48x768xf32, #tpu.memory_space<vmem>>[vector<16xi32>, vector<16xi32>], vector<16xf32>,
      %parallel_loop3A_1325 = tpu.vector_load_idx %arg12[%add3A_12, %parallel_loop3A_1308] : memref<48x768xf32, #tpu.memory_space<vmem>>[vector<16xi32>, vector<16xi32>], vector<16xf32>,
      %parallel_loop3A_1326 = arith.addf %parallel_loop3A_1324, %parallel_loop3A_1325 : vector<16xf32>
      %parallel_loop3A_1327 = arith.addf %parallel_loop3A_1326, %parallel_loop3A_1309 : vector<16xf32>
      tpu.vector_store_idx %arg10[%add3A_12, %parallel_loop3A_1308], %parallel_loop3A_1327 : memref<48x768xf32, #tpu.memory_space<vmem>>[vector<16xi32>, vector<16xi32>], vector<16xf32>,
      %parallel_loop3A_1328 = arith.addf %parallel_loop3A_1305, %parallel_loop3A_1327 : vector<16xf32>
      %parallel_loop3A_1329 = arith.mulf %parallel_loop3A_1327, %parallel_loop3A_1327 : vector<16xf32>
      %parallel_loop3A_1330 = arith.addf %parallel_loop3A_1306, %parallel_loop3A_1329 : vector<16xf32>
      scf.yield %parallel_loop3A_1314, %parallel_loop3A_1316, %parallel_loop3A_1321, %parallel_loop3A_1323, %parallel_loop3A_1328, %parallel_loop3A_1330 : vector<16xf32>, vector<16xf32>, vector<16xf32>, vector<16xf32>, vector<16xf32>, vector<16xf32>
    } {sc.loop_unroll_factor = 4 : i64, sc.parallel_access}
    %add3A_994 = arith.constant 240 : i32
    %add3A_995 = arith.addi %mul3A_2, %add3A_994 : i32
    %rem3A_996 = arith.constant 2048 : i32
    %rem3A_997 = arith.remsi %add3A_995, %rem3A_996 : i32
    %dma_start3A_998 = arith.constant 0 : i32
    %dma_start3A_999 = arith.constant 0 : i32
    %dma_start3A_1000 = tpu.memref_slice %arg12[%dma_start3A_998, %dma_start3A_999] : memref<48x768xf32, #tpu.memory_space<vmem>> -> memref<16x768xf32, #tpu.memory_space<vmem>>
    %dma_start3A_1001 = arith.constant 0 : i32
    %dma_start3A_1002 = tpu.memref_slice %arg4[%rem3A_997, %dma_start3A_1001] : memref<2048x768xf32, #tpu.memory_space<hbm>> -> memref<16x768xf32, #tpu.memory_space<hbm>>
    %dma_start3A_1003 = arith.constant 0 : i32
    %dma_start3A_1004 = arith.constant 0 : i32
    %dma_start3A_1005 = tpu.memref_slice %arg12[%dma_start3A_1003, %dma_start3A_1004] : memref<48x768xf32, #tpu.memory_space<vmem>> -> memref<16x768xf32, #tpu.memory_space<vmem>>
    %dma_start3A_1006 = arith.constant 0 : i32
    %dma_start3A_1007 = tpu.memref_slice %arg4[%rem3A_997, %dma_start3A_1006] : memref<2048x768xf32, #tpu.memory_space<hbm>> -> memref<16x768xf32, #tpu.memory_space<hbm>>
    tpu.enqueue_dma source(%dma_start3A_1007 : memref<16x768xf32, #tpu.memory_space<hbm>>) target(%dma_start3A_1005 : memref<16x768xf32, #tpu.memory_space<vmem>>) target_semaphore(%arg18 : memref<!tpu.dma_semaphore, #tpu.memory_space<semaphore_mem>>)
    %mul3A_1008 = arith.constant 0.00130208337 : f32
    %mul3A_1009 = vector.broadcast %mul3A_1008 : f32 to vector<16xf32>
    %mul3A_1010 = arith.mulf %parallel_loop3A_993#0, %mul3A_1009 : vector<16xf32>
    %mul3A_1011 = arith.constant 0.00130208337 : f32
    %mul3A_1012 = vector.broadcast %mul3A_1011 : f32 to vector<16xf32>
    %mul3A_1013 = arith.mulf %parallel_loop3A_993#1, %mul3A_1012 : vector<16xf32>
    %mul3A_1014 = arith.mulf %mul3A_1010, %mul3A_1010 : vector<16xf32>
    %sub3A_1015 = arith.subf %mul3A_1013, %mul3A_1014 : vector<16xf32>
    %add3A_1016 = arith.constant 9.99999996E-13 : f32
    %add3A_1017 = vector.broadcast %add3A_1016 : f32 to vector<16xf32>
    %add3A_1018 = arith.addf %sub3A_1015, %add3A_1017 : vector<16xf32>
    %bitcast3A_1019 = vector.bitcast %add3A_1018 : vector<16xf32> to vector<16xi32>
    %shift_right_arithmetic3A_1020 = arith.constant 1 : i32
    %shift_right_arithmetic3A_1021 = vector.broadcast %shift_right_arithmetic3A_1020 : i32 to vector<16xi32>
    %shift_right_arithmetic3A_1022 = arith.shrsi %bitcast3A_1019, %shift_right_arithmetic3A_1021 : vector<16xi32>
    %sub3A_1023 = arith.constant 1597463007 : i32
    %sub3A_1024 = vector.broadcast %sub3A_1023 : i32 to vector<16xi32>
    %sub3A_1025 = arith.subi %sub3A_1024, %shift_right_arithmetic3A_1022 : vector<16xi32>
    %bitcast3A_1026 = vector.bitcast %sub3A_1025 : vector<16xi32> to vector<16xf32>
    %mul3A_1027 = arith.constant 5.000000e-01 : f32
    %mul3A_1028 = vector.broadcast %mul3A_1027 : f32 to vector<16xf32>
    %mul3A_1029 = arith.mulf %mul3A_1028, %add3A_1018 : vector<16xf32>
    %mul3A_1030 = arith.mulf %mul3A_1029, %bitcast3A_1026 : vector<16xf32>
    %mul3A_1031 = arith.mulf %mul3A_1030, %bitcast3A_1026 : vector<16xf32>
    %sub3A_1032 = arith.constant 1.500000e+00 : f32
    %sub3A_1033 = vector.broadcast %sub3A_1032 : f32 to vector<16xf32>
    %sub3A_1034 = arith.subf %sub3A_1033, %mul3A_1031 : vector<16xf32>
    %mul3A_1035 = arith.mulf %bitcast3A_1026, %sub3A_1034 : vector<16xf32>
    %mul3A_1036 = arith.constant 5.000000e-01 : f32
    %mul3A_1037 = vector.broadcast %mul3A_1036 : f32 to vector<16xf32>
    %mul3A_1038 = arith.mulf %mul3A_1037, %add3A_1018 : vector<16xf32>
    %mul3A_1039 = arith.mulf %mul3A_1038, %mul3A_1035 : vector<16xf32>
    %mul3A_1040 = arith.mulf %mul3A_1039, %mul3A_1035 : vector<16xf32>
    %sub3A_1041 = arith.constant 1.500000e+00 : f32
    %sub3A_1042 = vector.broadcast %sub3A_1041 : f32 to vector<16xf32>
    %sub3A_1043 = arith.subf %sub3A_1042, %mul3A_1040 : vector<16xf32>
    %mul3A_1044 = arith.mulf %mul3A_1035, %sub3A_1043 : vector<16xf32>
    %mul3A_1045 = arith.constant 5.000000e-01 : f32
    %mul3A_1046 = vector.broadcast %mul3A_1045 : f32 to vector<16xf32>
    %mul3A_1047 = arith.mulf %mul3A_1046, %add3A_1018 : vector<16xf32>
    %mul3A_1048 = arith.mulf %mul3A_1047, %mul3A_1044 : vector<16xf32>
    %mul3A_1049 = arith.mulf %mul3A_1048, %mul3A_1044 : vector<16xf32>
    %sub3A_1050 = arith.constant 1.500000e+00 : f32
    %sub3A_1051 = vector.broadcast %sub3A_1050 : f32 to vector<16xf32>
    %sub3A_1052 = arith.subf %sub3A_1051, %mul3A_1049 : vector<16xf32>
    %mul3A_1053 = arith.mulf %mul3A_1044, %sub3A_1052 : vector<16xf32>
    %mul3A_1054 = arith.constant 5.000000e-01 : f32
    %mul3A_1055 = vector.broadcast %mul3A_1054 : f32 to vector<16xf32>
    %mul3A_1056 = arith.mulf %mul3A_1055, %add3A_1018 : vector<16xf32>
    %mul3A_1057 = arith.mulf %mul3A_1056, %mul3A_1053 : vector<16xf32>
    %mul3A_1058 = arith.mulf %mul3A_1057, %mul3A_1053 : vector<16xf32>
    %sub3A_1059 = arith.constant 1.500000e+00 : f32
    %sub3A_1060 = vector.broadcast %sub3A_1059 : f32 to vector<16xf32>
    %sub3A_1061 = arith.subf %sub3A_1060, %mul3A_1058 : vector<16xf32>
    %mul3A_1062 = arith.mulf %mul3A_1053, %sub3A_1061 : vector<16xf32>
    %mul3A_1063 = arith.constant 0.00130208337 : f32
    %mul3A_1064 = vector.broadcast %mul3A_1063 : f32 to vector<16xf32>
    %mul3A_1065 = arith.mulf %parallel_loop3A_993#2, %mul3A_1064 : vector<16xf32>
    %mul3A_1066 = arith.constant 0.00130208337 : f32
    %mul3A_1067 = vector.broadcast %mul3A_1066 : f32 to vector<16xf32>
    %mul3A_1068 = arith.mulf %parallel_loop3A_993#3, %mul3A_1067 : vector<16xf32>
    %mul3A_1069 = arith.mulf %mul3A_1065, %mul3A_1065 : vector<16xf32>
    %sub3A_1070 = arith.subf %mul3A_1068, %mul3A_1069 : vector<16xf32>
    %add3A_1071 = arith.constant 9.99999996E-13 : f32
    %add3A_1072 = vector.broadcast %add3A_1071 : f32 to vector<16xf32>
    %add3A_1073 = arith.addf %sub3A_1070, %add3A_1072 : vector<16xf32>
    %bitcast3A_1074 = vector.bitcast %add3A_1073 : vector<16xf32> to vector<16xi32>
    %shift_right_arithmetic3A_1075 = arith.constant 1 : i32
    %shift_right_arithmetic3A_1076 = vector.broadcast %shift_right_arithmetic3A_1075 : i32 to vector<16xi32>
    %shift_right_arithmetic3A_1077 = arith.shrsi %bitcast3A_1074, %shift_right_arithmetic3A_1076 : vector<16xi32>
    %sub3A_1078 = arith.constant 1597463007 : i32
    %sub3A_1079 = vector.broadcast %sub3A_1078 : i32 to vector<16xi32>
    %sub3A_1080 = arith.subi %sub3A_1079, %shift_right_arithmetic3A_1077 : vector<16xi32>
    %bitcast3A_1081 = vector.bitcast %sub3A_1080 : vector<16xi32> to vector<16xf32>
    %mul3A_1082 = arith.constant 5.000000e-01 : f32
    %mul3A_1083 = vector.broadcast %mul3A_1082 : f32 to vector<16xf32>
    %mul3A_1084 = arith.mulf %mul3A_1083, %add3A_1073 : vector<16xf32>
    %mul3A_1085 = arith.mulf %mul3A_1084, %bitcast3A_1081 : vector<16xf32>
    %mul3A_1086 = arith.mulf %mul3A_1085, %bitcast3A_1081 : vector<16xf32>
    %sub3A_1087 = arith.constant 1.500000e+00 : f32
    %sub3A_1088 = vector.broadcast %sub3A_1087 : f32 to vector<16xf32>
    %sub3A_1089 = arith.subf %sub3A_1088, %mul3A_1086 : vector<16xf32>
    %mul3A_1090 = arith.mulf %bitcast3A_1081, %sub3A_1089 : vector<16xf32>
    %mul3A_1091 = arith.constant 5.000000e-01 : f32
    %mul3A_1092 = vector.broadcast %mul3A_1091 : f32 to vector<16xf32>
    %mul3A_1093 = arith.mulf %mul3A_1092, %add3A_1073 : vector<16xf32>
    %mul3A_1094 = arith.mulf %mul3A_1093, %mul3A_1090 : vector<16xf32>
    %mul3A_1095 = arith.mulf %mul3A_1094, %mul3A_1090 : vector<16xf32>
    %sub3A_1096 = arith.constant 1.500000e+00 : f32
    %sub3A_1097 = vector.broadcast %sub3A_1096 : f32 to vector<16xf32>
    %sub3A_1098 = arith.subf %sub3A_1097, %mul3A_1095 : vector<16xf32>
    %mul3A_1099 = arith.mulf %mul3A_1090, %sub3A_1098 : vector<16xf32>
    %mul3A_1100 = arith.constant 5.000000e-01 : f32
    %mul3A_1101 = vector.broadcast %mul3A_1100 : f32 to vector<16xf32>
    %mul3A_1102 = arith.mulf %mul3A_1101, %add3A_1073 : vector<16xf32>
    %mul3A_1103 = arith.mulf %mul3A_1102, %mul3A_1099 : vector<16xf32>
    %mul3A_1104 = arith.mulf %mul3A_1103, %mul3A_1099 : vector<16xf32>
    %sub3A_1105 = arith.constant 1.500000e+00 : f32
    %sub3A_1106 = vector.broadcast %sub3A_1105 : f32 to vector<16xf32>
    %sub3A_1107 = arith.subf %sub3A_1106, %mul3A_1104 : vector<16xf32>
    %mul3A_1108 = arith.mulf %mul3A_1099, %sub3A_1107 : vector<16xf32>
    %mul3A_1109 = arith.constant 5.000000e-01 : f32
    %mul3A_1110 = vector.broadcast %mul3A_1109 : f32 to vector<16xf32>
    %mul3A_1111 = arith.mulf %mul3A_1110, %add3A_1073 : vector<16xf32>
    %mul3A_1112 = arith.mulf %mul3A_1111, %mul3A_1108 : vector<16xf32>
    %mul3A_1113 = arith.mulf %mul3A_1112, %mul3A_1108 : vector<16xf32>
    %sub3A_1114 = arith.constant 1.500000e+00 : f32
    %sub3A_1115 = vector.broadcast %sub3A_1114 : f32 to vector<16xf32>
    %sub3A_1116 = arith.subf %sub3A_1115, %mul3A_1113 : vector<16xf32>
    %mul3A_1117 = arith.mulf %mul3A_1108, %sub3A_1116 : vector<16xf32>
    %mul3A_1118 = arith.constant 0.00130208337 : f32
    %mul3A_1119 = vector.broadcast %mul3A_1118 : f32 to vector<16xf32>
    %mul3A_1120 = arith.mulf %parallel_loop3A_993#4, %mul3A_1119 : vector<16xf32>
    %mul3A_1121 = arith.constant 0.00130208337 : f32
    %mul3A_1122 = vector.broadcast %mul3A_1121 : f32 to vector<16xf32>
    %mul3A_1123 = arith.mulf %parallel_loop3A_993#5, %mul3A_1122 : vector<16xf32>
    %mul3A_1124 = arith.mulf %mul3A_1120, %mul3A_1120 : vector<16xf32>
    %sub3A_1125 = arith.subf %mul3A_1123, %mul3A_1124 : vector<16xf32>
    %add3A_1126 = arith.constant 9.99999996E-13 : f32
    %add3A_1127 = vector.broadcast %add3A_1126 : f32 to vector<16xf32>
    %add3A_1128 = arith.addf %sub3A_1125, %add3A_1127 : vector<16xf32>
    %bitcast3A_1129 = vector.bitcast %add3A_1128 : vector<16xf32> to vector<16xi32>
    %shift_right_arithmetic3A_1130 = arith.constant 1 : i32
    %shift_right_arithmetic3A_1131 = vector.broadcast %shift_right_arithmetic3A_1130 : i32 to vector<16xi32>
    %shift_right_arithmetic3A_1132 = arith.shrsi %bitcast3A_1129, %shift_right_arithmetic3A_1131 : vector<16xi32>
    %sub3A_1133 = arith.constant 1597463007 : i32
    %sub3A_1134 = vector.broadcast %sub3A_1133 : i32 to vector<16xi32>
    %sub3A_1135 = arith.subi %sub3A_1134, %shift_right_arithmetic3A_1132 : vector<16xi32>
    %bitcast3A_1136 = vector.bitcast %sub3A_1135 : vector<16xi32> to vector<16xf32>
    %mul3A_1137 = arith.constant 5.000000e-01 : f32
    %mul3A_1138 = vector.broadcast %mul3A_1137 : f32 to vector<16xf32>
    %mul3A_1139 = arith.mulf %mul3A_1138, %add3A_1128 : vector<16xf32>
    %mul3A_1140 = arith.mulf %mul3A_1139, %bitcast3A_1136 : vector<16xf32>
    %mul3A_1141 = arith.mulf %mul3A_1140, %bitcast3A_1136 : vector<16xf32>
    %sub3A_1142 = arith.constant 1.500000e+00 : f32
    %sub3A_1143 = vector.broadcast %sub3A_1142 : f32 to vector<16xf32>
    %sub3A_1144 = arith.subf %sub3A_1143, %mul3A_1141 : vector<16xf32>
    %mul3A_1145 = arith.mulf %bitcast3A_1136, %sub3A_1144 : vector<16xf32>
    %mul3A_1146 = arith.constant 5.000000e-01 : f32
    %mul3A_1147 = vector.broadcast %mul3A_1146 : f32 to vector<16xf32>
    %mul3A_1148 = arith.mulf %mul3A_1147, %add3A_1128 : vector<16xf32>
    %mul3A_1149 = arith.mulf %mul3A_1148, %mul3A_1145 : vector<16xf32>
    %mul3A_1150 = arith.mulf %mul3A_1149, %mul3A_1145 : vector<16xf32>
    %sub3A_1151 = arith.constant 1.500000e+00 : f32
    %sub3A_1152 = vector.broadcast %sub3A_1151 : f32 to vector<16xf32>
    %sub3A_1153 = arith.subf %sub3A_1152, %mul3A_1150 : vector<16xf32>
    %mul3A_1154 = arith.mulf %mul3A_1145, %sub3A_1153 : vector<16xf32>
    %mul3A_1155 = arith.constant 5.000000e-01 : f32
    %mul3A_1156 = vector.broadcast %mul3A_1155 : f32 to vector<16xf32>
    %mul3A_1157 = arith.mulf %mul3A_1156, %add3A_1128 : vector<16xf32>
    %mul3A_1158 = arith.mulf %mul3A_1157, %mul3A_1154 : vector<16xf32>
    %mul3A_1159 = arith.mulf %mul3A_1158, %mul3A_1154 : vector<16xf32>
    %sub3A_1160 = arith.constant 1.500000e+00 : f32
    %sub3A_1161 = vector.broadcast %sub3A_1160 : f32 to vector<16xf32>
    %sub3A_1162 = arith.subf %sub3A_1161, %mul3A_1159 : vector<16xf32>
    %mul3A_1163 = arith.mulf %mul3A_1154, %sub3A_1162 : vector<16xf32>
    %mul3A_1164 = arith.constant 5.000000e-01 : f32
    %mul3A_1165 = vector.broadcast %mul3A_1164 : f32 to vector<16xf32>
    %mul3A_1166 = arith.mulf %mul3A_1165, %add3A_1128 : vector<16xf32>
    %mul3A_1167 = arith.mulf %mul3A_1166, %mul3A_1163 : vector<16xf32>
    %mul3A_1168 = arith.mulf %mul3A_1167, %mul3A_1163 : vector<16xf32>
    %sub3A_1169 = arith.constant 1.500000e+00 : f32
    %sub3A_1170 = vector.broadcast %sub3A_1169 : f32 to vector<16xf32>
    %sub3A_1171 = arith.subf %sub3A_1170, %mul3A_1168 : vector<16xf32>
    %mul3A_1172 = arith.mulf %mul3A_1163, %sub3A_1171 : vector<16xf32>
    %parallel_loop3A_1173 = arith.constant 0 : i32
    %parallel_loop3A_1174 = arith.constant 768 : i32
    %parallel_loop3A_1175 = arith.constant 1 : i32
    scf.for %parallel_loop3A_1300 = %parallel_loop3A_1173 to %parallel_loop3A_1174 step %parallel_loop3A_1175  : i32 {
      %parallel_loop3A_1301 = vector.broadcast %parallel_loop3A_1300 : i32 to vector<16xi32>
      %parallel_loop3A_1302 = arith.xori %parallel_loop3A_1301, %iota3A : vector<16xi32>
      %parallel_loop3A_1303 = tpu.vector_load_idx %arg14[%parallel_loop3A_1302] : memref<768xf32, #tpu.memory_space<vmem>>[vector<16xi32>], vector<16xf32>,
      %parallel_loop3A_1304 = tpu.vector_load_idx %arg15[%parallel_loop3A_1302] : memref<768xf32, #tpu.memory_space<vmem>>[vector<16xi32>], vector<16xf32>,
      %parallel_loop3A_1305 = tpu.vector_load_idx %arg10[%add3A_6, %parallel_loop3A_1302] : memref<48x768xf32, #tpu.memory_space<vmem>>[vector<16xi32>, vector<16xi32>], vector<16xf32>,
      %parallel_loop3A_1306 = arith.subf %parallel_loop3A_1305, %mul3A_1010 : vector<16xf32>
      %parallel_loop3A_1307 = arith.mulf %parallel_loop3A_1306, %mul3A_1062 : vector<16xf32>
      %parallel_loop3A_1308 = arith.mulf %parallel_loop3A_1307, %parallel_loop3A_1303 : vector<16xf32>
      %parallel_loop3A_1309 = arith.addf %parallel_loop3A_1308, %parallel_loop3A_1304 : vector<16xf32>
      tpu.vector_store_idx %arg10[%add3A_6, %parallel_loop3A_1302], %parallel_loop3A_1309 : memref<48x768xf32, #tpu.memory_space<vmem>>[vector<16xi32>, vector<16xi32>], vector<16xf32>,
      %parallel_loop3A_1310 = tpu.vector_load_idx %arg10[%add3A_9, %parallel_loop3A_1302] : memref<48x768xf32, #tpu.memory_space<vmem>>[vector<16xi32>, vector<16xi32>], vector<16xf32>,
      %parallel_loop3A_1311 = arith.subf %parallel_loop3A_1310, %mul3A_1065 : vector<16xf32>
      %parallel_loop3A_1312 = arith.mulf %parallel_loop3A_1311, %mul3A_1117 : vector<16xf32>
      %parallel_loop3A_1313 = arith.mulf %parallel_loop3A_1312, %parallel_loop3A_1303 : vector<16xf32>
      %parallel_loop3A_1314 = arith.addf %parallel_loop3A_1313, %parallel_loop3A_1304 : vector<16xf32>
      tpu.vector_store_idx %arg10[%add3A_9, %parallel_loop3A_1302], %parallel_loop3A_1314 : memref<48x768xf32, #tpu.memory_space<vmem>>[vector<16xi32>, vector<16xi32>], vector<16xf32>,
      %parallel_loop3A_1315 = tpu.vector_load_idx %arg10[%add3A_12, %parallel_loop3A_1302] : memref<48x768xf32, #tpu.memory_space<vmem>>[vector<16xi32>, vector<16xi32>], vector<16xf32>,
      %parallel_loop3A_1316 = arith.subf %parallel_loop3A_1315, %mul3A_1120 : vector<16xf32>
      %parallel_loop3A_1317 = arith.mulf %parallel_loop3A_1316, %mul3A_1172 : vector<16xf32>
      %parallel_loop3A_1318 = arith.mulf %parallel_loop3A_1317, %parallel_loop3A_1303 : vector<16xf32>
      %parallel_loop3A_1319 = arith.addf %parallel_loop3A_1318, %parallel_loop3A_1304 : vector<16xf32>
      tpu.vector_store_idx %arg10[%add3A_12, %parallel_loop3A_1302], %parallel_loop3A_1319 : memref<48x768xf32, #tpu.memory_space<vmem>>[vector<16xi32>, vector<16xi32>], vector<16xf32>,
    } {sc.loop_unroll_factor = 4 : i64, sc.parallel_access}
    %add3A_1176 = arith.constant 192 : i32
    %add3A_1177 = arith.addi %mul3A_2, %add3A_1176 : i32
    %dma_start3A_1178 = arith.constant 0 : i32
    %dma_start3A_1179 = arith.constant 0 : i32
    %dma_start3A_1180 = tpu.memref_slice %arg10[%dma_start3A_1178, %dma_start3A_1179] : memref<48x768xf32, #tpu.memory_space<vmem>> -> memref<48x768xf32, #tpu.memory_space<vmem>>
    %dma_start3A_1181 = arith.constant 0 : i32
    %dma_start3A_1182 = tpu.memref_slice %arg8[%add3A_1177, %dma_start3A_1181] : memref<8192x768xf32, #tpu.memory_space<hbm>> -> memref<48x768xf32, #tpu.memory_space<hbm>>
    %dma_start3A_1183 = arith.constant 0 : i32
    %dma_start3A_1184 = tpu.memref_slice %arg8[%add3A_1177, %dma_start3A_1183] : memref<8192x768xf32, #tpu.memory_space<hbm>> -> memref<48x768xf32, #tpu.memory_space<hbm>>
    %dma_start3A_1185 = arith.constant 0 : i32
    %dma_start3A_1186 = arith.constant 0 : i32
    %dma_start3A_1187 = tpu.memref_slice %arg10[%dma_start3A_1185, %dma_start3A_1186] : memref<48x768xf32, #tpu.memory_space<vmem>> -> memref<48x768xf32, #tpu.memory_space<vmem>>
    tpu.enqueue_dma source(%dma_start3A_1187 : memref<48x768xf32, #tpu.memory_space<vmem>>) target(%dma_start3A_1184 : memref<48x768xf32, #tpu.memory_space<hbm>>) target_semaphore(%arg19 : memref<!tpu.dma_semaphore, #tpu.memory_space<semaphore_mem>>)
    %dma_wait3A_1188 = arith.constant 0 : i32
    %dma_wait3A_1189 = arith.constant 0 : i32
    %dma_wait3A_1190 = tpu.memref_slice %arg11[%dma_wait3A_1188, %dma_wait3A_1189] : memref<48x768xf32, #tpu.memory_space<vmem>> -> memref<16x768xf32, #tpu.memory_space<vmem>>
    %dma_wait3A_1191 = arith.constant 240 : i32
    %dma_wait3A_1192 = tpu.memref_slice %arg9[%dma_wait3A_1191] : memref<256xi32, #tpu.memory_space<vmem>> -> memref<16xi32, #tpu.memory_space<vmem>>
    %dma_wait3A_1193 = arith.constant 0 : i32
    %dma_wait3A_1194 = arith.constant 0 : i32
    %dma_wait3A_1195 = tpu.memref_slice %arg3[%dma_wait3A_1193, %dma_wait3A_1194] : memref<100000x768xf32, #tpu.memory_space<hbm>> -> memref<100000x768xf32, #tpu.memory_space<hbm>>
    tpu.wait_indirect_dma semaphore(%arg17 : memref<!tpu.dma_semaphore, #tpu.memory_space<semaphore_mem>>) src(%dma_wait3A_1195 : memref<100000x768xf32, #tpu.memory_space<hbm>>) dst(%dma_wait3A_1190 : memref<16x768xf32, #tpu.memory_space<vmem>>)
    %dma_wait3A_1196 = arith.constant 0 : i32
    %dma_wait3A_1197 = arith.constant 0 : i32
    %dma_wait3A_1198 = tpu.memref_slice %arg12[%dma_wait3A_1196, %dma_wait3A_1197] : memref<48x768xf32, #tpu.memory_space<vmem>> -> memref<16x768xf32, #tpu.memory_space<vmem>>
    %dma_wait3A_1199 = arith.constant 0 : i32
    %dma_wait3A_1200 = tpu.memref_slice %arg4[%rem3A_997, %dma_wait3A_1199] : memref<2048x768xf32, #tpu.memory_space<hbm>> -> memref<16x768xf32, #tpu.memory_space<hbm>>
    %dma_wait3A_1201 = arith.constant 0 : i32
    %dma_wait3A_1202 = arith.constant 0 : i32
    %dma_wait3A_1203 = tpu.memref_slice %arg12[%dma_wait3A_1201, %dma_wait3A_1202] : memref<48x768xf32, #tpu.memory_space<vmem>> -> memref<16x768xf32, #tpu.memory_space<vmem>>
    %dma_wait3A_1204 = arith.constant 0 : i32
    %dma_wait3A_1205 = tpu.memref_slice %arg4[%rem3A_997, %dma_wait3A_1204] : memref<2048x768xf32, #tpu.memory_space<hbm>> -> memref<16x768xf32, #tpu.memory_space<hbm>>
    tpu.wait_dma2 semaphore(%arg18 : memref<!tpu.dma_semaphore, #tpu.memory_space<semaphore_mem>>) src(%dma_wait3A_1205 : memref<16x768xf32, #tpu.memory_space<hbm>>) dst(%dma_wait3A_1203 : memref<16x768xf32, #tpu.memory_space<vmem>>)
    %parallel_loop3A_1206 = arith.constant 0 : i32
    %parallel_loop3A_1207 = arith.constant 768 : i32
    %parallel_loop3A_1208 = arith.constant 1 : i32
    %parallel_loop3A_1209:2 = scf.for %parallel_loop3A_1300 = %parallel_loop3A_1206 to %parallel_loop3A_1207 step %parallel_loop3A_1208 iter_args(%parallel_loop3A_1301 = %broadcast_in_dim3A_3, %parallel_loop3A_1302 = %broadcast_in_dim3A_3) -> (vector<16xf32>, vector<16xf32>)  : i32 {
      %parallel_loop3A_1303 = vector.broadcast %parallel_loop3A_1300 : i32 to vector<16xi32>
      %parallel_loop3A_1304 = arith.xori %parallel_loop3A_1303, %iota3A : vector<16xi32>
      %parallel_loop3A_1305 = tpu.vector_load_idx %arg13[%parallel_loop3A_1304] : memref<768xf32, #tpu.memory_space<vmem>>[vector<16xi32>], vector<16xf32>,
      %parallel_loop3A_1306 = tpu.vector_load_idx %arg11[%add3A_6, %parallel_loop3A_1304] : memref<48x768xf32, #tpu.memory_space<vmem>>[vector<16xi32>, vector<16xi32>], vector<16xf32>,
      %parallel_loop3A_1307 = tpu.vector_load_idx %arg12[%add3A_6, %parallel_loop3A_1304] : memref<48x768xf32, #tpu.memory_space<vmem>>[vector<16xi32>, vector<16xi32>], vector<16xf32>,
      %parallel_loop3A_1308 = arith.addf %parallel_loop3A_1306, %parallel_loop3A_1307 : vector<16xf32>
      %parallel_loop3A_1309 = arith.addf %parallel_loop3A_1308, %parallel_loop3A_1305 : vector<16xf32>
      tpu.vector_store_idx %arg11[%add3A_6, %parallel_loop3A_1304], %parallel_loop3A_1309 : memref<48x768xf32, #tpu.memory_space<vmem>>[vector<16xi32>, vector<16xi32>], vector<16xf32>,
      %parallel_loop3A_1310 = arith.addf %parallel_loop3A_1301, %parallel_loop3A_1309 : vector<16xf32>
      %parallel_loop3A_1311 = arith.mulf %parallel_loop3A_1309, %parallel_loop3A_1309 : vector<16xf32>
      %parallel_loop3A_1312 = arith.addf %parallel_loop3A_1302, %parallel_loop3A_1311 : vector<16xf32>
      scf.yield %parallel_loop3A_1310, %parallel_loop3A_1312 : vector<16xf32>, vector<16xf32>
    } {sc.loop_unroll_factor = 4 : i64, sc.parallel_access}
    %mul3A_1210 = arith.constant 0.00130208337 : f32
    %mul3A_1211 = vector.broadcast %mul3A_1210 : f32 to vector<16xf32>
    %mul3A_1212 = arith.mulf %parallel_loop3A_1209#0, %mul3A_1211 : vector<16xf32>
    %mul3A_1213 = arith.constant 0.00130208337 : f32
    %mul3A_1214 = vector.broadcast %mul3A_1213 : f32 to vector<16xf32>
    %mul3A_1215 = arith.mulf %parallel_loop3A_1209#1, %mul3A_1214 : vector<16xf32>
    %mul3A_1216 = arith.mulf %mul3A_1212, %mul3A_1212 : vector<16xf32>
    %sub3A_1217 = arith.subf %mul3A_1215, %mul3A_1216 : vector<16xf32>
    %add3A_1218 = arith.constant 9.99999996E-13 : f32
    %add3A_1219 = vector.broadcast %add3A_1218 : f32 to vector<16xf32>
    %add3A_1220 = arith.addf %sub3A_1217, %add3A_1219 : vector<16xf32>
    %bitcast3A_1221 = vector.bitcast %add3A_1220 : vector<16xf32> to vector<16xi32>
    %shift_right_arithmetic3A_1222 = arith.constant 1 : i32
    %shift_right_arithmetic3A_1223 = vector.broadcast %shift_right_arithmetic3A_1222 : i32 to vector<16xi32>
    %shift_right_arithmetic3A_1224 = arith.shrsi %bitcast3A_1221, %shift_right_arithmetic3A_1223 : vector<16xi32>
    %sub3A_1225 = arith.constant 1597463007 : i32
    %sub3A_1226 = vector.broadcast %sub3A_1225 : i32 to vector<16xi32>
    %sub3A_1227 = arith.subi %sub3A_1226, %shift_right_arithmetic3A_1224 : vector<16xi32>
    %bitcast3A_1228 = vector.bitcast %sub3A_1227 : vector<16xi32> to vector<16xf32>
    %mul3A_1229 = arith.constant 5.000000e-01 : f32
    %mul3A_1230 = vector.broadcast %mul3A_1229 : f32 to vector<16xf32>
    %mul3A_1231 = arith.mulf %mul3A_1230, %add3A_1220 : vector<16xf32>
    %mul3A_1232 = arith.mulf %mul3A_1231, %bitcast3A_1228 : vector<16xf32>
    %mul3A_1233 = arith.mulf %mul3A_1232, %bitcast3A_1228 : vector<16xf32>
    %sub3A_1234 = arith.constant 1.500000e+00 : f32
    %sub3A_1235 = vector.broadcast %sub3A_1234 : f32 to vector<16xf32>
    %sub3A_1236 = arith.subf %sub3A_1235, %mul3A_1233 : vector<16xf32>
    %mul3A_1237 = arith.mulf %bitcast3A_1228, %sub3A_1236 : vector<16xf32>
    %mul3A_1238 = arith.constant 5.000000e-01 : f32
    %mul3A_1239 = vector.broadcast %mul3A_1238 : f32 to vector<16xf32>
    %mul3A_1240 = arith.mulf %mul3A_1239, %add3A_1220 : vector<16xf32>
    %mul3A_1241 = arith.mulf %mul3A_1240, %mul3A_1237 : vector<16xf32>
    %mul3A_1242 = arith.mulf %mul3A_1241, %mul3A_1237 : vector<16xf32>
    %sub3A_1243 = arith.constant 1.500000e+00 : f32
    %sub3A_1244 = vector.broadcast %sub3A_1243 : f32 to vector<16xf32>
    %sub3A_1245 = arith.subf %sub3A_1244, %mul3A_1242 : vector<16xf32>
    %mul3A_1246 = arith.mulf %mul3A_1237, %sub3A_1245 : vector<16xf32>
    %mul3A_1247 = arith.constant 5.000000e-01 : f32
    %mul3A_1248 = vector.broadcast %mul3A_1247 : f32 to vector<16xf32>
    %mul3A_1249 = arith.mulf %mul3A_1248, %add3A_1220 : vector<16xf32>
    %mul3A_1250 = arith.mulf %mul3A_1249, %mul3A_1246 : vector<16xf32>
    %mul3A_1251 = arith.mulf %mul3A_1250, %mul3A_1246 : vector<16xf32>
    %sub3A_1252 = arith.constant 1.500000e+00 : f32
    %sub3A_1253 = vector.broadcast %sub3A_1252 : f32 to vector<16xf32>
    %sub3A_1254 = arith.subf %sub3A_1253, %mul3A_1251 : vector<16xf32>
    %mul3A_1255 = arith.mulf %mul3A_1246, %sub3A_1254 : vector<16xf32>
    %mul3A_1256 = arith.constant 5.000000e-01 : f32
    %mul3A_1257 = vector.broadcast %mul3A_1256 : f32 to vector<16xf32>
    %mul3A_1258 = arith.mulf %mul3A_1257, %add3A_1220 : vector<16xf32>
    %mul3A_1259 = arith.mulf %mul3A_1258, %mul3A_1255 : vector<16xf32>
    %mul3A_1260 = arith.mulf %mul3A_1259, %mul3A_1255 : vector<16xf32>
    %sub3A_1261 = arith.constant 1.500000e+00 : f32
    %sub3A_1262 = vector.broadcast %sub3A_1261 : f32 to vector<16xf32>
    %sub3A_1263 = arith.subf %sub3A_1262, %mul3A_1260 : vector<16xf32>
    %mul3A_1264 = arith.mulf %mul3A_1255, %sub3A_1263 : vector<16xf32>
    %parallel_loop3A_1265 = arith.constant 0 : i32
    %parallel_loop3A_1266 = arith.constant 768 : i32
    %parallel_loop3A_1267 = arith.constant 1 : i32
    scf.for %parallel_loop3A_1300 = %parallel_loop3A_1265 to %parallel_loop3A_1266 step %parallel_loop3A_1267  : i32 {
      %parallel_loop3A_1301 = vector.broadcast %parallel_loop3A_1300 : i32 to vector<16xi32>
      %parallel_loop3A_1302 = arith.xori %parallel_loop3A_1301, %iota3A : vector<16xi32>
      %parallel_loop3A_1303 = tpu.vector_load_idx %arg14[%parallel_loop3A_1302] : memref<768xf32, #tpu.memory_space<vmem>>[vector<16xi32>], vector<16xf32>,
      %parallel_loop3A_1304 = tpu.vector_load_idx %arg15[%parallel_loop3A_1302] : memref<768xf32, #tpu.memory_space<vmem>>[vector<16xi32>], vector<16xf32>,
      %parallel_loop3A_1305 = tpu.vector_load_idx %arg11[%add3A_6, %parallel_loop3A_1302] : memref<48x768xf32, #tpu.memory_space<vmem>>[vector<16xi32>, vector<16xi32>], vector<16xf32>,
      %parallel_loop3A_1306 = arith.subf %parallel_loop3A_1305, %mul3A_1212 : vector<16xf32>
      %parallel_loop3A_1307 = arith.mulf %parallel_loop3A_1306, %mul3A_1264 : vector<16xf32>
      %parallel_loop3A_1308 = arith.mulf %parallel_loop3A_1307, %parallel_loop3A_1303 : vector<16xf32>
      %parallel_loop3A_1309 = arith.addf %parallel_loop3A_1308, %parallel_loop3A_1304 : vector<16xf32>
      tpu.vector_store_idx %arg11[%add3A_6, %parallel_loop3A_1302], %parallel_loop3A_1309 : memref<48x768xf32, #tpu.memory_space<vmem>>[vector<16xi32>, vector<16xi32>], vector<16xf32>,
    } {sc.loop_unroll_factor = 4 : i64, sc.parallel_access}
    %add3A_1268 = arith.constant 240 : i32
    %add3A_1269 = arith.addi %mul3A_2, %add3A_1268 : i32
    %dma_start3A_1270 = arith.constant 0 : i32
    %dma_start3A_1271 = arith.constant 0 : i32
    %dma_start3A_1272 = tpu.memref_slice %arg11[%dma_start3A_1270, %dma_start3A_1271] : memref<48x768xf32, #tpu.memory_space<vmem>> -> memref<16x768xf32, #tpu.memory_space<vmem>>
    %dma_start3A_1273 = arith.constant 0 : i32
    %dma_start3A_1274 = tpu.memref_slice %arg8[%add3A_1269, %dma_start3A_1273] : memref<8192x768xf32, #tpu.memory_space<hbm>> -> memref<16x768xf32, #tpu.memory_space<hbm>>
    %dma_start3A_1275 = arith.constant 0 : i32
    %dma_start3A_1276 = tpu.memref_slice %arg8[%add3A_1269, %dma_start3A_1275] : memref<8192x768xf32, #tpu.memory_space<hbm>> -> memref<16x768xf32, #tpu.memory_space<hbm>>
    %dma_start3A_1277 = arith.constant 0 : i32
    %dma_start3A_1278 = arith.constant 0 : i32
    %dma_start3A_1279 = tpu.memref_slice %arg11[%dma_start3A_1277, %dma_start3A_1278] : memref<48x768xf32, #tpu.memory_space<vmem>> -> memref<16x768xf32, #tpu.memory_space<vmem>>
    tpu.enqueue_dma source(%dma_start3A_1279 : memref<16x768xf32, #tpu.memory_space<vmem>>) target(%dma_start3A_1276 : memref<16x768xf32, #tpu.memory_space<hbm>>) target_semaphore(%arg20 : memref<!tpu.dma_semaphore, #tpu.memory_space<semaphore_mem>>)
    %dma_wait3A_1280 = arith.constant 0 : i32
    %dma_wait3A_1281 = arith.constant 0 : i32
    %dma_wait3A_1282 = tpu.memref_slice %arg10[%dma_wait3A_1280, %dma_wait3A_1281] : memref<48x768xf32, #tpu.memory_space<vmem>> -> memref<48x768xf32, #tpu.memory_space<vmem>>
    %dma_wait3A_1283 = arith.constant 0 : i32
    %dma_wait3A_1284 = tpu.memref_slice %arg8[%add3A_1177, %dma_wait3A_1283] : memref<8192x768xf32, #tpu.memory_space<hbm>> -> memref<48x768xf32, #tpu.memory_space<hbm>>
    %dma_wait3A_1285 = arith.constant 0 : i32
    %dma_wait3A_1286 = tpu.memref_slice %arg8[%add3A_1177, %dma_wait3A_1285] : memref<8192x768xf32, #tpu.memory_space<hbm>> -> memref<48x768xf32, #tpu.memory_space<hbm>>
    %dma_wait3A_1287 = arith.constant 0 : i32
    %dma_wait3A_1288 = arith.constant 0 : i32
    %dma_wait3A_1289 = tpu.memref_slice %arg10[%dma_wait3A_1287, %dma_wait3A_1288] : memref<48x768xf32, #tpu.memory_space<vmem>> -> memref<48x768xf32, #tpu.memory_space<vmem>>
    tpu.wait_dma2 semaphore(%arg19 : memref<!tpu.dma_semaphore, #tpu.memory_space<semaphore_mem>>) src(%dma_wait3A_1289 : memref<48x768xf32, #tpu.memory_space<vmem>>) dst(%dma_wait3A_1286 : memref<48x768xf32, #tpu.memory_space<hbm>>)
    %dma_wait3A_1290 = arith.constant 0 : i32
    %dma_wait3A_1291 = arith.constant 0 : i32
    %dma_wait3A_1292 = tpu.memref_slice %arg11[%dma_wait3A_1290, %dma_wait3A_1291] : memref<48x768xf32, #tpu.memory_space<vmem>> -> memref<16x768xf32, #tpu.memory_space<vmem>>
    %dma_wait3A_1293 = arith.constant 0 : i32
    %dma_wait3A_1294 = tpu.memref_slice %arg8[%add3A_1269, %dma_wait3A_1293] : memref<8192x768xf32, #tpu.memory_space<hbm>> -> memref<16x768xf32, #tpu.memory_space<hbm>>
    %dma_wait3A_1295 = arith.constant 0 : i32
    %dma_wait3A_1296 = tpu.memref_slice %arg8[%add3A_1269, %dma_wait3A_1295] : memref<8192x768xf32, #tpu.memory_space<hbm>> -> memref<16x768xf32, #tpu.memory_space<hbm>>
    %dma_wait3A_1297 = arith.constant 0 : i32
    %dma_wait3A_1298 = arith.constant 0 : i32
    %dma_wait3A_1299 = tpu.memref_slice %arg11[%dma_wait3A_1297, %dma_wait3A_1298] : memref<48x768xf32, #tpu.memory_space<vmem>> -> memref<16x768xf32, #tpu.memory_space<vmem>>
    tpu.wait_dma2 semaphore(%arg20 : memref<!tpu.dma_semaphore, #tpu.memory_space<semaphore_mem>>) src(%dma_wait3A_1299 : memref<16x768xf32, #tpu.memory_space<vmem>>) dst(%dma_wait3A_1296 : memref<16x768xf32, #tpu.memory_space<hbm>>)
    return
  }
}

</mosaic_0001>

<sc_bundles>
// kernel: kernel.3.cloned.1.call-start
scs
__scs_entry_jumppad:
0x0: {  	(pc) =	sbr.rel $0x88, $3  }
0x1: {  	(tag) =	ssettag $0x0;
	lr =	simm.s32 $0x1  }
0x2: {  	[smem:$0x3F9B] =	sst lr;
	_ =	strace $0xD0000000  }
0x3: {  	_ = 	snop  }
0x4: {  	_ = 	snop  }
0x5: {  	_ = 	snop  }
0x6: {  	_ = 	snop  }
0x7: {  	_ = 	snop  }
__scs_overlays_trampoline_lowered:
0x8: {  	[smem:$0x3FAA] =	sst s0  }
0x9: {  	[smem:$0x3FAB] =	sst s1  }
0xa: {  	[smem:$0x3FAC] =	sst s2  }
0xb: {  	[smem:$0x3FAD] =	sst s3  }
0xc: {  	[smem:$0x3FAE] =	sst s4  }
0xd: {  	[smem:$0x3FAF] =	sst s5  }
0xe: {  	[smem:$0x3FB0] =	sst s6  }
0xf: {  	[smem:$0x3FB1] =	sst s7  }
0x10: {  	[smem:$0x3FB2] =	sst s8  }
0x11: {  	[smem:$0x3FB3] =	sst s9;
	s0 =	simm.s32 @!p0 $0x0  }
0x12: {  	s1 =	sld [smem:$0x3F99];
	s0 =	simm.s32 @p0 $0x1  }
0x13: {  	[smem:$0x3FB4] =	sst s0;
	s0 =	simm.s32 @!p1 $0x0  }
0x14: {  	s2 =	sld [smem:$0x3F98];
	s0 =	simm.s32 @p1 $0x1  }
0x15: {  	[smem:$0x3FB5] =	sst s0;
	s0 =	simm.s32 @!p2 $0x0  }
0x16: {  	s3 =	sld [smem:$0x3FDB];
	s0 =	simm.s32 @p2 $0x1  }
0x17: {  	s4 =	simm.s32 $0x1BF5;
	[smem:$0x3FB7] =	sst s0  }
0x18: {  	s0 =	sld [smem:$0x3F9A];
	_ =	swait.ge [sflag:s4], $0x0  }
0x19: {  	s7 =	sld [smem:$0x3F9B]  }
0x1a: {  	s8 =	sadd.s32 $0xFFFFE003, lr  }
0x1b: {  	s9 =	sadd.s32 $0xFFFFFEF7, lr;
	s5 =	simm.s32 $0xFFFFFFFF;
	p2 =	slt.u32 s8, $0xFFFFF086  }
0x1c: {  	p1 =	slt.u32 s9, $0xF7A;
	s5 =	simm.s32 @!p2 $0x0  }
0x1d: {  	s5 =	simm.s32 @p1 $0x1;
	p0 =	seq.s32 s7, s2  }
0x1e: {  	s7 =	smul.u32 @!p0 $0xF7A, s2;
	p2 =	seq.s32 @!p0 s5, $0x0  }
0x1f: {  	s9 =	smul.u32 $0xF7A, s1;
	s8 =	simm.s32 @!p0 $0x1BF5;
	p2 =	por !p2, p0  }
0x20: {  	[sflag:s8] =	ssyncset.s32 @!p0 $0xFFFFF086;
	s6 =	sadd.s32 @!p0 s3, s7;
	s7 =	simm.s32 @!p0 $0x108  }
0x21: {  	s3 =	sadd.s32 s3, s9;
	s6 =	sadd.s32 @!p0 $0x88, s6;
	s7 =	simm.s32 @p2 $0x1082  }
0x22: {  	[simem:s7], [sflag:s8] =	dma.local @!p0 [hbm:s6], $0xF7A  }
0x23: {  	s9 =	sor.u32 $0xD0000000, s2;
	s6 =	simm.s32 $0x108;
	_ =	swait.ge @!p0 [sflag:s8], $0x0  }
0x24: {  	s3 =	sadd.s32 $0x88, s3;
	s6 =	simm.s32 @!p1 $0x1082;
	[sflag:s4] =	ssyncset.s32 $0xFFFFF086  }
0x25: {  	[simem:s6], [sflag:s4] =	dma.local [hbm:s3], $0xF7A  }
0x26: {  	[smem:$0x3F9B] =	sst s1;
	(tag) =	ssettag s2;
	_ =	strace s9  }
0x27: {  	s1 =	sld [smem:$0x3FAB]  }
0x28: {  	s2 =	sld [smem:$0x3FAC]  }
0x29: {  	s4 =	sld [smem:$0x3FAE]  }
0x2a: {  	p0 =	seq.s32 s5, $0x0;
	s5 =	sld [smem:$0x3FAF]  }
0x2b: {  	s6 =	sld [smem:$0x3FB0]  }
0x2c: {  	s7 =	sld [smem:$0x3FB1]  }
0x2d: {  	s3 =	simm.s32 $0x108;
	s8 =	sld [smem:$0x3FB2]  }
0x2e: {  	s3 =	simm.s32 @!p0 $0x1082;
	s9 =	sld [smem:$0x3FB3]  }
0x2f: {  	lr =	sadd.s32 s0, s3;
	s0 =	sld [smem:$0x3FAA]  }
0x30: {  	s3 =	sld [smem:$0x3FAD]  }
0x31: {  	[smem:$0x3FB6] =	sst s10  }
0x32: {  	s10 =	sld [smem:$0x3FB4];
	_ =	sdelay $0x3  }
0x33: {  	p0 =	seq.s32 s10, $0x1;
	s10 =	sld [smem:$0x3FB6];
	_ =	sdelay $0x3  }
0x34: {  	[smem:$0x3FB6] =	sst s10  }
0x35: {  	s10 =	sld [smem:$0x3FB5];
	_ =	sdelay $0x3  }
0x36: {  	p1 =	seq.s32 s10, $0x1;
	s10 =	sld [smem:$0x3FB6];
	_ =	sdelay $0x3  }
0x37: {  	[smem:$0x3FB6] =	sst s10  }
0x38: {  	s10 =	sld [smem:$0x3FB7]  }
0x39: {  	_ = 	snop;
	(pc) =	sbr.ind lr, $3  }
0x3a: {  	_ = 	snop  }
0x3b: {  	_ = 	snop  }
0x3c: {  	p2 =	seq.s32 s10, $0x1;
	s10 =	sld [smem:$0x3FB6]  }
0x3d: {  	_ =	shalt  }
0x3e: {  	_ =	shalt  }
0x3f: {  	_ =	shalt  }
0x40: {  	_ =	shalt  }
0x41: {  	_ =	shalt  }
0x42: {  	_ =	shalt  }
0x43: {  	_ =	shalt  }
0x44: {  	_ =	shalt  }
0x45: {  	_ =	shalt  }
0x46: {  	_ =	shalt  }
0x47: {  	_ =	shalt  }
0x48: {  	_ =	shalt  }
0x49: {  	_ =	shalt  }
0x4a: {  	_ =	shalt  }
0x4b: {  	_ =	shalt  }
0x4c: {  	_ =	shalt  }
0x4d: {  	_ =	shalt  }
0x4e: {  	_ =	shalt  }
0x4f: {  	_ =	shalt  }
0x50: {  	_ =	shalt  }
0x51: {  	_ =	shalt  }
0x52: {  	_ =	shalt  }
0x53: {  	_ =	shalt  }
0x54: {  	_ =	shalt  }
0x55: {  	_ =	shalt  }
0x56: {  	_ =	shalt  }
0x57: {  	_ =	shalt  }
0x58: {  	_ =	shalt  }
0x59: {  	_ =	shalt  }
0x5a: {  	_ =	shalt  }
0x5b: {  	_ =	shalt  }
0x5c: {  	_ =	shalt  }
0x5d: {  	_ =	shalt  }
0x5e: {  	_ =	shalt  }
0x5f: {  	_ =	shalt  }
0x60: {  	_ =	shalt  }
0x61: {  	_ =	shalt  }
0x62: {  	_ =	shalt  }
0x63: {  	_ =	shalt  }
0x64: {  	_ =	shalt  }
0x65: {  	_ =	shalt  }
0x66: {  	_ =	shalt  }
0x67: {  	_ =	shalt  }
0x68: {  	_ =	shalt  }
0x69: {  	_ =	shalt  }
0x6a: {  	_ =	shalt  }
0x6b: {  	_ =	shalt  }
0x6c: {  	_ =	shalt  }
0x6d: {  	_ =	shalt  }
0x6e: {  	_ =	shalt  }
0x6f: {  	_ =	shalt  }
0x70: {  	_ =	shalt  }
0x71: {  	_ =	shalt  }
0x72: {  	_ =	shalt  }
0x73: {  	_ =	shalt  }
0x74: {  	_ =	shalt  }
0x75: {  	_ =	shalt  }
0x76: {  	_ =	shalt  }
0x77: {  	_ =	shalt  }
0x78: {  	_ =	shalt  }
0x79: {  	_ =	shalt  }
0x7a: {  	_ =	shalt  }
0x7b: {  	_ =	shalt  }
0x7c: {  	_ =	shalt  }
0x7d: {  	_ =	shalt  }
0x7e: {  	_ =	shalt  }
0x7f: {  	_ =	shalt  }
0x80: {  	_ =	shalt  }
0x81: {  	_ =	shalt  }
0x82: {  	_ =	shalt  }
0x83: {  	_ =	shalt  }
0x84: {  	_ =	shalt  }
0x85: {  	_ =	shalt  }
0x86: {  	_ =	shalt  }
0x87: {  	_ =	shalt  }
.Lfunc_end0:
.L_simem_size_0:
called_computation_lowered:
.L_overlay_start_0:
0x88: {  	s2 =	sld [smem:$0x3FD9]  }
0x89: {  	s3 =	sld [smem:$0x3FFE];
	_ =	sdelay $0x1  }
0x8a: {  	s1 =	srdreg.scid  }
0x8b: {  	s0 =	sand.u32 $0x1, s1  }
0x8c: {  	s17 =	sshll.u32 s0, $0xA;
	s2 =	sadd.s32 s3, s2  }
0x8d: {  	s2 =	sadd.s32 s2, s17  }
0x8e: {  	[smem:$0x3FC2] =	sst s2  }
0x8f: {  	_ = 	snop  }
0x90: {  	s2 =	sld [smem:$0x3FC8]  }
0x91: {  	s18 =	sld [smem:$0x3FC7]  }
0x92: {  	s4 =	sld [smem:$0x3FC6]  }
0x93: {  	s5 =	sld [smem:$0x3FC5]  }
0x94: {  	s6 =	sld [smem:$0x3FC4]  }
0x95: {  	s7 =	sld [smem:$0x3FD0];
	(tm) =	ssettm $0x1  }
0x96: {  	s8 =	sld [smem:$0x3FFB];
	_ =	sdelay $0x3  }
0x97: {  	_ =	strace s8  }
0x98: {  	s8 =	sld [smem:$0x3FFC];
	_ =	sdelay $0x3  }
0x99: {  	_ =	strace s8  }
0x9a: {  	s8 =	sld [smem:$0x3FFD];
	_ =	sdelay $0x3  }
0x9b: {  	_ =	strace s8  }
0x9c: {  	_ =	strace $0x8FFFFFFF  }
0x9d: {  	s19 =	sld [smem:$0x3FDB];
	_ =	sdelay $0x1  }
0x9e: {  	s9 =	simm.s32 $_scs_section_size  }
0x9f: {  	s10 =	simm.s32 $_size__tile_overlayer_lowered;
	s11 =	simm.s32 $_tile_overlayer_lowered  }
0xa0: {  	s22 =	simm.s32 $0x1BFF;
	s21 =	sshll.u32 s11, $0x1;
	s8 =	sadd.s32 s9, s19  }
0xa1: {  	s12 =	simm.s32 $0x0;
	s20 =	sshll.u32 s10, $0x1;
	s10 =	sadd.s32 s21, s8  }
0xa2: {  	[timem:s12], [sflag:s22] =	dma.local [hbm:s10], s20  }
0xa3: {  	_ =	swait.ge [sflag:s22], s20  }
0xa4: {  	s9 =	ssub.s32 $0x0, s20;
	[sflag:s22] =	ssyncset.done $0x0  }
0xa5: {  	[sflag:s22] =	ssyncadd.s32 s9;
	_ =	sdelay $0x1  }
0xa6: {  	s23 =	simm.s32 $0x1B8B  }
0xa7: {  	_ =	swait.ge [sflag:s23], $0x1  }
0xa8: {  	[sflag:s23] =	ssyncset.done $0x0  }
0xa9: {  	s25 =	simm.s32 $0x1B8E;
	s24 =	sld [smem:$0x3FFE];
	[sflag:s23] =	ssyncadd.s32 $0xFFFFFFFF  }
0xaa: {  	s26 =	simm.s32 $execute0_lowered;
	[smem:$0x3FD2] =	sst s25  }
0xab: {  	s10 =	sshll.u32 s26, $0x1;
	_ =	strace $0x80000046;
	[dreg:$0x1] =	wrdreg $0xFFFFFFFF  }
0xac: {  	s28 =	simm.s32 $_size_execute0_lowered;
	s8 =	sadd.s32 s8, s10;
	[dreg:$0x0] =	wrdreg $0x0  }
0xad: {  	s10 =	sshll.u32 s28, $0x1;
	[dreg:$0x2] =	wrdreg s8  }
0xae: {  	[dreg:$0x3] =	wrdreg s10  }
0xaf: {  	[dreg:$0x4] =	wrdreg $0xC0  }
0xb0: {  	_ =	task [dreg:s12], $0x5FFFF  }
0xb1: {  	[dreg:$0x1] =	wrdreg $0xFFFFFFFF  }
0xb2: {  	[dreg:$0x0] =	wrdreg $0x60  }
0xb3: {  	[dreg:$0x2] =	wrdreg s24  }
0xb4: {  	[dreg:$0x3] =	wrdreg s2  }
0xb5: {  	[dreg:$0x4] =	wrdreg s18  }
0xb6: {  	[dreg:$0x5] =	wrdreg s4  }
0xb7: {  	[dreg:$0x6] =	wrdreg s5  }
0xb8: {  	[dreg:$0x7] =	wrdreg s6  }
0xb9: {  	[dreg:$0x8] =	wrdreg s7  }
0xba: {  	[dreg:$0x9] =	wrdreg $0x9  }
0xbb: {  	_ =	task.clear_ibuf [dreg:s12], $0xAFFFF;
	_ =	strace $0x90000046  }
0xbc: {  	s29 =	simm.s32 $0x9;
	_ =	strace $0x80000048  }
0xbd: {  	_ =	swait.ge [sflag:s29], $0x1  }
0xbe: {  	[sflag:s29] =	ssyncadd.s32 $0xFFFFFFFF  }
0xbf: {  	_ =	strace $0x90000048  }
0xc0: {  	_ =	sfence  }
0xc1: {  	s30 =	sld [smem:$0x0];
	_ =	sdelay $0x2  }
0xc2: {  	s31 =	sshll.u32 s1, $0xD;
	s1 =	sshrl.u32 s1, $0x2  }
0xc3: {  	s3 =	sand.u32 $0x4000, s31;
	s1 =	sadd.s32 s1, s30  }
0xc4: {  	s0 =	sor.u32 s3, s0;
	s1 =	sshll.u32 s1, $0x11  }
0xc5: {  	s0 =	sor.u32 s1, s0  }
0xc6: {  	s0 =	sadd.s32 $0x8F2B, s0  }
0xc7: {  	[sflag:s0] =	ssyncadd.remote.s32 $0x1  }
0xc8: {  	_ =	sfence.sel $0xFFFF  }
0xc9: {  	[dreg:$0x0] =	wrdreg $0xFFFFFFFF;
	(pc) =	sbr.abs _section_cstart, $3  }
0xca: {  	[dreg:$0x1] =	wrdreg $0xFFFFFFFF  }
0xcb: {  	_ =	task.clear_ibuf [dreg:s12], $0x2FFFF;
	_ =	strace $0x9FFFFFFF  }
0xcc: {  	(tm) =	ssettm $0x7FFFFFFF  }
0xcd: {  	_ =	shalt  }
tec
execute0_lowered:
.L_overlay_start_1:
0x0: {  	(tag) =	ssettag $0x1  }
0x1: {  	s3 =	rddreg [dreg:$0x0]  }
0x2: {  	s0 =	rddreg [dreg:$0x1]  }
0x3: {  	s1 =	rddreg [dreg:$0x2]  }
0x4: {  	s2 =	srdreg.scid;
	s5 =	stileid.u32  }
0x5: {  	s6 =	simm.s32 $0x0;
	s28 =	simm.s32 $0x1B400;
	s29 =	simm.s32 $0x1B700  }
0x6: {  	s30 =	simm.s32 $0xB100;
	s31 =	simm.s32 $0xB900;
	s4 =	sand.u32 $0x1, s2  }
0x7: {  	s2 =	rddreg [dreg:$0x6];
	s5 =	sshll.u32 s5, $0x6;
	s7 =	sshll.u32 s4, $0x5  }
0x8: {  	[smem:$0x7FF] =	sst s6;
	s4 =	ssub.s32 $0x2, s4;
	s5 =	sor.u32 s7, s5  }
0x9: {  	_ =	strace $0x80000047;
	s13 =	sshrl.u32 s4, $0x1;
	s7 =	sand.u32 $0xE0, s5  }
0xa: {  	s8 =	sor.u32 $0x6, s5;
	s3 =	sadd.s32 s5, s3;
	s11 =	smul.u32 $0x300, s5  }
0xb: {  	v0 =	vimm.s32 $0x1B80;
	vm7 =	vcmask $0x300;
	vm6 =	vcmask $0x704;
	s19 =	sor.u32 $0xC, s5;
	s14 =	sor.u32 $0x12, s5;
	s7 =	smul.u32 $0x300, s7  }
0xc: {  	vm1 =	vcmask $0xB08;
	vm2 =	vcmask $0xF0C;
	vm3 =	vcmask $0x1310;
	s4 =	ssub.s32 s4, s13;
	s15 =	sor.u32 $0x18, s5;
	s20 =	smul.u32 $0x300, s8  }
0xd: {  	vm4 =	vcmask $0x1714;
	vm5 =	vcmask $0x1B18;
	vm0 =	vmmov $0xffff;
	s5 =	sor.u32 $0x1E, s5;
	s9 =	sand.u32 $0xE6, s8;
	s16 =	smul.u32 $0x300, s19  }
0xe: {  	vm8 =	vcmask $0x1F1C;
	v5 =	vimm.s32 $0x4B80;
	v6 =	vimm.s32 $0x7B80;
	s12 =	sand.u32 $0xEC, s19;
	s21 =	sand.u32 $0xF2, s14;
	s23 =	smul.u32 $0x300, s14  }
0xf: {  	vm14 =	vcmask $0x2320;
	vm15 =	vcmask $0x3330;
	v0 =	vsel vm7, $0x0, v0;
	s3 =	sadd.s32 $0x400, s3;
	s8 =	sadd.s32 $0x100, s0;
	s19 =	smul.u32 $0x300, s15  }
0x10: {  	v5 =	vsel vm7, $0x3000, v5;
	v6 =	vsel vm7, $0x6000, v6;
	v1 =	vsel vm6, $0x80, v0;
	s17 =	sand.u32 $0xF8, s15;
	s24 =	sand.u32 $0xFE, s5;
	s10 =	smul.u32 $0x300, s9  }
0x11: {  	v0 =	vlaneseq.u32;
	v5 =	vsel vm6, $0x3080, v5;
	v6 =	vsel vm6, $0x6080, v6;
	s15 =	simm.s32 $0x7900;
	s12 =	smul.u32 $0x300, s12;
	[dreg:$0x8] =	wrdreg s3  }
0x12: {  	v2 =	vsel vm1, $0x100, v1;
	v1 =	vand.u32 $0x7, v0;
	v3 =	vshrl.u32 v0, $0x3;
	s22 =	smul.u32 $0x300, s21;
	s9 =	sadd.s32 $0x200, s0;
	s25 =	sadd.s32 s2, s11  }
0x13: {  	v5 =	vsel vm1, $0x3100, v5;
	v6 =	vsel vm1, $0x6100, v6;
	vm1 =	vcmask $0x2724;
	s17 =	smul.u32 $0x300, s17;
	s7 =	sadd.s32 s1, s7;
	[dreg:$0xb] =	wrdreg s25  }
0x14: {  	v2 =	vsel vm2, $0x180, v2;
	v5 =	vsel vm2, $0x3180, v5;
	v6 =	vsel vm2, $0x6180, v6;
	s26 =	smul.u32 $0x300, s24;
	s18 =	sadd.s32 s2, s20;
	[dreg:$0x9] =	wrdreg s7  }
0x15: {  	vm2 =	vcmask $0x2B28;
	v4 =	vsel vm3, $0x200, v2;
	v2 =	vmul.u32 $0x8, v3;
	s21 =	smul.u32 $0x300, s5;
	s20 =	sadd.s32 s2, s16;
	[dreg:$0xd] =	wrdreg s18  }
0x16: {  	v3 =	vor.u32 $0x8, v0;
	v5 =	vsel vm3, $0x3200, v5;
	v6 =	vsel vm3, $0x6200, v6;
	s5 =	simm.s32 $0x5;
	s23 =	sadd.s32 s2, s23;
	[dreg:$0xf] =	wrdreg s20  }
0x17: {  	vm3 =	vcmask $0x2F2C;
	v4 =	vsel vm4, $0x280, v4;
	v5 =	vsel vm4, $0x3280, v5;
	s24 =	sadd.s32 s2, s19;
	s16 =	simm.s32 $0x8100;
	[dreg:$0x11] =	wrdreg s23  }
0x18: {  	v6 =	vsel vm4, $0x6280, v6;
	v4 =	vsel vm5, $0x300, v4;
	v5 =	vsel vm5, $0x3300, v5;
	s19 =	simm.s32 $0x9100;
	s10 =	sadd.s32 s1, s10;
	[dreg:$0x13] =	wrdreg s24  }
0x19: {  	v6 =	vsel vm5, $0x6300, v6;
	s14 =	sadd.s32 s1, s12;
	s3 =	sadd.s32 s1, s22;
	v4 =	vsel vm8, $0x380, v4;
	v5 =	vsel vm8, $0x3380, v5;
	[dreg:$0xa] =	wrdreg s10  }
0x1a: {  	s22 =	sadd.s32 s1, s17;
	s1 =	sadd.s32 s1, s26;
	v6 =	vsel vm8, $0x6380, v6;
	[dreg:$0xc] =	wrdreg s14;
	v4 =	vsel vm14, $0x1800, v4;
	v5 =	vsel vm14, $0x4800, v5  }
0x1b: {  	s25 =	sadd.s32 s2, s21;
	s26 =	smax.u32 s4, $0x1;
	[dreg:$0xe] =	wrdreg s3;
	v6 =	vsel vm14, $0x7800, v6;
	v4 =	vsel vm1, $0x1880, v4;
	v5 =	vsel vm1, $0x4880, v5  }
0x1c: {  	s23 =	simm.s32 $0x6;
	s17 =	simm.s32 $0x8900;
	[dreg:$0x10] =	wrdreg s22;
	v6 =	vsel vm1, $0x7880, v6;
	vm1 =	vcmask $0x3734;
	v4 =	vsel vm2, $0x1900, v4  }
0x1d: {  	s18 =	simm.s32 $0x12100;
	s20 =	simm.s32 $0x9900;
	[dreg:$0x12] =	wrdreg s1;
	v5 =	vsel vm2, $0x4900, v5;
	v6 =	vsel vm2, $0x7900, v6;
	vm2 =	vcmask $0x3B38  }
0x1e: {  	s21 =	simm.s32 $0xA100;
	s4 =	simm.s32 $0x1;
	[dreg:$0x14] =	wrdreg s25;
	v4 =	vsel vm3, $0x1980, v4;
	v5 =	vsel vm3, $0x4980, v5;
	v6 =	vsel vm3, $0x7980, v6  }
0x1f: {  	s2 =	simm.s32 $0x4;
	s24 =	simm.s32 $0x0;
	[dreg:$0x15] =	wrdreg s26;
	v4 =	vsel vm15, $0x1A00, v4;
	v5 =	vsel vm15, $0x4A00, v5;
	v6 =	vsel vm15, $0x7A00, v6  }
0x20: {  	s25 =	simm.s32 $0x100;
	s26 =	simm.s32 $0x1B100;
	s14 =	simm.s32 $0x7100;
	v4 =	vsel vm1, $0x1A80, v4;
	v5 =	vsel vm1, $0x4A80, v5;
	v6 =	vsel vm1, $0x7A80, v6  }
0x21: {  	[tilespmem:$0x1FFF0] =	vst v1;
	s22 =	simm.s32 $0xA900;
	s1 =	simm.s32 $0x3;
	s3 =	simm.s32 $0x2;
	v4 =	vsel vm2, $0x1B00, v4;
	v5 =	vsel vm2, $0x4B00, v5;
	v6 =	vsel vm2, $0x7B00, v6  }
.LBB2_1:
0x22: {  	s7 =	rddreg [dreg:$0x8]  }
0x23: {  	[tilespmem:s6], [sflag:$0x6] =	stream.linear.gather [hbm4b:s7+s6], $0x100, $0x38;
	[tilespmem:$0x1BA00] =	vst v63  }
0x24: {  	_ =	swait.ge [sflag:s23], $0x100  }
0x25: {  	[sflag:s23] =	ssyncset.done $0x0  }
0x26: {  	[sflag:s23] =	ssyncadd.s32 $0xFFFFFF00  }
0x27: {  	s10 =	simm.s32 $0x80;
	s13 =	rddreg [dreg:$0x3]  }
0x28: {  	[tilespmem:s26], [sflag:$0x6] =	stream.strided.gather [hbm4b:s13+s10], $0x300, s25, s10, $0x38;
	[tilespmem:$0x1BA00] =	vst v63  }
0x29: {  	_ =	swait.ge [sflag:s23], $0x300  }
0x2a: {  	[sflag:s23] =	ssyncset.done $0x0  }
0x2b: {  	[sflag:s23] =	ssyncadd.s32 $0xFFFFFD00  }
0x2c: {  	s10 =	rddreg [dreg:$0x4]  }
0x2d: {  	[tilespmem:s28], [sflag:$0x6] =	stream.linear.gather [hbm4b:s10+s6], $0x300, $0x38;
	[tilespmem:$0x1BA00] =	vst v63  }
0x2e: {  	_ =	swait.ge [sflag:s23], $0x300  }
0x2f: {  	[sflag:s23] =	ssyncset.done $0x0  }
0x30: {  	[sflag:s23] =	ssyncadd.s32 $0xFFFFFD00  }
0x31: {  	s11 =	rddreg [dreg:$0x5]  }
0x32: {  	[tilespmem:s29], [sflag:$0x6] =	stream.linear.gather [hbm4b:s11+s6], $0x300, $0x38;
	[tilespmem:$0x1BA00] =	vst v63  }
0x33: {  	_ =	swait.ge [sflag:s23], $0x300  }
0x34: {  	[sflag:s23] =	ssyncset.done $0x0  }
0x35: {  	[sflag:s23] =	ssyncadd.s32 $0xFFFFFD00  }
0x36: {  	v7 =	vld [tilespmem:$0x0];
	_ =	sdelay $0x3  }
0x37: {  	v1 =	vld [tilespmem:$0x1FFF0]  }
0x38: {  	v8 =	vshrl.u32 v7, $0x3  }
0x39: {  	v8 =	vmul.u32 $0x30, v8  }
0x3a: {  	v7 =	vand.u32 $0x7, v7  }
0x3b: {  	v7 =	vor.u32 v7, v8  }
0x3c: {  	v8 =	vperm.xlane v7, v1;
	_ =	sdelay $0x1  }
0x3d: {  	v8 =	vadd.s32 v2, v8;
	_ =	sdelay $0x3  }
0x3e: {  	v7 =	vperm.xlane v7, v3  }
0x3f: {  	[tilespmem:s25], [sflag:$0x1] =	stream.indirect_vreg.gather [hbm4b:s0+s6], $0x80, v8, vm0, $0xb8;
	[tilespmem:$0x1BA00] =	vst v63  }
0x40: {  	s12 =	simm.s32 $0x900;
	v7 =	vadd.s32 v2, v7  }
0x41: {  	[tilespmem:s12], [sflag:$0x1] =	stream.indirect_vreg.gather [hbm4b:s8+s6], $0x80, v8, vm0, $0xb8;
	[tilespmem:$0x1BA00] =	vst v63  }
0x42: {  	s13 =	simm.s32 $0x1100  }
0x43: {  	[tilespmem:s13], [sflag:$0x1] =	stream.indirect_vreg.gather [hbm4b:s9+s6], $0x80, v8, vm0, $0xb8;
	[tilespmem:$0x1BA00] =	vst v63  }
0x44: {  	s10 =	simm.s32 $0x1900  }
0x45: {  	[tilespmem:s10], [sflag:$0x1] =	stream.indirect_vreg.gather [hbm4b:s0+s6], $0x80, v7, vm0, $0xb8;
	[tilespmem:$0x1BA00] =	vst v63  }
0x46: {  	s11 =	simm.s32 $0x2100  }
0x47: {  	[tilespmem:s11], [sflag:$0x1] =	stream.indirect_vreg.gather [hbm4b:s8+s6], $0x80, v7, vm0, $0xb8;
	[tilespmem:$0x1BA00] =	vst v63  }
0x48: {  	s12 =	simm.s32 $0x2900  }
0x49: {  	[tilespmem:s12], [sflag:$0x1] =	stream.indirect_vreg.gather [hbm4b:s9+s6], $0x80, v7, vm0, $0xb8;
	[tilespmem:$0x1BA00] =	vst v63  }
0x4a: {  	v7 =	vld [tilespmem:$0x10];
	_ =	sdelay $0x4  }
0x4b: {  	v8 =	vshrl.u32 v7, $0x3  }
0x4c: {  	v8 =	vmul.u32 $0x30, v8  }
0x4d: {  	v7 =	vand.u32 $0x7, v7  }
0x4e: {  	v7 =	vor.u32 v7, v8  }
0x4f: {  	v8 =	vperm.xlane v7, v1;
	_ =	sdelay $0x1  }
0x50: {  	v8 =	vadd.s32 v2, v8;
	_ =	sdelay $0x3  }
0x51: {  	s13 =	simm.s32 $0x3100;
	v7 =	vperm.xlane v7, v3  }
0x52: {  	[tilespmem:s13], [sflag:$0x1] =	stream.indirect_vreg.gather [hbm4b:s0+s6], $0x80, v8, vm0, $0xb8;
	[tilespmem:$0x1BA00] =	vst v63  }
0x53: {  	s10 =	simm.s32 $0x3900;
	v7 =	vadd.s32 v2, v7  }
0x54: {  	[tilespmem:s10], [sflag:$0x1] =	stream.indirect_vreg.gather [hbm4b:s8+s6], $0x80, v8, vm0, $0xb8;
	[tilespmem:$0x1BA00] =	vst v63  }
0x55: {  	s11 =	simm.s32 $0x4100  }
0x56: {  	[tilespmem:s11], [sflag:$0x1] =	stream.indirect_vreg.gather [hbm4b:s9+s6], $0x80, v8, vm0, $0xb8;
	[tilespmem:$0x1BA00] =	vst v63  }
0x57: {  	s12 =	simm.s32 $0x4900  }
0x58: {  	[tilespmem:s12], [sflag:$0x1] =	stream.indirect_vreg.gather [hbm4b:s0+s6], $0x80, v7, vm0, $0xb8;
	[tilespmem:$0x1BA00] =	vst v63  }
0x59: {  	s13 =	simm.s32 $0x5100  }
0x5a: {  	[tilespmem:s13], [sflag:$0x1] =	stream.indirect_vreg.gather [hbm4b:s8+s6], $0x80, v7, vm0, $0xb8;
	[tilespmem:$0x1BA00] =	vst v63  }
0x5b: {  	s10 =	simm.s32 $0x5900  }
0x5c: {  	[tilespmem:s10], [sflag:$0x1] =	stream.indirect_vreg.gather [hbm4b:s9+s6], $0x80, v7, vm0, $0xb8;
	[tilespmem:$0x1BA00] =	vst v63  }
0x5d: {  	v7 =	vld [tilespmem:$0x20];
	_ =	sdelay $0x4  }
0x5e: {  	v8 =	vshrl.u32 v7, $0x3  }
0x5f: {  	v8 =	vmul.u32 $0x30, v8  }
0x60: {  	v7 =	vand.u32 $0x7, v7  }
0x61: {  	v7 =	vor.u32 v7, v8  }
0x62: {  	v8 =	vperm.xlane v7, v1;
	_ =	sdelay $0x1  }
0x63: {  	v8 =	vadd.s32 v2, v8;
	_ =	sdelay $0x3  }
0x64: {  	s11 =	simm.s32 $0x6100;
	v7 =	vperm.xlane v7, v3  }
0x65: {  	[tilespmem:s11], [sflag:$0x1] =	stream.indirect_vreg.gather [hbm4b:s0+s6], $0x80, v8, vm0, $0xb8;
	[tilespmem:$0x1BA00] =	vst v63  }
0x66: {  	s12 =	simm.s32 $0x6900;
	v7 =	vadd.s32 v2, v7  }
0x67: {  	[tilespmem:s12], [sflag:$0x1] =	stream.indirect_vreg.gather [hbm4b:s8+s6], $0x80, v8, vm0, $0xb8;
	[tilespmem:$0x1BA00] =	vst v63  }
0x68: {  	_ = 	snop  }
0x69: {  	[tilespmem:s14], [sflag:$0x1] =	stream.indirect_vreg.gather [hbm4b:s9+s6], $0x80, v8, vm0, $0xb8;
	[tilespmem:$0x1BA00] =	vst v63  }
0x6a: {  	_ = 	snop  }
0x6b: {  	[tilespmem:s15], [sflag:$0x1] =	stream.indirect_vreg.gather [hbm4b:s0+s6], $0x80, v7, vm0, $0xb8;
	[tilespmem:$0x1BA00] =	vst v63  }
0x6c: {  	_ = 	snop  }
0x6d: {  	[tilespmem:s16], [sflag:$0x1] =	stream.indirect_vreg.gather [hbm4b:s8+s6], $0x80, v7, vm0, $0xb8;
	[tilespmem:$0x1BA00] =	vst v63  }
0x6e: {  	_ = 	snop  }
0x6f: {  	[tilespmem:s17], [sflag:$0x1] =	stream.indirect_vreg.gather [hbm4b:s9+s6], $0x80, v7, vm0, $0xb8;
	[tilespmem:$0x1BA00] =	vst v63  }
0x70: {  	s13 =	rddreg [dreg:$0x9]  }
0x71: {  	[tilespmem:s18], [sflag:$0x3] =	stream.linear.gather [hbm4b:s13+s6], $0x9000, $0x38;
	[tilespmem:$0x1BA00] =	vst v63  }
0x72: {  	v7 =	vld [tilespmem:$0x30];
	_ =	sdelay $0x4  }
0x73: {  	v8 =	vshrl.u32 v7, $0x3  }
0x74: {  	v8 =	vmul.u32 $0x30, v8  }
0x75: {  	v7 =	vand.u32 $0x7, v7  }
0x76: {  	v7 =	vor.u32 v7, v8  }
0x77: {  	v8 =	vperm.xlane v7, v1;
	_ =	sdelay $0x1  }
0x78: {  	v8 =	vadd.s32 v2, v8;
	_ =	sdelay $0x3  }
0x79: {  	v7 =	vperm.xlane v7, v3  }
0x7a: {  	[tilespmem:s19], [sflag:$0x2] =	stream.indirect_vreg.gather [hbm4b:s0+s6], $0x80, v8, vm0, $0xb8;
	[tilespmem:$0x1BA00] =	vst v63  }
0x7b: {  	v7 =	vadd.s32 v2, v7  }
0x7c: {  	[tilespmem:s20], [sflag:$0x2] =	stream.indirect_vreg.gather [hbm4b:s8+s6], $0x80, v8, vm0, $0xb8;
	[tilespmem:$0x1BA00] =	vst v63  }
0x7d: {  	_ = 	snop  }
0x7e: {  	[tilespmem:s21], [sflag:$0x2] =	stream.indirect_vreg.gather [hbm4b:s9+s6], $0x80, v8, vm0, $0xb8;
	[tilespmem:$0x1BA00] =	vst v63  }
0x7f: {  	_ = 	snop  }
0x80: {  	[tilespmem:s22], [sflag:$0x2] =	stream.indirect_vreg.gather [hbm4b:s0+s6], $0x80, v7, vm0, $0xb8;
	[tilespmem:$0x1BA00] =	vst v63  }
0x81: {  	_ = 	snop  }
0x82: {  	[tilespmem:s30], [sflag:$0x2] =	stream.indirect_vreg.gather [hbm4b:s8+s6], $0x80, v7, vm0, $0xb8;
	[tilespmem:$0x1BA00] =	vst v63  }
0x83: {  	_ = 	snop  }
0x84: {  	[tilespmem:s31], [sflag:$0x2] =	stream.indirect_vreg.gather [hbm4b:s9+s6], $0x80, v7, vm0, $0xb8;
	[tilespmem:$0x1BA00] =	vst v63  }
0x85: {  	v7 =	vld [tilespmem:$0x40];
	_ =	sdelay $0x4  }
0x86: {  	v8 =	vshrl.u32 v7, $0x3  }
0x87: {  	v8 =	vmul.u32 $0x30, v8  }
0x88: {  	v7 =	vand.u32 $0x7, v7  }
0x89: {  	v7 =	vor.u32 v7, v8  }
0x8a: {  	v8 =	vperm.xlane v7, v1;
	_ =	sdelay $0x1  }
0x8b: {  	v8 =	vadd.s32 v2, v8;
	_ =	sdelay $0x3  }
0x8c: {  	s10 =	simm.s32 $0xC100;
	v7 =	vperm.xlane v7, v3  }
0x8d: {  	[tilespmem:s10], [sflag:$0x2] =	stream.indirect_vreg.gather [hbm4b:s0+s6], $0x80, v8, vm0, $0xb8;
	[tilespmem:$0x1BA00] =	vst v63  }
0x8e: {  	s11 =	simm.s32 $0xC900;
	v7 =	vadd.s32 v2, v7  }
0x8f: {  	[tilespmem:s11], [sflag:$0x2] =	stream.indirect_vreg.gather [hbm4b:s8+s6], $0x80, v8, vm0, $0xb8;
	[tilespmem:$0x1BA00] =	vst v63  }
0x90: {  	s12 =	simm.s32 $0xD100  }
0x91: {  	[tilespmem:s12], [sflag:$0x2] =	stream.indirect_vreg.gather [hbm4b:s9+s6], $0x80, v8, vm0, $0xb8;
	[tilespmem:$0x1BA00] =	vst v63  }
0x92: {  	s13 =	simm.s32 $0xD900  }
0x93: {  	[tilespmem:s13], [sflag:$0x2] =	stream.indirect_vreg.gather [hbm4b:s0+s6], $0x80, v7, vm0, $0xb8;
	[tilespmem:$0x1BA00] =	vst v63  }
0x94: {  	s10 =	simm.s32 $0xE100  }
0x95: {  	[tilespmem:s10], [sflag:$0x2] =	stream.indirect_vreg.gather [hbm4b:s8+s6], $0x80, v7, vm0, $0xb8;
	[tilespmem:$0x1BA00] =	vst v63  }
0x96: {  	s11 =	simm.s32 $0xE900  }
0x97: {  	[tilespmem:s11], [sflag:$0x2] =	stream.indirect_vreg.gather [hbm4b:s9+s6], $0x80, v7, vm0, $0xb8;
	[tilespmem:$0x1BA00] =	vst v63  }
0x98: {  	v7 =	vld [tilespmem:$0x50];
	_ =	sdelay $0x4  }
0x99: {  	v8 =	vshrl.u32 v7, $0x3  }
0x9a: {  	v8 =	vmul.u32 $0x30, v8  }
0x9b: {  	v7 =	vand.u32 $0x7, v7  }
0x9c: {  	v7 =	vor.u32 v7, v8  }
0x9d: {  	v8 =	vperm.xlane v7, v1;
	_ =	sdelay $0x1  }
0x9e: {  	v8 =	vadd.s32 v2, v8;
	_ =	sdelay $0x3  }
0x9f: {  	s12 =	simm.s32 $0xF100;
	v7 =	vperm.xlane v7, v3  }
0xa0: {  	[tilespmem:s12], [sflag:$0x2] =	stream.indirect_vreg.gather [hbm4b:s0+s6], $0x80, v8, vm0, $0xb8;
	[tilespmem:$0x1BA00] =	vst v63  }
0xa1: {  	s13 =	simm.s32 $0xF900;
	v7 =	vadd.s32 v2, v7  }
0xa2: {  	[tilespmem:s13], [sflag:$0x2] =	stream.indirect_vreg.gather [hbm4b:s8+s6], $0x80, v8, vm0, $0xb8;
	[tilespmem:$0x1BA00] =	vst v63  }
0xa3: {  	s10 =	simm.s32 $0x10100  }
0xa4: {  	[tilespmem:s10], [sflag:$0x2] =	stream.indirect_vreg.gather [hbm4b:s9+s6], $0x80, v8, vm0, $0xb8;
	[tilespmem:$0x1BA00] =	vst v63  }
0xa5: {  	s11 =	simm.s32 $0x10900  }
0xa6: {  	[tilespmem:s11], [sflag:$0x2] =	stream.indirect_vreg.gather [hbm4b:s0+s6], $0x80, v7, vm0, $0xb8;
	[tilespmem:$0x1BA00] =	vst v63  }
0xa7: {  	s12 =	simm.s32 $0x11100;
	s13 =	simm.s32 $0x1  }
0xa8: {  	[tilespmem:s12], [sflag:$0x2] =	stream.indirect_vreg.gather [hbm4b:s8+s6], $0x80, v7, vm0, $0xb8;
	[tilespmem:$0x1BA00] =	vst v63  }
0xa9: {  	v8 =	vmov s13;
	s11 =	simm.s32 $0x11900  }
0xaa: {  	v8 =	vshll.u32 v8, $0x3;
	[tilespmem:s11], [sflag:$0x2] =	stream.indirect_vreg.gather [hbm4b:s9+s6], $0x80, v7, vm0, $0xb8;
	v7 =	vxor.u32 s13, v0;
	[tilespmem:$0x1BA00] =	vst v63  }
0xab: {  	v8 =	vand.u32 $0x1C00, v8;
	s12 =	simm.s32 $0x2;
	v9 =	vand.u32 $0x7F, v7  }
0xac: {  	_ =	swait.ge [sflag:s4], $0x9000;
	v13 =	vor.u32 v9, v8;
	v8 =	vmov s12  }
0xad: {  	v10 =	vxor.u32 s12, v0;
	[sflag:s4] =	ssyncset.done $0x0;
	v8 =	vshll.u32 v8, $0x3  }
0xae: {  	v11 =	vand.u32 $0x7F, v10;
	s13 =	simm.s32 $0x3;
	v9 =	vadd.s32 v4, v13;
	[sflag:s4] =	ssyncadd.s32 $0xFFFF7000;
	v8 =	vand.u32 $0x1C00, v8  }
0xaf: {  	_ =	swait.ge [sflag:s1], $0x9000;
	v11 =	vor.u32 v11, v8;
	v8 =	vmov s13  }
0xb0: {  	v14 =	vxor.u32 s13, v0;
	[sflag:s1] =	ssyncset.done $0x0;
	v12 =	vadd.s32 v4, v11;
	v8 =	vshll.u32 v8, $0x3  }
0xb1: {  	v15 =	vand.u32 $0x7F, v14;
	[sflag:s1] =	ssyncadd.s32 $0xFFFF7000;
	v8 =	vand.u32 $0x1C00, v8  }
0xb2: {  	v25 =	vld.idx.msk [tilespmem:v7+s26+$0x0], $0xffff;
	v15 =	vor.u32 v15, v8;
	v8 =	vmov s6  }
0xb3: {  	v19 =	vxor.u32 s6, v0;
	v16 =	vld.idx.msk [tilespmem:v9+s18+$0x0], $0xffff;
	v8 =	vshll.u32 v8, $0x3  }
0xb4: {  	v7 =	vand.u32 $0x7F, v19;
	v17 =	vld.idx.msk [tilespmem:v9+s25+$0x0], $0xffff;
	v18 =	vadd.s32 v4, v15;
	v8 =	vand.u32 $0x1C00, v8  }
0xb5: {  	v20 =	vld.idx.msk [tilespmem:v12+s25+$0x0], $0xffff;
	v21 =	vor.u32 v7, v8  }
0xb6: {  	v22 =	vld.idx.msk [tilespmem:v12+s18+$0x0], $0xffff;
	v23 =	vadd.s32 v4, v21  }
0xb7: {  	v7 =	vld.idx.msk [tilespmem:v14+s26+$0x0], $0xffff  }
0xb8: {  	v8 =	vld.idx.msk [tilespmem:v10+s26+$0x0], $0xffff  }
0xb9: {  	v14 =	vld.idx.msk [tilespmem:v18+s18+$0x0], $0xffff  }
0xba: {  	v24 =	vld.idx.msk [tilespmem:v18+s25+$0x0], $0xffff  }
0xbb: {  	v26 =	vadd.s32 v5, v13;
	v16 =	vadd.f32 v16, v17;
	v10 =	vld.idx.msk [tilespmem:v23+s25+$0x0], $0xffff  }
0xbc: {  	v30 =	vadd.s32 v5, v11;
	v20 =	vadd.f32 v22, v20;
	v17 =	vld.idx.msk [tilespmem:v23+s18+$0x0], $0xffff  }
0xbd: {  	s10 =	simm.s32 $0x5;
	v28 =	vadd.f32 v16, v25  }
0xbe: {  	v32 =	vld.idx.msk [tilespmem:v19+s26+$0x0], $0xffff;
	v16 =	vmov s10;
	v19 =	vadd.f32 v20, v8  }
0xbf: {  	[tilespmem:v9+s25+$0x0] =	vst.idx.msk $0xffff, v28;
	v9 =	vshll.u32 v16, $0x3;
	v20 =	vadd.s32 v5, v15;
	v14 =	vadd.f32 v14, v24  }
0xc0: {  	v27 =	vadd.s32 v5, v21;
	v29 =	vld.idx.msk [tilespmem:v26+s18+$0x0], $0xffff;
	v9 =	vand.u32 $0x1C00, v9;
	v24 =	vxor.u32 s10, v0;
	[tilespmem:v12+s25+$0x0] =	vst.idx.msk $0xffff, v19  }
0xc1: {  	v31 =	vadd.f32 v14, v7;
	v14 =	vand.u32 $0x7F, v24;
	v34 =	vld.idx.msk [tilespmem:v30+s18+$0x0], $0xffff;
	v10 =	vadd.f32 v17, v10  }
0xc2: {  	s11 =	simm.s32 $0x6;
	v51 =	vld.idx.msk [tilespmem:v30+s25+$0x0], $0xffff;
	v9 =	vor.u32 v14, v9  }
0xc3: {  	v12 =	vmov s11;
	v17 =	vld.idx.msk [tilespmem:v26+s25+$0x0], $0xffff;
	[tilespmem:v18+s25+$0x0] =	vst.idx.msk $0xffff, v31;
	v18 =	vadd.s32 v4, v9;
	v33 =	vadd.f32 v10, v32  }
0xc4: {  	v35 =	vxor.u32 s11, v0;
	s12 =	simm.s32 $0x7;
	v13 =	vadd.s32 v6, v13;
	s13 =	simm.s32 $0x4;
	v10 =	vshll.u32 v12, $0x3;
	v12 =	vld.idx.msk [tilespmem:v20+s18+$0x0], $0xffff  }
0xc5: {  	v40 =	vxor.u32 s12, v0;
	v11 =	vadd.s32 v6, v11;
	v48 =	vxor.u32 s13, v0;
	[tilespmem:v23+s25+$0x0] =	vst.idx.msk $0xffff, v33;
	v23 =	vld.idx.msk [tilespmem:v20+s25+$0x0], $0xffff  }
0xc6: {  	v22 =	vimm.f32 $0.0e+00;
	v14 =	vand.u32 $0x7F, v35;
	v10 =	vand.u32 $0x1C00, v10;
	v36 =	vld.idx.msk [tilespmem:v27+s25+$0x0], $0xffff  }
0xc7: {  	v14 =	vor.u32 v14, v10;
	v10 =	vmov s12;
	v41 =	vadd.f32 v33, v22;
	v38 =	vld.idx.msk [tilespmem:v27+s18+$0x0], $0xffff  }
0xc8: {  	v16 =	vand.u32 $0x7F, v40;
	v37 =	vadd.s32 v4, v14;
	v10 =	vshll.u32 v10, $0x3;
	v39 =	vld.idx.msk [tilespmem:v18+s18+$0x0], $0xffff  }
0xc9: {  	v42 =	vld.idx.msk [tilespmem:v18+s25+$0x0], $0xffff;
	v43 =	vand.u32 $0x1C00, v10;
	v10 =	vadd.s32 v6, v15;
	v15 =	vadd.f32 v28, v41  }
0xca: {  	v44 =	vmul.f32 v28, v28;
	v17 =	vadd.f32 v29, v17;
	v45 =	vor.u32 v16, v43;
	v16 =	vld.idx.msk [tilespmem:v24+s26+$0x0], $0xffff  }
0xcb: {  	v46 =	vmul.f32 v19, v19;
	v34 =	vadd.f32 v34, v51;
	v54 =	vadd.f32 v19, v15;
	v19 =	vld.idx.msk [tilespmem:v40+s26+$0x0], $0xffff  }
0xcc: {  	v62 =	vmul.f32 v31, v31;
	v17 =	vadd.f32 v17, v25;
	v15 =	vld.idx.msk [tilespmem:v35+s26+$0x0], $0xffff;
	v23 =	vadd.f32 v12, v23  }
0xcd: {  	v34 =	vadd.f32 v34, v8;
	v24 =	vmul.f32 v33, v33;
	v28 =	vld.idx.msk [tilespmem:v37+s25+$0x0], $0xffff;
	v52 =	vadd.f32 v38, v36  }
0xce: {  	v47 =	vadd.s32 v4, v45;
	[tilespmem:v26+s25+$0x0] =	vst.idx.msk $0xffff, v17;
	v53 =	vld.idx.msk [tilespmem:v37+s18+$0x0], $0xffff;
	v23 =	vadd.f32 v23, v7  }
0xcf: {  	[tilespmem:v30+s25+$0x0] =	vst.idx.msk $0xffff, v34;
	v12 =	vadd.s32 v6, v21;
	v50 =	vld.idx.msk [tilespmem:v13+s25+$0x0], $0xffff;
	v21 =	vadd.f32 v52, v32  }
0xd0: {  	v30 =	vmul.f32 v34, v34;
	v57 =	vadd.f32 v24, v22;
	v61 =	vld.idx.msk [tilespmem:v13+s18+$0x0], $0xffff;
	[tilespmem:v20+s25+$0x0] =	vst.idx.msk $0xffff, v23  }
0xd1: {  	v24 =	vand.u32 $0x7F, v48;
	v38 =	vadd.f32 v31, v54;
	v20 =	vmov s13;
	[tilespmem:v27+s25+$0x0] =	vst.idx.msk $0xffff, v21;
	v27 =	vld.idx.msk [tilespmem:v10+s25+$0x0], $0xffff  }
0xd2: {  	v29 =	vadd.f32 v39, v42;
	v40 =	vadd.f32 v44, v57;
	v20 =	vshll.u32 v20, $0x3;
	v58 =	vld.idx.msk [tilespmem:v10+s18+$0x0], $0xffff  }
0xd3: {  	v55 =	vld.idx.msk [tilespmem:v47+s18+$0x0], $0xffff;
	v56 =	vadd.f32 v21, v22;
	v21 =	vmul.f32 v21, v21;
	v20 =	vand.u32 $0x1C00, v20  }
0xd4: {  	v29 =	vadd.f32 v29, v16;
	v24 =	vor.u32 v24, v20;
	v20 =	vadd.f32 v53, v28;
	v28 =	vld.idx.msk [tilespmem:v47+s25+$0x0], $0xffff  }
0xd5: {  	v59 =	vmul.f32 v17, v17;
	v49 =	vld.idx.msk [tilespmem:v12+s25+$0x0], $0xffff;
	v60 =	vadd.f32 v21, v22;
	v17 =	vadd.f32 v17, v56  }
0xd6: {  	v31 =	vadd.s32 v5, v9;
	v51 =	vld.idx.msk [tilespmem:v12+s18+$0x0], $0xffff;
	v26 =	vadd.f32 v20, v15;
	v20 =	vadd.f32 v46, v40  }
0xd7: {  	v35 =	vadd.s32 v4, v24;
	v40 =	vadd.f32 v58, v27;
	v27 =	vadd.f32 v59, v60  }
0xd8: {  	v36 =	vmul.f32 v23, v23;
	v63 =	vadd.f32 v61, v50;
	v17 =	vadd.f32 v34, v17  }
0xd9: {  	v41 =	vld.idx.msk [tilespmem:v11+s25+$0x0], $0xffff;
	[tilespmem:v18+s25+$0x0] =	vst.idx.msk $0xffff, v29;
	v33 =	vadd.f32 v55, v28;
	v39 =	vadd.f32 v30, v27  }
0xda: {  	v43 =	vld.idx.msk [tilespmem:v11+s18+$0x0], $0xffff;
	v18 =	vadd.s32 v6, v45;
	v28 =	vadd.f32 v62, v20;
	v30 =	vadd.f32 v23, v17  }
0xdb: {  	v21 =	vadd.s32 v5, v24;
	v27 =	vadd.f32 v51, v49;
	v17 =	vld.idx.msk [tilespmem:v48+s26+$0x0], $0xffff;
	v20 =	vadd.f32 v33, v19  }
0xdc: {  	v25 =	vadd.f32 v63, v25;
	v34 =	vadd.s32 v5, v45;
	[tilespmem:v37+s25+$0x0] =	vst.idx.msk $0xffff, v26;
	v42 =	vld.idx.msk [tilespmem:v35+s25+$0x0], $0xffff  }
0xdd: {  	s7 =	simm.s32 $0x8;
	v23 =	vadd.s32 v5, v14;
	v44 =	vld.idx.msk [tilespmem:v35+s18+$0x0], $0xffff;
	v27 =	vadd.f32 v27, v32;
	v33 =	vimm.f32 $0.0e+00;
	[tilespmem:v47+s25+$0x0] =	vst.idx.msk $0xffff, v20  }
.LBB2_2:
0xde: {  	s11 =	sadd.s32 $0x1, s7;
	v37 =	vmul.f32 v29, v29  }
0xdf: {  	p0 =	slt.u32 s7, $0x2FC;
	v41 =	vadd.f32 v43, v41;
	v40 =	vadd.f32 v40, v7;
	v32 =	vmovc v16;
	v7 =	vmov v19;
	s10 =	smov.u32 s7;
	s7 =	sadd.s32 $0x4, s7  }
0xe0: {  	v16 =	vmov s11;
	v19 =	vxor.u32 s11, v0;
	v43 =	vmul.f32 v27, v27;
	[tilespmem:v13+s25+$0x0] =	vst.idx.msk $0xffff, v25  }
0xe1: {  	v13 =	vand.u32 $0x7F, v19;
	v16 =	vshll.u32 v16, $0x3;
	v45 =	vld.idx.msk [tilespmem:v31+s18+$0x0], $0xffff;
	v41 =	vadd.f32 v41, v8;
	[tilespmem:v10+s25+$0x0] =	vst.idx.msk $0xffff, v40  }
0xe2: {  	v49 =	vadd.f32 v44, v42;
	s11 =	sadd.s32 $0x2, s10;
	v8 =	vand.u32 $0x1C00, v16;
	[tilespmem:v12+s25+$0x0] =	vst.idx.msk $0xffff, v27;
	v12 =	vmul.f32 v40, v40  }
0xe3: {  	v1 =	vmov s11;
	v16 =	vmul.f32 v25, v25;
	v42 =	vor.u32 v13, v8;
	v13 =	vld.idx.msk [tilespmem:v31+s25+$0x0], $0xffff;
	[tilespmem:v11+s25+$0x0] =	vst.idx.msk $0xffff, v41  }
0xe4: {  	v22 =	vadd.f32 v43, v22;
	v11 =	vadd.f32 v49, v17;
	v44 =	vadd.s32 v4, v42;
	v46 =	vld.idx.msk [tilespmem:v23+s18+$0x0], $0xffff  }
0xe5: {  	v10 =	vmovc v18;
	v43 =	vxor.u32 s11, v0;
	v47 =	vshll.u32 v1, $0x3;
	v27 =	vadd.f32 v27, v33;
	v48 =	vld.idx.msk [tilespmem:v34+s18+$0x0], $0xffff;
	v8 =	vmovc v15  }
0xe6: {  	v18 =	vand.u32 $0x1C00, v47;
	v16 =	vadd.f32 v16, v22;
	v15 =	vand.u32 $0x7F, v43;
	[tilespmem:v35+s25+$0x0] =	vst.idx.msk $0xffff, v11;
	v35 =	vld.idx.msk [tilespmem:v34+s25+$0x0], $0xffff  }
0xe7: {  	s11 =	sadd.s32 $0x3, s10;
	v22 =	vadd.f32 v25, v27;
	v18 =	vor.u32 v15, v18;
	v15 =	vadd.f32 v11, v38;
	v38 =	vld.idx.msk [tilespmem:v21+s25+$0x0], $0xffff  }
0xe8: {  	v36 =	vadd.f32 v36, v39;
	v27 =	vmov s11;
	v25 =	vadd.s32 v4, v18;
	v47 =	vld.idx.msk [tilespmem:v21+s18+$0x0], $0xffff  }
0xe9: {  	v49 =	vxor.u32 s11, v0;
	v33 =	vmul.f32 v41, v41;
	v27 =	vshll.u32 v27, $0x3;
	v39 =	vld.idx.msk [tilespmem:v44+s18+$0x0], $0xffff  }
0xea: {  	v51 =	vand.u32 $0x7F, v49;
	v27 =	vand.u32 $0x1C00, v27;
	v22 =	vadd.f32 v41, v22;
	v50 =	vld.idx.msk [tilespmem:v44+s25+$0x0], $0xffff  }
0xeb: {  	v41 =	vmul.f32 v26, v26;
	v52 =	vadd.f32 v33, v16;
	v27 =	vor.u32 v51, v27;
	v51 =	vld.idx.msk [tilespmem:v23+s25+$0x0], $0xffff  }
0xec: {  	v53 =	vadd.s32 v4, v27;
	v15 =	vadd.f32 v29, v15;
	v33 =	vadd.f32 v40, v22;
	v16 =	vld.idx.msk [tilespmem:v19+s26+$0x0], $0xffff  }
0xed: {  	v40 =	vmul.f32 v11, v11;
	v22 =	vadd.f32 v12, v52;
	v35 =	vadd.f32 v48, v35;
	v29 =	vld.idx.msk [tilespmem:v25+s25+$0x0], $0xffff  }
0xee: {  	v12 =	vadd.s32 v6, v24;
	v38 =	vadd.f32 v47, v38;
	v47 =	vadd.f32 v26, v15;
	v48 =	vld.idx.msk [tilespmem:v25+s18+$0x0], $0xffff  }
0xef: {  	v24 =	vadd.f32 v45, v13;
	v11 =	vadd.s32 v6, v14;
	v45 =	vadd.f32 v35, v7;
	v19 =	vld.idx.msk [tilespmem:v49+s26+$0x0], $0xffff  }
0xf0: {  	v13 =	vadd.s32 v6, v9;
	v26 =	vadd.f32 v39, v50;
	v14 =	vadd.f32 v38, v17;
	v15 =	vld.idx.msk [tilespmem:v43+s26+$0x0], $0xffff  }
0xf1: {  	v38 =	vadd.f32 v24, v32;
	v43 =	vadd.f32 v46, v51;
	v39 =	vld.idx.msk [tilespmem:v53+s18+$0x0], $0xffff;
	[tilespmem:v34+s25+$0x0] =	vst.idx.msk $0xffff, v45  }
0xf2: {  	v51 =	vmov s10;
	v30 =	vadd.f32 v14, v30;
	[tilespmem:v21+s25+$0x0] =	vst.idx.msk $0xffff, v14;
	v21 =	vmul.f32 v14, v14;
	v34 =	vld.idx.msk [tilespmem:v10+s25+$0x0], $0xffff  }
0xf3: {  	v28 =	vadd.f32 v40, v28;
	v46 =	vxor.u32 s10, v0;
	v1 =	vshll.u32 v51, $0x3;
	[tilespmem:v31+s25+$0x0] =	vst.idx.msk $0xffff, v38;
	v31 =	vld.idx.msk [tilespmem:v10+s18+$0x0], $0xffff  }
0xf4: {  	v9 =	vmovc v42;
	v24 =	vand.u32 $0x7F, v46;
	v50 =	vmul.f32 v38, v38;
	v35 =	vand.u32 $0x1C00, v1;
	v14 =	vmovc v18;
	v49 =	vld.idx.msk [tilespmem:v12+s25+$0x0], $0xffff  }
0xf5: {  	v24 =	vor.u32 v24, v35;
	v18 =	vadd.f32 v48, v29;
	v42 =	vadd.f32 v21, v36;
	v48 =	vld.idx.msk [tilespmem:v53+s25+$0x0], $0xffff  }
0xf6: {  	v52 =	vadd.f32 v43, v8;
	v35 =	vadd.s32 v4, v24;
	v21 =	vadd.s32 v5, v24;
	v51 =	vld.idx.msk [tilespmem:v13+s25+$0x0], $0xffff  }
0xf7: {  	v54 =	vmul.f32 v20, v20;
	v28 =	vadd.f32 v37, v28;
	v29 =	vadd.f32 v26, v16;
	v37 =	vld.idx.msk [tilespmem:v13+s18+$0x0], $0xffff  }
0xf8: {  	v26 =	vadd.f32 v18, v15;
	v18 =	vadd.f32 v38, v30;
	v55 =	vld.idx.msk [tilespmem:v12+s18+$0x0], $0xffff;
	[tilespmem:v23+s25+$0x0] =	vst.idx.msk $0xffff, v52  }
0xf9: {  	v36 =	vmul.f32 v45, v45;
	v23 =	vadd.f32 v41, v28;
	v40 =	vadd.f32 v31, v34;
	v41 =	vld.idx.msk [tilespmem:v11+s25+$0x0], $0xffff  }
0xfa: {  	v30 =	vmul.f32 v52, v52;
	v38 =	vadd.f32 v20, v47;
	v28 =	vadd.f32 v50, v42;
	v43 =	vld.idx.msk [tilespmem:v11+s18+$0x0], $0xffff  }
0xfb: {  	v31 =	vadd.f32 v52, v18;
	v20 =	vadd.f32 v39, v48;
	v42 =	vld.idx.msk [tilespmem:v35+s25+$0x0], $0xffff;
	[tilespmem:v44+s25+$0x0] =	vst.idx.msk $0xffff, v29  }
.Ltmp0:
0xfc: {  	v39 =	vadd.f32 v30, v28;
	v28 =	vadd.f32 v54, v23;
	v44 =	vld.idx.msk [tilespmem:v35+s18+$0x0], $0xffff;
	(pc) =	sbr.rel @p0 .LBB2_2-.Ltmp0, $4  }
0xfd: {  	v18 =	vadd.s32 v6, v27;
	v30 =	vadd.f32 v45, v31;
	v37 =	vadd.f32 v37, v51  }
0xfe: {  	v31 =	vadd.s32 v5, v9;
	v20 =	vadd.f32 v20, v19;
	v45 =	vadd.f32 v55, v49  }
0xff: {  	v34 =	vadd.s32 v5, v27;
	v23 =	vadd.s32 v5, v14;
	[tilespmem:v25+s25+$0x0] =	vst.idx.msk $0xffff, v26  }
0x100: {  	v27 =	vadd.f32 v45, v17;
	v25 =	vadd.f32 v37, v32;
	[tilespmem:v53+s25+$0x0] =	vst.idx.msk $0xffff, v20;
	v17 =	vld.idx.msk [tilespmem:v46+s26+$0x0], $0xffff  }
0x101: {  	_ =	sdelay $0x3  }
0x102: {  	v37 =	vld.idx.msk [tilespmem:v31+s18+$0x0], $0xffff  }
0x103: {  	v53 =	vld.idx.msk [tilespmem:v34+s18+$0x0], $0xffff  }
0x104: {  	v32 =	vadd.f32 v44, v42;
	v55 =	vld.idx.msk [tilespmem:v34+s25+$0x0], $0xffff  }
0x105: {  	v59 =	vld.idx.msk [tilespmem:v23+s18+$0x0], $0xffff  }
0x106: {  	v41 =	vadd.f32 v43, v41;
	v62 =	vld.idx.msk [tilespmem:v23+s25+$0x0], $0xffff;
	v54 =	vmul.f32 v27, v27;
	v42 =	vadd.f32 v32, v17  }
0x107: {  	v33 =	vadd.f32 v27, v33;
	v32 =	vadd.f32 v40, v7;
	v7 =	vld.idx.msk [tilespmem:v31+s25+$0x0], $0xffff  }
0x108: {  	v45 =	vmul.f32 v25, v25;
	v46 =	vadd.f32 v54, v22;
	[tilespmem:v35+s25+$0x0] =	vst.idx.msk $0xffff, v42  }
0x109: {  	v22 =	vadd.f32 v41, v8;
	v33 =	vadd.f32 v25, v33;
	v56 =	vld.idx.msk [tilespmem:v21+s25+$0x0], $0xffff  }
0x10a: {  	v36 =	vadd.f32 v36, v39;
	v24 =	vadd.s32 v6, v24;
	v57 =	vadd.f32 v45, v46;
	v47 =	vld.idx.msk [tilespmem:v21+s18+$0x0], $0xffff  }
0x10b: {  	v63 =	vadd.s32 v6, v9;
	v61 =	vadd.f32 v22, v33;
	v35 =	vadd.f32 v53, v55  }
0x10c: {  	v60 =	vmul.f32 v22, v22;
	v49 =	vadd.f32 v59, v62;
	v7 =	vadd.f32 v37, v7  }
0x10d: {  	v14 =	vadd.s32 v6, v14;
	v38 =	vadd.f32 v42, v38;
	v35 =	vadd.f32 v35, v19  }
0x10e: {  	v58 =	vmul.f32 v32, v32;
	v39 =	vadd.f32 v60, v57;
	v7 =	vadd.f32 v7, v16  }
0x10f: {  	v44 =	vadd.f32 v32, v61;
	[tilespmem:v34+s25+$0x0] =	vst.idx.msk $0xffff, v35;
	v43 =	vadd.f32 v47, v56  }
0x110: {  	v40 =	vadd.f32 v49, v15;
	v48 =	vld.idx.msk [tilespmem:v18+s25+$0x0], $0xffff;
	v47 =	vmul.f32 v42, v42;
	[tilespmem:v31+s25+$0x0] =	vst.idx.msk $0xffff, v7  }
0x111: {  	v8 =	vmul.f32 v29, v29;
	v9 =	vadd.f32 v29, v38;
	v29 =	vadd.f32 v43, v17;
	v51 =	vld.idx.msk [tilespmem:v63+s25+$0x0], $0xffff  }
0x112: {  	v39 =	vadd.f32 v58, v39;
	v28 =	vadd.f32 v47, v28;
	v52 =	vld.idx.msk [tilespmem:v63+s18+$0x0], $0xffff  }
0x113: {  	v9 =	vadd.f32 v26, v9;
	[tilespmem:v21+s25+$0x0] =	vst.idx.msk $0xffff, v29;
	v21 =	vld.idx.msk [tilespmem:v18+s18+$0x0], $0xffff;
	v50 =	vmul.f32 v29, v29  }
0x114: {  	v26 =	vmul.f32 v26, v26;
	v29 =	vadd.f32 v29, v30;
	v8 =	vadd.f32 v8, v28;
	v31 =	vld.idx.msk [tilespmem:v24+s25+$0x0], $0xffff  }
0x115: {  	[tilespmem:v23+s25+$0x0] =	vst.idx.msk $0xffff, v40;
	v30 =	vmul.f32 v7, v7;
	v28 =	vld.idx.msk [tilespmem:v24+s18+$0x0], $0xffff;
	v36 =	vadd.f32 v50, v36  }
0x116: {  	v53 =	vmul.f32 v20, v20;
	v23 =	vld.idx.msk [tilespmem:v14+s25+$0x0], $0xffff;
	v7 =	vadd.f32 v7, v29;
	v8 =	vadd.f32 v26, v8  }
0x117: {  	v9 =	vadd.f32 v20, v9;
	v29 =	vmul.f32 v40, v40;
	v26 =	vadd.f32 v30, v36;
	v30 =	vld.idx.msk [tilespmem:v14+s18+$0x0], $0xffff  }
0x118: {  	v7 =	vadd.f32 v40, v7;
	v8 =	vadd.f32 v53, v8  }
0x119: {  	v21 =	vadd.f32 v21, v48;
	v20 =	vadd.f32 v29, v26  }
0x11a: {  	v26 =	vadd.f32 v28, v31;
	v28 =	vadd.f32 v52, v51  }
0x11b: {  	v7 =	vadd.f32 v35, v7;
	v19 =	vadd.f32 v21, v19  }
0x11c: {  	v9 =	vmul.f32 $1.302083370e-03, v9;
	v17 =	vadd.f32 v26, v17;
	v23 =	vadd.f32 v30, v23  }
0x11d: {  	v26 =	vmul.f32 v35, v35;
	v16 =	vadd.f32 v28, v16;
	v28 =	vmul.f32 $1.302083370e-03, v8  }
0x11e: {  	v21 =	vmul.f32 v17, v17;
	v15 =	vadd.f32 v23, v15;
	v23 =	vadd.f32 v17, v44  }
0x11f: {  	v8 =	vmul.f32 $1.302083370e-03, v7;
	v20 =	vadd.f32 v26, v20;
	v26 =	vmul.f32 v9, v9  }
0x120: {  	v7 =	vmul.f32 v16, v16;
	v21 =	vadd.f32 v21, v39;
	v23 =	vadd.f32 v16, v23  }
0x121: {  	v26 =	vsub.f32 v28, v26;
	v20 =	vmul.f32 $1.302083370e-03, v20;
	v28 =	vmul.f32 v8, v8  }
0x122: {  	v7 =	vadd.f32 v7, v21;
	v21 =	vmul.f32 v15, v15;
	v23 =	vadd.f32 v15, v23  }
0x123: {  	v26 =	vadd.f32 $9.999999960e-13, v26;
	v20 =	vsub.f32 v20, v28  }
0x124: {  	v28 =	vmul.f32 v19, v19;
	v7 =	vadd.f32 v21, v7;
	v21 =	vadd.f32 v19, v23  }
0x125: {  	v20 =	vadd.f32 $9.999999960e-13, v20;
	v23 =	vshra.s32 v26, $0x1;
	v26 =	vmul.f32 $5.000000000e-01, v26  }
0x126: {  	v28 =	vadd.f32 v28, v7;
	v23 =	vsub.s32 $0x5F3759DF, v23;
	v7 =	vmul.f32 $1.302083370e-03, v21  }
0x127: {  	v29 =	vshra.s32 v20, $0x1;
	v20 =	vmul.f32 $5.000000000e-01, v20;
	v21 =	vmul.f32 v23, v26  }
0x128: {  	v29 =	vsub.s32 $0x5F3759DF, v29;
	v28 =	vmul.f32 $1.302083370e-03, v28;
	v30 =	vmul.f32 v7, v7  }
0x129: {  	v31 =	vmul.f32 v29, v20;
	v21 =	vmul.f32 v23, v21  }
0x12a: {  	v28 =	vsub.f32 v28, v30  }
0x12b: {  	v21 =	vsub.f32 $1.500000000e+00, v21;
	v30 =	vmul.f32 v29, v31  }
0x12c: {  	v28 =	vadd.f32 $9.999999960e-13, v28  }
0x12d: {  	v21 =	vmul.f32 v23, v21;
	v23 =	vsub.f32 $1.500000000e+00, v30  }
0x12e: {  	v30 =	vshra.s32 v28, $0x1;
	v28 =	vmul.f32 $5.000000000e-01, v28  }
0x12f: {  	v31 =	vmul.f32 v21, v26;
	v23 =	vmul.f32 v29, v23;
	v29 =	vsub.s32 $0x5F3759DF, v30  }
0x130: {  	v30 =	vmul.f32 v29, v28  }
0x131: {  	v31 =	vmul.f32 v31, v21  }
0x132: {  	v54 =	vmul.f32 v23, v20;
	v30 =	vmul.f32 v29, v30  }
0x133: {  	v31 =	vsub.f32 $1.500000000e+00, v31  }
0x134: {  	v34 =	vmul.f32 v54, v23;
	v30 =	vsub.f32 $1.500000000e+00, v30  }
0x135: {  	v21 =	vmul.f32 v31, v21  }
0x136: {  	s11 =	simm.s32 $0x0;
	s12 =	simm.s32 $0x3;
	[tilespmem:v13+s25+$0x0] =	vst.idx.msk $0xffff, v25;
	v31 =	vsub.f32 $1.500000000e+00, v34;
	v29 =	vmul.f32 v29, v30  }
0x137: {  	v13 =	vmov s11;
	[tilespmem:v12+s25+$0x0] =	vst.idx.msk $0xffff, v27;
	v12 =	vmov s12;
	v30 =	vmul.f32 v21, v26  }
0x138: {  	v13 =	vshll.u32 v13, $0x3;
	v23 =	vmul.f32 v31, v23;
	v31 =	vmul.f32 v29, v28  }
0x139: {  	v12 =	vshll.u32 v12, $0x3;
	v25 =	vxor.u32 s12, v0;
	v13 =	vand.u32 $0x1C00, v13  }
0x13a: {  	s7 =	simm.s32 $0x1;
	v59 =	vxor.u32 s11, v0;
	v30 =	vmul.f32 v30, v21;
	v31 =	vmul.f32 v31, v29  }
0x13b: {  	v27 =	vand.u32 $0x7F, v59;
	v57 =	vxor.u32 s7, v0;
	v55 =	vmul.f32 v23, v20  }
0x13c: {  	s10 =	simm.s32 $0x2;
	v27 =	vor.u32 v27, v13;
	v30 =	vsub.f32 $1.500000000e+00, v30;
	v31 =	vsub.f32 $1.500000000e+00, v31  }
0x13d: {  	[tilespmem:v11+s25+$0x0] =	vst.idx.msk $0xffff, v22;
	v11 =	vand.u32 $0x7F, v57;
	v56 =	vmov s10;
	v34 =	vmul.f32 v55, v23  }
0x13e: {  	[tilespmem:v10+s25+$0x0] =	vst.idx.msk $0xffff, v32;
	v21 =	vmul.f32 v30, v21;
	v29 =	vmul.f32 v31, v29;
	v31 =	vmov s7  }
0x13f: {  	[tilespmem:v18+s25+$0x0] =	vst.idx.msk $0xffff, v19;
	v30 =	vsub.f32 $1.500000000e+00, v34;
	v34 =	vshll.u32 v56, $0x3;
	v31 =	vshll.u32 v31, $0x3  }
0x140: {  	v58 =	vxor.u32 s10, v0;
	[tilespmem:v63+s25+$0x0] =	vst.idx.msk $0xffff, v16;
	v10 =	vand.u32 $0x1C00, v34;
	v22 =	vand.u32 $0x1C00, v31  }
0x141: {  	[tilespmem:v24+s25+$0x0] =	vst.idx.msk $0xffff, v17;
	v60 =	vor.u32 v11, v22;
	v22 =	vadd.s32 v4, v27;
	v11 =	vand.u32 $0x7F, v58  }
0x142: {  	v13 =	vmul.f32 v30, v23;
	v18 =	vadd.s32 v4, v60;
	v61 =	vor.u32 v11, v10  }
0x143: {  	[tilespmem:v14+s25+$0x0] =	vst.idx.msk $0xffff, v15;
	v10 =	vand.u32 $0x7F, v25;
	v11 =	vand.u32 $0x1C00, v12;
	v12 =	vmul.f32 v29, v28  }
0x144: {  	s13 =	rddreg [dreg:$0xa];
	v62 =	vadd.s32 v4, v61;
	v40 =	vor.u32 v10, v11;
	v10 =	vmul.f32 v21, v26  }
0x145: {  	[tilespmem:s18], [sflag:$0x3] =	stream.linear.gather [hbm4b:s13+s11], $0x9000, $0x38;
	v14 =	vmul.f32 v13, v20;
	v23 =	vadd.s32 v4, v40;
	[tilespmem:$0x1BA00] =	vst v63  }
0x146: {  	v11 =	vmul.f32 v12, v29;
	v10 =	vmul.f32 v10, v21;
	v12 =	vld.idx.msk [tilespmem:v22+s25+$0x0], $0xffff  }
0x147: {  	v14 =	vmul.f32 v14, v13;
	v15 =	vld.idx.msk [tilespmem:v18+s25+$0x0], $0xffff  }
0x148: {  	s10 =	simm.s32 $0x5;
	v16 =	vsub.f32 $1.500000000e+00, v10;
	v10 =	vld.idx.msk [tilespmem:v59+s28+$0x0], $0xffff  }
0x149: {  	v41 =	vxor.u32 s10, v0;
	s11 =	simm.s32 $0x6;
	v14 =	vsub.f32 $1.500000000e+00, v14;
	v11 =	vsub.f32 $1.500000000e+00, v11;
	v20 =	vld.idx.msk [tilespmem:v62+s25+$0x0], $0xffff  }
0x14a: {  	v52 =	vand.u32 $0x7F, v41;
	v50 =	vmov s11;
	v26 =	vld.idx.msk [tilespmem:v23+s25+$0x0], $0xffff  }
0x14b: {  	v43 =	vxor.u32 s11, v0;
	v17 =	vmul.f32 v14, v13;
	v63 =	vmul.f32 v11, v29;
	v11 =	vld.idx.msk [tilespmem:v57+s28+$0x0], $0xffff  }
0x14c: {  	s13 =	simm.s32 $0x4;
	v13 =	vld.idx.msk [tilespmem:v57+s29+$0x0], $0xffff;
	v19 =	vmul.f32 v16, v21;
	v21 =	vsub.f32 v12, v9;
	v15 =	vsub.f32 v15, v9  }
0x14d: {  	v47 =	vxor.u32 s13, v0;
	v36 =	vshll.u32 v50, $0x3;
	v24 =	vmul.f32 v63, v28;
	v12 =	vld.idx.msk [tilespmem:v59+s29+$0x0], $0xffff  }
0x14e: {  	v36 =	vand.u32 $0x1C00, v36;
	v16 =	vld.idx.msk [tilespmem:v58+s28+$0x0], $0xffff;
	v14 =	vmul.f32 v21, v19;
	v28 =	vmul.f32 v15, v19  }
0x14f: {  	v21 =	vmul.f32 v24, v63;
	v20 =	vsub.f32 v20, v9;
	v26 =	vsub.f32 v26, v9;
	v15 =	vld.idx.msk [tilespmem:v25+s28+$0x0], $0xffff  }
0x150: {  	v35 =	vadd.s32 v5, v60;
	v14 =	vmul.f32 v14, v10;
	v28 =	vmul.f32 v28, v11  }
0x151: {  	v30 =	vadd.s32 v5, v27;
	v25 =	vld.idx.msk [tilespmem:v25+s29+$0x0], $0xffff;
	v20 =	vmul.f32 v20, v19;
	v31 =	vmul.f32 v26, v19  }
0x152: {  	v26 =	vmov s10;
	v29 =	vadd.f32 v14, v12;
	v14 =	vld.idx.msk [tilespmem:v58+s29+$0x0], $0xffff;
	v28 =	vadd.f32 v28, v13  }
0x153: {  	v24 =	vadd.s32 v5, v40;
	v49 =	vmul.f32 v20, v16;
	v51 =	vshll.u32 v26, $0x3  }
0x154: {  	v38 =	vand.u32 $0x1C00, v51;
	v31 =	vmul.f32 v31, v15;
	[tilespmem:v18+s25+$0x0] =	vst.idx.msk $0xffff, v28;
	v28 =	vmov s13  }
0x155: {  	v20 =	vadd.s32 v5, v61;
	v48 =	vor.u32 v52, v38;
	v53 =	vld.idx.msk [tilespmem:v35+s25+$0x0], $0xffff;
	v28 =	vshll.u32 v28, $0x3  }
0x156: {  	[tilespmem:v22+s25+$0x0] =	vst.idx.msk $0xffff, v29;
	v54 =	vadd.f32 v31, v25;
	v22 =	vand.u32 $0x1C00, v28;
	v28 =	vand.u32 $0x7F, v47  }
0x157: {  	s12 =	simm.s32 $0x7;
	v29 =	vadd.s32 v4, v48;
	v18 =	vadd.f32 v49, v14;
	v31 =	vor.u32 v28, v22  }
0x158: {  	v26 =	vxor.u32 s12, v0;
	v22 =	vmov s12;
	[tilespmem:v23+s25+$0x0] =	vst.idx.msk $0xffff, v54;
	v38 =	vadd.s32 v4, v31  }
0x159: {  	v55 =	vand.u32 $0x7F, v26;
	v28 =	vld.idx.msk [tilespmem:v30+s25+$0x0], $0xffff;
	[tilespmem:v62+s25+$0x0] =	vst.idx.msk $0xffff, v18;
	v18 =	vand.u32 $0x7F, v43;
	v22 =	vshll.u32 v22, $0x3  }
0x15a: {  	v49 =	vld.idx.msk [tilespmem:v24+s25+$0x0], $0xffff;
	v46 =	vor.u32 v18, v36;
	v18 =	vand.u32 $0x1C00, v22;
	v22 =	vsub.f32 v53, v8  }
0x15b: {  	v56 =	vld.idx.msk [tilespmem:v20+s25+$0x0], $0xffff;
	v33 =	vadd.s32 v4, v46;
	v44 =	vor.u32 v55, v18  }
0x15c: {  	v37 =	vadd.s32 v6, v40;
	v50 =	vld.idx.msk [tilespmem:v29+s25+$0x0], $0xffff;
	v32 =	vadd.s32 v4, v44;
	v57 =	vmul.f32 v22, v17  }
0x15d: {  	v21 =	vsub.f32 $1.500000000e+00, v21;
	v23 =	vadd.s32 v6, v61;
	v36 =	vadd.s32 v6, v27;
	v58 =	vld.idx.msk [tilespmem:v38+s25+$0x0], $0xffff  }
0x15e: {  	v42 =	vld.idx.msk [tilespmem:v47+s28+$0x0], $0xffff;
	v18 =	vadd.s32 v6, v60;
	v34 =	vadd.s32 v6, v46;
	v62 =	vmul.f32 v57, v11  }
0x15f: {  	v45 =	vadd.s32 v5, v44;
	v61 =	vsub.f32 v28, v8;
	v28 =	vld.idx.msk [tilespmem:v41+s28+$0x0], $0xffff;
	v27 =	vsub.f32 v49, v8  }
0x160: {  	v22 =	vmul.f32 v21, v63;
	v60 =	vsub.f32 v56, v8;
	v63 =	vld.idx.msk [tilespmem:v33+s25+$0x0], $0xffff;
	v52 =	vadd.f32 v62, v13  }
0x161: {  	v59 =	vmul.f32 v61, v17;
	v50 =	vsub.f32 v50, v9;
	v27 =	vmul.f32 v27, v17;
	v53 =	vld.idx.msk [tilespmem:v32+s25+$0x0], $0xffff  }
0x162: {  	v39 =	vld.idx.msk [tilespmem:v47+s29+$0x0], $0xffff;
	v51 =	vmul.f32 v60, v17;
	[tilespmem:v35+s25+$0x0] =	vst.idx.msk $0xffff, v52;
	v60 =	vsub.f32 v58, v9  }
0x163: {  	v21 =	vadd.s32 v6, v48;
	v47 =	vmul.f32 v59, v10;
	v62 =	vmul.f32 v50, v19;
	v56 =	vld.idx.msk [tilespmem:v18+s25+$0x0], $0xffff  }
0x164: {  	v40 =	vld.idx.msk [tilespmem:v43+s28+$0x0], $0xffff;
	v61 =	vmul.f32 v27, v15;
	v27 =	vadd.s32 v5, v48;
	v35 =	vmul.f32 v60, v19  }
0x165: {  	v41 =	vld.idx.msk [tilespmem:v41+s29+$0x0], $0xffff;
	v51 =	vmul.f32 v51, v16;
	v50 =	vmul.f32 v62, v28;
	v63 =	vsub.f32 v63, v9  }
0x166: {  	v49 =	vadd.f32 v47, v12;
	v57 =	vsub.f32 v53, v9;
	v54 =	vmul.f32 v35, v42  }
0x167: {  	v43 =	vld.idx.msk [tilespmem:v43+s29+$0x0], $0xffff;
	v47 =	vadd.s32 v5, v31;
	v53 =	vadd.f32 v61, v25;
	v55 =	vmul.f32 v63, v19  }
0x168: {  	s7 =	simm.s32 $0x8;
	v35 =	vld.idx.msk [tilespmem:v26+s28+$0x0], $0xffff;
	v48 =	vmul.f32 v57, v19;
	v54 =	vadd.f32 v54, v39;
	v52 =	vsub.f32 v56, v7  }
.LBB2_4:
0x169: {  	s10 =	sadd.s32 $0x1, s7;
	v55 =	vmul.f32 v55, v40;
	v46 =	vadd.s32 v5, v46;
	v56 =	vmov v12  }
0x16a: {  	s11 =	sadd.s32 $0x2, s7;
	s12 =	sadd.s32 $0x3, s7;
	[tilespmem:v30+s25+$0x0] =	vst.idx.msk $0xffff, v49;
	v12 =	vmovc v39;
	v49 =	vmovc v44;
	v57 =	vmov v13;
	v13 =	vmov v41;
	v58 =	vmov v36;
	s13 =	smov.u32 s7  }
0x16b: {  	p0 =	slt.u32 s7, $0x2FC;
	s7 =	sadd.s32 $0x4, s7;
	v30 =	vmov s10;
	v39 =	vmov s11;
	v41 =	vadd.f32 v50, v13;
	v50 =	vld.idx.msk [tilespmem:v26+s29+$0x0], $0xffff;
	[tilespmem:v24+s25+$0x0] =	vst.idx.msk $0xffff, v53;
	v53 =	vmovc v10;
	v10 =	vmovc v42  }
0x16c: {  	v44 =	vadd.f32 v51, v14;
	v51 =	vmovc v16;
	v42 =	vxor.u32 s10, v0;
	v24 =	vmovc v45;
	v30 =	vshll.u32 v30, $0x3;
	v36 =	vld.idx.msk [tilespmem:v36+s25+$0x0], $0xffff  }
0x16d: {  	v26 =	vxor.u32 s12, v0;
	v16 =	vshll.u32 v39, $0x3;
	[tilespmem:v38+s25+$0x0] =	vst.idx.msk $0xffff, v54;
	v38 =	vmul.f32 v48, v35;
	v39 =	vld.idx.msk [tilespmem:v37+s25+$0x0], $0xffff  }
0x16e: {  	v1 =	vmul.f32 v52, v22;
	v48 =	vxor.u32 s11, v0;
	v45 =	vand.u32 $0x1C00, v16;
	v54 =	vld.idx.msk [tilespmem:v47+s25+$0x0], $0xffff;
	[tilespmem:v20+s25+$0x0] =	vst.idx.msk $0xffff, v44  }
0x16f: {  	v52 =	vxor.u32 s13, v0;
	v44 =	vmov s12;
	v20 =	vmovc v46;
	[tilespmem:v29+s25+$0x0] =	vst.idx.msk $0xffff, v41;
	v29 =	vadd.f32 v55, v43;
	v55 =	vld.idx.msk [tilespmem:v23+s25+$0x0], $0xffff  }
0x170: {  	v59 =	vand.u32 $0x7F, v26;
	v60 =	vmul.f32 v1, v11;
	v11 =	vmovc v28;
	v41 =	vand.u32 $0x7F, v42;
	v16 =	vmovc v40  }
0x171: {  	v61 =	vmovc v37;
	v28 =	vmov s13;
	v30 =	vand.u32 $0x1C00, v30;
	v40 =	vld.idx.msk [tilespmem:v27+s25+$0x0], $0xffff;
	[tilespmem:v33+s25+$0x0] =	vst.idx.msk $0xffff, v29;
	v29 =	vadd.f32 v38, v50  }
0x172: {  	v62 =	vmovc v23;
	v28 =	vshll.u32 v28, $0x3;
	v23 =	vmovc v34;
	v33 =	vshll.u32 v44, $0x3;
	v36 =	vsub.f32 v36, v7;
	v37 =	vld.idx.msk [tilespmem:v46+s25+$0x0], $0xffff  }
0x173: {  	v28 =	vand.u32 $0x1C00, v28;
	v34 =	vor.u32 v41, v30;
	[tilespmem:v32+s25+$0x0] =	vst.idx.msk $0xffff, v29;
	v32 =	vsub.f32 v39, v7  }
0x174: {  	v30 =	vmovc v47;
	v47 =	vmovc v14;
	v38 =	vand.u32 $0x7F, v52;
	v63 =	vadd.s32 v6, v34;
	v29 =	vadd.s32 v4, v34  }
0x175: {  	v14 =	vmovc v43;
	v1 =	vor.u32 v38, v28;
	v28 =	vand.u32 $0x1C00, v33;
	v32 =	vmul.f32 v32, v22  }
0x176: {  	v33 =	vand.u32 $0x7F, v48;
	v38 =	vadd.s32 v4, v1;
	v36 =	vmul.f32 v36, v22;
	v43 =	vld.idx.msk [tilespmem:v24+s25+$0x0], $0xffff  }
0x177: {  	v46 =	vor.u32 v33, v45;
	v40 =	vsub.f32 v40, v8;
	v45 =	vmul.f32 v32, v15;
	v15 =	vmovc v35  }
0x178: {  	v44 =	vor.u32 v59, v28;
	v33 =	vadd.s32 v4, v46;
	v28 =	vmul.f32 v36, v53;
	v39 =	vld.idx.msk [tilespmem:v52+s29+$0x0], $0xffff  }
0x179: {  	v32 =	vadd.s32 v4, v44;
	v37 =	vsub.f32 v37, v8;
	v40 =	vmul.f32 v40, v17;
	v35 =	vld.idx.msk [tilespmem:v29+s25+$0x0], $0xffff  }
0x17a: {  	v53 =	vsub.f32 v54, v8;
	v36 =	vadd.s32 v6, v31;
	v31 =	vadd.f32 v45, v25;
	v41 =	vld.idx.msk [tilespmem:v42+s29+$0x0], $0xffff  }
0x17b: {  	v54 =	vadd.f32 v28, v56;
	v45 =	vsub.f32 v55, v7;
	v40 =	vmul.f32 v40, v11;
	v25 =	vld.idx.msk [tilespmem:v38+s25+$0x0], $0xffff  }
0x17c: {  	v55 =	vmul.f32 v37, v17;
	v37 =	vsub.f32 v43, v8;
	v43 =	vadd.f32 v60, v57;
	v28 =	vld.idx.msk [tilespmem:v42+s28+$0x0], $0xffff  }
0x17d: {  	v53 =	vmul.f32 v53, v17;
	v57 =	vadd.f32 v40, v13;
	v40 =	vmul.f32 v45, v22;
	v56 =	vld.idx.msk [tilespmem:v33+s25+$0x0], $0xffff  }
0x17e: {  	v45 =	vadd.s32 v5, v44;
	v37 =	vmul.f32 v37, v17;
	v42 =	vld.idx.msk [tilespmem:v52+s28+$0x0], $0xffff;
	[tilespmem:v58+s25+$0x0] =	vst.idx.msk $0xffff, v54  }
0x17f: {  	v53 =	vmul.f32 v53, v10;
	v35 =	vsub.f32 v35, v9;
	v51 =	vmul.f32 v40, v51;
	v52 =	vld.idx.msk [tilespmem:v32+s25+$0x0], $0xffff  }
0x180: {  	v54 =	vmul.f32 v37, v15;
	v37 =	vadd.s32 v6, v49;
	v40 =	vld.idx.msk [tilespmem:v48+s28+$0x0], $0xffff;
	[tilespmem:v27+s25+$0x0] =	vst.idx.msk $0xffff, v57  }
0x181: {  	v49 =	vsub.f32 v25, v9;
	v57 =	vmul.f32 v35, v19;
	v47 =	vadd.f32 v51, v47;
	v58 =	vld.idx.msk [tilespmem:v21+s25+$0x0], $0xffff  }
0x182: {  	v27 =	vadd.s32 v5, v34;
	v34 =	vadd.s32 v6, v46;
	v51 =	vmul.f32 v55, v16;
	v25 =	vmovc v50  }
.Ltmp1:
0x183: {  	v55 =	vmul.f32 v49, v19;
	v56 =	vsub.f32 v56, v9;
	v35 =	vld.idx.msk [tilespmem:v26+s28+$0x0], $0xffff;
	[tilespmem:v61+s25+$0x0] =	vst.idx.msk $0xffff, v31;
	(pc) =	sbr.rel @p0 .LBB2_4-.Ltmp1, $4  }
0x184: {  	v50 =	vmul.f32 v57, v28;
	v49 =	vadd.f32 v53, v12;
	v31 =	vmov v1;
	[tilespmem:v62+s25+$0x0] =	vst.idx.msk $0xffff, v47  }
0x185: {  	v1 =	vmul.f32 v55, v42;
	v52 =	vsub.f32 v52, v9;
	[tilespmem:v18+s25+$0x0] =	vst.idx.msk $0xffff, v43;
	v18 =	vmov v21  }
0x186: {  	v53 =	vadd.f32 v54, v25;
	v47 =	vadd.s32 v5, v31;
	v55 =	vmul.f32 v56, v19;
	v21 =	vmovc v63  }
0x187: {  	v54 =	vadd.f32 v1, v39;
	v43 =	vld.idx.msk [tilespmem:v48+s29+$0x0], $0xffff;
	v48 =	vmul.f32 v52, v19;
	v52 =	vsub.f32 v58, v7  }
0x188: {  	_ =	sdelay $0x3  }
0x189: {  	v1 =	vld.idx.msk [tilespmem:v26+s29+$0x0], $0xffff;
	_ =	sdelay $0x1  }
0x18a: {  	v19 =	vmul.f32 v55, v40;
	v26 =	vadd.s32 v5, v46  }
0x18b: {  	v9 =	vmul.f32 v48, v35  }
0x18c: {  	v19 =	vadd.f32 v19, v43  }
0x18d: {  	[tilespmem:v38+s25+$0x0] =	vst.idx.msk $0xffff, v54;
	v9 =	vadd.f32 v9, v1  }
0x18e: {  	v62 =	vadd.f32 v50, v41;
	v63 =	vld.idx.msk [tilespmem:v47+s25+$0x0], $0xffff;
	[tilespmem:v33+s25+$0x0] =	vst.idx.msk $0xffff, v19  }
0x18f: {  	[tilespmem:v32+s25+$0x0] =	vst.idx.msk $0xffff, v9;
	v19 =	vld.idx.msk [tilespmem:v26+s25+$0x0], $0xffff  }
0x190: {  	[tilespmem:v29+s25+$0x0] =	vst.idx.msk $0xffff, v62;
	v9 =	vld.idx.msk [tilespmem:v45+s25+$0x0], $0xffff  }
0x191: {  	v29 =	vld.idx.msk [tilespmem:v27+s25+$0x0], $0xffff;
	_ =	sdelay $0x1  }
0x192: {  	[tilespmem:v24+s25+$0x0] =	vst.idx.msk $0xffff, v53;
	v48 =	vsub.f32 v63, v8  }
0x193: {  	[tilespmem:v30+s25+$0x0] =	vst.idx.msk $0xffff, v49;
	v24 =	vld.idx.msk [tilespmem:v37+s25+$0x0], $0xffff;
	v19 =	vsub.f32 v19, v8  }
0x194: {  	v53 =	vadd.f32 v51, v14;
	v30 =	vmul.f32 v48, v17;
	v9 =	vsub.f32 v9, v8  }
0x195: {  	v50 =	vld.idx.msk [tilespmem:v36+s25+$0x0], $0xffff;
	v8 =	vsub.f32 v29, v8;
	v19 =	vmul.f32 v19, v17  }
0x196: {  	[tilespmem:v20+s25+$0x0] =	vst.idx.msk $0xffff, v53;
	v30 =	vmul.f32 v30, v42;
	v9 =	vmul.f32 v9, v17  }
0x197: {  	v29 =	vadd.s32 v6, v31;
	v8 =	vmul.f32 v8, v17;
	v19 =	vmul.f32 v19, v40  }
0x198: {  	v24 =	vsub.f32 v24, v7;
	v20 =	vadd.f32 v30, v39;
	v9 =	vmul.f32 v9, v35  }
0x199: {  	v30 =	vld.idx.msk [tilespmem:v23+s25+$0x0], $0xffff;
	v17 =	vadd.s32 v6, v44;
	v8 =	vmul.f32 v8, v28;
	v19 =	vadd.f32 v19, v43  }
0x19a: {  	v31 =	vsub.f32 v50, v7;
	[tilespmem:v47+s25+$0x0] =	vst.idx.msk $0xffff, v20;
	v9 =	vadd.f32 v9, v1  }
0x19b: {  	v8 =	vadd.f32 v8, v41;
	[tilespmem:v26+s25+$0x0] =	vst.idx.msk $0xffff, v19  }
0x19c: {  	v20 =	vmul.f32 v24, v22;
	v24 =	vmul.f32 v31, v22;
	[tilespmem:v45+s25+$0x0] =	vst.idx.msk $0xffff, v9;
	v9 =	vld.idx.msk [tilespmem:v29+s25+$0x0], $0xffff  }
0x19d: {  	[tilespmem:v27+s25+$0x0] =	vst.idx.msk $0xffff, v8;
	v8 =	vld.idx.msk [tilespmem:v34+s25+$0x0], $0xffff  }
0x19e: {  	v15 =	vmul.f32 v20, v15;
	v10 =	vmul.f32 v24, v10;
	v20 =	vsub.f32 v30, v7;
	v31 =	vld.idx.msk [tilespmem:v17+s25+$0x0], $0xffff  }
0x19f: {  	v19 =	vmul.f32 v52, v22;
	v24 =	vld.idx.msk [tilespmem:v21+s25+$0x0], $0xffff  }
0x1a0: {  	v10 =	vadd.f32 v10, v12;
	v12 =	vmul.f32 v20, v22  }
0x1a1: {  	v11 =	vmul.f32 v19, v11;
	v9 =	vsub.f32 v9, v7  }
0x1a2: {  	v15 =	vadd.f32 v15, v25;
	v12 =	vmul.f32 v12, v16;
	v8 =	vsub.f32 v8, v7  }
0x1a3: {  	v11 =	vadd.f32 v11, v13;
	v13 =	vsub.f32 v31, v7;
	v9 =	vmul.f32 v9, v22  }
0x1a4: {  	[tilespmem:v36+s25+$0x0] =	vst.idx.msk $0xffff, v10;
	v7 =	vsub.f32 v24, v7;
	v8 =	vmul.f32 v8, v22  }
0x1a5: {  	v12 =	vadd.f32 v12, v14;
	v10 =	vmul.f32 v13, v22;
	v9 =	vmul.f32 v9, v42  }
0x1a6: {  	[tilespmem:v37+s25+$0x0] =	vst.idx.msk $0xffff, v15;
	v7 =	vmul.f32 v7, v22;
	v8 =	vmul.f32 v8, v40  }
0x1a7: {  	[tilespmem:v23+s25+$0x0] =	vst.idx.msk $0xffff, v12;
	v10 =	vmul.f32 v10, v35;
	v9 =	vadd.f32 v9, v39  }
0x1a8: {  	[tilespmem:v18+s25+$0x0] =	vst.idx.msk $0xffff, v11;
	v7 =	vmul.f32 v7, v28;
	v8 =	vadd.f32 v8, v43  }
0x1a9: {  	v1 =	vadd.f32 v10, v1;
	[tilespmem:v29+s25+$0x0] =	vst.idx.msk $0xffff, v9  }
0x1aa: {  	v7 =	vadd.f32 v7, v41;
	[tilespmem:v34+s25+$0x0] =	vst.idx.msk $0xffff, v8  }
0x1ab: {  	[tilespmem:v17+s25+$0x0] =	vst.idx.msk $0xffff, v1  }
0x1ac: {  	[tilespmem:v21+s25+$0x0] =	vst.idx.msk $0xffff, v7  }
0x1ad: {  	s7 =	simm.s32 $0x0;
	s10 =	rddreg [dreg:$0xb]  }
0x1ae: {  	[hbm4b:s10+s7] =	stream.linear.scatter [tilespmem:s25], [sflag:$0x4], $0x9000, $0x38;
	[tilespmem:$0x1BA00] =	vst v63  }
0x1af: {  	_ =	swait.ge [sflag:s2], $0x9000  }
0x1b0: {  	[sflag:s2] =	ssyncset.done $0x0  }
0x1b1: {  	[sflag:s2] =	ssyncadd.s32 $0xFFFF7000  }
0x1b2: {  	v1 =	vld [tilespmem:$0x60];
	_ =	sdelay $0x3  }
0x1b3: {  	v8 =	vld [tilespmem:$0x1FFF0]  }
0x1b4: {  	v7 =	vshrl.u32 v1, $0x3  }
0x1b5: {  	v7 =	vmul.u32 $0x30, v7  }
0x1b6: {  	v1 =	vand.u32 $0x7, v1  }
0x1b7: {  	v1 =	vor.u32 v1, v7  }
0x1b8: {  	v7 =	vperm.xlane v1, v8;
	_ =	sdelay $0x1  }
0x1b9: {  	v7 =	vadd.s32 v2, v7;
	_ =	sdelay $0x3  }
0x1ba: {  	v1 =	vperm.xlane v1, v3  }
0x1bb: {  	[tilespmem:s25], [sflag:$0x1] =	stream.indirect_vreg.gather [hbm4b:s0+s7], $0x80, v7, vm0, $0xb8;
	[tilespmem:$0x1BA00] =	vst v63  }
0x1bc: {  	s13 =	simm.s32 $0x900;
	v1 =	vadd.s32 v2, v1  }
0x1bd: {  	[tilespmem:s13], [sflag:$0x1] =	stream.indirect_vreg.gather [hbm4b:s8+s7], $0x80, v7, vm0, $0xb8;
	[tilespmem:$0x1BA00] =	vst v63  }
0x1be: {  	s11 =	simm.s32 $0x1100  }
0x1bf: {  	[tilespmem:s11], [sflag:$0x1] =	stream.indirect_vreg.gather [hbm4b:s9+s7], $0x80, v7, vm0, $0xb8;
	[tilespmem:$0x1BA00] =	vst v63  }
0x1c0: {  	s12 =	simm.s32 $0x1900  }
0x1c1: {  	[tilespmem:s12], [sflag:$0x1] =	stream.indirect_vreg.gather [hbm4b:s0+s7], $0x80, v1, vm0, $0xb8;
	[tilespmem:$0x1BA00] =	vst v63  }
0x1c2: {  	s13 =	simm.s32 $0x2100  }
0x1c3: {  	[tilespmem:s13], [sflag:$0x1] =	stream.indirect_vreg.gather [hbm4b:s8+s7], $0x80, v1, vm0, $0xb8;
	[tilespmem:$0x1BA00] =	vst v63  }
0x1c4: {  	s11 =	simm.s32 $0x2900  }
0x1c5: {  	[tilespmem:s11], [sflag:$0x1] =	stream.indirect_vreg.gather [hbm4b:s9+s7], $0x80, v1, vm0, $0xb8;
	[tilespmem:$0x1BA00] =	vst v63  }
0x1c6: {  	v1 =	vld [tilespmem:$0x70];
	_ =	sdelay $0x4  }
0x1c7: {  	v7 =	vshrl.u32 v1, $0x3  }
0x1c8: {  	v7 =	vmul.u32 $0x30, v7  }
0x1c9: {  	v1 =	vand.u32 $0x7, v1  }
0x1ca: {  	v1 =	vor.u32 v1, v7  }
0x1cb: {  	v7 =	vperm.xlane v1, v8;
	_ =	sdelay $0x1  }
0x1cc: {  	v7 =	vadd.s32 v2, v7;
	_ =	sdelay $0x3  }
0x1cd: {  	s12 =	simm.s32 $0x3100;
	v1 =	vperm.xlane v1, v3  }
0x1ce: {  	[tilespmem:s12], [sflag:$0x1] =	stream.indirect_vreg.gather [hbm4b:s0+s7], $0x80, v7, vm0, $0xb8;
	[tilespmem:$0x1BA00] =	vst v63  }
0x1cf: {  	s13 =	simm.s32 $0x3900;
	v1 =	vadd.s32 v2, v1  }
0x1d0: {  	[tilespmem:s13], [sflag:$0x1] =	stream.indirect_vreg.gather [hbm4b:s8+s7], $0x80, v7, vm0, $0xb8;
	[tilespmem:$0x1BA00] =	vst v63  }
0x1d1: {  	s11 =	simm.s32 $0x4100  }
0x1d2: {  	[tilespmem:s11], [sflag:$0x1] =	stream.indirect_vreg.gather [hbm4b:s9+s7], $0x80, v7, vm0, $0xb8;
	[tilespmem:$0x1BA00] =	vst v63  }
0x1d3: {  	s12 =	simm.s32 $0x4900  }
0x1d4: {  	[tilespmem:s12], [sflag:$0x1] =	stream.indirect_vreg.gather [hbm4b:s0+s7], $0x80, v1, vm0, $0xb8;
	[tilespmem:$0x1BA00] =	vst v63  }
0x1d5: {  	s13 =	simm.s32 $0x5100  }
0x1d6: {  	[tilespmem:s13], [sflag:$0x1] =	stream.indirect_vreg.gather [hbm4b:s8+s7], $0x80, v1, vm0, $0xb8;
	[tilespmem:$0x1BA00] =	vst v63  }
0x1d7: {  	s11 =	simm.s32 $0x5900  }
0x1d8: {  	[tilespmem:s11], [sflag:$0x1] =	stream.indirect_vreg.gather [hbm4b:s9+s7], $0x80, v1, vm0, $0xb8;
	[tilespmem:$0x1BA00] =	vst v63  }
0x1d9: {  	v1 =	vld [tilespmem:$0x80];
	_ =	sdelay $0x4  }
0x1da: {  	v7 =	vshrl.u32 v1, $0x3  }
0x1db: {  	v7 =	vmul.u32 $0x30, v7  }
0x1dc: {  	v1 =	vand.u32 $0x7, v1  }
0x1dd: {  	v1 =	vor.u32 v1, v7  }
0x1de: {  	v7 =	vperm.xlane v1, v8;
	_ =	sdelay $0x1  }
0x1df: {  	v7 =	vadd.s32 v2, v7;
	_ =	sdelay $0x3  }
0x1e0: {  	s12 =	simm.s32 $0x6100;
	v1 =	vperm.xlane v1, v3  }
0x1e1: {  	[tilespmem:s12], [sflag:$0x1] =	stream.indirect_vreg.gather [hbm4b:s0+s7], $0x80, v7, vm0, $0xb8;
	[tilespmem:$0x1BA00] =	vst v63  }
0x1e2: {  	s13 =	simm.s32 $0x6900;
	v1 =	vadd.s32 v2, v1  }
0x1e3: {  	[tilespmem:s13], [sflag:$0x1] =	stream.indirect_vreg.gather [hbm4b:s8+s7], $0x80, v7, vm0, $0xb8;
	[tilespmem:$0x1BA00] =	vst v63  }
0x1e4: {  	_ = 	snop  }
0x1e5: {  	[tilespmem:s14], [sflag:$0x1] =	stream.indirect_vreg.gather [hbm4b:s9+s7], $0x80, v7, vm0, $0xb8;
	[tilespmem:$0x1BA00] =	vst v63  }
0x1e6: {  	_ = 	snop  }
0x1e7: {  	[tilespmem:s15], [sflag:$0x1] =	stream.indirect_vreg.gather [hbm4b:s0+s7], $0x80, v1, vm0, $0xb8;
	[tilespmem:$0x1BA00] =	vst v63  }
0x1e8: {  	s11 =	simm.s32 $0x1  }
0x1e9: {  	[tilespmem:s16], [sflag:$0x1] =	stream.indirect_vreg.gather [hbm4b:s8+s7], $0x80, v1, vm0, $0xb8;
	[tilespmem:$0x1BA00] =	vst v63  }
0x1ea: {  	v7 =	vmov s11  }
0x1eb: {  	v7 =	vshll.u32 v7, $0x3;
	[tilespmem:s17], [sflag:$0x1] =	stream.indirect_vreg.gather [hbm4b:s9+s7], $0x80, v1, vm0, $0xb8;
	v1 =	vxor.u32 s11, v0;
	[tilespmem:$0x1BA00] =	vst v63  }
0x1ec: {  	s12 =	simm.s32 $0x2;
	v7 =	vand.u32 $0x1C00, v7;
	v8 =	vand.u32 $0x7F, v1  }
0x1ed: {  	_ =	swait.ge [sflag:s3], $0x9000;
	v13 =	vor.u32 v8, v7;
	v7 =	vmov s12  }
0x1ee: {  	[sflag:s3] =	ssyncset.done $0x0;
	v8 =	vxor.u32 s12, v0;
	v7 =	vshll.u32 v7, $0x3  }
0x1ef: {  	s13 =	simm.s32 $0x3;
	[sflag:s3] =	ssyncadd.s32 $0xFFFF7000;
	v10 =	vand.u32 $0x7F, v8;
	v7 =	vand.u32 $0x1C00, v7  }
0x1f0: {  	v9 =	vadd.s32 v4, v13;
	_ =	swait.ge [sflag:s1], $0x9000;
	v11 =	vor.u32 v10, v7;
	v7 =	vmov s13  }
0x1f1: {  	v10 =	vxor.u32 s13, v0;
	[sflag:s1] =	ssyncset.done $0x0;
	v7 =	vshll.u32 v7, $0x3  }
0x1f2: {  	v12 =	vadd.s32 v4, v11;
	[sflag:s1] =	ssyncadd.s32 $0xFFFF7000;
	v14 =	vand.u32 $0x7F, v10;
	v7 =	vand.u32 $0x1C00, v7  }
0x1f3: {  	v25 =	vld.idx.msk [tilespmem:v1+s26+$0x0], $0xffff;
	v16 =	vor.u32 v14, v7;
	v7 =	vmov s7  }
0x1f4: {  	v18 =	vxor.u32 s7, v0;
	v8 =	vld.idx.msk [tilespmem:v8+s26+$0x0], $0xffff;
	v7 =	vshll.u32 v7, $0x3  }
0x1f5: {  	v1 =	vand.u32 $0x7F, v18;
	v15 =	vld.idx.msk [tilespmem:v9+s18+$0x0], $0xffff;
	v17 =	vadd.s32 v4, v16;
	v7 =	vand.u32 $0x1C00, v7  }
0x1f6: {  	v14 =	vld.idx.msk [tilespmem:v9+s19+$0x0], $0xffff;
	v1 =	vor.u32 v1, v7  }
0x1f7: {  	v19 =	vld.idx.msk [tilespmem:v12+s19+$0x0], $0xffff;
	v21 =	vadd.s32 v4, v1  }
0x1f8: {  	v20 =	vld.idx.msk [tilespmem:v12+s18+$0x0], $0xffff  }
0x1f9: {  	v7 =	vld.idx.msk [tilespmem:v10+s26+$0x0], $0xffff  }
0x1fa: {  	v10 =	vld.idx.msk [tilespmem:v17+s18+$0x0], $0xffff  }
0x1fb: {  	v22 =	vld.idx.msk [tilespmem:v17+s19+$0x0], $0xffff  }
0x1fc: {  	v24 =	vadd.s32 v5, v13;
	v14 =	vadd.f32 v15, v14;
	v23 =	vld.idx.msk [tilespmem:v21+s19+$0x0], $0xffff  }
0x1fd: {  	v27 =	vadd.s32 v5, v11;
	v19 =	vadd.f32 v20, v19;
	v15 =	vld.idx.msk [tilespmem:v21+s18+$0x0], $0xffff  }
0x1fe: {  	v26 =	vadd.f32 v14, v25  }
0x1ff: {  	s10 =	simm.s32 $0x5;
	v32 =	vld.idx.msk [tilespmem:v18+s26+$0x0], $0xffff;
	v18 =	vadd.f32 v19, v8  }
0x200: {  	v28 =	vadd.s32 v5, v16;
	v14 =	vmov s10;
	[tilespmem:v9+s19+$0x0] =	vst.idx.msk $0xffff, v26;
	v10 =	vadd.f32 v10, v22  }
0x201: {  	v20 =	vadd.s32 v5, v1;
	v9 =	vshll.u32 v14, $0x3;
	v29 =	vld.idx.msk [tilespmem:v24+s18+$0x0], $0xffff;
	[tilespmem:v12+s19+$0x0] =	vst.idx.msk $0xffff, v18  }
0x202: {  	s11 =	simm.s32 $0x6;
	v19 =	vxor.u32 s10, v0;
	v30 =	vadd.f32 v10, v7;
	v49 =	vld.idx.msk [tilespmem:v27+s19+$0x0], $0xffff;
	v14 =	vadd.f32 v15, v23  }
0x203: {  	v31 =	vxor.u32 s11, v0;
	v9 =	vand.u32 $0x1C00, v9;
	v10 =	vand.u32 $0x7F, v19;
	v15 =	vld.idx.msk [tilespmem:v24+s19+$0x0], $0xffff  }
0x204: {  	s12 =	simm.s32 $0x7;
	v9 =	vor.u32 v10, v9;
	v10 =	vmov s11;
	v23 =	vld.idx.msk [tilespmem:v27+s18+$0x0], $0xffff;
	[tilespmem:v17+s19+$0x0] =	vst.idx.msk $0xffff, v30;
	v12 =	vadd.f32 v14, v32  }
0x205: {  	v58 =	vxor.u32 s12, v0;
	v17 =	vadd.s32 v4, v9;
	v10 =	vshll.u32 v10, $0x3;
	v54 =	vld.idx.msk [tilespmem:v28+s18+$0x0], $0xffff  }
0x206: {  	v13 =	vadd.s32 v6, v13;
	v14 =	vand.u32 $0x7F, v31;
	v10 =	vand.u32 $0x1C00, v10;
	[tilespmem:v21+s19+$0x0] =	vst.idx.msk $0xffff, v12;
	v21 =	vld.idx.msk [tilespmem:v28+s19+$0x0], $0xffff  }
0x207: {  	v22 =	vimm.f32 $0.0e+00;
	v14 =	vor.u32 v14, v10;
	v10 =	vmov s12;
	v55 =	vld.idx.msk [tilespmem:v20+s19+$0x0], $0xffff  }
0x208: {  	v61 =	vand.u32 $0x7F, v58;
	v10 =	vshll.u32 v10, $0x3;
	v59 =	vadd.f32 v12, v22;
	v56 =	vld.idx.msk [tilespmem:v20+s18+$0x0], $0xffff  }
0x209: {  	v37 =	vadd.s32 v4, v14;
	v62 =	vand.u32 $0x1C00, v10;
	v10 =	vadd.s32 v6, v16;
	v16 =	vld.idx.msk [tilespmem:v19+s26+$0x0], $0xffff  }
0x20a: {  	v11 =	vadd.s32 v6, v11;
	v57 =	vld.idx.msk [tilespmem:v17+s18+$0x0], $0xffff;
	v45 =	vor.u32 v61, v62;
	v19 =	vadd.f32 v26, v59  }
0x20b: {  	v63 =	vmul.f32 v26, v26;
	v23 =	vadd.f32 v23, v49;
	v60 =	vld.idx.msk [tilespmem:v17+s19+$0x0], $0xffff;
	v46 =	vadd.s32 v4, v45  }
0x20c: {  	v50 =	vmul.f32 v12, v12;
	v12 =	vadd.s32 v6, v1;
	v1 =	vadd.f32 v18, v19;
	v19 =	vld.idx.msk [tilespmem:v58+s26+$0x0], $0xffff  }
0x20d: {  	v42 =	vmul.f32 v18, v18;
	v23 =	vadd.f32 v23, v8;
	v18 =	vadd.f32 v29, v15;
	v15 =	vld.idx.msk [tilespmem:v31+s26+$0x0], $0xffff  }
0x20e: {  	v62 =	vmul.f32 v30, v30;
	v34 =	vadd.s32 v5, v45;
	v26 =	vld.idx.msk [tilespmem:v37+s19+$0x0], $0xffff;
	v21 =	vadd.f32 v54, v21  }
0x20f: {  	s13 =	simm.s32 $0x4;
	v52 =	vld.idx.msk [tilespmem:v37+s18+$0x0], $0xffff;
	[tilespmem:v27+s19+$0x0] =	vst.idx.msk $0xffff, v23;
	v51 =	vadd.f32 v56, v55;
	v18 =	vadd.f32 v18, v25  }
0x210: {  	v55 =	vxor.u32 s13, v0;
	v38 =	vadd.f32 v30, v1;
	v53 =	vadd.f32 v21, v7;
	v31 =	vld.idx.msk [tilespmem:v46+s18+$0x0], $0xffff  }
0x211: {  	v29 =	vadd.f32 v57, v60;
	v21 =	vadd.f32 v51, v32;
	[tilespmem:v24+s19+$0x0] =	vst.idx.msk $0xffff, v18;
	v59 =	vld.idx.msk [tilespmem:v46+s19+$0x0], $0xffff  }
0x212: {  	v24 =	vand.u32 $0x7F, v55;
	v58 =	vmul.f32 v18, v18;
	[tilespmem:v28+s19+$0x0] =	vst.idx.msk $0xffff, v53;
	v60 =	vld.idx.msk [tilespmem:v13+s19+$0x0], $0xffff  }
0x213: {  	v28 =	vmov s13;
	v29 =	vadd.f32 v29, v16;
	v61 =	vld.idx.msk [tilespmem:v13+s18+$0x0], $0xffff;
	v33 =	vadd.f32 v21, v22;
	[tilespmem:v20+s19+$0x0] =	vst.idx.msk $0xffff, v21  }
0x214: {  	v20 =	vmul.f32 v21, v21;
	v54 =	vld.idx.msk [tilespmem:v10+s19+$0x0], $0xffff;
	v21 =	vshll.u32 v28, $0x3;
	v28 =	vadd.f32 v50, v22  }
0x215: {  	v36 =	vmul.f32 v53, v53;
	v56 =	vld.idx.msk [tilespmem:v10+s18+$0x0], $0xffff;
	v26 =	vadd.f32 v52, v26;
	v21 =	vand.u32 $0x1C00, v21  }
0x216: {  	v57 =	vld.idx.msk [tilespmem:v12+s19+$0x0], $0xffff;
	[tilespmem:v17+s19+$0x0] =	vst.idx.msk $0xffff, v29;
	v20 =	vadd.f32 v20, v22;
	v28 =	vadd.f32 v63, v28  }
0x217: {  	v24 =	vor.u32 v24, v21;
	v26 =	vadd.f32 v26, v15;
	v18 =	vadd.f32 v18, v33;
	v63 =	vld.idx.msk [tilespmem:v12+s18+$0x0], $0xffff  }
0x218: {  	v35 =	vadd.s32 v4, v24;
	v21 =	vadd.s32 v5, v24;
	v1 =	vadd.f32 v31, v59  }
0x219: {  	v27 =	vadd.f32 v42, v28;
	v20 =	vadd.f32 v58, v20;
	v28 =	vmul.f32 v23, v23  }
0x21a: {  	v41 =	vld.idx.msk [tilespmem:v11+s19+$0x0], $0xffff;
	v31 =	vadd.s32 v5, v9;
	v23 =	vadd.f32 v23, v18;
	v49 =	vadd.f32 v61, v60  }
0x21b: {  	v43 =	vld.idx.msk [tilespmem:v11+s18+$0x0], $0xffff;
	v18 =	vadd.s32 v6, v45;
	v40 =	vadd.f32 v56, v54;
	v39 =	vadd.f32 v28, v20  }
0x21c: {  	v17 =	vld.idx.msk [tilespmem:v55+s26+$0x0], $0xffff;
	[tilespmem:v37+s19+$0x0] =	vst.idx.msk $0xffff, v26;
	v20 =	vadd.f32 v1, v19;
	v1 =	vadd.f32 v63, v57  }
0x21d: {  	v28 =	vadd.f32 v62, v27;
	v30 =	vadd.f32 v53, v23;
	v23 =	vadd.s32 v5, v14;
	v42 =	vld.idx.msk [tilespmem:v35+s19+$0x0], $0xffff  }
0x21e: {  	s7 =	simm.s32 $0x8;
	v33 =	vimm.f32 $0.0e+00;
	v25 =	vadd.f32 v49, v25;
	v44 =	vld.idx.msk [tilespmem:v35+s18+$0x0], $0xffff;
	[tilespmem:v46+s19+$0x0] =	vst.idx.msk $0xffff, v20;
	v27 =	vadd.f32 v1, v32  }
.LBB2_6:
0x21f: {  	s11 =	sadd.s32 $0x1, s7;
	v37 =	vmul.f32 v29, v29  }
0x220: {  	p0 =	slt.u32 s7, $0x2FC;
	v1 =	vadd.f32 v43, v41;
	v40 =	vadd.f32 v40, v7;
	v32 =	vmovc v16;
	v7 =	vmov v19;
	s10 =	smov.u32 s7;
	s7 =	sadd.s32 $0x4, s7  }
0x221: {  	v16 =	vmov s11;
	v19 =	vxor.u32 s11, v0;
	v41 =	vmul.f32 v27, v27;
	[tilespmem:v13+s19+$0x0] =	vst.idx.msk $0xffff, v25  }
0x222: {  	v13 =	vand.u32 $0x7F, v19;
	v16 =	vshll.u32 v16, $0x3;
	v43 =	vld.idx.msk [tilespmem:v31+s18+$0x0], $0xffff;
	v1 =	vadd.f32 v1, v8;
	[tilespmem:v10+s19+$0x0] =	vst.idx.msk $0xffff, v40  }
0x223: {  	v49 =	vadd.f32 v44, v42;
	s11 =	sadd.s32 $0x2, s10;
	v8 =	vand.u32 $0x1C00, v16;
	[tilespmem:v12+s19+$0x0] =	vst.idx.msk $0xffff, v27;
	v12 =	vmul.f32 v40, v40  }
0x224: {  	v48 =	vmov s11;
	v16 =	vmul.f32 v25, v25;
	v42 =	vor.u32 v13, v8;
	v13 =	vld.idx.msk [tilespmem:v31+s19+$0x0], $0xffff;
	[tilespmem:v11+s19+$0x0] =	vst.idx.msk $0xffff, v1  }
0x225: {  	v22 =	vadd.f32 v41, v22;
	v11 =	vadd.f32 v49, v17;
	v44 =	vadd.s32 v4, v42;
	v45 =	vld.idx.msk [tilespmem:v23+s18+$0x0], $0xffff  }
0x226: {  	v10 =	vmovc v18;
	v41 =	vxor.u32 s11, v0;
	v46 =	vshll.u32 v48, $0x3;
	v27 =	vadd.f32 v27, v33;
	v47 =	vld.idx.msk [tilespmem:v34+s18+$0x0], $0xffff;
	v8 =	vmovc v15  }
0x227: {  	v18 =	vand.u32 $0x1C00, v46;
	v16 =	vadd.f32 v16, v22;
	v15 =	vand.u32 $0x7F, v41;
	[tilespmem:v35+s19+$0x0] =	vst.idx.msk $0xffff, v11;
	v35 =	vld.idx.msk [tilespmem:v34+s19+$0x0], $0xffff  }
0x228: {  	s11 =	sadd.s32 $0x3, s10;
	v22 =	vadd.f32 v25, v27;
	v18 =	vor.u32 v15, v18;
	v15 =	vadd.f32 v11, v38;
	v38 =	vld.idx.msk [tilespmem:v21+s19+$0x0], $0xffff  }
0x229: {  	v36 =	vadd.f32 v36, v39;
	v27 =	vmov s11;
	v25 =	vadd.s32 v4, v18;
	v46 =	vld.idx.msk [tilespmem:v21+s18+$0x0], $0xffff  }
0x22a: {  	v48 =	vxor.u32 s11, v0;
	v33 =	vmul.f32 v1, v1;
	v27 =	vshll.u32 v27, $0x3;
	v39 =	vld.idx.msk [tilespmem:v44+s18+$0x0], $0xffff  }
0x22b: {  	v50 =	vand.u32 $0x7F, v48;
	v27 =	vand.u32 $0x1C00, v27;
	v1 =	vadd.f32 v1, v22;
	v49 =	vld.idx.msk [tilespmem:v44+s19+$0x0], $0xffff  }
0x22c: {  	v22 =	vadd.f32 v33, v16;
	v27 =	vor.u32 v50, v27;
	v50 =	vmul.f32 v26, v26;
	v51 =	vld.idx.msk [tilespmem:v23+s19+$0x0], $0xffff  }
0x22d: {  	v52 =	vadd.s32 v4, v27;
	v15 =	vadd.f32 v29, v15;
	v33 =	vadd.f32 v40, v1;
	v16 =	vld.idx.msk [tilespmem:v19+s26+$0x0], $0xffff  }
0x22e: {  	v29 =	vmul.f32 v11, v11;
	v22 =	vadd.f32 v12, v22;
	v35 =	vadd.f32 v47, v35;
	v1 =	vld.idx.msk [tilespmem:v25+s19+$0x0], $0xffff  }
0x22f: {  	v12 =	vadd.s32 v6, v24;
	v38 =	vadd.f32 v46, v38;
	v46 =	vadd.f32 v26, v15;
	v40 =	vld.idx.msk [tilespmem:v25+s18+$0x0], $0xffff  }
0x230: {  	v24 =	vadd.f32 v43, v13;
	v11 =	vadd.s32 v6, v14;
	v47 =	vadd.f32 v35, v7;
	v19 =	vld.idx.msk [tilespmem:v48+s26+$0x0], $0xffff  }
0x231: {  	v13 =	vadd.s32 v6, v9;
	v26 =	vadd.f32 v39, v49;
	v14 =	vadd.f32 v38, v17;
	v15 =	vld.idx.msk [tilespmem:v41+s26+$0x0], $0xffff  }
0x232: {  	v38 =	vadd.f32 v24, v32;
	v41 =	vadd.f32 v45, v51;
	v39 =	vld.idx.msk [tilespmem:v52+s18+$0x0], $0xffff;
	[tilespmem:v34+s19+$0x0] =	vst.idx.msk $0xffff, v47  }
0x233: {  	v35 =	vmov s10;
	v30 =	vadd.f32 v14, v30;
	[tilespmem:v21+s19+$0x0] =	vst.idx.msk $0xffff, v14;
	v21 =	vmul.f32 v14, v14;
	v34 =	vld.idx.msk [tilespmem:v10+s19+$0x0], $0xffff  }
0x234: {  	v28 =	vadd.f32 v29, v28;
	v35 =	vshll.u32 v35, $0x3;
	v45 =	vxor.u32 s10, v0;
	[tilespmem:v31+s19+$0x0] =	vst.idx.msk $0xffff, v38;
	v31 =	vld.idx.msk [tilespmem:v10+s18+$0x0], $0xffff  }
0x235: {  	v9 =	vmovc v42;
	v29 =	vand.u32 $0x1C00, v35;
	v24 =	vand.u32 $0x7F, v45;
	v43 =	vmul.f32 v38, v38;
	v14 =	vmovc v18;
	v48 =	vld.idx.msk [tilespmem:v12+s19+$0x0], $0xffff  }
0x236: {  	v24 =	vor.u32 v24, v29;
	v1 =	vadd.f32 v40, v1;
	v42 =	vadd.f32 v21, v36;
	v18 =	vld.idx.msk [tilespmem:v52+s19+$0x0], $0xffff  }
0x237: {  	v51 =	vadd.f32 v41, v8;
	v35 =	vadd.s32 v4, v24;
	v21 =	vadd.s32 v5, v24;
	v49 =	vld.idx.msk [tilespmem:v13+s19+$0x0], $0xffff  }
0x238: {  	v53 =	vmul.f32 v20, v20;
	v28 =	vadd.f32 v37, v28;
	v29 =	vadd.f32 v26, v16;
	v37 =	vld.idx.msk [tilespmem:v13+s18+$0x0], $0xffff  }
0x239: {  	v30 =	vadd.f32 v38, v30;
	v26 =	vadd.f32 v1, v15;
	v1 =	vld.idx.msk [tilespmem:v12+s18+$0x0], $0xffff;
	[tilespmem:v23+s19+$0x0] =	vst.idx.msk $0xffff, v51  }
0x23a: {  	v36 =	vmul.f32 v47, v47;
	v23 =	vadd.f32 v50, v28;
	v40 =	vadd.f32 v31, v34;
	v41 =	vld.idx.msk [tilespmem:v11+s19+$0x0], $0xffff  }
0x23b: {  	v38 =	vadd.f32 v20, v46;
	v28 =	vadd.f32 v43, v42;
	v31 =	vmul.f32 v51, v51;
	v43 =	vld.idx.msk [tilespmem:v11+s18+$0x0], $0xffff  }
0x23c: {  	v30 =	vadd.f32 v51, v30;
	v20 =	vadd.f32 v39, v18;
	v42 =	vld.idx.msk [tilespmem:v35+s19+$0x0], $0xffff;
	[tilespmem:v44+s19+$0x0] =	vst.idx.msk $0xffff, v29  }
.Ltmp2:
0x23d: {  	v39 =	vadd.f32 v31, v28;
	v28 =	vadd.f32 v53, v23;
	v44 =	vld.idx.msk [tilespmem:v35+s18+$0x0], $0xffff;
	(pc) =	sbr.rel @p0 .LBB2_6-.Ltmp2, $4  }
0x23e: {  	v30 =	vadd.f32 v47, v30;
	v18 =	vadd.s32 v6, v27;
	v37 =	vadd.f32 v37, v49  }
0x23f: {  	v31 =	vadd.s32 v5, v9;
	v20 =	vadd.f32 v20, v19;
	v1 =	vadd.f32 v1, v48  }
0x240: {  	v34 =	vadd.s32 v5, v27;
	v23 =	vadd.s32 v5, v14;
	[tilespmem:v25+s19+$0x0] =	vst.idx.msk $0xffff, v26  }
0x241: {  	v27 =	vadd.f32 v1, v17;
	v25 =	vadd.f32 v37, v32;
	[tilespmem:v52+s19+$0x0] =	vst.idx.msk $0xffff, v20;
	v17 =	vld.idx.msk [tilespmem:v45+s26+$0x0], $0xffff  }
0x242: {  	_ =	sdelay $0x3  }
0x243: {  	v1 =	vadd.f32 v44, v42;
	v37 =	vld.idx.msk [tilespmem:v31+s18+$0x0], $0xffff  }
0x244: {  	v59 =	vld.idx.msk [tilespmem:v34+s18+$0x0], $0xffff  }
0x245: {  	v60 =	vld.idx.msk [tilespmem:v34+s19+$0x0], $0xffff;
	v1 =	vadd.f32 v1, v17  }
0x246: {  	v63 =	vadd.f32 v40, v7;
	v7 =	vld.idx.msk [tilespmem:v31+s19+$0x0], $0xffff  }
0x247: {  	v50 =	vld.idx.msk [tilespmem:v23+s18+$0x0], $0xffff;
	v32 =	vmul.f32 v27, v27;
	[tilespmem:v35+s19+$0x0] =	vst.idx.msk $0xffff, v1  }
0x248: {  	v41 =	vadd.f32 v43, v41;
	v33 =	vadd.f32 v27, v33;
	v61 =	vld.idx.msk [tilespmem:v21+s19+$0x0], $0xffff  }
0x249: {  	v36 =	vadd.f32 v36, v39;
	v62 =	vmul.f32 v25, v25;
	v45 =	vadd.f32 v32, v22;
	v46 =	vld.idx.msk [tilespmem:v21+s18+$0x0], $0xffff  }
0x24a: {  	v53 =	vld.idx.msk [tilespmem:v23+s19+$0x0], $0xffff;
	v24 =	vadd.s32 v6, v24;
	v22 =	vadd.f32 v41, v8;
	v33 =	vadd.f32 v25, v33  }
0x24b: {  	v54 =	vadd.s32 v6, v9;
	v48 =	vadd.f32 v62, v45;
	v7 =	vadd.f32 v37, v7  }
0x24c: {  	v14 =	vadd.s32 v6, v14;
	v52 =	vadd.f32 v22, v33;
	v35 =	vadd.f32 v59, v60  }
0x24d: {  	v8 =	vmul.f32 v29, v29;
	v38 =	vadd.f32 v1, v38;
	v7 =	vadd.f32 v7, v16  }
0x24e: {  	v51 =	vmul.f32 v22, v22;
	v35 =	vadd.f32 v35, v19;
	v43 =	vadd.f32 v46, v61  }
0x24f: {  	v57 =	vadd.f32 v50, v53;
	v1 =	vmul.f32 v1, v1;
	[tilespmem:v31+s19+$0x0] =	vst.idx.msk $0xffff, v7  }
0x250: {  	v9 =	vadd.f32 v29, v38;
	[tilespmem:v34+s19+$0x0] =	vst.idx.msk $0xffff, v35;
	v58 =	vld.idx.msk [tilespmem:v54+s19+$0x0], $0xffff;
	v29 =	vadd.f32 v43, v17  }
0x251: {  	v49 =	vmul.f32 v63, v63;
	v39 =	vadd.f32 v51, v48;
	v55 =	vadd.f32 v63, v52;
	v56 =	vld.idx.msk [tilespmem:v18+s19+$0x0], $0xffff  }
0x252: {  	v1 =	vadd.f32 v1, v28;
	v38 =	vadd.f32 v57, v15;
	[tilespmem:v21+s19+$0x0] =	vst.idx.msk $0xffff, v29;
	v21 =	vld.idx.msk [tilespmem:v18+s18+$0x0], $0xffff  }
0x253: {  	v39 =	vadd.f32 v49, v39;
	v9 =	vadd.f32 v26, v9;
	v31 =	vmul.f32 v29, v29;
	v28 =	vld.idx.msk [tilespmem:v24+s19+$0x0], $0xffff  }
0x254: {  	v26 =	vmul.f32 v26, v26;
	v1 =	vadd.f32 v8, v1;
	v29 =	vadd.f32 v29, v30;
	v8 =	vld.idx.msk [tilespmem:v24+s18+$0x0], $0xffff  }
0x255: {  	v59 =	vld.idx.msk [tilespmem:v54+s18+$0x0], $0xffff;
	[tilespmem:v23+s19+$0x0] =	vst.idx.msk $0xffff, v38;
	v30 =	vmul.f32 v7, v7;
	v31 =	vadd.f32 v31, v36  }
0x256: {  	v23 =	vld.idx.msk [tilespmem:v14+s19+$0x0], $0xffff;
	v1 =	vadd.f32 v26, v1;
	v7 =	vadd.f32 v7, v29  }
0x257: {  	v9 =	vadd.f32 v20, v9;
	v29 =	vmul.f32 v38, v38;
	v26 =	vadd.f32 v30, v31;
	v30 =	vld.idx.msk [tilespmem:v14+s18+$0x0], $0xffff  }
0x258: {  	v31 =	vmul.f32 v20, v20;
	v7 =	vadd.f32 v38, v7;
	v21 =	vadd.f32 v21, v56  }
0x259: {  	v20 =	vadd.f32 v29, v26;
	v8 =	vadd.f32 v8, v28  }
0x25a: {  	v1 =	vadd.f32 v31, v1;
	v26 =	vadd.f32 v59, v58  }
0x25b: {  	v7 =	vadd.f32 v35, v7;
	v19 =	vadd.f32 v21, v19  }
0x25c: {  	v9 =	vmul.f32 $1.302083370e-03, v9;
	v17 =	vadd.f32 v8, v17;
	v23 =	vadd.f32 v30, v23  }
0x25d: {  	v8 =	vmul.f32 v35, v35;
	v16 =	vadd.f32 v26, v16;
	v1 =	vmul.f32 $1.302083370e-03, v1  }
0x25e: {  	v21 =	vmul.f32 v17, v17;
	v15 =	vadd.f32 v23, v15;
	v23 =	vadd.f32 v17, v55  }
0x25f: {  	v26 =	vmul.f32 v9, v9;
	v20 =	vadd.f32 v8, v20;
	v8 =	vmul.f32 $1.302083370e-03, v7  }
0x260: {  	v7 =	vmul.f32 v16, v16;
	v21 =	vadd.f32 v21, v39;
	v23 =	vadd.f32 v16, v23  }
0x261: {  	v1 =	vsub.f32 v1, v26;
	v20 =	vmul.f32 $1.302083370e-03, v20;
	v26 =	vmul.f32 v8, v8  }
0x262: {  	v7 =	vadd.f32 v7, v21;
	v21 =	vmul.f32 v15, v15;
	v23 =	vadd.f32 v15, v23  }
0x263: {  	v1 =	vadd.f32 $9.999999960e-13, v1;
	v20 =	vsub.f32 v20, v26  }
0x264: {  	v26 =	vmul.f32 v19, v19;
	v7 =	vadd.f32 v21, v7;
	v21 =	vadd.f32 v19, v23  }
0x265: {  	v20 =	vadd.f32 $9.999999960e-13, v20;
	v23 =	vshra.s32 v1, $0x1;
	v1 =	vmul.f32 $5.000000000e-01, v1  }
0x266: {  	v26 =	vadd.f32 v26, v7;
	v23 =	vsub.s32 $0x5F3759DF, v23;
	v7 =	vmul.f32 $1.302083370e-03, v21  }
0x267: {  	v28 =	vshra.s32 v20, $0x1;
	v20 =	vmul.f32 $5.000000000e-01, v20;
	v21 =	vmul.f32 v23, v1  }
0x268: {  	v28 =	vsub.s32 $0x5F3759DF, v28;
	v26 =	vmul.f32 $1.302083370e-03, v26;
	v29 =	vmul.f32 v7, v7  }
0x269: {  	v30 =	vmul.f32 v28, v20;
	v21 =	vmul.f32 v23, v21  }
0x26a: {  	v26 =	vsub.f32 v26, v29  }
0x26b: {  	v21 =	vsub.f32 $1.500000000e+00, v21;
	v29 =	vmul.f32 v28, v30  }
0x26c: {  	v26 =	vadd.f32 $9.999999960e-13, v26  }
0x26d: {  	v21 =	vmul.f32 v23, v21;
	v23 =	vsub.f32 $1.500000000e+00, v29  }
0x26e: {  	v29 =	vshra.s32 v26, $0x1;
	v26 =	vmul.f32 $5.000000000e-01, v26  }
0x26f: {  	v30 =	vmul.f32 v21, v1;
	v23 =	vmul.f32 v28, v23;
	v28 =	vsub.s32 $0x5F3759DF, v29  }
0x270: {  	v29 =	vmul.f32 v28, v26  }
0x271: {  	v30 =	vmul.f32 v30, v21;
	v31 =	vmul.f32 v23, v20  }
0x272: {  	v29 =	vmul.f32 v28, v29  }
0x273: {  	v30 =	vsub.f32 $1.500000000e+00, v30;
	v31 =	vmul.f32 v31, v23  }
0x274: {  	v29 =	vsub.f32 $1.500000000e+00, v29  }
0x275: {  	v21 =	vmul.f32 v30, v21;
	v30 =	vsub.f32 $1.500000000e+00, v31  }
0x276: {  	v28 =	vmul.f32 v28, v29  }
0x277: {  	v29 =	vmul.f32 v21, v1;
	v23 =	vmul.f32 v30, v23  }
0x278: {  	s11 =	simm.s32 $0x0;
	v30 =	vmul.f32 v28, v26  }
0x279: {  	s12 =	simm.s32 $0x3;
	[tilespmem:v13+s19+$0x0] =	vst.idx.msk $0xffff, v25;
	v13 =	vmov s11;
	v29 =	vmul.f32 v29, v21;
	v31 =	vmul.f32 v23, v20  }
0x27a: {  	[tilespmem:v12+s19+$0x0] =	vst.idx.msk $0xffff, v27;
	v12 =	vmov s12;
	v13 =	vshll.u32 v13, $0x3;
	v30 =	vmul.f32 v30, v28  }
0x27b: {  	v12 =	vshll.u32 v12, $0x3;
	v29 =	vsub.f32 $1.500000000e+00, v29;
	v31 =	vmul.f32 v31, v23  }
0x27c: {  	s10 =	simm.s32 $0x2;
	v25 =	vxor.u32 s12, v0;
	v13 =	vand.u32 $0x1C00, v13;
	v30 =	vsub.f32 $1.500000000e+00, v30  }
0x27d: {  	s7 =	simm.s32 $0x1;
	v21 =	vmul.f32 v29, v21;
	v29 =	vsub.f32 $1.500000000e+00, v31;
	v31 =	vmov s10  }
0x27e: {  	[tilespmem:v10+s19+$0x0] =	vst.idx.msk $0xffff, v63;
	v60 =	vxor.u32 s7, v0;
	v31 =	vshll.u32 v31, $0x3;
	v28 =	vmul.f32 v30, v28  }
0x27f: {  	[tilespmem:v11+s19+$0x0] =	vst.idx.msk $0xffff, v22;
	v30 =	vmov s7;
	v10 =	vand.u32 $0x1C00, v31;
	v31 =	vxor.u32 s11, v0  }
0x280: {  	v11 =	vand.u32 $0x7F, v60;
	[tilespmem:v18+s19+$0x0] =	vst.idx.msk $0xffff, v19;
	v30 =	vshll.u32 v30, $0x3;
	v27 =	vand.u32 $0x7F, v31  }
0x281: {  	v61 =	vxor.u32 s10, v0;
	[tilespmem:v54+s19+$0x0] =	vst.idx.msk $0xffff, v16;
	v22 =	vand.u32 $0x1C00, v30;
	v27 =	vor.u32 v27, v13  }
0x282: {  	v1 =	vmul.f32 v21, v1;
	v62 =	vor.u32 v11, v22;
	v22 =	vadd.s32 v4, v27  }
0x283: {  	[tilespmem:v24+s19+$0x0] =	vst.idx.msk $0xffff, v17;
	v13 =	vmul.f32 v29, v23;
	v11 =	vand.u32 $0x7F, v61;
	v18 =	vadd.s32 v4, v62  }
0x284: {  	[tilespmem:v14+s19+$0x0] =	vst.idx.msk $0xffff, v15;
	v63 =	vor.u32 v11, v10;
	v10 =	vand.u32 $0x7F, v25;
	v11 =	vand.u32 $0x1C00, v12  }
0x285: {  	s13 =	rddreg [dreg:$0xc];
	v12 =	vmul.f32 v28, v26;
	v52 =	vadd.s32 v4, v63;
	v40 =	vor.u32 v10, v11  }
0x286: {  	[tilespmem:s18], [sflag:$0x3] =	stream.linear.gather [hbm4b:s13+s11], $0x9000, $0x38;
	v1 =	vmul.f32 v1, v21;
	v23 =	vadd.s32 v4, v40;
	[tilespmem:$0x1BA00] =	vst v63  }
0x287: {  	v11 =	vmul.f32 v13, v20;
	v10 =	vmul.f32 v12, v28;
	v12 =	vld.idx.msk [tilespmem:v22+s19+$0x0], $0xffff  }
0x288: {  	v14 =	vld.idx.msk [tilespmem:v18+s19+$0x0], $0xffff  }
0x289: {  	s13 =	simm.s32 $0x4;
	s10 =	simm.s32 $0x5;
	v1 =	vsub.f32 $1.500000000e+00, v1;
	v11 =	vmul.f32 v11, v13;
	v15 =	vsub.f32 $1.500000000e+00, v10;
	v10 =	vld.idx.msk [tilespmem:v31+s28+$0x0], $0xffff  }
0x28a: {  	v39 =	vxor.u32 s13, v0;
	v41 =	vxor.u32 s10, v0;
	v20 =	vld.idx.msk [tilespmem:v52+s19+$0x0], $0xffff  }
0x28b: {  	s11 =	simm.s32 $0x6;
	v19 =	vmul.f32 v1, v21;
	v1 =	vsub.f32 $1.500000000e+00, v11;
	v28 =	vmul.f32 v15, v28;
	v15 =	vld.idx.msk [tilespmem:v23+s19+$0x0], $0xffff  }
0x28c: {  	v56 =	vand.u32 $0x7F, v41;
	v54 =	vmov s11;
	v43 =	vxor.u32 s11, v0;
	v11 =	vld.idx.msk [tilespmem:v60+s28+$0x0], $0xffff  }
0x28d: {  	v17 =	vmul.f32 v1, v13;
	v13 =	vld.idx.msk [tilespmem:v60+s29+$0x0], $0xffff;
	v21 =	vsub.f32 v12, v9;
	v14 =	vsub.f32 v14, v9  }
0x28e: {  	v35 =	vshll.u32 v54, $0x3;
	v30 =	vadd.s32 v5, v27;
	v24 =	vmul.f32 v28, v26;
	v12 =	vld.idx.msk [tilespmem:v31+s29+$0x0], $0xffff  }
0x28f: {  	v16 =	vld.idx.msk [tilespmem:v61+s28+$0x0], $0xffff;
	v35 =	vand.u32 $0x1C00, v35;
	v1 =	vmul.f32 v21, v19;
	v14 =	vmul.f32 v14, v19  }
0x290: {  	v21 =	vmul.f32 v24, v28;
	v20 =	vsub.f32 v20, v9;
	v26 =	vsub.f32 v15, v9  }
0x291: {  	v34 =	vadd.s32 v5, v62;
	v15 =	vld.idx.msk [tilespmem:v25+s28+$0x0], $0xffff;
	v1 =	vmul.f32 v1, v10;
	v29 =	vmul.f32 v14, v11  }
0x292: {  	v24 =	vadd.s32 v5, v40;
	v20 =	vmul.f32 v20, v19;
	v14 =	vld.idx.msk [tilespmem:v61+s29+$0x0], $0xffff;
	v31 =	vmul.f32 v26, v19  }
0x293: {  	v25 =	vld.idx.msk [tilespmem:v25+s29+$0x0], $0xffff;
	v26 =	vmov s10;
	v1 =	vadd.f32 v1, v12;
	v29 =	vadd.f32 v29, v13  }
0x294: {  	s12 =	simm.s32 $0x7;
	v53 =	vmul.f32 v20, v16;
	v20 =	vadd.s32 v5, v63;
	v55 =	vshll.u32 v26, $0x3  }
0x295: {  	v26 =	vxor.u32 s12, v0;
	v38 =	vand.u32 $0x1C00, v55;
	[tilespmem:v18+s19+$0x0] =	vst.idx.msk $0xffff, v29;
	v29 =	vmov s13  }
0x296: {  	v31 =	vmul.f32 v31, v15;
	v47 =	vor.u32 v56, v38;
	v57 =	vld.idx.msk [tilespmem:v34+s19+$0x0], $0xffff;
	v29 =	vshll.u32 v29, $0x3  }
0x297: {  	[tilespmem:v22+s19+$0x0] =	vst.idx.msk $0xffff, v1;
	v22 =	vand.u32 $0x7F, v39;
	v18 =	vadd.f32 v53, v14;
	v1 =	vand.u32 $0x1C00, v29  }
0x298: {  	v58 =	vadd.f32 v31, v25;
	v29 =	vadd.s32 v4, v47;
	v31 =	vor.u32 v22, v1  }
0x299: {  	v1 =	vld.idx.msk [tilespmem:v30+s19+$0x0], $0xffff;
	v22 =	vmov s12;
	[tilespmem:v52+s19+$0x0] =	vst.idx.msk $0xffff, v18;
	v18 =	vand.u32 $0x7F, v43;
	v38 =	vadd.s32 v4, v31  }
0x29a: {  	v59 =	vand.u32 $0x7F, v26;
	[tilespmem:v23+s19+$0x0] =	vst.idx.msk $0xffff, v58;
	v22 =	vshll.u32 v22, $0x3;
	v60 =	vld.idx.msk [tilespmem:v20+s19+$0x0], $0xffff;
	v46 =	vor.u32 v18, v35  }
0x29b: {  	v61 =	vld.idx.msk [tilespmem:v24+s19+$0x0], $0xffff;
	v18 =	vand.u32 $0x1C00, v22;
	v33 =	vadd.s32 v4, v46;
	v22 =	vsub.f32 v57, v8  }
0x29c: {  	v44 =	vor.u32 v59, v18  }
0x29d: {  	v21 =	vsub.f32 $1.500000000e+00, v21;
	v48 =	vld.idx.msk [tilespmem:v29+s19+$0x0], $0xffff;
	v32 =	vadd.s32 v4, v44;
	v42 =	vmul.f32 v22, v17  }
0x29e: {  	v36 =	vadd.s32 v6, v27;
	v37 =	vadd.s32 v6, v40;
	v18 =	vadd.s32 v6, v62;
	v62 =	vld.idx.msk [tilespmem:v38+s19+$0x0], $0xffff  }
0x29f: {  	v22 =	vmul.f32 v21, v28;
	v1 =	vsub.f32 v1, v8;
	v28 =	vld.idx.msk [tilespmem:v41+s28+$0x0], $0xffff;
	v42 =	vmul.f32 v42, v11  }
0x2a0: {  	v23 =	vadd.s32 v6, v63;
	v45 =	vsub.f32 v60, v8;
	v27 =	vsub.f32 v61, v8;
	v63 =	vld.idx.msk [tilespmem:v33+s19+$0x0], $0xffff  }
0x2a1: {  	v21 =	vadd.s32 v6, v47;
	v1 =	vmul.f32 v1, v17;
	v50 =	vadd.f32 v42, v13;
	v42 =	vld.idx.msk [tilespmem:v39+s28+$0x0], $0xffff  }
0x2a2: {  	v49 =	vmul.f32 v45, v17;
	v45 =	vadd.s32 v5, v44;
	v27 =	vmul.f32 v27, v17;
	v52 =	vld.idx.msk [tilespmem:v32+s19+$0x0], $0xffff  }
0x2a3: {  	v48 =	vsub.f32 v48, v9;
	v39 =	vld.idx.msk [tilespmem:v39+s29+$0x0], $0xffff;
	[tilespmem:v34+s19+$0x0] =	vst.idx.msk $0xffff, v50;
	v60 =	vsub.f32 v62, v9  }
0x2a4: {  	v1 =	vmul.f32 v1, v10;
	v53 =	vmul.f32 v27, v15;
	v27 =	vadd.s32 v5, v47;
	v56 =	vld.idx.msk [tilespmem:v18+s19+$0x0], $0xffff  }
0x2a5: {  	v40 =	vld.idx.msk [tilespmem:v43+s28+$0x0], $0xffff;
	v51 =	vmul.f32 v49, v16;
	v47 =	vadd.s32 v5, v31;
	v62 =	vmul.f32 v60, v19  }
0x2a6: {  	v41 =	vld.idx.msk [tilespmem:v41+s29+$0x0], $0xffff;
	v61 =	vmul.f32 v48, v19;
	v34 =	vadd.s32 v6, v46;
	v63 =	vsub.f32 v63, v9  }
0x2a7: {  	v49 =	vadd.f32 v1, v12;
	v52 =	vsub.f32 v52, v9;
	v1 =	vmul.f32 v62, v42  }
0x2a8: {  	v43 =	vld.idx.msk [tilespmem:v43+s29+$0x0], $0xffff;
	v53 =	vadd.f32 v53, v25;
	v50 =	vmul.f32 v61, v28;
	v55 =	vmul.f32 v63, v19  }
0x2a9: {  	s7 =	simm.s32 $0x8;
	v35 =	vld.idx.msk [tilespmem:v26+s28+$0x0], $0xffff;
	v48 =	vmul.f32 v52, v19;
	v54 =	vadd.f32 v1, v39;
	v52 =	vsub.f32 v56, v7  }
.LBB2_8:
0x2aa: {  	s10 =	sadd.s32 $0x1, s7;
	v1 =	vmul.f32 v55, v40;
	v46 =	vadd.s32 v5, v46;
	v55 =	vmov v12  }
0x2ab: {  	s11 =	sadd.s32 $0x2, s7;
	s12 =	sadd.s32 $0x3, s7;
	[tilespmem:v30+s19+$0x0] =	vst.idx.msk $0xffff, v49;
	v12 =	vmovc v39;
	v49 =	vmovc v44;
	v56 =	vmov v13;
	v13 =	vmov v41;
	v57 =	vmov v36;
	s13 =	smov.u32 s7  }
0x2ac: {  	p0 =	slt.u32 s7, $0x2FC;
	s7 =	sadd.s32 $0x4, s7;
	v30 =	vmov s10;
	v39 =	vmov s11;
	v41 =	vadd.f32 v50, v13;
	v50 =	vld.idx.msk [tilespmem:v26+s29+$0x0], $0xffff;
	[tilespmem:v24+s19+$0x0] =	vst.idx.msk $0xffff, v53;
	v53 =	vmovc v10;
	v10 =	vmovc v42  }
0x2ad: {  	v44 =	vadd.f32 v51, v14;
	v51 =	vmovc v16;
	v42 =	vxor.u32 s10, v0;
	v24 =	vmovc v45;
	v30 =	vshll.u32 v30, $0x3;
	v36 =	vld.idx.msk [tilespmem:v36+s19+$0x0], $0xffff  }
0x2ae: {  	v26 =	vxor.u32 s12, v0;
	v16 =	vshll.u32 v39, $0x3;
	[tilespmem:v38+s19+$0x0] =	vst.idx.msk $0xffff, v54;
	v38 =	vmul.f32 v48, v35;
	v39 =	vld.idx.msk [tilespmem:v37+s19+$0x0], $0xffff  }
0x2af: {  	v61 =	vmul.f32 v52, v22;
	v48 =	vxor.u32 s11, v0;
	v45 =	vand.u32 $0x1C00, v16;
	v54 =	vld.idx.msk [tilespmem:v47+s19+$0x0], $0xffff;
	[tilespmem:v20+s19+$0x0] =	vst.idx.msk $0xffff, v44  }
0x2b0: {  	v52 =	vxor.u32 s13, v0;
	v44 =	vmov s12;
	v1 =	vadd.f32 v1, v43;
	v20 =	vmovc v46;
	[tilespmem:v29+s19+$0x0] =	vst.idx.msk $0xffff, v41;
	v58 =	vld.idx.msk [tilespmem:v23+s19+$0x0], $0xffff  }
0x2b1: {  	v59 =	vmul.f32 v61, v11;
	v11 =	vmovc v28;
	v29 =	vand.u32 $0x7F, v42;
	v41 =	vand.u32 $0x7F, v26;
	v16 =	vmovc v40  }
0x2b2: {  	v60 =	vmovc v37;
	v28 =	vmov s13;
	v30 =	vand.u32 $0x1C00, v30;
	v40 =	vld.idx.msk [tilespmem:v27+s19+$0x0], $0xffff;
	[tilespmem:v33+s19+$0x0] =	vst.idx.msk $0xffff, v1;
	v1 =	vadd.f32 v38, v50  }
0x2b3: {  	v28 =	vshll.u32 v28, $0x3;
	v61 =	vmovc v23;
	v23 =	vmovc v34;
	v33 =	vshll.u32 v44, $0x3;
	v36 =	vsub.f32 v36, v7;
	v37 =	vld.idx.msk [tilespmem:v46+s19+$0x0], $0xffff  }
0x2b4: {  	v28 =	vand.u32 $0x1C00, v28;
	v34 =	vor.u32 v29, v30;
	[tilespmem:v32+s19+$0x0] =	vst.idx.msk $0xffff, v1;
	v1 =	vsub.f32 v39, v7  }
0x2b5: {  	v30 =	vmovc v47;
	v47 =	vmovc v14;
	v29 =	vadd.s32 v4, v34;
	v62 =	vadd.s32 v6, v34;
	v32 =	vand.u32 $0x7F, v52  }
0x2b6: {  	v14 =	vmovc v43;
	v63 =	vor.u32 v32, v28;
	v28 =	vand.u32 $0x1C00, v33;
	v1 =	vmul.f32 v1, v22  }
0x2b7: {  	v36 =	vmul.f32 v36, v22;
	v32 =	vand.u32 $0x7F, v48;
	v38 =	vadd.s32 v4, v63;
	v43 =	vld.idx.msk [tilespmem:v24+s19+$0x0], $0xffff  }
0x2b8: {  	v46 =	vor.u32 v32, v45;
	v40 =	vsub.f32 v40, v8;
	v1 =	vmul.f32 v1, v15;
	v15 =	vmovc v35  }
0x2b9: {  	v44 =	vor.u32 v41, v28;
	v28 =	vmul.f32 v36, v53;
	v33 =	vadd.s32 v4, v46;
	v39 =	vld.idx.msk [tilespmem:v52+s29+$0x0], $0xffff  }
0x2ba: {  	v32 =	vadd.s32 v4, v44;
	v37 =	vsub.f32 v37, v8;
	v40 =	vmul.f32 v40, v17;
	v35 =	vld.idx.msk [tilespmem:v29+s19+$0x0], $0xffff  }
0x2bb: {  	v45 =	vsub.f32 v54, v8;
	v36 =	vadd.s32 v6, v31;
	v1 =	vadd.f32 v1, v25;
	v41 =	vld.idx.msk [tilespmem:v42+s29+$0x0], $0xffff  }
0x2bc: {  	v53 =	vsub.f32 v58, v7;
	v31 =	vmul.f32 v40, v11;
	v40 =	vadd.f32 v28, v55;
	v25 =	vld.idx.msk [tilespmem:v38+s19+$0x0], $0xffff  }
0x2bd: {  	v54 =	vmul.f32 v37, v17;
	v37 =	vsub.f32 v43, v8;
	v43 =	vadd.f32 v59, v56;
	v28 =	vld.idx.msk [tilespmem:v42+s28+$0x0], $0xffff  }
0x2be: {  	v53 =	vmul.f32 v53, v22;
	v56 =	vmul.f32 v45, v17;
	v31 =	vadd.f32 v31, v13;
	v55 =	vld.idx.msk [tilespmem:v33+s19+$0x0], $0xffff  }
0x2bf: {  	v45 =	vadd.s32 v5, v44;
	v37 =	vmul.f32 v37, v17;
	v42 =	vld.idx.msk [tilespmem:v52+s28+$0x0], $0xffff;
	[tilespmem:v57+s19+$0x0] =	vst.idx.msk $0xffff, v40  }
0x2c0: {  	v51 =	vmul.f32 v53, v51;
	v56 =	vmul.f32 v56, v10;
	v35 =	vsub.f32 v35, v9;
	v52 =	vld.idx.msk [tilespmem:v32+s19+$0x0], $0xffff  }
0x2c1: {  	v53 =	vmul.f32 v37, v15;
	v37 =	vadd.s32 v6, v49;
	v40 =	vld.idx.msk [tilespmem:v48+s28+$0x0], $0xffff;
	[tilespmem:v27+s19+$0x0] =	vst.idx.msk $0xffff, v31  }
0x2c2: {  	v47 =	vadd.f32 v51, v47;
	v58 =	vsub.f32 v25, v9;
	v49 =	vmul.f32 v35, v19;
	v57 =	vld.idx.msk [tilespmem:v21+s19+$0x0], $0xffff  }
0x2c3: {  	v51 =	vmul.f32 v54, v16;
	v27 =	vadd.s32 v5, v34;
	v34 =	vadd.s32 v6, v46;
	v25 =	vmovc v50  }
.Ltmp3:
0x2c4: {  	v54 =	vmul.f32 v58, v19;
	v55 =	vsub.f32 v55, v9;
	v35 =	vld.idx.msk [tilespmem:v26+s28+$0x0], $0xffff;
	[tilespmem:v60+s19+$0x0] =	vst.idx.msk $0xffff, v1;
	(pc) =	sbr.rel @p0 .LBB2_8-.Ltmp3, $4  }
0x2c5: {  	v31 =	vmov v63;
	v50 =	vmul.f32 v49, v28;
	v49 =	vadd.f32 v56, v12;
	[tilespmem:v61+s19+$0x0] =	vst.idx.msk $0xffff, v47  }
0x2c6: {  	v1 =	vmul.f32 v54, v42;
	v52 =	vsub.f32 v52, v9;
	[tilespmem:v18+s19+$0x0] =	vst.idx.msk $0xffff, v43;
	v18 =	vmov v21  }
0x2c7: {  	v53 =	vadd.f32 v53, v25;
	v47 =	vadd.s32 v5, v31;
	v55 =	vmul.f32 v55, v19;
	v21 =	vmovc v62  }
0x2c8: {  	v54 =	vadd.f32 v1, v39;
	v43 =	vld.idx.msk [tilespmem:v48+s29+$0x0], $0xffff;
	v48 =	vmul.f32 v52, v19;
	v52 =	vsub.f32 v57, v7  }
0x2c9: {  	_ =	sdelay $0x3  }
0x2ca: {  	v1 =	vld.idx.msk [tilespmem:v26+s29+$0x0], $0xffff;
	_ =	sdelay $0x1  }
0x2cb: {  	v19 =	vmul.f32 v55, v40;
	v26 =	vadd.s32 v5, v46  }
0x2cc: {  	v9 =	vmul.f32 v48, v35  }
0x2cd: {  	v19 =	vadd.f32 v19, v43  }
0x2ce: {  	[tilespmem:v38+s19+$0x0] =	vst.idx.msk $0xffff, v54;
	v9 =	vadd.f32 v9, v1  }
0x2cf: {  	v62 =	vadd.f32 v50, v41;
	v63 =	vld.idx.msk [tilespmem:v47+s19+$0x0], $0xffff;
	[tilespmem:v33+s19+$0x0] =	vst.idx.msk $0xffff, v19  }
0x2d0: {  	[tilespmem:v32+s19+$0x0] =	vst.idx.msk $0xffff, v9;
	v19 =	vld.idx.msk [tilespmem:v26+s19+$0x0], $0xffff  }
0x2d1: {  	[tilespmem:v29+s19+$0x0] =	vst.idx.msk $0xffff, v62;
	v9 =	vld.idx.msk [tilespmem:v45+s19+$0x0], $0xffff  }
0x2d2: {  	v29 =	vld.idx.msk [tilespmem:v27+s19+$0x0], $0xffff;
	_ =	sdelay $0x1  }
0x2d3: {  	[tilespmem:v24+s19+$0x0] =	vst.idx.msk $0xffff, v53;
	v48 =	vsub.f32 v63, v8  }
0x2d4: {  	[tilespmem:v30+s19+$0x0] =	vst.idx.msk $0xffff, v49;
	v24 =	vld.idx.msk [tilespmem:v37+s19+$0x0], $0xffff;
	v19 =	vsub.f32 v19, v8  }
0x2d5: {  	v53 =	vadd.f32 v51, v14;
	v30 =	vmul.f32 v48, v17;
	v9 =	vsub.f32 v9, v8  }
0x2d6: {  	v50 =	vld.idx.msk [tilespmem:v36+s19+$0x0], $0xffff;
	v8 =	vsub.f32 v29, v8;
	v19 =	vmul.f32 v19, v17  }
0x2d7: {  	[tilespmem:v20+s19+$0x0] =	vst.idx.msk $0xffff, v53;
	v30 =	vmul.f32 v30, v42;
	v9 =	vmul.f32 v9, v17  }
0x2d8: {  	v29 =	vadd.s32 v6, v31;
	v8 =	vmul.f32 v8, v17;
	v19 =	vmul.f32 v19, v40  }
0x2d9: {  	v24 =	vsub.f32 v24, v7;
	v20 =	vadd.f32 v30, v39;
	v9 =	vmul.f32 v9, v35  }
0x2da: {  	v30 =	vld.idx.msk [tilespmem:v23+s19+$0x0], $0xffff;
	v17 =	vadd.s32 v6, v44;
	v8 =	vmul.f32 v8, v28;
	v19 =	vadd.f32 v19, v43  }
0x2db: {  	v31 =	vsub.f32 v50, v7;
	[tilespmem:v47+s19+$0x0] =	vst.idx.msk $0xffff, v20;
	v9 =	vadd.f32 v9, v1  }
0x2dc: {  	v8 =	vadd.f32 v8, v41;
	[tilespmem:v26+s19+$0x0] =	vst.idx.msk $0xffff, v19  }
0x2dd: {  	v20 =	vmul.f32 v24, v22;
	v24 =	vmul.f32 v31, v22;
	[tilespmem:v45+s19+$0x0] =	vst.idx.msk $0xffff, v9;
	v9 =	vld.idx.msk [tilespmem:v29+s19+$0x0], $0xffff  }
0x2de: {  	[tilespmem:v27+s19+$0x0] =	vst.idx.msk $0xffff, v8;
	v8 =	vld.idx.msk [tilespmem:v34+s19+$0x0], $0xffff  }
0x2df: {  	v15 =	vmul.f32 v20, v15;
	v10 =	vmul.f32 v24, v10;
	v20 =	vsub.f32 v30, v7;
	v31 =	vld.idx.msk [tilespmem:v17+s19+$0x0], $0xffff  }
0x2e0: {  	v19 =	vmul.f32 v52, v22;
	v24 =	vld.idx.msk [tilespmem:v21+s19+$0x0], $0xffff  }
0x2e1: {  	v10 =	vadd.f32 v10, v12;
	v12 =	vmul.f32 v20, v22  }
0x2e2: {  	v11 =	vmul.f32 v19, v11;
	v9 =	vsub.f32 v9, v7  }
0x2e3: {  	v15 =	vadd.f32 v15, v25;
	v12 =	vmul.f32 v12, v16;
	v8 =	vsub.f32 v8, v7  }
0x2e4: {  	v11 =	vadd.f32 v11, v13;
	v13 =	vsub.f32 v31, v7;
	v9 =	vmul.f32 v9, v22  }
0x2e5: {  	[tilespmem:v36+s19+$0x0] =	vst.idx.msk $0xffff, v10;
	v7 =	vsub.f32 v24, v7;
	v8 =	vmul.f32 v8, v22  }
0x2e6: {  	v12 =	vadd.f32 v12, v14;
	v10 =	vmul.f32 v13, v22;
	v9 =	vmul.f32 v9, v42  }
0x2e7: {  	[tilespmem:v37+s19+$0x0] =	vst.idx.msk $0xffff, v15;
	v7 =	vmul.f32 v7, v22;
	v8 =	vmul.f32 v8, v40  }
0x2e8: {  	[tilespmem:v23+s19+$0x0] =	vst.idx.msk $0xffff, v12;
	v10 =	vmul.f32 v10, v35;
	v9 =	vadd.f32 v9, v39  }
0x2e9: {  	[tilespmem:v18+s19+$0x0] =	vst.idx.msk $0xffff, v11;
	v7 =	vmul.f32 v7, v28;
	v8 =	vadd.f32 v8, v43  }
0x2ea: {  	v1 =	vadd.f32 v10, v1;
	[tilespmem:v29+s19+$0x0] =	vst.idx.msk $0xffff, v9  }
0x2eb: {  	v7 =	vadd.f32 v7, v41;
	[tilespmem:v34+s19+$0x0] =	vst.idx.msk $0xffff, v8  }
0x2ec: {  	[tilespmem:v17+s19+$0x0] =	vst.idx.msk $0xffff, v1  }
0x2ed: {  	[tilespmem:v21+s19+$0x0] =	vst.idx.msk $0xffff, v7  }
0x2ee: {  	s7 =	simm.s32 $0x0;
	s10 =	rddreg [dreg:$0xd]  }
0x2ef: {  	[hbm4b:s10+s7] =	stream.linear.scatter [tilespmem:s19], [sflag:$0x5], $0x9000, $0x38;
	[tilespmem:$0x1BA00] =	vst v63  }
0x2f0: {  	_ =	swait.ge [sflag:s5], $0x9000  }
0x2f1: {  	[sflag:s5] =	ssyncset.done $0x0  }
0x2f2: {  	[sflag:s5] =	ssyncadd.s32 $0xFFFF7000  }
0x2f3: {  	v1 =	vld [tilespmem:$0x90];
	_ =	sdelay $0x3  }
0x2f4: {  	v8 =	vld [tilespmem:$0x1FFF0]  }
0x2f5: {  	v7 =	vshrl.u32 v1, $0x3  }
0x2f6: {  	v7 =	vmul.u32 $0x30, v7  }
0x2f7: {  	v1 =	vand.u32 $0x7, v1  }
0x2f8: {  	v1 =	vor.u32 v1, v7  }
0x2f9: {  	v7 =	vperm.xlane v1, v8;
	_ =	sdelay $0x1  }
0x2fa: {  	v7 =	vadd.s32 v2, v7;
	_ =	sdelay $0x3  }
0x2fb: {  	v1 =	vperm.xlane v1, v3  }
0x2fc: {  	[tilespmem:s19], [sflag:$0x2] =	stream.indirect_vreg.gather [hbm4b:s0+s7], $0x80, v7, vm0, $0xb8;
	[tilespmem:$0x1BA00] =	vst v63  }
0x2fd: {  	v1 =	vadd.s32 v2, v1  }
0x2fe: {  	[tilespmem:s20], [sflag:$0x2] =	stream.indirect_vreg.gather [hbm4b:s8+s7], $0x80, v7, vm0, $0xb8;
	[tilespmem:$0x1BA00] =	vst v63  }
0x2ff: {  	_ = 	snop  }
0x300: {  	[tilespmem:s21], [sflag:$0x2] =	stream.indirect_vreg.gather [hbm4b:s9+s7], $0x80, v7, vm0, $0xb8;
	[tilespmem:$0x1BA00] =	vst v63  }
0x301: {  	_ = 	snop  }
0x302: {  	[tilespmem:s22], [sflag:$0x2] =	stream.indirect_vreg.gather [hbm4b:s0+s7], $0x80, v1, vm0, $0xb8;
	[tilespmem:$0x1BA00] =	vst v63  }
0x303: {  	_ = 	snop  }
0x304: {  	[tilespmem:s30], [sflag:$0x2] =	stream.indirect_vreg.gather [hbm4b:s8+s7], $0x80, v1, vm0, $0xb8;
	[tilespmem:$0x1BA00] =	vst v63  }
0x305: {  	_ = 	snop  }
0x306: {  	[tilespmem:s31], [sflag:$0x2] =	stream.indirect_vreg.gather [hbm4b:s9+s7], $0x80, v1, vm0, $0xb8;
	[tilespmem:$0x1BA00] =	vst v63  }
0x307: {  	v1 =	vld [tilespmem:$0xA0];
	_ =	sdelay $0x4  }
0x308: {  	v7 =	vshrl.u32 v1, $0x3  }
0x309: {  	v7 =	vmul.u32 $0x30, v7  }
0x30a: {  	v1 =	vand.u32 $0x7, v1  }
0x30b: {  	v1 =	vor.u32 v1, v7  }
0x30c: {  	v7 =	vperm.xlane v1, v8;
	_ =	sdelay $0x1  }
0x30d: {  	v7 =	vadd.s32 v2, v7;
	_ =	sdelay $0x3  }
0x30e: {  	s11 =	simm.s32 $0xC100;
	v1 =	vperm.xlane v1, v3  }
0x30f: {  	[tilespmem:s11], [sflag:$0x2] =	stream.indirect_vreg.gather [hbm4b:s0+s7], $0x80, v7, vm0, $0xb8;
	[tilespmem:$0x1BA00] =	vst v63  }
0x310: {  	s12 =	simm.s32 $0xC900;
	v1 =	vadd.s32 v2, v1  }
0x311: {  	[tilespmem:s12], [sflag:$0x2] =	stream.indirect_vreg.gather [hbm4b:s8+s7], $0x80, v7, vm0, $0xb8;
	[tilespmem:$0x1BA00] =	vst v63  }
0x312: {  	s13 =	simm.s32 $0xD100  }
0x313: {  	[tilespmem:s13], [sflag:$0x2] =	stream.indirect_vreg.gather [hbm4b:s9+s7], $0x80, v7, vm0, $0xb8;
	[tilespmem:$0x1BA00] =	vst v63  }
0x314: {  	s11 =	simm.s32 $0xD900  }
0x315: {  	[tilespmem:s11], [sflag:$0x2] =	stream.indirect_vreg.gather [hbm4b:s0+s7], $0x80, v1, vm0, $0xb8;
	[tilespmem:$0x1BA00] =	vst v63  }
0x316: {  	s12 =	simm.s32 $0xE100  }
0x317: {  	[tilespmem:s12], [sflag:$0x2] =	stream.indirect_vreg.gather [hbm4b:s8+s7], $0x80, v1, vm0, $0xb8;
	[tilespmem:$0x1BA00] =	vst v63  }
0x318: {  	s13 =	simm.s32 $0xE900  }
0x319: {  	[tilespmem:s13], [sflag:$0x2] =	stream.indirect_vreg.gather [hbm4b:s9+s7], $0x80, v1, vm0, $0xb8;
	[tilespmem:$0x1BA00] =	vst v63  }
0x31a: {  	v1 =	vld [tilespmem:$0xB0];
	_ =	sdelay $0x4  }
0x31b: {  	v7 =	vshrl.u32 v1, $0x3  }
0x31c: {  	v7 =	vmul.u32 $0x30, v7  }
0x31d: {  	v1 =	vand.u32 $0x7, v1  }
0x31e: {  	v1 =	vor.u32 v1, v7  }
0x31f: {  	v7 =	vperm.xlane v1, v8;
	_ =	sdelay $0x1  }
0x320: {  	v7 =	vadd.s32 v2, v7;
	_ =	sdelay $0x3  }
0x321: {  	s11 =	simm.s32 $0xF100;
	v1 =	vperm.xlane v1, v3  }
0x322: {  	[tilespmem:s11], [sflag:$0x2] =	stream.indirect_vreg.gather [hbm4b:s0+s7], $0x80, v7, vm0, $0xb8;
	[tilespmem:$0x1BA00] =	vst v63  }
0x323: {  	s12 =	simm.s32 $0xF900;
	v1 =	vadd.s32 v2, v1  }
0x324: {  	[tilespmem:s12], [sflag:$0x2] =	stream.indirect_vreg.gather [hbm4b:s8+s7], $0x80, v7, vm0, $0xb8;
	[tilespmem:$0x1BA00] =	vst v63  }
0x325: {  	s13 =	simm.s32 $0x10100  }
0x326: {  	[tilespmem:s13], [sflag:$0x2] =	stream.indirect_vreg.gather [hbm4b:s9+s7], $0x80, v7, vm0, $0xb8;
	[tilespmem:$0x1BA00] =	vst v63  }
0x327: {  	s11 =	simm.s32 $0x10900  }
0x328: {  	[tilespmem:s11], [sflag:$0x2] =	stream.indirect_vreg.gather [hbm4b:s0+s7], $0x80, v1, vm0, $0xb8;
	[tilespmem:$0x1BA00] =	vst v63  }
0x329: {  	s12 =	simm.s32 $0x11100;
	s13 =	simm.s32 $0x1  }
0x32a: {  	[tilespmem:s12], [sflag:$0x2] =	stream.indirect_vreg.gather [hbm4b:s8+s7], $0x80, v1, vm0, $0xb8;
	[tilespmem:$0x1BA00] =	vst v63  }
0x32b: {  	v7 =	vmov s13;
	s11 =	simm.s32 $0x11900  }
0x32c: {  	v7 =	vshll.u32 v7, $0x3;
	[tilespmem:s11], [sflag:$0x2] =	stream.indirect_vreg.gather [hbm4b:s9+s7], $0x80, v1, vm0, $0xb8;
	v1 =	vxor.u32 s13, v0;
	[tilespmem:$0x1BA00] =	vst v63  }
0x32d: {  	v7 =	vand.u32 $0x1C00, v7;
	s12 =	simm.s32 $0x2;
	v8 =	vand.u32 $0x7F, v1  }
0x32e: {  	_ =	swait.ge [sflag:s4], $0x9000;
	v13 =	vor.u32 v8, v7;
	v7 =	vmov s12  }
0x32f: {  	[sflag:s4] =	ssyncset.done $0x0;
	v8 =	vxor.u32 s12, v0;
	v7 =	vshll.u32 v7, $0x3  }
0x330: {  	s13 =	simm.s32 $0x3;
	[sflag:s4] =	ssyncadd.s32 $0xFFFF7000;
	v10 =	vand.u32 $0x7F, v8;
	v7 =	vand.u32 $0x1C00, v7  }
0x331: {  	v9 =	vadd.s32 v4, v13;
	_ =	swait.ge [sflag:s1], $0x9000;
	v11 =	vor.u32 v10, v7;
	v7 =	vmov s13  }
0x332: {  	v10 =	vxor.u32 s13, v0;
	[sflag:s1] =	ssyncset.done $0x0;
	v7 =	vshll.u32 v7, $0x3  }
0x333: {  	v12 =	vadd.s32 v4, v11;
	[sflag:s1] =	ssyncadd.s32 $0xFFFF7000;
	v14 =	vand.u32 $0x7F, v10;
	v7 =	vand.u32 $0x1C00, v7  }
0x334: {  	v25 =	vld.idx.msk [tilespmem:v1+s26+$0x0], $0xffff;
	v16 =	vor.u32 v14, v7;
	v7 =	vmov s7  }
0x335: {  	v18 =	vxor.u32 s7, v0;
	v8 =	vld.idx.msk [tilespmem:v8+s26+$0x0], $0xffff;
	v7 =	vshll.u32 v7, $0x3  }
0x336: {  	v1 =	vand.u32 $0x7F, v18;
	v15 =	vld.idx.msk [tilespmem:v9+s18+$0x0], $0xffff;
	v17 =	vadd.s32 v4, v16;
	v7 =	vand.u32 $0x1C00, v7  }
0x337: {  	v14 =	vld.idx.msk [tilespmem:v9+s25+$0x0], $0xffff;
	v1 =	vor.u32 v1, v7  }
0x338: {  	v19 =	vld.idx.msk [tilespmem:v12+s25+$0x0], $0xffff;
	v21 =	vadd.s32 v4, v1  }
0x339: {  	v20 =	vld.idx.msk [tilespmem:v12+s18+$0x0], $0xffff  }
0x33a: {  	v7 =	vld.idx.msk [tilespmem:v10+s26+$0x0], $0xffff  }
0x33b: {  	v10 =	vld.idx.msk [tilespmem:v17+s18+$0x0], $0xffff  }
0x33c: {  	v22 =	vld.idx.msk [tilespmem:v17+s25+$0x0], $0xffff  }
0x33d: {  	v24 =	vadd.s32 v5, v13;
	v14 =	vadd.f32 v15, v14;
	v23 =	vld.idx.msk [tilespmem:v21+s25+$0x0], $0xffff  }
0x33e: {  	v27 =	vadd.s32 v5, v11;
	v19 =	vadd.f32 v20, v19;
	v15 =	vld.idx.msk [tilespmem:v21+s18+$0x0], $0xffff  }
0x33f: {  	v26 =	vadd.f32 v14, v25  }
0x340: {  	s10 =	simm.s32 $0x5;
	v32 =	vld.idx.msk [tilespmem:v18+s26+$0x0], $0xffff;
	v18 =	vadd.f32 v19, v8  }
0x341: {  	v28 =	vadd.s32 v5, v16;
	v14 =	vmov s10;
	[tilespmem:v9+s25+$0x0] =	vst.idx.msk $0xffff, v26;
	v10 =	vadd.f32 v10, v22  }
0x342: {  	v20 =	vadd.s32 v5, v1;
	v9 =	vshll.u32 v14, $0x3;
	v29 =	vld.idx.msk [tilespmem:v24+s18+$0x0], $0xffff;
	[tilespmem:v12+s25+$0x0] =	vst.idx.msk $0xffff, v18  }
0x343: {  	s11 =	simm.s32 $0x6;
	v19 =	vxor.u32 s10, v0;
	v30 =	vadd.f32 v10, v7;
	v49 =	vld.idx.msk [tilespmem:v27+s25+$0x0], $0xffff;
	v14 =	vadd.f32 v15, v23  }
0x344: {  	v31 =	vxor.u32 s11, v0;
	v9 =	vand.u32 $0x1C00, v9;
	v10 =	vand.u32 $0x7F, v19;
	v15 =	vld.idx.msk [tilespmem:v24+s25+$0x0], $0xffff  }
0x345: {  	s12 =	simm.s32 $0x7;
	v9 =	vor.u32 v10, v9;
	v10 =	vmov s11;
	v23 =	vld.idx.msk [tilespmem:v27+s18+$0x0], $0xffff;
	[tilespmem:v17+s25+$0x0] =	vst.idx.msk $0xffff, v30;
	v12 =	vadd.f32 v14, v32  }
0x346: {  	v58 =	vxor.u32 s12, v0;
	v17 =	vadd.s32 v4, v9;
	v10 =	vshll.u32 v10, $0x3;
	v54 =	vld.idx.msk [tilespmem:v28+s18+$0x0], $0xffff  }
0x347: {  	v13 =	vadd.s32 v6, v13;
	v14 =	vand.u32 $0x7F, v31;
	v10 =	vand.u32 $0x1C00, v10;
	[tilespmem:v21+s25+$0x0] =	vst.idx.msk $0xffff, v12;
	v21 =	vld.idx.msk [tilespmem:v28+s25+$0x0], $0xffff  }
0x348: {  	v22 =	vimm.f32 $0.0e+00;
	v14 =	vor.u32 v14, v10;
	v10 =	vmov s12;
	v55 =	vld.idx.msk [tilespmem:v20+s25+$0x0], $0xffff  }
0x349: {  	v61 =	vand.u32 $0x7F, v58;
	v10 =	vshll.u32 v10, $0x3;
	v59 =	vadd.f32 v12, v22;
	v56 =	vld.idx.msk [tilespmem:v20+s18+$0x0], $0xffff  }
0x34a: {  	v37 =	vadd.s32 v4, v14;
	v62 =	vand.u32 $0x1C00, v10;
	v10 =	vadd.s32 v6, v16;
	v16 =	vld.idx.msk [tilespmem:v19+s26+$0x0], $0xffff  }
0x34b: {  	v11 =	vadd.s32 v6, v11;
	v57 =	vld.idx.msk [tilespmem:v17+s18+$0x0], $0xffff;
	v45 =	vor.u32 v61, v62;
	v19 =	vadd.f32 v26, v59  }
0x34c: {  	v63 =	vmul.f32 v26, v26;
	v23 =	vadd.f32 v23, v49;
	v60 =	vld.idx.msk [tilespmem:v17+s25+$0x0], $0xffff;
	v46 =	vadd.s32 v4, v45  }
0x34d: {  	v50 =	vmul.f32 v12, v12;
	v12 =	vadd.s32 v6, v1;
	v1 =	vadd.f32 v18, v19;
	v19 =	vld.idx.msk [tilespmem:v58+s26+$0x0], $0xffff  }
0x34e: {  	v42 =	vmul.f32 v18, v18;
	v23 =	vadd.f32 v23, v8;
	v18 =	vadd.f32 v29, v15;
	v15 =	vld.idx.msk [tilespmem:v31+s26+$0x0], $0xffff  }
0x34f: {  	v62 =	vmul.f32 v30, v30;
	v34 =	vadd.s32 v5, v45;
	v26 =	vld.idx.msk [tilespmem:v37+s25+$0x0], $0xffff;
	v21 =	vadd.f32 v54, v21  }
0x350: {  	s13 =	simm.s32 $0x4;
	v52 =	vld.idx.msk [tilespmem:v37+s18+$0x0], $0xffff;
	[tilespmem:v27+s25+$0x0] =	vst.idx.msk $0xffff, v23;
	v51 =	vadd.f32 v56, v55;
	v18 =	vadd.f32 v18, v25  }
0x351: {  	v55 =	vxor.u32 s13, v0;
	v38 =	vadd.f32 v30, v1;
	v53 =	vadd.f32 v21, v7;
	v31 =	vld.idx.msk [tilespmem:v46+s18+$0x0], $0xffff  }
0x352: {  	v29 =	vadd.f32 v57, v60;
	v21 =	vadd.f32 v51, v32;
	[tilespmem:v24+s25+$0x0] =	vst.idx.msk $0xffff, v18;
	v59 =	vld.idx.msk [tilespmem:v46+s25+$0x0], $0xffff  }
0x353: {  	v24 =	vand.u32 $0x7F, v55;
	v58 =	vmul.f32 v18, v18;
	[tilespmem:v28+s25+$0x0] =	vst.idx.msk $0xffff, v53;
	v60 =	vld.idx.msk [tilespmem:v13+s25+$0x0], $0xffff  }
0x354: {  	v28 =	vmov s13;
	v29 =	vadd.f32 v29, v16;
	v61 =	vld.idx.msk [tilespmem:v13+s18+$0x0], $0xffff;
	v33 =	vadd.f32 v21, v22;
	[tilespmem:v20+s25+$0x0] =	vst.idx.msk $0xffff, v21  }
0x355: {  	v20 =	vmul.f32 v21, v21;
	v54 =	vld.idx.msk [tilespmem:v10+s25+$0x0], $0xffff;
	v21 =	vshll.u32 v28, $0x3;
	v28 =	vadd.f32 v50, v22  }
0x356: {  	v36 =	vmul.f32 v53, v53;
	v56 =	vld.idx.msk [tilespmem:v10+s18+$0x0], $0xffff;
	v26 =	vadd.f32 v52, v26;
	v21 =	vand.u32 $0x1C00, v21  }
0x357: {  	v57 =	vld.idx.msk [tilespmem:v12+s25+$0x0], $0xffff;
	[tilespmem:v17+s25+$0x0] =	vst.idx.msk $0xffff, v29;
	v20 =	vadd.f32 v20, v22;
	v28 =	vadd.f32 v63, v28  }
0x358: {  	v24 =	vor.u32 v24, v21;
	v26 =	vadd.f32 v26, v15;
	v18 =	vadd.f32 v18, v33;
	v63 =	vld.idx.msk [tilespmem:v12+s18+$0x0], $0xffff  }
0x359: {  	v35 =	vadd.s32 v4, v24;
	v21 =	vadd.s32 v5, v24;
	v1 =	vadd.f32 v31, v59  }
0x35a: {  	v27 =	vadd.f32 v42, v28;
	v20 =	vadd.f32 v58, v20;
	v28 =	vmul.f32 v23, v23  }
0x35b: {  	v41 =	vld.idx.msk [tilespmem:v11+s25+$0x0], $0xffff;
	v31 =	vadd.s32 v5, v9;
	v23 =	vadd.f32 v23, v18;
	v49 =	vadd.f32 v61, v60  }
0x35c: {  	v43 =	vld.idx.msk [tilespmem:v11+s18+$0x0], $0xffff;
	v18 =	vadd.s32 v6, v45;
	v40 =	vadd.f32 v56, v54;
	v39 =	vadd.f32 v28, v20  }
0x35d: {  	v17 =	vld.idx.msk [tilespmem:v55+s26+$0x0], $0xffff;
	[tilespmem:v37+s25+$0x0] =	vst.idx.msk $0xffff, v26;
	v20 =	vadd.f32 v1, v19;
	v1 =	vadd.f32 v63, v57  }
0x35e: {  	v28 =	vadd.f32 v62, v27;
	v30 =	vadd.f32 v53, v23;
	v23 =	vadd.s32 v5, v14;
	v42 =	vld.idx.msk [tilespmem:v35+s25+$0x0], $0xffff  }
0x35f: {  	s7 =	simm.s32 $0x8;
	v33 =	vimm.f32 $0.0e+00;
	v25 =	vadd.f32 v49, v25;
	v44 =	vld.idx.msk [tilespmem:v35+s18+$0x0], $0xffff;
	[tilespmem:v46+s25+$0x0] =	vst.idx.msk $0xffff, v20;
	v27 =	vadd.f32 v1, v32  }
.LBB2_10:
0x360: {  	s11 =	sadd.s32 $0x1, s7;
	v37 =	vmul.f32 v29, v29  }
0x361: {  	p0 =	slt.u32 s7, $0x2FC;
	v1 =	vadd.f32 v43, v41;
	v40 =	vadd.f32 v40, v7;
	v32 =	vmovc v16;
	v7 =	vmov v19;
	s10 =	smov.u32 s7;
	s7 =	sadd.s32 $0x4, s7  }
0x362: {  	v16 =	vmov s11;
	v19 =	vxor.u32 s11, v0;
	v41 =	vmul.f32 v27, v27;
	[tilespmem:v13+s25+$0x0] =	vst.idx.msk $0xffff, v25  }
0x363: {  	v13 =	vand.u32 $0x7F, v19;
	v16 =	vshll.u32 v16, $0x3;
	v43 =	vld.idx.msk [tilespmem:v31+s18+$0x0], $0xffff;
	v1 =	vadd.f32 v1, v8;
	[tilespmem:v10+s25+$0x0] =	vst.idx.msk $0xffff, v40  }
0x364: {  	v49 =	vadd.f32 v44, v42;
	s11 =	sadd.s32 $0x2, s10;
	v8 =	vand.u32 $0x1C00, v16;
	[tilespmem:v12+s25+$0x0] =	vst.idx.msk $0xffff, v27;
	v12 =	vmul.f32 v40, v40  }
0x365: {  	v48 =	vmov s11;
	v16 =	vmul.f32 v25, v25;
	v42 =	vor.u32 v13, v8;
	v13 =	vld.idx.msk [tilespmem:v31+s25+$0x0], $0xffff;
	[tilespmem:v11+s25+$0x0] =	vst.idx.msk $0xffff, v1  }
0x366: {  	v22 =	vadd.f32 v41, v22;
	v11 =	vadd.f32 v49, v17;
	v44 =	vadd.s32 v4, v42;
	v45 =	vld.idx.msk [tilespmem:v23+s18+$0x0], $0xffff  }
0x367: {  	v10 =	vmovc v18;
	v41 =	vxor.u32 s11, v0;
	v46 =	vshll.u32 v48, $0x3;
	v27 =	vadd.f32 v27, v33;
	v47 =	vld.idx.msk [tilespmem:v34+s18+$0x0], $0xffff;
	v8 =	vmovc v15  }
0x368: {  	v18 =	vand.u32 $0x1C00, v46;
	v16 =	vadd.f32 v16, v22;
	v15 =	vand.u32 $0x7F, v41;
	[tilespmem:v35+s25+$0x0] =	vst.idx.msk $0xffff, v11;
	v35 =	vld.idx.msk [tilespmem:v34+s25+$0x0], $0xffff  }
0x369: {  	s11 =	sadd.s32 $0x3, s10;
	v22 =	vadd.f32 v25, v27;
	v18 =	vor.u32 v15, v18;
	v15 =	vadd.f32 v11, v38;
	v38 =	vld.idx.msk [tilespmem:v21+s25+$0x0], $0xffff  }
0x36a: {  	v36 =	vadd.f32 v36, v39;
	v27 =	vmov s11;
	v25 =	vadd.s32 v4, v18;
	v46 =	vld.idx.msk [tilespmem:v21+s18+$0x0], $0xffff  }
0x36b: {  	v48 =	vxor.u32 s11, v0;
	v33 =	vmul.f32 v1, v1;
	v27 =	vshll.u32 v27, $0x3;
	v39 =	vld.idx.msk [tilespmem:v44+s18+$0x0], $0xffff  }
0x36c: {  	v50 =	vand.u32 $0x7F, v48;
	v27 =	vand.u32 $0x1C00, v27;
	v1 =	vadd.f32 v1, v22;
	v49 =	vld.idx.msk [tilespmem:v44+s25+$0x0], $0xffff  }
0x36d: {  	v22 =	vadd.f32 v33, v16;
	v27 =	vor.u32 v50, v27;
	v50 =	vmul.f32 v26, v26;
	v51 =	vld.idx.msk [tilespmem:v23+s25+$0x0], $0xffff  }
0x36e: {  	v52 =	vadd.s32 v4, v27;
	v15 =	vadd.f32 v29, v15;
	v33 =	vadd.f32 v40, v1;
	v16 =	vld.idx.msk [tilespmem:v19+s26+$0x0], $0xffff  }
0x36f: {  	v29 =	vmul.f32 v11, v11;
	v22 =	vadd.f32 v12, v22;
	v35 =	vadd.f32 v47, v35;
	v1 =	vld.idx.msk [tilespmem:v25+s25+$0x0], $0xffff  }
0x370: {  	v12 =	vadd.s32 v6, v24;
	v38 =	vadd.f32 v46, v38;
	v46 =	vadd.f32 v26, v15;
	v40 =	vld.idx.msk [tilespmem:v25+s18+$0x0], $0xffff  }
0x371: {  	v24 =	vadd.f32 v43, v13;
	v11 =	vadd.s32 v6, v14;
	v47 =	vadd.f32 v35, v7;
	v19 =	vld.idx.msk [tilespmem:v48+s26+$0x0], $0xffff  }
0x372: {  	v13 =	vadd.s32 v6, v9;
	v26 =	vadd.f32 v39, v49;
	v14 =	vadd.f32 v38, v17;
	v15 =	vld.idx.msk [tilespmem:v41+s26+$0x0], $0xffff  }
0x373: {  	v38 =	vadd.f32 v24, v32;
	v41 =	vadd.f32 v45, v51;
	v39 =	vld.idx.msk [tilespmem:v52+s18+$0x0], $0xffff;
	[tilespmem:v34+s25+$0x0] =	vst.idx.msk $0xffff, v47  }
0x374: {  	v35 =	vmov s10;
	v30 =	vadd.f32 v14, v30;
	[tilespmem:v21+s25+$0x0] =	vst.idx.msk $0xffff, v14;
	v21 =	vmul.f32 v14, v14;
	v34 =	vld.idx.msk [tilespmem:v10+s25+$0x0], $0xffff  }
0x375: {  	v28 =	vadd.f32 v29, v28;
	v35 =	vshll.u32 v35, $0x3;
	v45 =	vxor.u32 s10, v0;
	[tilespmem:v31+s25+$0x0] =	vst.idx.msk $0xffff, v38;
	v31 =	vld.idx.msk [tilespmem:v10+s18+$0x0], $0xffff  }
0x376: {  	v9 =	vmovc v42;
	v29 =	vand.u32 $0x1C00, v35;
	v24 =	vand.u32 $0x7F, v45;
	v43 =	vmul.f32 v38, v38;
	v14 =	vmovc v18;
	v48 =	vld.idx.msk [tilespmem:v12+s25+$0x0], $0xffff  }
0x377: {  	v24 =	vor.u32 v24, v29;
	v1 =	vadd.f32 v40, v1;
	v42 =	vadd.f32 v21, v36;
	v18 =	vld.idx.msk [tilespmem:v52+s25+$0x0], $0xffff  }
0x378: {  	v51 =	vadd.f32 v41, v8;
	v35 =	vadd.s32 v4, v24;
	v21 =	vadd.s32 v5, v24;
	v49 =	vld.idx.msk [tilespmem:v13+s25+$0x0], $0xffff  }
0x379: {  	v53 =	vmul.f32 v20, v20;
	v28 =	vadd.f32 v37, v28;
	v29 =	vadd.f32 v26, v16;
	v37 =	vld.idx.msk [tilespmem:v13+s18+$0x0], $0xffff  }
0x37a: {  	v30 =	vadd.f32 v38, v30;
	v26 =	vadd.f32 v1, v15;
	v1 =	vld.idx.msk [tilespmem:v12+s18+$0x0], $0xffff;
	[tilespmem:v23+s25+$0x0] =	vst.idx.msk $0xffff, v51  }
0x37b: {  	v36 =	vmul.f32 v47, v47;
	v23 =	vadd.f32 v50, v28;
	v40 =	vadd.f32 v31, v34;
	v41 =	vld.idx.msk [tilespmem:v11+s25+$0x0], $0xffff  }
0x37c: {  	v38 =	vadd.f32 v20, v46;
	v28 =	vadd.f32 v43, v42;
	v31 =	vmul.f32 v51, v51;
	v43 =	vld.idx.msk [tilespmem:v11+s18+$0x0], $0xffff  }
0x37d: {  	v30 =	vadd.f32 v51, v30;
	v20 =	vadd.f32 v39, v18;
	v42 =	vld.idx.msk [tilespmem:v35+s25+$0x0], $0xffff;
	[tilespmem:v44+s25+$0x0] =	vst.idx.msk $0xffff, v29  }
.Ltmp4:
0x37e: {  	v39 =	vadd.f32 v31, v28;
	v28 =	vadd.f32 v53, v23;
	v44 =	vld.idx.msk [tilespmem:v35+s18+$0x0], $0xffff;
	(pc) =	sbr.rel @p0 .LBB2_10-.Ltmp4, $4  }
0x37f: {  	v30 =	vadd.f32 v47, v30;
	v18 =	vadd.s32 v6, v27;
	v37 =	vadd.f32 v37, v49  }
0x380: {  	v31 =	vadd.s32 v5, v9;
	v20 =	vadd.f32 v20, v19;
	v1 =	vadd.f32 v1, v48  }
0x381: {  	v34 =	vadd.s32 v5, v27;
	v23 =	vadd.s32 v5, v14;
	[tilespmem:v25+s25+$0x0] =	vst.idx.msk $0xffff, v26  }
0x382: {  	v27 =	vadd.f32 v1, v17;
	v25 =	vadd.f32 v37, v32;
	[tilespmem:v52+s25+$0x0] =	vst.idx.msk $0xffff, v20;
	v17 =	vld.idx.msk [tilespmem:v45+s26+$0x0], $0xffff  }
0x383: {  	_ =	sdelay $0x3  }
0x384: {  	v1 =	vadd.f32 v44, v42;
	v37 =	vld.idx.msk [tilespmem:v31+s18+$0x0], $0xffff  }
0x385: {  	v59 =	vld.idx.msk [tilespmem:v34+s18+$0x0], $0xffff  }
0x386: {  	v60 =	vld.idx.msk [tilespmem:v34+s25+$0x0], $0xffff;
	v1 =	vadd.f32 v1, v17  }
0x387: {  	v63 =	vadd.f32 v40, v7;
	v7 =	vld.idx.msk [tilespmem:v31+s25+$0x0], $0xffff  }
0x388: {  	v50 =	vld.idx.msk [tilespmem:v23+s18+$0x0], $0xffff;
	v32 =	vmul.f32 v27, v27;
	[tilespmem:v35+s25+$0x0] =	vst.idx.msk $0xffff, v1  }
0x389: {  	v41 =	vadd.f32 v43, v41;
	v33 =	vadd.f32 v27, v33;
	v61 =	vld.idx.msk [tilespmem:v21+s25+$0x0], $0xffff  }
0x38a: {  	v36 =	vadd.f32 v36, v39;
	v62 =	vmul.f32 v25, v25;
	v45 =	vadd.f32 v32, v22;
	v46 =	vld.idx.msk [tilespmem:v21+s18+$0x0], $0xffff  }
0x38b: {  	v53 =	vld.idx.msk [tilespmem:v23+s25+$0x0], $0xffff;
	v24 =	vadd.s32 v6, v24;
	v22 =	vadd.f32 v41, v8;
	v33 =	vadd.f32 v25, v33  }
0x38c: {  	v54 =	vadd.s32 v6, v9;
	v48 =	vadd.f32 v62, v45;
	v7 =	vadd.f32 v37, v7  }
0x38d: {  	v14 =	vadd.s32 v6, v14;
	v52 =	vadd.f32 v22, v33;
	v35 =	vadd.f32 v59, v60  }
0x38e: {  	v8 =	vmul.f32 v29, v29;
	v38 =	vadd.f32 v1, v38;
	v7 =	vadd.f32 v7, v16  }
0x38f: {  	v51 =	vmul.f32 v22, v22;
	v35 =	vadd.f32 v35, v19;
	v43 =	vadd.f32 v46, v61  }
0x390: {  	v57 =	vadd.f32 v50, v53;
	v1 =	vmul.f32 v1, v1;
	[tilespmem:v31+s25+$0x0] =	vst.idx.msk $0xffff, v7  }
0x391: {  	v9 =	vadd.f32 v29, v38;
	[tilespmem:v34+s25+$0x0] =	vst.idx.msk $0xffff, v35;
	v58 =	vld.idx.msk [tilespmem:v54+s25+$0x0], $0xffff;
	v29 =	vadd.f32 v43, v17  }
0x392: {  	v49 =	vmul.f32 v63, v63;
	v39 =	vadd.f32 v51, v48;
	v55 =	vadd.f32 v63, v52;
	v56 =	vld.idx.msk [tilespmem:v18+s25+$0x0], $0xffff  }
0x393: {  	v1 =	vadd.f32 v1, v28;
	v38 =	vadd.f32 v57, v15;
	[tilespmem:v21+s25+$0x0] =	vst.idx.msk $0xffff, v29;
	v21 =	vld.idx.msk [tilespmem:v18+s18+$0x0], $0xffff  }
0x394: {  	v39 =	vadd.f32 v49, v39;
	v9 =	vadd.f32 v26, v9;
	v31 =	vmul.f32 v29, v29;
	v28 =	vld.idx.msk [tilespmem:v24+s25+$0x0], $0xffff  }
0x395: {  	v26 =	vmul.f32 v26, v26;
	v1 =	vadd.f32 v8, v1;
	v29 =	vadd.f32 v29, v30;
	v8 =	vld.idx.msk [tilespmem:v24+s18+$0x0], $0xffff  }
0x396: {  	v59 =	vld.idx.msk [tilespmem:v54+s18+$0x0], $0xffff;
	[tilespmem:v23+s25+$0x0] =	vst.idx.msk $0xffff, v38;
	v30 =	vmul.f32 v7, v7;
	v31 =	vadd.f32 v31, v36  }
0x397: {  	v23 =	vld.idx.msk [tilespmem:v14+s25+$0x0], $0xffff;
	v1 =	vadd.f32 v26, v1;
	v7 =	vadd.f32 v7, v29  }
0x398: {  	v9 =	vadd.f32 v20, v9;
	v29 =	vmul.f32 v38, v38;
	v26 =	vadd.f32 v30, v31;
	v30 =	vld.idx.msk [tilespmem:v14+s18+$0x0], $0xffff  }
0x399: {  	v31 =	vmul.f32 v20, v20;
	v7 =	vadd.f32 v38, v7;
	v21 =	vadd.f32 v21, v56  }
0x39a: {  	v20 =	vadd.f32 v29, v26;
	v8 =	vadd.f32 v8, v28  }
0x39b: {  	v1 =	vadd.f32 v31, v1;
	v26 =	vadd.f32 v59, v58  }
0x39c: {  	v7 =	vadd.f32 v35, v7;
	v19 =	vadd.f32 v21, v19  }
0x39d: {  	v9 =	vmul.f32 $1.302083370e-03, v9;
	v17 =	vadd.f32 v8, v17;
	v23 =	vadd.f32 v30, v23  }
0x39e: {  	v8 =	vmul.f32 v35, v35;
	v16 =	vadd.f32 v26, v16;
	v1 =	vmul.f32 $1.302083370e-03, v1  }
0x39f: {  	v21 =	vmul.f32 v17, v17;
	v15 =	vadd.f32 v23, v15;
	v23 =	vadd.f32 v17, v55  }
0x3a0: {  	v26 =	vmul.f32 v9, v9;
	v20 =	vadd.f32 v8, v20;
	v8 =	vmul.f32 $1.302083370e-03, v7  }
0x3a1: {  	v7 =	vmul.f32 v16, v16;
	v21 =	vadd.f32 v21, v39;
	v23 =	vadd.f32 v16, v23  }
0x3a2: {  	v1 =	vsub.f32 v1, v26;
	v20 =	vmul.f32 $1.302083370e-03, v20;
	v26 =	vmul.f32 v8, v8  }
0x3a3: {  	v7 =	vadd.f32 v7, v21;
	v21 =	vmul.f32 v15, v15;
	v23 =	vadd.f32 v15, v23  }
0x3a4: {  	v1 =	vadd.f32 $9.999999960e-13, v1;
	v20 =	vsub.f32 v20, v26  }
0x3a5: {  	v26 =	vmul.f32 v19, v19;
	v7 =	vadd.f32 v21, v7;
	v21 =	vadd.f32 v19, v23  }
0x3a6: {  	v20 =	vadd.f32 $9.999999960e-13, v20;
	v23 =	vshra.s32 v1, $0x1;
	v1 =	vmul.f32 $5.000000000e-01, v1  }
0x3a7: {  	v26 =	vadd.f32 v26, v7;
	v23 =	vsub.s32 $0x5F3759DF, v23;
	v7 =	vmul.f32 $1.302083370e-03, v21  }
0x3a8: {  	v28 =	vshra.s32 v20, $0x1;
	v20 =	vmul.f32 $5.000000000e-01, v20;
	v21 =	vmul.f32 v23, v1  }
0x3a9: {  	v28 =	vsub.s32 $0x5F3759DF, v28;
	v26 =	vmul.f32 $1.302083370e-03, v26;
	v29 =	vmul.f32 v7, v7  }
0x3aa: {  	v30 =	vmul.f32 v28, v20;
	v21 =	vmul.f32 v23, v21  }
0x3ab: {  	v26 =	vsub.f32 v26, v29  }
0x3ac: {  	v21 =	vsub.f32 $1.500000000e+00, v21;
	v29 =	vmul.f32 v28, v30  }
0x3ad: {  	v26 =	vadd.f32 $9.999999960e-13, v26  }
0x3ae: {  	v21 =	vmul.f32 v23, v21;
	v23 =	vsub.f32 $1.500000000e+00, v29  }
0x3af: {  	v29 =	vshra.s32 v26, $0x1;
	v26 =	vmul.f32 $5.000000000e-01, v26  }
0x3b0: {  	v30 =	vmul.f32 v21, v1;
	v23 =	vmul.f32 v28, v23;
	v28 =	vsub.s32 $0x5F3759DF, v29  }
0x3b1: {  	v29 =	vmul.f32 v28, v26  }
0x3b2: {  	v30 =	vmul.f32 v30, v21;
	v31 =	vmul.f32 v23, v20  }
0x3b3: {  	v29 =	vmul.f32 v28, v29  }
0x3b4: {  	v30 =	vsub.f32 $1.500000000e+00, v30;
	v31 =	vmul.f32 v31, v23  }
0x3b5: {  	v29 =	vsub.f32 $1.500000000e+00, v29  }
0x3b6: {  	v21 =	vmul.f32 v30, v21;
	v30 =	vsub.f32 $1.500000000e+00, v31  }
0x3b7: {  	v28 =	vmul.f32 v28, v29  }
0x3b8: {  	v29 =	vmul.f32 v21, v1;
	v23 =	vmul.f32 v30, v23  }
0x3b9: {  	s11 =	simm.s32 $0x0;
	v30 =	vmul.f32 v28, v26  }
0x3ba: {  	s12 =	simm.s32 $0x3;
	[tilespmem:v13+s25+$0x0] =	vst.idx.msk $0xffff, v25;
	v13 =	vmov s11;
	v29 =	vmul.f32 v29, v21;
	v31 =	vmul.f32 v23, v20  }
0x3bb: {  	[tilespmem:v12+s25+$0x0] =	vst.idx.msk $0xffff, v27;
	v12 =	vmov s12;
	v13 =	vshll.u32 v13, $0x3;
	v30 =	vmul.f32 v30, v28  }
0x3bc: {  	v12 =	vshll.u32 v12, $0x3;
	v29 =	vsub.f32 $1.500000000e+00, v29;
	v31 =	vmul.f32 v31, v23  }
0x3bd: {  	s10 =	simm.s32 $0x2;
	v25 =	vxor.u32 s12, v0;
	v13 =	vand.u32 $0x1C00, v13;
	v30 =	vsub.f32 $1.500000000e+00, v30  }
0x3be: {  	s7 =	simm.s32 $0x1;
	v21 =	vmul.f32 v29, v21;
	v29 =	vsub.f32 $1.500000000e+00, v31;
	v31 =	vmov s10  }
0x3bf: {  	[tilespmem:v10+s25+$0x0] =	vst.idx.msk $0xffff, v63;
	v60 =	vxor.u32 s7, v0;
	v31 =	vshll.u32 v31, $0x3;
	v28 =	vmul.f32 v30, v28  }
0x3c0: {  	[tilespmem:v11+s25+$0x0] =	vst.idx.msk $0xffff, v22;
	v30 =	vmov s7;
	v10 =	vand.u32 $0x1C00, v31;
	v31 =	vxor.u32 s11, v0  }
0x3c1: {  	v11 =	vand.u32 $0x7F, v60;
	[tilespmem:v18+s25+$0x0] =	vst.idx.msk $0xffff, v19;
	v30 =	vshll.u32 v30, $0x3;
	v27 =	vand.u32 $0x7F, v31  }
0x3c2: {  	v61 =	vxor.u32 s10, v0;
	[tilespmem:v54+s25+$0x0] =	vst.idx.msk $0xffff, v16;
	v22 =	vand.u32 $0x1C00, v30;
	v27 =	vor.u32 v27, v13  }
0x3c3: {  	v1 =	vmul.f32 v21, v1;
	v62 =	vor.u32 v11, v22;
	v22 =	vadd.s32 v4, v27  }
0x3c4: {  	[tilespmem:v24+s25+$0x0] =	vst.idx.msk $0xffff, v17;
	v13 =	vmul.f32 v29, v23;
	v11 =	vand.u32 $0x7F, v61;
	v18 =	vadd.s32 v4, v62  }
0x3c5: {  	[tilespmem:v14+s25+$0x0] =	vst.idx.msk $0xffff, v15;
	v63 =	vor.u32 v11, v10;
	v10 =	vand.u32 $0x7F, v25;
	v11 =	vand.u32 $0x1C00, v12  }
0x3c6: {  	s13 =	rddreg [dreg:$0xe];
	v12 =	vmul.f32 v28, v26;
	v52 =	vadd.s32 v4, v63;
	v40 =	vor.u32 v10, v11  }
0x3c7: {  	[tilespmem:s18], [sflag:$0x3] =	stream.linear.gather [hbm4b:s13+s11], $0x9000, $0x38;
	v1 =	vmul.f32 v1, v21;
	v23 =	vadd.s32 v4, v40;
	[tilespmem:$0x1BA00] =	vst v63  }
0x3c8: {  	v11 =	vmul.f32 v13, v20;
	v10 =	vmul.f32 v12, v28;
	v12 =	vld.idx.msk [tilespmem:v22+s25+$0x0], $0xffff  }
0x3c9: {  	v14 =	vld.idx.msk [tilespmem:v18+s25+$0x0], $0xffff  }
0x3ca: {  	s13 =	simm.s32 $0x4;
	s10 =	simm.s32 $0x5;
	v1 =	vsub.f32 $1.500000000e+00, v1;
	v11 =	vmul.f32 v11, v13;
	v15 =	vsub.f32 $1.500000000e+00, v10;
	v10 =	vld.idx.msk [tilespmem:v31+s28+$0x0], $0xffff  }
0x3cb: {  	v39 =	vxor.u32 s13, v0;
	v41 =	vxor.u32 s10, v0;
	v20 =	vld.idx.msk [tilespmem:v52+s25+$0x0], $0xffff  }
0x3cc: {  	s11 =	simm.s32 $0x6;
	v19 =	vmul.f32 v1, v21;
	v1 =	vsub.f32 $1.500000000e+00, v11;
	v28 =	vmul.f32 v15, v28;
	v15 =	vld.idx.msk [tilespmem:v23+s25+$0x0], $0xffff  }
0x3cd: {  	v56 =	vand.u32 $0x7F, v41;
	v54 =	vmov s11;
	v43 =	vxor.u32 s11, v0;
	v11 =	vld.idx.msk [tilespmem:v60+s28+$0x0], $0xffff  }
0x3ce: {  	v17 =	vmul.f32 v1, v13;
	v13 =	vld.idx.msk [tilespmem:v60+s29+$0x0], $0xffff;
	v21 =	vsub.f32 v12, v9;
	v14 =	vsub.f32 v14, v9  }
0x3cf: {  	v35 =	vshll.u32 v54, $0x3;
	v30 =	vadd.s32 v5, v27;
	v24 =	vmul.f32 v28, v26;
	v12 =	vld.idx.msk [tilespmem:v31+s29+$0x0], $0xffff  }
0x3d0: {  	v16 =	vld.idx.msk [tilespmem:v61+s28+$0x0], $0xffff;
	v35 =	vand.u32 $0x1C00, v35;
	v1 =	vmul.f32 v21, v19;
	v14 =	vmul.f32 v14, v19  }
0x3d1: {  	v21 =	vmul.f32 v24, v28;
	v20 =	vsub.f32 v20, v9;
	v26 =	vsub.f32 v15, v9  }
0x3d2: {  	v34 =	vadd.s32 v5, v62;
	v15 =	vld.idx.msk [tilespmem:v25+s28+$0x0], $0xffff;
	v1 =	vmul.f32 v1, v10;
	v29 =	vmul.f32 v14, v11  }
0x3d3: {  	v24 =	vadd.s32 v5, v40;
	v20 =	vmul.f32 v20, v19;
	v14 =	vld.idx.msk [tilespmem:v61+s29+$0x0], $0xffff;
	v31 =	vmul.f32 v26, v19  }
0x3d4: {  	v25 =	vld.idx.msk [tilespmem:v25+s29+$0x0], $0xffff;
	v26 =	vmov s10;
	v1 =	vadd.f32 v1, v12;
	v29 =	vadd.f32 v29, v13  }
0x3d5: {  	s12 =	simm.s32 $0x7;
	v53 =	vmul.f32 v20, v16;
	v20 =	vadd.s32 v5, v63;
	v55 =	vshll.u32 v26, $0x3  }
0x3d6: {  	v26 =	vxor.u32 s12, v0;
	v38 =	vand.u32 $0x1C00, v55;
	[tilespmem:v18+s25+$0x0] =	vst.idx.msk $0xffff, v29;
	v29 =	vmov s13  }
0x3d7: {  	v31 =	vmul.f32 v31, v15;
	v47 =	vor.u32 v56, v38;
	v57 =	vld.idx.msk [tilespmem:v34+s25+$0x0], $0xffff;
	v29 =	vshll.u32 v29, $0x3  }
0x3d8: {  	[tilespmem:v22+s25+$0x0] =	vst.idx.msk $0xffff, v1;
	v22 =	vand.u32 $0x7F, v39;
	v18 =	vadd.f32 v53, v14;
	v1 =	vand.u32 $0x1C00, v29  }
0x3d9: {  	v58 =	vadd.f32 v31, v25;
	v29 =	vadd.s32 v4, v47;
	v31 =	vor.u32 v22, v1  }
0x3da: {  	v1 =	vld.idx.msk [tilespmem:v30+s25+$0x0], $0xffff;
	v22 =	vmov s12;
	[tilespmem:v52+s25+$0x0] =	vst.idx.msk $0xffff, v18;
	v18 =	vand.u32 $0x7F, v43;
	v38 =	vadd.s32 v4, v31  }
0x3db: {  	v59 =	vand.u32 $0x7F, v26;
	[tilespmem:v23+s25+$0x0] =	vst.idx.msk $0xffff, v58;
	v22 =	vshll.u32 v22, $0x3;
	v60 =	vld.idx.msk [tilespmem:v20+s25+$0x0], $0xffff;
	v46 =	vor.u32 v18, v35  }
0x3dc: {  	v61 =	vld.idx.msk [tilespmem:v24+s25+$0x0], $0xffff;
	v18 =	vand.u32 $0x1C00, v22;
	v33 =	vadd.s32 v4, v46;
	v22 =	vsub.f32 v57, v8  }
0x3dd: {  	v44 =	vor.u32 v59, v18  }
0x3de: {  	v21 =	vsub.f32 $1.500000000e+00, v21;
	v48 =	vld.idx.msk [tilespmem:v29+s25+$0x0], $0xffff;
	v32 =	vadd.s32 v4, v44;
	v42 =	vmul.f32 v22, v17  }
0x3df: {  	v36 =	vadd.s32 v6, v27;
	v37 =	vadd.s32 v6, v40;
	v18 =	vadd.s32 v6, v62;
	v62 =	vld.idx.msk [tilespmem:v38+s25+$0x0], $0xffff  }
0x3e0: {  	v22 =	vmul.f32 v21, v28;
	v1 =	vsub.f32 v1, v8;
	v28 =	vld.idx.msk [tilespmem:v41+s28+$0x0], $0xffff;
	v42 =	vmul.f32 v42, v11  }
0x3e1: {  	v23 =	vadd.s32 v6, v63;
	v45 =	vsub.f32 v60, v8;
	v27 =	vsub.f32 v61, v8;
	v63 =	vld.idx.msk [tilespmem:v33+s25+$0x0], $0xffff  }
0x3e2: {  	v21 =	vadd.s32 v6, v47;
	v1 =	vmul.f32 v1, v17;
	v50 =	vadd.f32 v42, v13;
	v42 =	vld.idx.msk [tilespmem:v39+s28+$0x0], $0xffff  }
0x3e3: {  	v49 =	vmul.f32 v45, v17;
	v45 =	vadd.s32 v5, v44;
	v27 =	vmul.f32 v27, v17;
	v52 =	vld.idx.msk [tilespmem:v32+s25+$0x0], $0xffff  }
0x3e4: {  	v48 =	vsub.f32 v48, v9;
	v39 =	vld.idx.msk [tilespmem:v39+s29+$0x0], $0xffff;
	[tilespmem:v34+s25+$0x0] =	vst.idx.msk $0xffff, v50;
	v60 =	vsub.f32 v62, v9  }
0x3e5: {  	v1 =	vmul.f32 v1, v10;
	v53 =	vmul.f32 v27, v15;
	v27 =	vadd.s32 v5, v47;
	v56 =	vld.idx.msk [tilespmem:v18+s25+$0x0], $0xffff  }
0x3e6: {  	v40 =	vld.idx.msk [tilespmem:v43+s28+$0x0], $0xffff;
	v51 =	vmul.f32 v49, v16;
	v47 =	vadd.s32 v5, v31;
	v62 =	vmul.f32 v60, v19  }
0x3e7: {  	v41 =	vld.idx.msk [tilespmem:v41+s29+$0x0], $0xffff;
	v61 =	vmul.f32 v48, v19;
	v34 =	vadd.s32 v6, v46;
	v63 =	vsub.f32 v63, v9  }
0x3e8: {  	v49 =	vadd.f32 v1, v12;
	v52 =	vsub.f32 v52, v9;
	v1 =	vmul.f32 v62, v42  }
0x3e9: {  	v43 =	vld.idx.msk [tilespmem:v43+s29+$0x0], $0xffff;
	v53 =	vadd.f32 v53, v25;
	v50 =	vmul.f32 v61, v28;
	v55 =	vmul.f32 v63, v19  }
0x3ea: {  	s7 =	simm.s32 $0x8;
	v35 =	vld.idx.msk [tilespmem:v26+s28+$0x0], $0xffff;
	v48 =	vmul.f32 v52, v19;
	v54 =	vadd.f32 v1, v39;
	v52 =	vsub.f32 v56, v7  }
.LBB2_12:
0x3eb: {  	s10 =	sadd.s32 $0x1, s7;
	v1 =	vmul.f32 v55, v40;
	v46 =	vadd.s32 v5, v46;
	v55 =	vmov v12  }
0x3ec: {  	s11 =	sadd.s32 $0x2, s7;
	s12 =	sadd.s32 $0x3, s7;
	[tilespmem:v30+s25+$0x0] =	vst.idx.msk $0xffff, v49;
	v12 =	vmovc v39;
	v49 =	vmovc v44;
	v56 =	vmov v13;
	v13 =	vmov v41;
	v57 =	vmov v36;
	s13 =	smov.u32 s7  }
0x3ed: {  	p0 =	slt.u32 s7, $0x2FC;
	s7 =	sadd.s32 $0x4, s7;
	v30 =	vmov s10;
	v39 =	vmov s11;
	v41 =	vadd.f32 v50, v13;
	v50 =	vld.idx.msk [tilespmem:v26+s29+$0x0], $0xffff;
	[tilespmem:v24+s25+$0x0] =	vst.idx.msk $0xffff, v53;
	v53 =	vmovc v10;
	v10 =	vmovc v42  }
0x3ee: {  	v44 =	vadd.f32 v51, v14;
	v51 =	vmovc v16;
	v42 =	vxor.u32 s10, v0;
	v24 =	vmovc v45;
	v30 =	vshll.u32 v30, $0x3;
	v36 =	vld.idx.msk [tilespmem:v36+s25+$0x0], $0xffff  }
0x3ef: {  	v26 =	vxor.u32 s12, v0;
	v16 =	vshll.u32 v39, $0x3;
	[tilespmem:v38+s25+$0x0] =	vst.idx.msk $0xffff, v54;
	v38 =	vmul.f32 v48, v35;
	v39 =	vld.idx.msk [tilespmem:v37+s25+$0x0], $0xffff  }
0x3f0: {  	v61 =	vmul.f32 v52, v22;
	v48 =	vxor.u32 s11, v0;
	v45 =	vand.u32 $0x1C00, v16;
	v54 =	vld.idx.msk [tilespmem:v47+s25+$0x0], $0xffff;
	[tilespmem:v20+s25+$0x0] =	vst.idx.msk $0xffff, v44  }
0x3f1: {  	v52 =	vxor.u32 s13, v0;
	v44 =	vmov s12;
	v1 =	vadd.f32 v1, v43;
	v20 =	vmovc v46;
	[tilespmem:v29+s25+$0x0] =	vst.idx.msk $0xffff, v41;
	v58 =	vld.idx.msk [tilespmem:v23+s25+$0x0], $0xffff  }
0x3f2: {  	v59 =	vmul.f32 v61, v11;
	v11 =	vmovc v28;
	v29 =	vand.u32 $0x7F, v42;
	v41 =	vand.u32 $0x7F, v26;
	v16 =	vmovc v40  }
0x3f3: {  	v60 =	vmovc v37;
	v28 =	vmov s13;
	v30 =	vand.u32 $0x1C00, v30;
	v40 =	vld.idx.msk [tilespmem:v27+s25+$0x0], $0xffff;
	[tilespmem:v33+s25+$0x0] =	vst.idx.msk $0xffff, v1;
	v1 =	vadd.f32 v38, v50  }
0x3f4: {  	v28 =	vshll.u32 v28, $0x3;
	v61 =	vmovc v23;
	v23 =	vmovc v34;
	v33 =	vshll.u32 v44, $0x3;
	v36 =	vsub.f32 v36, v7;
	v37 =	vld.idx.msk [tilespmem:v46+s25+$0x0], $0xffff  }
0x3f5: {  	v28 =	vand.u32 $0x1C00, v28;
	v34 =	vor.u32 v29, v30;
	[tilespmem:v32+s25+$0x0] =	vst.idx.msk $0xffff, v1;
	v1 =	vsub.f32 v39, v7  }
0x3f6: {  	v30 =	vmovc v47;
	v47 =	vmovc v14;
	v29 =	vadd.s32 v4, v34;
	v62 =	vadd.s32 v6, v34;
	v32 =	vand.u32 $0x7F, v52  }
0x3f7: {  	v14 =	vmovc v43;
	v63 =	vor.u32 v32, v28;
	v28 =	vand.u32 $0x1C00, v33;
	v1 =	vmul.f32 v1, v22  }
0x3f8: {  	v36 =	vmul.f32 v36, v22;
	v32 =	vand.u32 $0x7F, v48;
	v38 =	vadd.s32 v4, v63;
	v43 =	vld.idx.msk [tilespmem:v24+s25+$0x0], $0xffff  }
0x3f9: {  	v46 =	vor.u32 v32, v45;
	v40 =	vsub.f32 v40, v8;
	v1 =	vmul.f32 v1, v15;
	v15 =	vmovc v35  }
0x3fa: {  	v44 =	vor.u32 v41, v28;
	v28 =	vmul.f32 v36, v53;
	v33 =	vadd.s32 v4, v46;
	v39 =	vld.idx.msk [tilespmem:v52+s29+$0x0], $0xffff  }
0x3fb: {  	v32 =	vadd.s32 v4, v44;
	v37 =	vsub.f32 v37, v8;
	v40 =	vmul.f32 v40, v17;
	v35 =	vld.idx.msk [tilespmem:v29+s25+$0x0], $0xffff  }
0x3fc: {  	v45 =	vsub.f32 v54, v8;
	v36 =	vadd.s32 v6, v31;
	v1 =	vadd.f32 v1, v25;
	v41 =	vld.idx.msk [tilespmem:v42+s29+$0x0], $0xffff  }
0x3fd: {  	v53 =	vsub.f32 v58, v7;
	v31 =	vmul.f32 v40, v11;
	v40 =	vadd.f32 v28, v55;
	v25 =	vld.idx.msk [tilespmem:v38+s25+$0x0], $0xffff  }
0x3fe: {  	v54 =	vmul.f32 v37, v17;
	v37 =	vsub.f32 v43, v8;
	v43 =	vadd.f32 v59, v56;
	v28 =	vld.idx.msk [tilespmem:v42+s28+$0x0], $0xffff  }
0x3ff: {  	v53 =	vmul.f32 v53, v22;
	v56 =	vmul.f32 v45, v17;
	v31 =	vadd.f32 v31, v13;
	v55 =	vld.idx.msk [tilespmem:v33+s25+$0x0], $0xffff  }
0x400: {  	v45 =	vadd.s32 v5, v44;
	v37 =	vmul.f32 v37, v17;
	v42 =	vld.idx.msk [tilespmem:v52+s28+$0x0], $0xffff;
	[tilespmem:v57+s25+$0x0] =	vst.idx.msk $0xffff, v40  }
0x401: {  	v51 =	vmul.f32 v53, v51;
	v56 =	vmul.f32 v56, v10;
	v35 =	vsub.f32 v35, v9;
	v52 =	vld.idx.msk [tilespmem:v32+s25+$0x0], $0xffff  }
0x402: {  	v53 =	vmul.f32 v37, v15;
	v37 =	vadd.s32 v6, v49;
	v40 =	vld.idx.msk [tilespmem:v48+s28+$0x0], $0xffff;
	[tilespmem:v27+s25+$0x0] =	vst.idx.msk $0xffff, v31  }
0x403: {  	v47 =	vadd.f32 v51, v47;
	v58 =	vsub.f32 v25, v9;
	v49 =	vmul.f32 v35, v19;
	v57 =	vld.idx.msk [tilespmem:v21+s25+$0x0], $0xffff  }
0x404: {  	v51 =	vmul.f32 v54, v16;
	v27 =	vadd.s32 v5, v34;
	v34 =	vadd.s32 v6, v46;
	v25 =	vmovc v50  }
.Ltmp5:
0x405: {  	v54 =	vmul.f32 v58, v19;
	v55 =	vsub.f32 v55, v9;
	v35 =	vld.idx.msk [tilespmem:v26+s28+$0x0], $0xffff;
	[tilespmem:v60+s25+$0x0] =	vst.idx.msk $0xffff, v1;
	(pc) =	sbr.rel @p0 .LBB2_12-.Ltmp5, $4  }
0x406: {  	v31 =	vmov v63;
	v50 =	vmul.f32 v49, v28;
	v49 =	vadd.f32 v56, v12;
	[tilespmem:v61+s25+$0x0] =	vst.idx.msk $0xffff, v47  }
0x407: {  	v1 =	vmul.f32 v54, v42;
	v52 =	vsub.f32 v52, v9;
	[tilespmem:v18+s25+$0x0] =	vst.idx.msk $0xffff, v43;
	v18 =	vmov v21  }
0x408: {  	v53 =	vadd.f32 v53, v25;
	v47 =	vadd.s32 v5, v31;
	v55 =	vmul.f32 v55, v19;
	v21 =	vmovc v62  }
0x409: {  	v54 =	vadd.f32 v1, v39;
	v43 =	vld.idx.msk [tilespmem:v48+s29+$0x0], $0xffff;
	v48 =	vmul.f32 v52, v19;
	v52 =	vsub.f32 v57, v7  }
0x40a: {  	_ =	sdelay $0x3  }
0x40b: {  	v1 =	vld.idx.msk [tilespmem:v26+s29+$0x0], $0xffff;
	_ =	sdelay $0x1  }
0x40c: {  	v19 =	vmul.f32 v55, v40;
	v26 =	vadd.s32 v5, v46  }
0x40d: {  	v9 =	vmul.f32 v48, v35  }
0x40e: {  	v19 =	vadd.f32 v19, v43  }
0x40f: {  	[tilespmem:v38+s25+$0x0] =	vst.idx.msk $0xffff, v54;
	v9 =	vadd.f32 v9, v1  }
0x410: {  	v62 =	vadd.f32 v50, v41;
	v63 =	vld.idx.msk [tilespmem:v47+s25+$0x0], $0xffff;
	[tilespmem:v33+s25+$0x0] =	vst.idx.msk $0xffff, v19  }
0x411: {  	[tilespmem:v32+s25+$0x0] =	vst.idx.msk $0xffff, v9;
	v19 =	vld.idx.msk [tilespmem:v26+s25+$0x0], $0xffff  }
0x412: {  	[tilespmem:v29+s25+$0x0] =	vst.idx.msk $0xffff, v62;
	v9 =	vld.idx.msk [tilespmem:v45+s25+$0x0], $0xffff  }
0x413: {  	v29 =	vld.idx.msk [tilespmem:v27+s25+$0x0], $0xffff;
	_ =	sdelay $0x1  }
0x414: {  	[tilespmem:v24+s25+$0x0] =	vst.idx.msk $0xffff, v53;
	v48 =	vsub.f32 v63, v8  }
0x415: {  	[tilespmem:v30+s25+$0x0] =	vst.idx.msk $0xffff, v49;
	v24 =	vld.idx.msk [tilespmem:v37+s25+$0x0], $0xffff;
	v19 =	vsub.f32 v19, v8  }
0x416: {  	v53 =	vadd.f32 v51, v14;
	v30 =	vmul.f32 v48, v17;
	v9 =	vsub.f32 v9, v8  }
0x417: {  	v50 =	vld.idx.msk [tilespmem:v36+s25+$0x0], $0xffff;
	v8 =	vsub.f32 v29, v8;
	v19 =	vmul.f32 v19, v17  }
0x418: {  	[tilespmem:v20+s25+$0x0] =	vst.idx.msk $0xffff, v53;
	v30 =	vmul.f32 v30, v42;
	v9 =	vmul.f32 v9, v17  }
0x419: {  	v29 =	vadd.s32 v6, v31;
	v8 =	vmul.f32 v8, v17;
	v19 =	vmul.f32 v19, v40  }
0x41a: {  	v24 =	vsub.f32 v24, v7;
	v20 =	vadd.f32 v30, v39;
	v9 =	vmul.f32 v9, v35  }
0x41b: {  	v30 =	vld.idx.msk [tilespmem:v23+s25+$0x0], $0xffff;
	v17 =	vadd.s32 v6, v44;
	v8 =	vmul.f32 v8, v28;
	v19 =	vadd.f32 v19, v43  }
0x41c: {  	v31 =	vsub.f32 v50, v7;
	[tilespmem:v47+s25+$0x0] =	vst.idx.msk $0xffff, v20;
	v9 =	vadd.f32 v9, v1  }
0x41d: {  	v8 =	vadd.f32 v8, v41;
	[tilespmem:v26+s25+$0x0] =	vst.idx.msk $0xffff, v19  }
0x41e: {  	v20 =	vmul.f32 v24, v22;
	v24 =	vmul.f32 v31, v22;
	[tilespmem:v45+s25+$0x0] =	vst.idx.msk $0xffff, v9;
	v9 =	vld.idx.msk [tilespmem:v29+s25+$0x0], $0xffff  }
0x41f: {  	[tilespmem:v27+s25+$0x0] =	vst.idx.msk $0xffff, v8;
	v8 =	vld.idx.msk [tilespmem:v34+s25+$0x0], $0xffff  }
0x420: {  	v15 =	vmul.f32 v20, v15;
	v10 =	vmul.f32 v24, v10;
	v20 =	vsub.f32 v30, v7;
	v31 =	vld.idx.msk [tilespmem:v17+s25+$0x0], $0xffff  }
0x421: {  	v19 =	vmul.f32 v52, v22;
	v24 =	vld.idx.msk [tilespmem:v21+s25+$0x0], $0xffff  }
0x422: {  	v10 =	vadd.f32 v10, v12;
	v12 =	vmul.f32 v20, v22  }
0x423: {  	v11 =	vmul.f32 v19, v11;
	v9 =	vsub.f32 v9, v7  }
0x424: {  	v15 =	vadd.f32 v15, v25;
	v12 =	vmul.f32 v12, v16;
	v8 =	vsub.f32 v8, v7  }
0x425: {  	v11 =	vadd.f32 v11, v13;
	v13 =	vsub.f32 v31, v7;
	v9 =	vmul.f32 v9, v22  }
0x426: {  	[tilespmem:v36+s25+$0x0] =	vst.idx.msk $0xffff, v10;
	v7 =	vsub.f32 v24, v7;
	v8 =	vmul.f32 v8, v22  }
0x427: {  	v12 =	vadd.f32 v12, v14;
	v10 =	vmul.f32 v13, v22;
	v9 =	vmul.f32 v9, v42  }
0x428: {  	[tilespmem:v37+s25+$0x0] =	vst.idx.msk $0xffff, v15;
	v7 =	vmul.f32 v7, v22;
	v8 =	vmul.f32 v8, v40  }
0x429: {  	[tilespmem:v23+s25+$0x0] =	vst.idx.msk $0xffff, v12;
	v10 =	vmul.f32 v10, v35;
	v9 =	vadd.f32 v9, v39  }
0x42a: {  	[tilespmem:v18+s25+$0x0] =	vst.idx.msk $0xffff, v11;
	v7 =	vmul.f32 v7, v28;
	v8 =	vadd.f32 v8, v43  }
0x42b: {  	v1 =	vadd.f32 v10, v1;
	[tilespmem:v29+s25+$0x0] =	vst.idx.msk $0xffff, v9  }
0x42c: {  	v7 =	vadd.f32 v7, v41;
	[tilespmem:v34+s25+$0x0] =	vst.idx.msk $0xffff, v8  }
0x42d: {  	[tilespmem:v17+s25+$0x0] =	vst.idx.msk $0xffff, v1  }
0x42e: {  	[tilespmem:v21+s25+$0x0] =	vst.idx.msk $0xffff, v7  }
0x42f: {  	s7 =	simm.s32 $0x0;
	s10 =	rddreg [dreg:$0xf]  }
0x430: {  	[hbm4b:s10+s7] =	stream.linear.scatter [tilespmem:s25], [sflag:$0x4], $0x9000, $0x38;
	[tilespmem:$0x1BA00] =	vst v63  }
0x431: {  	_ =	swait.ge [sflag:s2], $0x9000  }
0x432: {  	[sflag:s2] =	ssyncset.done $0x0  }
0x433: {  	[sflag:s2] =	ssyncadd.s32 $0xFFFF7000  }
0x434: {  	v1 =	vld [tilespmem:$0xC0];
	_ =	sdelay $0x3  }
0x435: {  	v8 =	vld [tilespmem:$0x1FFF0]  }
0x436: {  	v7 =	vshrl.u32 v1, $0x3  }
0x437: {  	v7 =	vmul.u32 $0x30, v7  }
0x438: {  	v1 =	vand.u32 $0x7, v1  }
0x439: {  	v1 =	vor.u32 v1, v7  }
0x43a: {  	v7 =	vperm.xlane v1, v8;
	_ =	sdelay $0x1  }
0x43b: {  	v7 =	vadd.s32 v2, v7;
	_ =	sdelay $0x3  }
0x43c: {  	v1 =	vperm.xlane v1, v3  }
0x43d: {  	[tilespmem:s25], [sflag:$0x1] =	stream.indirect_vreg.gather [hbm4b:s0+s7], $0x80, v7, vm0, $0xb8;
	[tilespmem:$0x1BA00] =	vst v63  }
0x43e: {  	s13 =	simm.s32 $0x900;
	v1 =	vadd.s32 v2, v1  }
0x43f: {  	[tilespmem:s13], [sflag:$0x1] =	stream.indirect_vreg.gather [hbm4b:s8+s7], $0x80, v7, vm0, $0xb8;
	[tilespmem:$0x1BA00] =	vst v63  }
0x440: {  	s11 =	simm.s32 $0x1100  }
0x441: {  	[tilespmem:s11], [sflag:$0x1] =	stream.indirect_vreg.gather [hbm4b:s9+s7], $0x80, v7, vm0, $0xb8;
	[tilespmem:$0x1BA00] =	vst v63  }
0x442: {  	s12 =	simm.s32 $0x1900  }
0x443: {  	[tilespmem:s12], [sflag:$0x1] =	stream.indirect_vreg.gather [hbm4b:s0+s7], $0x80, v1, vm0, $0xb8;
	[tilespmem:$0x1BA00] =	vst v63  }
0x444: {  	s13 =	simm.s32 $0x2100  }
0x445: {  	[tilespmem:s13], [sflag:$0x1] =	stream.indirect_vreg.gather [hbm4b:s8+s7], $0x80, v1, vm0, $0xb8;
	[tilespmem:$0x1BA00] =	vst v63  }
0x446: {  	s11 =	simm.s32 $0x2900  }
0x447: {  	[tilespmem:s11], [sflag:$0x1] =	stream.indirect_vreg.gather [hbm4b:s9+s7], $0x80, v1, vm0, $0xb8;
	[tilespmem:$0x1BA00] =	vst v63  }
0x448: {  	v1 =	vld [tilespmem:$0xD0];
	_ =	sdelay $0x4  }
0x449: {  	v7 =	vshrl.u32 v1, $0x3  }
0x44a: {  	v7 =	vmul.u32 $0x30, v7  }
0x44b: {  	v1 =	vand.u32 $0x7, v1  }
0x44c: {  	v1 =	vor.u32 v1, v7  }
0x44d: {  	v7 =	vperm.xlane v1, v8;
	_ =	sdelay $0x1  }
0x44e: {  	v7 =	vadd.s32 v2, v7;
	_ =	sdelay $0x3  }
0x44f: {  	s12 =	simm.s32 $0x3100;
	v1 =	vperm.xlane v1, v3  }
0x450: {  	[tilespmem:s12], [sflag:$0x1] =	stream.indirect_vreg.gather [hbm4b:s0+s7], $0x80, v7, vm0, $0xb8;
	[tilespmem:$0x1BA00] =	vst v63  }
0x451: {  	s13 =	simm.s32 $0x3900;
	v1 =	vadd.s32 v2, v1  }
0x452: {  	[tilespmem:s13], [sflag:$0x1] =	stream.indirect_vreg.gather [hbm4b:s8+s7], $0x80, v7, vm0, $0xb8;
	[tilespmem:$0x1BA00] =	vst v63  }
0x453: {  	s11 =	simm.s32 $0x4100  }
0x454: {  	[tilespmem:s11], [sflag:$0x1] =	stream.indirect_vreg.gather [hbm4b:s9+s7], $0x80, v7, vm0, $0xb8;
	[tilespmem:$0x1BA00] =	vst v63  }
0x455: {  	s12 =	simm.s32 $0x4900  }
0x456: {  	[tilespmem:s12], [sflag:$0x1] =	stream.indirect_vreg.gather [hbm4b:s0+s7], $0x80, v1, vm0, $0xb8;
	[tilespmem:$0x1BA00] =	vst v63  }
0x457: {  	s13 =	simm.s32 $0x5100  }
0x458: {  	[tilespmem:s13], [sflag:$0x1] =	stream.indirect_vreg.gather [hbm4b:s8+s7], $0x80, v1, vm0, $0xb8;
	[tilespmem:$0x1BA00] =	vst v63  }
0x459: {  	s11 =	simm.s32 $0x5900  }
0x45a: {  	[tilespmem:s11], [sflag:$0x1] =	stream.indirect_vreg.gather [hbm4b:s9+s7], $0x80, v1, vm0, $0xb8;
	[tilespmem:$0x1BA00] =	vst v63  }
0x45b: {  	v1 =	vld [tilespmem:$0xE0];
	_ =	sdelay $0x4  }
0x45c: {  	v7 =	vshrl.u32 v1, $0x3  }
0x45d: {  	v7 =	vmul.u32 $0x30, v7  }
0x45e: {  	v1 =	vand.u32 $0x7, v1  }
0x45f: {  	v1 =	vor.u32 v1, v7  }
0x460: {  	v7 =	vperm.xlane v1, v8;
	_ =	sdelay $0x1  }
0x461: {  	v7 =	vadd.s32 v2, v7;
	_ =	sdelay $0x3  }
0x462: {  	s12 =	simm.s32 $0x6100;
	v1 =	vperm.xlane v1, v3  }
0x463: {  	[tilespmem:s12], [sflag:$0x1] =	stream.indirect_vreg.gather [hbm4b:s0+s7], $0x80, v7, vm0, $0xb8;
	[tilespmem:$0x1BA00] =	vst v63  }
0x464: {  	s13 =	simm.s32 $0x6900;
	v1 =	vadd.s32 v2, v1  }
0x465: {  	[tilespmem:s13], [sflag:$0x1] =	stream.indirect_vreg.gather [hbm4b:s8+s7], $0x80, v7, vm0, $0xb8;
	[tilespmem:$0x1BA00] =	vst v63  }
0x466: {  	_ = 	snop  }
0x467: {  	[tilespmem:s14], [sflag:$0x1] =	stream.indirect_vreg.gather [hbm4b:s9+s7], $0x80, v7, vm0, $0xb8;
	[tilespmem:$0x1BA00] =	vst v63  }
0x468: {  	_ = 	snop  }
0x469: {  	[tilespmem:s15], [sflag:$0x1] =	stream.indirect_vreg.gather [hbm4b:s0+s7], $0x80, v1, vm0, $0xb8;
	[tilespmem:$0x1BA00] =	vst v63  }
0x46a: {  	s11 =	simm.s32 $0x1  }
0x46b: {  	[tilespmem:s16], [sflag:$0x1] =	stream.indirect_vreg.gather [hbm4b:s8+s7], $0x80, v1, vm0, $0xb8;
	[tilespmem:$0x1BA00] =	vst v63  }
0x46c: {  	v7 =	vmov s11  }
0x46d: {  	v7 =	vshll.u32 v7, $0x3;
	[tilespmem:s17], [sflag:$0x1] =	stream.indirect_vreg.gather [hbm4b:s9+s7], $0x80, v1, vm0, $0xb8;
	v1 =	vxor.u32 s11, v0;
	[tilespmem:$0x1BA00] =	vst v63  }
0x46e: {  	s12 =	simm.s32 $0x2;
	v7 =	vand.u32 $0x1C00, v7;
	v8 =	vand.u32 $0x7F, v1  }
0x46f: {  	_ =	swait.ge [sflag:s3], $0x9000;
	v13 =	vor.u32 v8, v7;
	v7 =	vmov s12  }
0x470: {  	[sflag:s3] =	ssyncset.done $0x0;
	v8 =	vxor.u32 s12, v0;
	v7 =	vshll.u32 v7, $0x3  }
0x471: {  	s13 =	simm.s32 $0x3;
	[sflag:s3] =	ssyncadd.s32 $0xFFFF7000;
	v10 =	vand.u32 $0x7F, v8;
	v7 =	vand.u32 $0x1C00, v7  }
0x472: {  	v9 =	vadd.s32 v4, v13;
	_ =	swait.ge [sflag:s1], $0x9000;
	v11 =	vor.u32 v10, v7;
	v7 =	vmov s13  }
0x473: {  	v10 =	vxor.u32 s13, v0;
	[sflag:s1] =	ssyncset.done $0x0;
	v7 =	vshll.u32 v7, $0x3  }
0x474: {  	v12 =	vadd.s32 v4, v11;
	[sflag:s1] =	ssyncadd.s32 $0xFFFF7000;
	v14 =	vand.u32 $0x7F, v10;
	v7 =	vand.u32 $0x1C00, v7  }
0x475: {  	v25 =	vld.idx.msk [tilespmem:v1+s26+$0x0], $0xffff;
	v16 =	vor.u32 v14, v7;
	v7 =	vmov s7  }
0x476: {  	v18 =	vxor.u32 s7, v0;
	v8 =	vld.idx.msk [tilespmem:v8+s26+$0x0], $0xffff;
	v7 =	vshll.u32 v7, $0x3  }
0x477: {  	v1 =	vand.u32 $0x7F, v18;
	v15 =	vld.idx.msk [tilespmem:v9+s18+$0x0], $0xffff;
	v17 =	vadd.s32 v4, v16;
	v7 =	vand.u32 $0x1C00, v7  }
0x478: {  	v14 =	vld.idx.msk [tilespmem:v9+s19+$0x0], $0xffff;
	v1 =	vor.u32 v1, v7  }
0x479: {  	v19 =	vld.idx.msk [tilespmem:v12+s19+$0x0], $0xffff;
	v21 =	vadd.s32 v4, v1  }
0x47a: {  	v20 =	vld.idx.msk [tilespmem:v12+s18+$0x0], $0xffff  }
0x47b: {  	v7 =	vld.idx.msk [tilespmem:v10+s26+$0x0], $0xffff  }
0x47c: {  	v10 =	vld.idx.msk [tilespmem:v17+s18+$0x0], $0xffff  }
0x47d: {  	v22 =	vld.idx.msk [tilespmem:v17+s19+$0x0], $0xffff  }
0x47e: {  	v24 =	vadd.s32 v5, v13;
	v14 =	vadd.f32 v15, v14;
	v23 =	vld.idx.msk [tilespmem:v21+s19+$0x0], $0xffff  }
0x47f: {  	v27 =	vadd.s32 v5, v11;
	v19 =	vadd.f32 v20, v19;
	v15 =	vld.idx.msk [tilespmem:v21+s18+$0x0], $0xffff  }
0x480: {  	v26 =	vadd.f32 v14, v25  }
0x481: {  	s10 =	simm.s32 $0x5;
	v32 =	vld.idx.msk [tilespmem:v18+s26+$0x0], $0xffff;
	v18 =	vadd.f32 v19, v8  }
0x482: {  	v28 =	vadd.s32 v5, v16;
	v14 =	vmov s10;
	[tilespmem:v9+s19+$0x0] =	vst.idx.msk $0xffff, v26;
	v10 =	vadd.f32 v10, v22  }
0x483: {  	v20 =	vadd.s32 v5, v1;
	v9 =	vshll.u32 v14, $0x3;
	v29 =	vld.idx.msk [tilespmem:v24+s18+$0x0], $0xffff;
	[tilespmem:v12+s19+$0x0] =	vst.idx.msk $0xffff, v18  }
0x484: {  	s11 =	simm.s32 $0x6;
	v19 =	vxor.u32 s10, v0;
	v30 =	vadd.f32 v10, v7;
	v49 =	vld.idx.msk [tilespmem:v27+s19+$0x0], $0xffff;
	v14 =	vadd.f32 v15, v23  }
0x485: {  	v31 =	vxor.u32 s11, v0;
	v9 =	vand.u32 $0x1C00, v9;
	v10 =	vand.u32 $0x7F, v19;
	v15 =	vld.idx.msk [tilespmem:v24+s19+$0x0], $0xffff  }
0x486: {  	s12 =	simm.s32 $0x7;
	v9 =	vor.u32 v10, v9;
	v10 =	vmov s11;
	v23 =	vld.idx.msk [tilespmem:v27+s18+$0x0], $0xffff;
	[tilespmem:v17+s19+$0x0] =	vst.idx.msk $0xffff, v30;
	v12 =	vadd.f32 v14, v32  }
0x487: {  	v58 =	vxor.u32 s12, v0;
	v17 =	vadd.s32 v4, v9;
	v10 =	vshll.u32 v10, $0x3;
	v54 =	vld.idx.msk [tilespmem:v28+s18+$0x0], $0xffff  }
0x488: {  	v13 =	vadd.s32 v6, v13;
	v14 =	vand.u32 $0x7F, v31;
	v10 =	vand.u32 $0x1C00, v10;
	[tilespmem:v21+s19+$0x0] =	vst.idx.msk $0xffff, v12;
	v21 =	vld.idx.msk [tilespmem:v28+s19+$0x0], $0xffff  }
0x489: {  	v22 =	vimm.f32 $0.0e+00;
	v14 =	vor.u32 v14, v10;
	v10 =	vmov s12;
	v55 =	vld.idx.msk [tilespmem:v20+s19+$0x0], $0xffff  }
0x48a: {  	v61 =	vand.u32 $0x7F, v58;
	v10 =	vshll.u32 v10, $0x3;
	v59 =	vadd.f32 v12, v22;
	v56 =	vld.idx.msk [tilespmem:v20+s18+$0x0], $0xffff  }
0x48b: {  	v37 =	vadd.s32 v4, v14;
	v62 =	vand.u32 $0x1C00, v10;
	v10 =	vadd.s32 v6, v16;
	v16 =	vld.idx.msk [tilespmem:v19+s26+$0x0], $0xffff  }
0x48c: {  	v11 =	vadd.s32 v6, v11;
	v57 =	vld.idx.msk [tilespmem:v17+s18+$0x0], $0xffff;
	v45 =	vor.u32 v61, v62;
	v19 =	vadd.f32 v26, v59  }
0x48d: {  	v63 =	vmul.f32 v26, v26;
	v23 =	vadd.f32 v23, v49;
	v60 =	vld.idx.msk [tilespmem:v17+s19+$0x0], $0xffff;
	v46 =	vadd.s32 v4, v45  }
0x48e: {  	v50 =	vmul.f32 v12, v12;
	v12 =	vadd.s32 v6, v1;
	v1 =	vadd.f32 v18, v19;
	v19 =	vld.idx.msk [tilespmem:v58+s26+$0x0], $0xffff  }
0x48f: {  	v42 =	vmul.f32 v18, v18;
	v23 =	vadd.f32 v23, v8;
	v18 =	vadd.f32 v29, v15;
	v15 =	vld.idx.msk [tilespmem:v31+s26+$0x0], $0xffff  }
0x490: {  	v62 =	vmul.f32 v30, v30;
	v34 =	vadd.s32 v5, v45;
	v26 =	vld.idx.msk [tilespmem:v37+s19+$0x0], $0xffff;
	v21 =	vadd.f32 v54, v21  }
0x491: {  	s13 =	simm.s32 $0x4;
	v52 =	vld.idx.msk [tilespmem:v37+s18+$0x0], $0xffff;
	[tilespmem:v27+s19+$0x0] =	vst.idx.msk $0xffff, v23;
	v51 =	vadd.f32 v56, v55;
	v18 =	vadd.f32 v18, v25  }
0x492: {  	v55 =	vxor.u32 s13, v0;
	v38 =	vadd.f32 v30, v1;
	v53 =	vadd.f32 v21, v7;
	v31 =	vld.idx.msk [tilespmem:v46+s18+$0x0], $0xffff  }
0x493: {  	v29 =	vadd.f32 v57, v60;
	v21 =	vadd.f32 v51, v32;
	[tilespmem:v24+s19+$0x0] =	vst.idx.msk $0xffff, v18;
	v59 =	vld.idx.msk [tilespmem:v46+s19+$0x0], $0xffff  }
0x494: {  	v24 =	vand.u32 $0x7F, v55;
	v58 =	vmul.f32 v18, v18;
	[tilespmem:v28+s19+$0x0] =	vst.idx.msk $0xffff, v53;
	v60 =	vld.idx.msk [tilespmem:v13+s19+$0x0], $0xffff  }
0x495: {  	v28 =	vmov s13;
	v29 =	vadd.f32 v29, v16;
	v61 =	vld.idx.msk [tilespmem:v13+s18+$0x0], $0xffff;
	v33 =	vadd.f32 v21, v22;
	[tilespmem:v20+s19+$0x0] =	vst.idx.msk $0xffff, v21  }
0x496: {  	v20 =	vmul.f32 v21, v21;
	v54 =	vld.idx.msk [tilespmem:v10+s19+$0x0], $0xffff;
	v21 =	vshll.u32 v28, $0x3;
	v28 =	vadd.f32 v50, v22  }
0x497: {  	v36 =	vmul.f32 v53, v53;
	v56 =	vld.idx.msk [tilespmem:v10+s18+$0x0], $0xffff;
	v26 =	vadd.f32 v52, v26;
	v21 =	vand.u32 $0x1C00, v21  }
0x498: {  	v57 =	vld.idx.msk [tilespmem:v12+s19+$0x0], $0xffff;
	[tilespmem:v17+s19+$0x0] =	vst.idx.msk $0xffff, v29;
	v20 =	vadd.f32 v20, v22;
	v28 =	vadd.f32 v63, v28  }
0x499: {  	v24 =	vor.u32 v24, v21;
	v26 =	vadd.f32 v26, v15;
	v18 =	vadd.f32 v18, v33;
	v63 =	vld.idx.msk [tilespmem:v12+s18+$0x0], $0xffff  }
0x49a: {  	v35 =	vadd.s32 v4, v24;
	v21 =	vadd.s32 v5, v24;
	v1 =	vadd.f32 v31, v59  }
0x49b: {  	v27 =	vadd.f32 v42, v28;
	v20 =	vadd.f32 v58, v20;
	v28 =	vmul.f32 v23, v23  }
0x49c: {  	v41 =	vld.idx.msk [tilespmem:v11+s19+$0x0], $0xffff;
	v31 =	vadd.s32 v5, v9;
	v23 =	vadd.f32 v23, v18;
	v49 =	vadd.f32 v61, v60  }
0x49d: {  	v43 =	vld.idx.msk [tilespmem:v11+s18+$0x0], $0xffff;
	v18 =	vadd.s32 v6, v45;
	v40 =	vadd.f32 v56, v54;
	v39 =	vadd.f32 v28, v20  }
0x49e: {  	v17 =	vld.idx.msk [tilespmem:v55+s26+$0x0], $0xffff;
	[tilespmem:v37+s19+$0x0] =	vst.idx.msk $0xffff, v26;
	v20 =	vadd.f32 v1, v19;
	v1 =	vadd.f32 v63, v57  }
0x49f: {  	v28 =	vadd.f32 v62, v27;
	v30 =	vadd.f32 v53, v23;
	v23 =	vadd.s32 v5, v14;
	v42 =	vld.idx.msk [tilespmem:v35+s19+$0x0], $0xffff  }
0x4a0: {  	s7 =	simm.s32 $0x8;
	v33 =	vimm.f32 $0.0e+00;
	v25 =	vadd.f32 v49, v25;
	v44 =	vld.idx.msk [tilespmem:v35+s18+$0x0], $0xffff;
	[tilespmem:v46+s19+$0x0] =	vst.idx.msk $0xffff, v20;
	v27 =	vadd.f32 v1, v32  }
.LBB2_14:
0x4a1: {  	s11 =	sadd.s32 $0x1, s7;
	v37 =	vmul.f32 v29, v29  }
0x4a2: {  	p0 =	slt.u32 s7, $0x2FC;
	v1 =	vadd.f32 v43, v41;
	v40 =	vadd.f32 v40, v7;
	v32 =	vmovc v16;
	v7 =	vmov v19;
	s10 =	smov.u32 s7;
	s7 =	sadd.s32 $0x4, s7  }
0x4a3: {  	v16 =	vmov s11;
	v19 =	vxor.u32 s11, v0;
	v41 =	vmul.f32 v27, v27;
	[tilespmem:v13+s19+$0x0] =	vst.idx.msk $0xffff, v25  }
0x4a4: {  	v13 =	vand.u32 $0x7F, v19;
	v16 =	vshll.u32 v16, $0x3;
	v43 =	vld.idx.msk [tilespmem:v31+s18+$0x0], $0xffff;
	v1 =	vadd.f32 v1, v8;
	[tilespmem:v10+s19+$0x0] =	vst.idx.msk $0xffff, v40  }
0x4a5: {  	v49 =	vadd.f32 v44, v42;
	s11 =	sadd.s32 $0x2, s10;
	v8 =	vand.u32 $0x1C00, v16;
	[tilespmem:v12+s19+$0x0] =	vst.idx.msk $0xffff, v27;
	v12 =	vmul.f32 v40, v40  }
0x4a6: {  	v48 =	vmov s11;
	v16 =	vmul.f32 v25, v25;
	v42 =	vor.u32 v13, v8;
	v13 =	vld.idx.msk [tilespmem:v31+s19+$0x0], $0xffff;
	[tilespmem:v11+s19+$0x0] =	vst.idx.msk $0xffff, v1  }
0x4a7: {  	v22 =	vadd.f32 v41, v22;
	v11 =	vadd.f32 v49, v17;
	v44 =	vadd.s32 v4, v42;
	v45 =	vld.idx.msk [tilespmem:v23+s18+$0x0], $0xffff  }
0x4a8: {  	v10 =	vmovc v18;
	v41 =	vxor.u32 s11, v0;
	v46 =	vshll.u32 v48, $0x3;
	v27 =	vadd.f32 v27, v33;
	v47 =	vld.idx.msk [tilespmem:v34+s18+$0x0], $0xffff;
	v8 =	vmovc v15  }
0x4a9: {  	v18 =	vand.u32 $0x1C00, v46;
	v16 =	vadd.f32 v16, v22;
	v15 =	vand.u32 $0x7F, v41;
	[tilespmem:v35+s19+$0x0] =	vst.idx.msk $0xffff, v11;
	v35 =	vld.idx.msk [tilespmem:v34+s19+$0x0], $0xffff  }
0x4aa: {  	s11 =	sadd.s32 $0x3, s10;
	v22 =	vadd.f32 v25, v27;
	v18 =	vor.u32 v15, v18;
	v15 =	vadd.f32 v11, v38;
	v38 =	vld.idx.msk [tilespmem:v21+s19+$0x0], $0xffff  }
0x4ab: {  	v36 =	vadd.f32 v36, v39;
	v27 =	vmov s11;
	v25 =	vadd.s32 v4, v18;
	v46 =	vld.idx.msk [tilespmem:v21+s18+$0x0], $0xffff  }
0x4ac: {  	v48 =	vxor.u32 s11, v0;
	v33 =	vmul.f32 v1, v1;
	v27 =	vshll.u32 v27, $0x3;
	v39 =	vld.idx.msk [tilespmem:v44+s18+$0x0], $0xffff  }
0x4ad: {  	v50 =	vand.u32 $0x7F, v48;
	v27 =	vand.u32 $0x1C00, v27;
	v1 =	vadd.f32 v1, v22;
	v49 =	vld.idx.msk [tilespmem:v44+s19+$0x0], $0xffff  }
0x4ae: {  	v22 =	vadd.f32 v33, v16;
	v27 =	vor.u32 v50, v27;
	v50 =	vmul.f32 v26, v26;
	v51 =	vld.idx.msk [tilespmem:v23+s19+$0x0], $0xffff  }
0x4af: {  	v52 =	vadd.s32 v4, v27;
	v15 =	vadd.f32 v29, v15;
	v33 =	vadd.f32 v40, v1;
	v16 =	vld.idx.msk [tilespmem:v19+s26+$0x0], $0xffff  }
0x4b0: {  	v29 =	vmul.f32 v11, v11;
	v22 =	vadd.f32 v12, v22;
	v35 =	vadd.f32 v47, v35;
	v1 =	vld.idx.msk [tilespmem:v25+s19+$0x0], $0xffff  }
0x4b1: {  	v12 =	vadd.s32 v6, v24;
	v38 =	vadd.f32 v46, v38;
	v46 =	vadd.f32 v26, v15;
	v40 =	vld.idx.msk [tilespmem:v25+s18+$0x0], $0xffff  }
0x4b2: {  	v24 =	vadd.f32 v43, v13;
	v11 =	vadd.s32 v6, v14;
	v47 =	vadd.f32 v35, v7;
	v19 =	vld.idx.msk [tilespmem:v48+s26+$0x0], $0xffff  }
0x4b3: {  	v13 =	vadd.s32 v6, v9;
	v26 =	vadd.f32 v39, v49;
	v14 =	vadd.f32 v38, v17;
	v15 =	vld.idx.msk [tilespmem:v41+s26+$0x0], $0xffff  }
0x4b4: {  	v38 =	vadd.f32 v24, v32;
	v41 =	vadd.f32 v45, v51;
	v39 =	vld.idx.msk [tilespmem:v52+s18+$0x0], $0xffff;
	[tilespmem:v34+s19+$0x0] =	vst.idx.msk $0xffff, v47  }
0x4b5: {  	v35 =	vmov s10;
	v30 =	vadd.f32 v14, v30;
	[tilespmem:v21+s19+$0x0] =	vst.idx.msk $0xffff, v14;
	v21 =	vmul.f32 v14, v14;
	v34 =	vld.idx.msk [tilespmem:v10+s19+$0x0], $0xffff  }
0x4b6: {  	v28 =	vadd.f32 v29, v28;
	v35 =	vshll.u32 v35, $0x3;
	v45 =	vxor.u32 s10, v0;
	[tilespmem:v31+s19+$0x0] =	vst.idx.msk $0xffff, v38;
	v31 =	vld.idx.msk [tilespmem:v10+s18+$0x0], $0xffff  }
0x4b7: {  	v9 =	vmovc v42;
	v29 =	vand.u32 $0x1C00, v35;
	v24 =	vand.u32 $0x7F, v45;
	v43 =	vmul.f32 v38, v38;
	v14 =	vmovc v18;
	v48 =	vld.idx.msk [tilespmem:v12+s19+$0x0], $0xffff  }
0x4b8: {  	v24 =	vor.u32 v24, v29;
	v1 =	vadd.f32 v40, v1;
	v42 =	vadd.f32 v21, v36;
	v18 =	vld.idx.msk [tilespmem:v52+s19+$0x0], $0xffff  }
0x4b9: {  	v51 =	vadd.f32 v41, v8;
	v35 =	vadd.s32 v4, v24;
	v21 =	vadd.s32 v5, v24;
	v49 =	vld.idx.msk [tilespmem:v13+s19+$0x0], $0xffff  }
0x4ba: {  	v53 =	vmul.f32 v20, v20;
	v28 =	vadd.f32 v37, v28;
	v29 =	vadd.f32 v26, v16;
	v37 =	vld.idx.msk [tilespmem:v13+s18+$0x0], $0xffff  }
0x4bb: {  	v30 =	vadd.f32 v38, v30;
	v26 =	vadd.f32 v1, v15;
	v1 =	vld.idx.msk [tilespmem:v12+s18+$0x0], $0xffff;
	[tilespmem:v23+s19+$0x0] =	vst.idx.msk $0xffff, v51  }
0x4bc: {  	v36 =	vmul.f32 v47, v47;
	v23 =	vadd.f32 v50, v28;
	v40 =	vadd.f32 v31, v34;
	v41 =	vld.idx.msk [tilespmem:v11+s19+$0x0], $0xffff  }
0x4bd: {  	v38 =	vadd.f32 v20, v46;
	v28 =	vadd.f32 v43, v42;
	v31 =	vmul.f32 v51, v51;
	v43 =	vld.idx.msk [tilespmem:v11+s18+$0x0], $0xffff  }
0x4be: {  	v30 =	vadd.f32 v51, v30;
	v20 =	vadd.f32 v39, v18;
	v42 =	vld.idx.msk [tilespmem:v35+s19+$0x0], $0xffff;
	[tilespmem:v44+s19+$0x0] =	vst.idx.msk $0xffff, v29  }
.Ltmp6:
0x4bf: {  	v39 =	vadd.f32 v31, v28;
	v28 =	vadd.f32 v53, v23;
	v44 =	vld.idx.msk [tilespmem:v35+s18+$0x0], $0xffff;
	(pc) =	sbr.rel @p0 .LBB2_14-.Ltmp6, $4  }
0x4c0: {  	v30 =	vadd.f32 v47, v30;
	v18 =	vadd.s32 v6, v27;
	v37 =	vadd.f32 v37, v49  }
0x4c1: {  	v31 =	vadd.s32 v5, v9;
	v20 =	vadd.f32 v20, v19;
	v1 =	vadd.f32 v1, v48  }
0x4c2: {  	v34 =	vadd.s32 v5, v27;
	v23 =	vadd.s32 v5, v14;
	[tilespmem:v25+s19+$0x0] =	vst.idx.msk $0xffff, v26  }
0x4c3: {  	v27 =	vadd.f32 v1, v17;
	v25 =	vadd.f32 v37, v32;
	[tilespmem:v52+s19+$0x0] =	vst.idx.msk $0xffff, v20;
	v17 =	vld.idx.msk [tilespmem:v45+s26+$0x0], $0xffff  }
0x4c4: {  	_ =	sdelay $0x3  }
0x4c5: {  	v1 =	vadd.f32 v44, v42;
	v37 =	vld.idx.msk [tilespmem:v31+s18+$0x0], $0xffff  }
0x4c6: {  	v59 =	vld.idx.msk [tilespmem:v34+s18+$0x0], $0xffff  }
0x4c7: {  	v60 =	vld.idx.msk [tilespmem:v34+s19+$0x0], $0xffff;
	v1 =	vadd.f32 v1, v17  }
0x4c8: {  	v63 =	vadd.f32 v40, v7;
	v7 =	vld.idx.msk [tilespmem:v31+s19+$0x0], $0xffff  }
0x4c9: {  	v50 =	vld.idx.msk [tilespmem:v23+s18+$0x0], $0xffff;
	v32 =	vmul.f32 v27, v27;
	[tilespmem:v35+s19+$0x0] =	vst.idx.msk $0xffff, v1  }
0x4ca: {  	v41 =	vadd.f32 v43, v41;
	v33 =	vadd.f32 v27, v33;
	v61 =	vld.idx.msk [tilespmem:v21+s19+$0x0], $0xffff  }
0x4cb: {  	v36 =	vadd.f32 v36, v39;
	v62 =	vmul.f32 v25, v25;
	v45 =	vadd.f32 v32, v22;
	v46 =	vld.idx.msk [tilespmem:v21+s18+$0x0], $0xffff  }
0x4cc: {  	v53 =	vld.idx.msk [tilespmem:v23+s19+$0x0], $0xffff;
	v24 =	vadd.s32 v6, v24;
	v22 =	vadd.f32 v41, v8;
	v33 =	vadd.f32 v25, v33  }
0x4cd: {  	v54 =	vadd.s32 v6, v9;
	v48 =	vadd.f32 v62, v45;
	v7 =	vadd.f32 v37, v7  }
0x4ce: {  	v14 =	vadd.s32 v6, v14;
	v52 =	vadd.f32 v22, v33;
	v35 =	vadd.f32 v59, v60  }
0x4cf: {  	v8 =	vmul.f32 v29, v29;
	v38 =	vadd.f32 v1, v38;
	v7 =	vadd.f32 v7, v16  }
0x4d0: {  	v51 =	vmul.f32 v22, v22;
	v35 =	vadd.f32 v35, v19;
	v43 =	vadd.f32 v46, v61  }
0x4d1: {  	v57 =	vadd.f32 v50, v53;
	v1 =	vmul.f32 v1, v1;
	[tilespmem:v31+s19+$0x0] =	vst.idx.msk $0xffff, v7  }
0x4d2: {  	v9 =	vadd.f32 v29, v38;
	[tilespmem:v34+s19+$0x0] =	vst.idx.msk $0xffff, v35;
	v58 =	vld.idx.msk [tilespmem:v54+s19+$0x0], $0xffff;
	v29 =	vadd.f32 v43, v17  }
0x4d3: {  	v49 =	vmul.f32 v63, v63;
	v39 =	vadd.f32 v51, v48;
	v55 =	vadd.f32 v63, v52;
	v56 =	vld.idx.msk [tilespmem:v18+s19+$0x0], $0xffff  }
0x4d4: {  	v1 =	vadd.f32 v1, v28;
	v38 =	vadd.f32 v57, v15;
	[tilespmem:v21+s19+$0x0] =	vst.idx.msk $0xffff, v29;
	v21 =	vld.idx.msk [tilespmem:v18+s18+$0x0], $0xffff  }
0x4d5: {  	v39 =	vadd.f32 v49, v39;
	v9 =	vadd.f32 v26, v9;
	v31 =	vmul.f32 v29, v29;
	v28 =	vld.idx.msk [tilespmem:v24+s19+$0x0], $0xffff  }
0x4d6: {  	v26 =	vmul.f32 v26, v26;
	v1 =	vadd.f32 v8, v1;
	v29 =	vadd.f32 v29, v30;
	v8 =	vld.idx.msk [tilespmem:v24+s18+$0x0], $0xffff  }
0x4d7: {  	v59 =	vld.idx.msk [tilespmem:v54+s18+$0x0], $0xffff;
	[tilespmem:v23+s19+$0x0] =	vst.idx.msk $0xffff, v38;
	v30 =	vmul.f32 v7, v7;
	v31 =	vadd.f32 v31, v36  }
0x4d8: {  	v23 =	vld.idx.msk [tilespmem:v14+s19+$0x0], $0xffff;
	v1 =	vadd.f32 v26, v1;
	v7 =	vadd.f32 v7, v29  }
0x4d9: {  	v9 =	vadd.f32 v20, v9;
	v29 =	vmul.f32 v38, v38;
	v26 =	vadd.f32 v30, v31;
	v30 =	vld.idx.msk [tilespmem:v14+s18+$0x0], $0xffff  }
0x4da: {  	v31 =	vmul.f32 v20, v20;
	v7 =	vadd.f32 v38, v7;
	v21 =	vadd.f32 v21, v56  }
0x4db: {  	v20 =	vadd.f32 v29, v26;
	v8 =	vadd.f32 v8, v28  }
0x4dc: {  	v1 =	vadd.f32 v31, v1;
	v26 =	vadd.f32 v59, v58  }
0x4dd: {  	v7 =	vadd.f32 v35, v7;
	v19 =	vadd.f32 v21, v19  }
0x4de: {  	v9 =	vmul.f32 $1.302083370e-03, v9;
	v17 =	vadd.f32 v8, v17;
	v23 =	vadd.f32 v30, v23  }
0x4df: {  	v8 =	vmul.f32 v35, v35;
	v16 =	vadd.f32 v26, v16;
	v1 =	vmul.f32 $1.302083370e-03, v1  }
0x4e0: {  	v21 =	vmul.f32 v17, v17;
	v15 =	vadd.f32 v23, v15;
	v23 =	vadd.f32 v17, v55  }
0x4e1: {  	v26 =	vmul.f32 v9, v9;
	v20 =	vadd.f32 v8, v20;
	v8 =	vmul.f32 $1.302083370e-03, v7  }
0x4e2: {  	v7 =	vmul.f32 v16, v16;
	v21 =	vadd.f32 v21, v39;
	v23 =	vadd.f32 v16, v23  }
0x4e3: {  	v1 =	vsub.f32 v1, v26;
	v20 =	vmul.f32 $1.302083370e-03, v20;
	v26 =	vmul.f32 v8, v8  }
0x4e4: {  	v7 =	vadd.f32 v7, v21;
	v21 =	vmul.f32 v15, v15;
	v23 =	vadd.f32 v15, v23  }
0x4e5: {  	v1 =	vadd.f32 $9.999999960e-13, v1;
	v20 =	vsub.f32 v20, v26  }
0x4e6: {  	v26 =	vmul.f32 v19, v19;
	v7 =	vadd.f32 v21, v7;
	v21 =	vadd.f32 v19, v23  }
0x4e7: {  	v20 =	vadd.f32 $9.999999960e-13, v20;
	v23 =	vshra.s32 v1, $0x1;
	v1 =	vmul.f32 $5.000000000e-01, v1  }
0x4e8: {  	v26 =	vadd.f32 v26, v7;
	v23 =	vsub.s32 $0x5F3759DF, v23;
	v7 =	vmul.f32 $1.302083370e-03, v21  }
0x4e9: {  	v28 =	vshra.s32 v20, $0x1;
	v20 =	vmul.f32 $5.000000000e-01, v20;
	v21 =	vmul.f32 v23, v1  }
0x4ea: {  	v28 =	vsub.s32 $0x5F3759DF, v28;
	v26 =	vmul.f32 $1.302083370e-03, v26;
	v29 =	vmul.f32 v7, v7  }
0x4eb: {  	v30 =	vmul.f32 v28, v20;
	v21 =	vmul.f32 v23, v21  }
0x4ec: {  	v26 =	vsub.f32 v26, v29  }
0x4ed: {  	v21 =	vsub.f32 $1.500000000e+00, v21;
	v29 =	vmul.f32 v28, v30  }
0x4ee: {  	v26 =	vadd.f32 $9.999999960e-13, v26  }
0x4ef: {  	v21 =	vmul.f32 v23, v21;
	v23 =	vsub.f32 $1.500000000e+00, v29  }
0x4f0: {  	v29 =	vshra.s32 v26, $0x1;
	v26 =	vmul.f32 $5.000000000e-01, v26  }
0x4f1: {  	v30 =	vmul.f32 v21, v1;
	v23 =	vmul.f32 v28, v23;
	v28 =	vsub.s32 $0x5F3759DF, v29  }
0x4f2: {  	v29 =	vmul.f32 v28, v26  }
0x4f3: {  	v30 =	vmul.f32 v30, v21;
	v31 =	vmul.f32 v23, v20  }
0x4f4: {  	v29 =	vmul.f32 v28, v29  }
0x4f5: {  	v30 =	vsub.f32 $1.500000000e+00, v30;
	v31 =	vmul.f32 v31, v23  }
0x4f6: {  	v29 =	vsub.f32 $1.500000000e+00, v29  }
0x4f7: {  	v21 =	vmul.f32 v30, v21;
	v30 =	vsub.f32 $1.500000000e+00, v31  }
0x4f8: {  	v28 =	vmul.f32 v28, v29  }
0x4f9: {  	v29 =	vmul.f32 v21, v1;
	v23 =	vmul.f32 v30, v23  }
0x4fa: {  	s11 =	simm.s32 $0x0;
	v30 =	vmul.f32 v28, v26  }
0x4fb: {  	s12 =	simm.s32 $0x3;
	[tilespmem:v13+s19+$0x0] =	vst.idx.msk $0xffff, v25;
	v13 =	vmov s11;
	v29 =	vmul.f32 v29, v21;
	v31 =	vmul.f32 v23, v20  }
0x4fc: {  	[tilespmem:v12+s19+$0x0] =	vst.idx.msk $0xffff, v27;
	v12 =	vmov s12;
	v13 =	vshll.u32 v13, $0x3;
	v30 =	vmul.f32 v30, v28  }
0x4fd: {  	v12 =	vshll.u32 v12, $0x3;
	v29 =	vsub.f32 $1.500000000e+00, v29;
	v31 =	vmul.f32 v31, v23  }
0x4fe: {  	s10 =	simm.s32 $0x2;
	v25 =	vxor.u32 s12, v0;
	v13 =	vand.u32 $0x1C00, v13;
	v30 =	vsub.f32 $1.500000000e+00, v30  }
0x4ff: {  	s7 =	simm.s32 $0x1;
	v21 =	vmul.f32 v29, v21;
	v29 =	vsub.f32 $1.500000000e+00, v31;
	v31 =	vmov s10  }
0x500: {  	[tilespmem:v10+s19+$0x0] =	vst.idx.msk $0xffff, v63;
	v60 =	vxor.u32 s7, v0;
	v31 =	vshll.u32 v31, $0x3;
	v28 =	vmul.f32 v30, v28  }
0x501: {  	[tilespmem:v11+s19+$0x0] =	vst.idx.msk $0xffff, v22;
	v30 =	vmov s7;
	v10 =	vand.u32 $0x1C00, v31;
	v31 =	vxor.u32 s11, v0  }
0x502: {  	v11 =	vand.u32 $0x7F, v60;
	[tilespmem:v18+s19+$0x0] =	vst.idx.msk $0xffff, v19;
	v30 =	vshll.u32 v30, $0x3;
	v27 =	vand.u32 $0x7F, v31  }
0x503: {  	v61 =	vxor.u32 s10, v0;
	[tilespmem:v54+s19+$0x0] =	vst.idx.msk $0xffff, v16;
	v22 =	vand.u32 $0x1C00, v30;
	v27 =	vor.u32 v27, v13  }
0x504: {  	v1 =	vmul.f32 v21, v1;
	v62 =	vor.u32 v11, v22;
	v22 =	vadd.s32 v4, v27  }
0x505: {  	[tilespmem:v24+s19+$0x0] =	vst.idx.msk $0xffff, v17;
	v13 =	vmul.f32 v29, v23;
	v11 =	vand.u32 $0x7F, v61;
	v18 =	vadd.s32 v4, v62  }
0x506: {  	[tilespmem:v14+s19+$0x0] =	vst.idx.msk $0xffff, v15;
	v63 =	vor.u32 v11, v10;
	v10 =	vand.u32 $0x7F, v25;
	v11 =	vand.u32 $0x1C00, v12  }
0x507: {  	s13 =	rddreg [dreg:$0x10];
	v12 =	vmul.f32 v28, v26;
	v52 =	vadd.s32 v4, v63;
	v40 =	vor.u32 v10, v11  }
0x508: {  	[tilespmem:s18], [sflag:$0x3] =	stream.linear.gather [hbm4b:s13+s11], $0x9000, $0x38;
	v1 =	vmul.f32 v1, v21;
	v23 =	vadd.s32 v4, v40;
	[tilespmem:$0x1BA00] =	vst v63  }
0x509: {  	v11 =	vmul.f32 v13, v20;
	v10 =	vmul.f32 v12, v28;
	v12 =	vld.idx.msk [tilespmem:v22+s19+$0x0], $0xffff  }
0x50a: {  	v14 =	vld.idx.msk [tilespmem:v18+s19+$0x0], $0xffff  }
0x50b: {  	s13 =	simm.s32 $0x4;
	s10 =	simm.s32 $0x5;
	v1 =	vsub.f32 $1.500000000e+00, v1;
	v11 =	vmul.f32 v11, v13;
	v15 =	vsub.f32 $1.500000000e+00, v10;
	v10 =	vld.idx.msk [tilespmem:v31+s28+$0x0], $0xffff  }
0x50c: {  	v39 =	vxor.u32 s13, v0;
	v41 =	vxor.u32 s10, v0;
	v20 =	vld.idx.msk [tilespmem:v52+s19+$0x0], $0xffff  }
0x50d: {  	s11 =	simm.s32 $0x6;
	v19 =	vmul.f32 v1, v21;
	v1 =	vsub.f32 $1.500000000e+00, v11;
	v28 =	vmul.f32 v15, v28;
	v15 =	vld.idx.msk [tilespmem:v23+s19+$0x0], $0xffff  }
0x50e: {  	v56 =	vand.u32 $0x7F, v41;
	v54 =	vmov s11;
	v43 =	vxor.u32 s11, v0;
	v11 =	vld.idx.msk [tilespmem:v60+s28+$0x0], $0xffff  }
0x50f: {  	v17 =	vmul.f32 v1, v13;
	v13 =	vld.idx.msk [tilespmem:v60+s29+$0x0], $0xffff;
	v21 =	vsub.f32 v12, v9;
	v14 =	vsub.f32 v14, v9  }
0x510: {  	v35 =	vshll.u32 v54, $0x3;
	v30 =	vadd.s32 v5, v27;
	v24 =	vmul.f32 v28, v26;
	v12 =	vld.idx.msk [tilespmem:v31+s29+$0x0], $0xffff  }
0x511: {  	v16 =	vld.idx.msk [tilespmem:v61+s28+$0x0], $0xffff;
	v35 =	vand.u32 $0x1C00, v35;
	v1 =	vmul.f32 v21, v19;
	v14 =	vmul.f32 v14, v19  }
0x512: {  	v21 =	vmul.f32 v24, v28;
	v20 =	vsub.f32 v20, v9;
	v26 =	vsub.f32 v15, v9  }
0x513: {  	v34 =	vadd.s32 v5, v62;
	v15 =	vld.idx.msk [tilespmem:v25+s28+$0x0], $0xffff;
	v1 =	vmul.f32 v1, v10;
	v29 =	vmul.f32 v14, v11  }
0x514: {  	v24 =	vadd.s32 v5, v40;
	v20 =	vmul.f32 v20, v19;
	v14 =	vld.idx.msk [tilespmem:v61+s29+$0x0], $0xffff;
	v31 =	vmul.f32 v26, v19  }
0x515: {  	v25 =	vld.idx.msk [tilespmem:v25+s29+$0x0], $0xffff;
	v26 =	vmov s10;
	v1 =	vadd.f32 v1, v12;
	v29 =	vadd.f32 v29, v13  }
0x516: {  	s12 =	simm.s32 $0x7;
	v53 =	vmul.f32 v20, v16;
	v20 =	vadd.s32 v5, v63;
	v55 =	vshll.u32 v26, $0x3  }
0x517: {  	v26 =	vxor.u32 s12, v0;
	v38 =	vand.u32 $0x1C00, v55;
	[tilespmem:v18+s19+$0x0] =	vst.idx.msk $0xffff, v29;
	v29 =	vmov s13  }
0x518: {  	v31 =	vmul.f32 v31, v15;
	v47 =	vor.u32 v56, v38;
	v57 =	vld.idx.msk [tilespmem:v34+s19+$0x0], $0xffff;
	v29 =	vshll.u32 v29, $0x3  }
0x519: {  	[tilespmem:v22+s19+$0x0] =	vst.idx.msk $0xffff, v1;
	v22 =	vand.u32 $0x7F, v39;
	v18 =	vadd.f32 v53, v14;
	v1 =	vand.u32 $0x1C00, v29  }
0x51a: {  	v58 =	vadd.f32 v31, v25;
	v29 =	vadd.s32 v4, v47;
	v31 =	vor.u32 v22, v1  }
0x51b: {  	v1 =	vld.idx.msk [tilespmem:v30+s19+$0x0], $0xffff;
	v22 =	vmov s12;
	[tilespmem:v52+s19+$0x0] =	vst.idx.msk $0xffff, v18;
	v18 =	vand.u32 $0x7F, v43;
	v38 =	vadd.s32 v4, v31  }
0x51c: {  	v59 =	vand.u32 $0x7F, v26;
	[tilespmem:v23+s19+$0x0] =	vst.idx.msk $0xffff, v58;
	v22 =	vshll.u32 v22, $0x3;
	v60 =	vld.idx.msk [tilespmem:v20+s19+$0x0], $0xffff;
	v46 =	vor.u32 v18, v35  }
0x51d: {  	v61 =	vld.idx.msk [tilespmem:v24+s19+$0x0], $0xffff;
	v18 =	vand.u32 $0x1C00, v22;
	v33 =	vadd.s32 v4, v46;
	v22 =	vsub.f32 v57, v8  }
0x51e: {  	v44 =	vor.u32 v59, v18  }
0x51f: {  	v21 =	vsub.f32 $1.500000000e+00, v21;
	v48 =	vld.idx.msk [tilespmem:v29+s19+$0x0], $0xffff;
	v32 =	vadd.s32 v4, v44;
	v42 =	vmul.f32 v22, v17  }
0x520: {  	v36 =	vadd.s32 v6, v27;
	v37 =	vadd.s32 v6, v40;
	v18 =	vadd.s32 v6, v62;
	v62 =	vld.idx.msk [tilespmem:v38+s19+$0x0], $0xffff  }
0x521: {  	v22 =	vmul.f32 v21, v28;
	v1 =	vsub.f32 v1, v8;
	v28 =	vld.idx.msk [tilespmem:v41+s28+$0x0], $0xffff;
	v42 =	vmul.f32 v42, v11  }
0x522: {  	v23 =	vadd.s32 v6, v63;
	v45 =	vsub.f32 v60, v8;
	v27 =	vsub.f32 v61, v8;
	v63 =	vld.idx.msk [tilespmem:v33+s19+$0x0], $0xffff  }
0x523: {  	v21 =	vadd.s32 v6, v47;
	v1 =	vmul.f32 v1, v17;
	v50 =	vadd.f32 v42, v13;
	v42 =	vld.idx.msk [tilespmem:v39+s28+$0x0], $0xffff  }
0x524: {  	v49 =	vmul.f32 v45, v17;
	v45 =	vadd.s32 v5, v44;
	v27 =	vmul.f32 v27, v17;
	v52 =	vld.idx.msk [tilespmem:v32+s19+$0x0], $0xffff  }
0x525: {  	v48 =	vsub.f32 v48, v9;
	v39 =	vld.idx.msk [tilespmem:v39+s29+$0x0], $0xffff;
	[tilespmem:v34+s19+$0x0] =	vst.idx.msk $0xffff, v50;
	v60 =	vsub.f32 v62, v9  }
0x526: {  	v1 =	vmul.f32 v1, v10;
	v53 =	vmul.f32 v27, v15;
	v27 =	vadd.s32 v5, v47;
	v56 =	vld.idx.msk [tilespmem:v18+s19+$0x0], $0xffff  }
0x527: {  	v40 =	vld.idx.msk [tilespmem:v43+s28+$0x0], $0xffff;
	v51 =	vmul.f32 v49, v16;
	v47 =	vadd.s32 v5, v31;
	v62 =	vmul.f32 v60, v19  }
0x528: {  	v41 =	vld.idx.msk [tilespmem:v41+s29+$0x0], $0xffff;
	v61 =	vmul.f32 v48, v19;
	v34 =	vadd.s32 v6, v46;
	v63 =	vsub.f32 v63, v9  }
0x529: {  	v49 =	vadd.f32 v1, v12;
	v52 =	vsub.f32 v52, v9;
	v1 =	vmul.f32 v62, v42  }
0x52a: {  	v43 =	vld.idx.msk [tilespmem:v43+s29+$0x0], $0xffff;
	v53 =	vadd.f32 v53, v25;
	v50 =	vmul.f32 v61, v28;
	v55 =	vmul.f32 v63, v19  }
0x52b: {  	s7 =	simm.s32 $0x8;
	v35 =	vld.idx.msk [tilespmem:v26+s28+$0x0], $0xffff;
	v48 =	vmul.f32 v52, v19;
	v54 =	vadd.f32 v1, v39;
	v52 =	vsub.f32 v56, v7  }
.LBB2_16:
0x52c: {  	s10 =	sadd.s32 $0x1, s7;
	v1 =	vmul.f32 v55, v40;
	v46 =	vadd.s32 v5, v46;
	v55 =	vmov v12  }
0x52d: {  	s11 =	sadd.s32 $0x2, s7;
	s12 =	sadd.s32 $0x3, s7;
	[tilespmem:v30+s19+$0x0] =	vst.idx.msk $0xffff, v49;
	v12 =	vmovc v39;
	v49 =	vmovc v44;
	v56 =	vmov v13;
	v13 =	vmov v41;
	v57 =	vmov v36;
	s13 =	smov.u32 s7  }
0x52e: {  	p0 =	slt.u32 s7, $0x2FC;
	s7 =	sadd.s32 $0x4, s7;
	v30 =	vmov s10;
	v39 =	vmov s11;
	v41 =	vadd.f32 v50, v13;
	v50 =	vld.idx.msk [tilespmem:v26+s29+$0x0], $0xffff;
	[tilespmem:v24+s19+$0x0] =	vst.idx.msk $0xffff, v53;
	v53 =	vmovc v10;
	v10 =	vmovc v42  }
0x52f: {  	v44 =	vadd.f32 v51, v14;
	v51 =	vmovc v16;
	v42 =	vxor.u32 s10, v0;
	v24 =	vmovc v45;
	v30 =	vshll.u32 v30, $0x3;
	v36 =	vld.idx.msk [tilespmem:v36+s19+$0x0], $0xffff  }
0x530: {  	v26 =	vxor.u32 s12, v0;
	v16 =	vshll.u32 v39, $0x3;
	[tilespmem:v38+s19+$0x0] =	vst.idx.msk $0xffff, v54;
	v38 =	vmul.f32 v48, v35;
	v39 =	vld.idx.msk [tilespmem:v37+s19+$0x0], $0xffff  }
0x531: {  	v61 =	vmul.f32 v52, v22;
	v48 =	vxor.u32 s11, v0;
	v45 =	vand.u32 $0x1C00, v16;
	v54 =	vld.idx.msk [tilespmem:v47+s19+$0x0], $0xffff;
	[tilespmem:v20+s19+$0x0] =	vst.idx.msk $0xffff, v44  }
0x532: {  	v52 =	vxor.u32 s13, v0;
	v44 =	vmov s12;
	v1 =	vadd.f32 v1, v43;
	v20 =	vmovc v46;
	[tilespmem:v29+s19+$0x0] =	vst.idx.msk $0xffff, v41;
	v58 =	vld.idx.msk [tilespmem:v23+s19+$0x0], $0xffff  }
0x533: {  	v59 =	vmul.f32 v61, v11;
	v11 =	vmovc v28;
	v29 =	vand.u32 $0x7F, v42;
	v41 =	vand.u32 $0x7F, v26;
	v16 =	vmovc v40  }
0x534: {  	v60 =	vmovc v37;
	v28 =	vmov s13;
	v30 =	vand.u32 $0x1C00, v30;
	v40 =	vld.idx.msk [tilespmem:v27+s19+$0x0], $0xffff;
	[tilespmem:v33+s19+$0x0] =	vst.idx.msk $0xffff, v1;
	v1 =	vadd.f32 v38, v50  }
0x535: {  	v28 =	vshll.u32 v28, $0x3;
	v61 =	vmovc v23;
	v23 =	vmovc v34;
	v33 =	vshll.u32 v44, $0x3;
	v36 =	vsub.f32 v36, v7;
	v37 =	vld.idx.msk [tilespmem:v46+s19+$0x0], $0xffff  }
0x536: {  	v28 =	vand.u32 $0x1C00, v28;
	v34 =	vor.u32 v29, v30;
	[tilespmem:v32+s19+$0x0] =	vst.idx.msk $0xffff, v1;
	v1 =	vsub.f32 v39, v7  }
0x537: {  	v30 =	vmovc v47;
	v47 =	vmovc v14;
	v29 =	vadd.s32 v4, v34;
	v62 =	vadd.s32 v6, v34;
	v32 =	vand.u32 $0x7F, v52  }
0x538: {  	v14 =	vmovc v43;
	v63 =	vor.u32 v32, v28;
	v28 =	vand.u32 $0x1C00, v33;
	v1 =	vmul.f32 v1, v22  }
0x539: {  	v36 =	vmul.f32 v36, v22;
	v32 =	vand.u32 $0x7F, v48;
	v38 =	vadd.s32 v4, v63;
	v43 =	vld.idx.msk [tilespmem:v24+s19+$0x0], $0xffff  }
0x53a: {  	v46 =	vor.u32 v32, v45;
	v40 =	vsub.f32 v40, v8;
	v1 =	vmul.f32 v1, v15;
	v15 =	vmovc v35  }
0x53b: {  	v44 =	vor.u32 v41, v28;
	v28 =	vmul.f32 v36, v53;
	v33 =	vadd.s32 v4, v46;
	v39 =	vld.idx.msk [tilespmem:v52+s29+$0x0], $0xffff  }
0x53c: {  	v32 =	vadd.s32 v4, v44;
	v37 =	vsub.f32 v37, v8;
	v40 =	vmul.f32 v40, v17;
	v35 =	vld.idx.msk [tilespmem:v29+s19+$0x0], $0xffff  }
0x53d: {  	v45 =	vsub.f32 v54, v8;
	v36 =	vadd.s32 v6, v31;
	v1 =	vadd.f32 v1, v25;
	v41 =	vld.idx.msk [tilespmem:v42+s29+$0x0], $0xffff  }
0x53e: {  	v53 =	vsub.f32 v58, v7;
	v31 =	vmul.f32 v40, v11;
	v40 =	vadd.f32 v28, v55;
	v25 =	vld.idx.msk [tilespmem:v38+s19+$0x0], $0xffff  }
0x53f: {  	v54 =	vmul.f32 v37, v17;
	v37 =	vsub.f32 v43, v8;
	v43 =	vadd.f32 v59, v56;
	v28 =	vld.idx.msk [tilespmem:v42+s28+$0x0], $0xffff  }
0x540: {  	v53 =	vmul.f32 v53, v22;
	v56 =	vmul.f32 v45, v17;
	v31 =	vadd.f32 v31, v13;
	v55 =	vld.idx.msk [tilespmem:v33+s19+$0x0], $0xffff  }
0x541: {  	v45 =	vadd.s32 v5, v44;
	v37 =	vmul.f32 v37, v17;
	v42 =	vld.idx.msk [tilespmem:v52+s28+$0x0], $0xffff;
	[tilespmem:v57+s19+$0x0] =	vst.idx.msk $0xffff, v40  }
0x542: {  	v51 =	vmul.f32 v53, v51;
	v56 =	vmul.f32 v56, v10;
	v35 =	vsub.f32 v35, v9;
	v52 =	vld.idx.msk [tilespmem:v32+s19+$0x0], $0xffff  }
0x543: {  	v53 =	vmul.f32 v37, v15;
	v37 =	vadd.s32 v6, v49;
	v40 =	vld.idx.msk [tilespmem:v48+s28+$0x0], $0xffff;
	[tilespmem:v27+s19+$0x0] =	vst.idx.msk $0xffff, v31  }
0x544: {  	v47 =	vadd.f32 v51, v47;
	v58 =	vsub.f32 v25, v9;
	v49 =	vmul.f32 v35, v19;
	v57 =	vld.idx.msk [tilespmem:v21+s19+$0x0], $0xffff  }
0x545: {  	v51 =	vmul.f32 v54, v16;
	v27 =	vadd.s32 v5, v34;
	v34 =	vadd.s32 v6, v46;
	v25 =	vmovc v50  }
.Ltmp7:
0x546: {  	v54 =	vmul.f32 v58, v19;
	v55 =	vsub.f32 v55, v9;
	v35 =	vld.idx.msk [tilespmem:v26+s28+$0x0], $0xffff;
	[tilespmem:v60+s19+$0x0] =	vst.idx.msk $0xffff, v1;
	(pc) =	sbr.rel @p0 .LBB2_16-.Ltmp7, $4  }
0x547: {  	v31 =	vmov v63;
	v50 =	vmul.f32 v49, v28;
	v49 =	vadd.f32 v56, v12;
	[tilespmem:v61+s19+$0x0] =	vst.idx.msk $0xffff, v47  }
0x548: {  	v1 =	vmul.f32 v54, v42;
	v52 =	vsub.f32 v52, v9;
	[tilespmem:v18+s19+$0x0] =	vst.idx.msk $0xffff, v43;
	v18 =	vmov v21  }
0x549: {  	v53 =	vadd.f32 v53, v25;
	v47 =	vadd.s32 v5, v31;
	v55 =	vmul.f32 v55, v19;
	v21 =	vmovc v62  }
0x54a: {  	v54 =	vadd.f32 v1, v39;
	v43 =	vld.idx.msk [tilespmem:v48+s29+$0x0], $0xffff;
	v48 =	vmul.f32 v52, v19;
	v52 =	vsub.f32 v57, v7  }
0x54b: {  	_ =	sdelay $0x3  }
0x54c: {  	v1 =	vld.idx.msk [tilespmem:v26+s29+$0x0], $0xffff;
	_ =	sdelay $0x1  }
0x54d: {  	v19 =	vmul.f32 v55, v40;
	v26 =	vadd.s32 v5, v46  }
0x54e: {  	v9 =	vmul.f32 v48, v35  }
0x54f: {  	v19 =	vadd.f32 v19, v43  }
0x550: {  	[tilespmem:v38+s19+$0x0] =	vst.idx.msk $0xffff, v54;
	v9 =	vadd.f32 v9, v1  }
0x551: {  	v62 =	vadd.f32 v50, v41;
	v63 =	vld.idx.msk [tilespmem:v47+s19+$0x0], $0xffff;
	[tilespmem:v33+s19+$0x0] =	vst.idx.msk $0xffff, v19  }
0x552: {  	[tilespmem:v32+s19+$0x0] =	vst.idx.msk $0xffff, v9;
	v19 =	vld.idx.msk [tilespmem:v26+s19+$0x0], $0xffff  }
0x553: {  	[tilespmem:v29+s19+$0x0] =	vst.idx.msk $0xffff, v62;
	v9 =	vld.idx.msk [tilespmem:v45+s19+$0x0], $0xffff  }
0x554: {  	v29 =	vld.idx.msk [tilespmem:v27+s19+$0x0], $0xffff;
	_ =	sdelay $0x1  }
0x555: {  	[tilespmem:v24+s19+$0x0] =	vst.idx.msk $0xffff, v53;
	v46 =	vsub.f32 v63, v8  }
0x556: {  	[tilespmem:v30+s19+$0x0] =	vst.idx.msk $0xffff, v49;
	v24 =	vld.idx.msk [tilespmem:v37+s19+$0x0], $0xffff;
	v19 =	vsub.f32 v19, v8  }
0x557: {  	v49 =	vadd.f32 v51, v14;
	v30 =	vmul.f32 v46, v17;
	v9 =	vsub.f32 v9, v8  }
0x558: {  	v48 =	vld.idx.msk [tilespmem:v36+s19+$0x0], $0xffff;
	v8 =	vsub.f32 v29, v8;
	v19 =	vmul.f32 v19, v17  }
0x559: {  	[tilespmem:v20+s19+$0x0] =	vst.idx.msk $0xffff, v49;
	v30 =	vmul.f32 v30, v42;
	v9 =	vmul.f32 v9, v17  }
0x55a: {  	v29 =	vadd.s32 v6, v31;
	v8 =	vmul.f32 v8, v17;
	v19 =	vmul.f32 v19, v40  }
0x55b: {  	v24 =	vsub.f32 v24, v7;
	v20 =	vadd.f32 v30, v39;
	v9 =	vmul.f32 v9, v35  }
0x55c: {  	v30 =	vld.idx.msk [tilespmem:v23+s19+$0x0], $0xffff;
	v17 =	vadd.s32 v6, v44;
	v8 =	vmul.f32 v8, v28;
	v19 =	vadd.f32 v19, v43  }
0x55d: {  	v31 =	vsub.f32 v48, v7;
	[tilespmem:v47+s19+$0x0] =	vst.idx.msk $0xffff, v20;
	v9 =	vadd.f32 v9, v1  }
0x55e: {  	v8 =	vadd.f32 v8, v41;
	[tilespmem:v26+s19+$0x0] =	vst.idx.msk $0xffff, v19  }
0x55f: {  	v20 =	vmul.f32 v24, v22;
	v24 =	vmul.f32 v31, v22;
	[tilespmem:v45+s19+$0x0] =	vst.idx.msk $0xffff, v9;
	v9 =	vld.idx.msk [tilespmem:v29+s19+$0x0], $0xffff  }
0x560: {  	[tilespmem:v27+s19+$0x0] =	vst.idx.msk $0xffff, v8;
	v8 =	vld.idx.msk [tilespmem:v34+s19+$0x0], $0xffff  }
0x561: {  	v15 =	vmul.f32 v20, v15;
	v10 =	vmul.f32 v24, v10;
	v20 =	vsub.f32 v30, v7;
	v31 =	vld.idx.msk [tilespmem:v17+s19+$0x0], $0xffff  }
0x562: {  	v19 =	vmul.f32 v52, v22;
	v24 =	vld.idx.msk [tilespmem:v21+s19+$0x0], $0xffff  }
0x563: {  	v10 =	vadd.f32 v10, v12;
	v12 =	vmul.f32 v20, v22  }
0x564: {  	v11 =	vmul.f32 v19, v11;
	v9 =	vsub.f32 v9, v7  }
0x565: {  	v15 =	vadd.f32 v15, v25;
	v12 =	vmul.f32 v12, v16;
	v8 =	vsub.f32 v8, v7  }
0x566: {  	v11 =	vadd.f32 v11, v13;
	v13 =	vsub.f32 v31, v7;
	v9 =	vmul.f32 v9, v22  }
0x567: {  	[tilespmem:v36+s19+$0x0] =	vst.idx.msk $0xffff, v10;
	v7 =	vsub.f32 v24, v7;
	v8 =	vmul.f32 v8, v22  }
0x568: {  	v12 =	vadd.f32 v12, v14;
	v10 =	vmul.f32 v13, v22;
	v9 =	vmul.f32 v9, v42  }
0x569: {  	[tilespmem:v37+s19+$0x0] =	vst.idx.msk $0xffff, v15;
	v7 =	vmul.f32 v7, v22;
	v8 =	vmul.f32 v8, v40  }
0x56a: {  	[tilespmem:v23+s19+$0x0] =	vst.idx.msk $0xffff, v12;
	v10 =	vmul.f32 v10, v35;
	v9 =	vadd.f32 v9, v39  }
0x56b: {  	[tilespmem:v18+s19+$0x0] =	vst.idx.msk $0xffff, v11;
	v7 =	vmul.f32 v7, v28;
	v8 =	vadd.f32 v8, v43  }
0x56c: {  	v1 =	vadd.f32 v10, v1;
	[tilespmem:v29+s19+$0x0] =	vst.idx.msk $0xffff, v9  }
0x56d: {  	v7 =	vadd.f32 v7, v41;
	[tilespmem:v34+s19+$0x0] =	vst.idx.msk $0xffff, v8  }
0x56e: {  	[tilespmem:v17+s19+$0x0] =	vst.idx.msk $0xffff, v1  }
0x56f: {  	[tilespmem:v21+s19+$0x0] =	vst.idx.msk $0xffff, v7  }
0x570: {  	s7 =	simm.s32 $0x0;
	s10 =	rddreg [dreg:$0x11]  }
0x571: {  	[hbm4b:s10+s7] =	stream.linear.scatter [tilespmem:s19], [sflag:$0x5], $0x9000, $0x38;
	[tilespmem:$0x1BA00] =	vst v63  }
0x572: {  	_ =	swait.ge [sflag:s5], $0x9000  }
0x573: {  	[sflag:s5] =	ssyncset.done $0x0  }
0x574: {  	[sflag:s5] =	ssyncadd.s32 $0xFFFF7000  }
0x575: {  	v1 =	vld [tilespmem:$0xF0];
	_ =	sdelay $0x4  }
0x576: {  	v7 =	vshrl.u32 v1, $0x3  }
0x577: {  	v7 =	vmul.u32 $0x30, v7  }
0x578: {  	v1 =	vand.u32 $0x7, v1  }
0x579: {  	v1 =	vor.u32 v1, v7;
	v7 =	vld [tilespmem:$0x1FFF0];
	_ =	sdelay $0x4  }
0x57a: {  	v7 =	vperm.xlane v1, v7;
	_ =	sdelay $0x1  }
0x57b: {  	v7 =	vadd.s32 v2, v7;
	_ =	sdelay $0x3  }
0x57c: {  	v1 =	vperm.xlane v1, v3  }
0x57d: {  	[tilespmem:s19], [sflag:$0x2] =	stream.indirect_vreg.gather [hbm4b:s0+s7], $0x80, v7, vm0, $0xb8;
	[tilespmem:$0x1BA00] =	vst v63  }
0x57e: {  	v1 =	vadd.s32 v2, v1  }
0x57f: {  	[tilespmem:s20], [sflag:$0x2] =	stream.indirect_vreg.gather [hbm4b:s8+s7], $0x80, v7, vm0, $0xb8;
	[tilespmem:$0x1BA00] =	vst v63  }
0x580: {  	_ = 	snop  }
0x581: {  	[tilespmem:s21], [sflag:$0x2] =	stream.indirect_vreg.gather [hbm4b:s9+s7], $0x80, v7, vm0, $0xb8;
	[tilespmem:$0x1BA00] =	vst v63  }
0x582: {  	_ = 	snop  }
0x583: {  	[tilespmem:s22], [sflag:$0x2] =	stream.indirect_vreg.gather [hbm4b:s0+s7], $0x80, v1, vm0, $0xb8;
	[tilespmem:$0x1BA00] =	vst v63  }
0x584: {  	s11 =	simm.s32 $0x1  }
0x585: {  	[tilespmem:s30], [sflag:$0x2] =	stream.indirect_vreg.gather [hbm4b:s8+s7], $0x80, v1, vm0, $0xb8;
	[tilespmem:$0x1BA00] =	vst v63  }
0x586: {  	v7 =	vmov s11  }
0x587: {  	v7 =	vshll.u32 v7, $0x3;
	[tilespmem:s31], [sflag:$0x2] =	stream.indirect_vreg.gather [hbm4b:s9+s7], $0x80, v1, vm0, $0xb8;
	v1 =	vxor.u32 s11, v0;
	[tilespmem:$0x1BA00] =	vst v63  }
0x588: {  	s12 =	simm.s32 $0x2;
	v7 =	vand.u32 $0x1C00, v7;
	v8 =	vand.u32 $0x7F, v1;
	_ =	swait.ge [sflag:s4], $0x9000  }
0x589: {  	v13 =	vor.u32 v8, v7;
	v7 =	vmov s12;
	[sflag:s4] =	ssyncset.done $0x0  }
0x58a: {  	v8 =	vxor.u32 s12, v0;
	v7 =	vshll.u32 v7, $0x3;
	[sflag:s4] =	ssyncadd.s32 $0xFFFF7000  }
0x58b: {  	s13 =	simm.s32 $0x3;
	v9 =	vadd.s32 v4, v13;
	v10 =	vand.u32 $0x7F, v8;
	v7 =	vand.u32 $0x1C00, v7;
	_ =	swait.ge [sflag:s1], $0x9000  }
0x58c: {  	v11 =	vor.u32 v10, v7;
	v7 =	vmov s13;
	[sflag:s1] =	ssyncset.done $0x0  }
0x58d: {  	v12 =	vxor.u32 s13, v0;
	v10 =	vadd.s32 v4, v11;
	v7 =	vshll.u32 v7, $0x3;
	[sflag:s1] =	ssyncadd.s32 $0xFFFF7000  }
0x58e: {  	v14 =	vand.u32 $0x7F, v12;
	v7 =	vand.u32 $0x1C00, v7;
	v25 =	vld.idx.msk [tilespmem:v1+s26+$0x0], $0xffff  }
0x58f: {  	v8 =	vld.idx.msk [tilespmem:v8+s26+$0x0], $0xffff;
	v16 =	vor.u32 v14, v7;
	v7 =	vmov s7  }
0x590: {  	v18 =	vxor.u32 s7, v0;
	v15 =	vld.idx.msk [tilespmem:v9+s18+$0x0], $0xffff;
	v17 =	vadd.s32 v4, v16;
	v7 =	vshll.u32 v7, $0x3  }
0x591: {  	v1 =	vand.u32 $0x7F, v18;
	v14 =	vld.idx.msk [tilespmem:v9+s25+$0x0], $0xffff;
	v7 =	vand.u32 $0x1C00, v7  }
0x592: {  	v19 =	vld.idx.msk [tilespmem:v10+s25+$0x0], $0xffff;
	v1 =	vor.u32 v1, v7  }
0x593: {  	v20 =	vld.idx.msk [tilespmem:v10+s18+$0x0], $0xffff;
	v21 =	vadd.s32 v4, v1  }
0x594: {  	v7 =	vld.idx.msk [tilespmem:v12+s26+$0x0], $0xffff  }
0x595: {  	v12 =	vld.idx.msk [tilespmem:v17+s18+$0x0], $0xffff  }
0x596: {  	v22 =	vld.idx.msk [tilespmem:v17+s25+$0x0], $0xffff  }
0x597: {  	v24 =	vadd.s32 v5, v13;
	v14 =	vadd.f32 v15, v14  }
0x598: {  	v27 =	vadd.s32 v5, v11;
	v19 =	vadd.f32 v20, v19;
	v23 =	vld.idx.msk [tilespmem:v21+s25+$0x0], $0xffff  }
0x599: {  	v26 =	vadd.f32 v14, v25;
	v15 =	vld.idx.msk [tilespmem:v21+s18+$0x0], $0xffff  }
0x59a: {  	s11 =	simm.s32 $0x6;
	v32 =	vld.idx.msk [tilespmem:v18+s26+$0x0], $0xffff;
	v18 =	vadd.f32 v19, v8  }
0x59b: {  	s10 =	simm.s32 $0x5;
	v31 =	vxor.u32 s11, v0;
	[tilespmem:v9+s25+$0x0] =	vst.idx.msk $0xffff, v26;
	v12 =	vadd.f32 v12, v22  }
0x59c: {  	v28 =	vadd.s32 v5, v16;
	v14 =	vmov s10;
	v20 =	vadd.s32 v5, v1;
	v19 =	vld.idx.msk [tilespmem:v24+s18+$0x0], $0xffff;
	[tilespmem:v10+s25+$0x0] =	vst.idx.msk $0xffff, v18  }
0x59d: {  	v9 =	vshll.u32 v14, $0x3;
	v10 =	vmov s11;
	v30 =	vadd.f32 v12, v7;
	v29 =	vld.idx.msk [tilespmem:v27+s18+$0x0], $0xffff  }
0x59e: {  	v12 =	vxor.u32 s10, v0;
	v10 =	vshll.u32 v10, $0x3;
	v59 =	vld.idx.msk [tilespmem:v27+s25+$0x0], $0xffff;
	v15 =	vadd.f32 v15, v23  }
0x59f: {  	v9 =	vand.u32 $0x1C00, v9;
	v14 =	vand.u32 $0x7F, v12;
	v23 =	vld.idx.msk [tilespmem:v24+s25+$0x0], $0xffff;
	v10 =	vand.u32 $0x1C00, v10  }
0x5a0: {  	s12 =	simm.s32 $0x7;
	v9 =	vor.u32 v14, v9;
	[tilespmem:v17+s25+$0x0] =	vst.idx.msk $0xffff, v30;
	v14 =	vand.u32 $0x7F, v31;
	v15 =	vadd.f32 v15, v32  }
0x5a1: {  	v17 =	vadd.s32 v4, v9;
	v50 =	vld.idx.msk [tilespmem:v28+s18+$0x0], $0xffff;
	v14 =	vor.u32 v14, v10;
	v10 =	vmov s12  }
0x5a2: {  	v10 =	vshll.u32 v10, $0x3;
	[tilespmem:v21+s25+$0x0] =	vst.idx.msk $0xffff, v15;
	v21 =	vld.idx.msk [tilespmem:v28+s25+$0x0], $0xffff  }
0x5a3: {  	v37 =	vadd.s32 v4, v14;
	v58 =	vand.u32 $0x1C00, v10;
	v10 =	vadd.s32 v6, v16;
	v16 =	vld.idx.msk [tilespmem:v12+s26+$0x0], $0xffff  }
0x5a4: {  	v54 =	vxor.u32 s12, v0;
	v51 =	vld.idx.msk [tilespmem:v20+s25+$0x0], $0xffff  }
0x5a5: {  	v57 =	vand.u32 $0x7F, v54;
	v22 =	vimm.f32 $0.0e+00;
	v52 =	vld.idx.msk [tilespmem:v20+s18+$0x0], $0xffff  }
0x5a6: {  	v55 =	vadd.f32 v15, v22;
	v45 =	vor.u32 v57, v58;
	v53 =	vld.idx.msk [tilespmem:v17+s18+$0x0], $0xffff  }
0x5a7: {  	v13 =	vadd.s32 v6, v13;
	v29 =	vadd.f32 v29, v59;
	v46 =	vadd.s32 v4, v45;
	v56 =	vld.idx.msk [tilespmem:v17+s25+$0x0], $0xffff  }
0x5a8: {  	v43 =	vmul.f32 v26, v26;
	v42 =	vmul.f32 v18, v18;
	v26 =	vadd.f32 v26, v55;
	v60 =	vld.idx.msk [tilespmem:v37+s25+$0x0], $0xffff  }
0x5a9: {  	v61 =	vmul.f32 v15, v15;
	v58 =	vadd.f32 v29, v8;
	v62 =	vld.idx.msk [tilespmem:v37+s18+$0x0], $0xffff;
	v15 =	vadd.f32 v50, v21  }
0x5aa: {  	v12 =	vadd.s32 v6, v1;
	v1 =	vadd.f32 v18, v26;
	v18 =	vadd.f32 v19, v23;
	v19 =	vld.idx.msk [tilespmem:v54+s26+$0x0], $0xffff  }
0x5ab: {  	v21 =	vadd.f32 v52, v51;
	v23 =	vadd.f32 v15, v7;
	v15 =	vld.idx.msk [tilespmem:v31+s26+$0x0], $0xffff  }
0x5ac: {  	v11 =	vadd.s32 v6, v11;
	v34 =	vadd.s32 v5, v45;
	v18 =	vadd.f32 v18, v25;
	v31 =	vld.idx.msk [tilespmem:v46+s18+$0x0], $0xffff  }
0x5ad: {  	s13 =	simm.s32 $0x4;
	[tilespmem:v27+s25+$0x0] =	vst.idx.msk $0xffff, v58;
	v38 =	vadd.f32 v30, v1;
	v57 =	vld.idx.msk [tilespmem:v46+s25+$0x0], $0xffff;
	v21 =	vadd.f32 v21, v32  }
0x5ae: {  	v26 =	vadd.f32 v53, v56;
	v53 =	vxor.u32 s13, v0;
	[tilespmem:v24+s25+$0x0] =	vst.idx.msk $0xffff, v18;
	v56 =	vmul.f32 v18, v18  }
0x5af: {  	[tilespmem:v28+s25+$0x0] =	vst.idx.msk $0xffff, v23;
	v24 =	vand.u32 $0x7F, v53;
	v33 =	vadd.f32 v62, v60;
	v59 =	vld.idx.msk [tilespmem:v13+s25+$0x0], $0xffff  }
0x5b0: {  	v28 =	vmov s13;
	v60 =	vld.idx.msk [tilespmem:v13+s18+$0x0], $0xffff;
	v36 =	vmul.f32 v23, v23;
	[tilespmem:v20+s25+$0x0] =	vst.idx.msk $0xffff, v21;
	v20 =	vmul.f32 v21, v21  }
0x5b1: {  	v63 =	vadd.f32 v21, v22;
	v52 =	vld.idx.msk [tilespmem:v10+s25+$0x0], $0xffff;
	v21 =	vshll.u32 v28, $0x3;
	v28 =	vadd.f32 v61, v22  }
0x5b2: {  	v54 =	vld.idx.msk [tilespmem:v10+s18+$0x0], $0xffff;
	v29 =	vadd.f32 v26, v16;
	v61 =	vmul.f32 v30, v30;
	v20 =	vadd.f32 v20, v22  }
0x5b3: {  	v21 =	vand.u32 $0x1C00, v21;
	v55 =	vld.idx.msk [tilespmem:v12+s25+$0x0], $0xffff;
	v28 =	vadd.f32 v43, v28;
	v26 =	vadd.f32 v33, v15  }
0x5b4: {  	v62 =	vld.idx.msk [tilespmem:v12+s18+$0x0], $0xffff;
	v24 =	vor.u32 v24, v21;
	v18 =	vadd.f32 v18, v63;
	v1 =	vadd.f32 v31, v57  }
0x5b5: {  	[tilespmem:v17+s25+$0x0] =	vst.idx.msk $0xffff, v29;
	v31 =	vadd.s32 v5, v9;
	v35 =	vadd.s32 v4, v24  }
0x5b6: {  	v27 =	vadd.f32 v42, v28;
	v20 =	vadd.f32 v56, v20;
	v28 =	vmul.f32 v58, v58  }
0x5b7: {  	v41 =	vld.idx.msk [tilespmem:v11+s25+$0x0], $0xffff;
	v21 =	vadd.s32 v5, v24;
	v30 =	vadd.f32 v58, v18;
	v63 =	vadd.f32 v60, v59  }
0x5b8: {  	v43 =	vld.idx.msk [tilespmem:v11+s18+$0x0], $0xffff;
	v18 =	vadd.s32 v6, v45;
	v40 =	vadd.f32 v54, v52;
	v39 =	vadd.f32 v28, v20  }
0x5b9: {  	v17 =	vld.idx.msk [tilespmem:v53+s26+$0x0], $0xffff;
	[tilespmem:v37+s25+$0x0] =	vst.idx.msk $0xffff, v26;
	v20 =	vadd.f32 v1, v19;
	v1 =	vadd.f32 v62, v55  }
0x5ba: {  	v28 =	vadd.f32 v61, v27;
	v30 =	vadd.f32 v23, v30;
	v23 =	vadd.s32 v5, v14;
	v42 =	vld.idx.msk [tilespmem:v35+s25+$0x0], $0xffff  }
0x5bb: {  	s7 =	simm.s32 $0x8;
	v33 =	vimm.f32 $0.0e+00;
	v25 =	vadd.f32 v63, v25;
	v44 =	vld.idx.msk [tilespmem:v35+s18+$0x0], $0xffff;
	[tilespmem:v46+s25+$0x0] =	vst.idx.msk $0xffff, v20;
	v27 =	vadd.f32 v1, v32  }
.LBB2_18:
0x5bc: {  	s11 =	sadd.s32 $0x1, s7;
	v37 =	vmul.f32 v29, v29  }
0x5bd: {  	p0 =	slt.u32 s7, $0x2FC;
	v1 =	vadd.f32 v43, v41;
	v40 =	vadd.f32 v40, v7;
	v32 =	vmovc v16;
	v7 =	vmov v19;
	s10 =	smov.u32 s7;
	s7 =	sadd.s32 $0x4, s7  }
0x5be: {  	v16 =	vmov s11;
	v19 =	vxor.u32 s11, v0;
	v41 =	vmul.f32 v27, v27;
	[tilespmem:v13+s25+$0x0] =	vst.idx.msk $0xffff, v25  }
0x5bf: {  	v13 =	vand.u32 $0x7F, v19;
	v16 =	vshll.u32 v16, $0x3;
	v43 =	vld.idx.msk [tilespmem:v31+s18+$0x0], $0xffff;
	v1 =	vadd.f32 v1, v8;
	[tilespmem:v10+s25+$0x0] =	vst.idx.msk $0xffff, v40  }
0x5c0: {  	v49 =	vadd.f32 v44, v42;
	s11 =	sadd.s32 $0x2, s10;
	v8 =	vand.u32 $0x1C00, v16;
	[tilespmem:v12+s25+$0x0] =	vst.idx.msk $0xffff, v27;
	v12 =	vmul.f32 v40, v40  }
0x5c1: {  	v48 =	vmov s11;
	v16 =	vmul.f32 v25, v25;
	v42 =	vor.u32 v13, v8;
	v13 =	vld.idx.msk [tilespmem:v31+s25+$0x0], $0xffff;
	[tilespmem:v11+s25+$0x0] =	vst.idx.msk $0xffff, v1  }
0x5c2: {  	v22 =	vadd.f32 v41, v22;
	v11 =	vadd.f32 v49, v17;
	v44 =	vadd.s32 v4, v42;
	v45 =	vld.idx.msk [tilespmem:v23+s18+$0x0], $0xffff  }
0x5c3: {  	v10 =	vmovc v18;
	v41 =	vxor.u32 s11, v0;
	v46 =	vshll.u32 v48, $0x3;
	v27 =	vadd.f32 v27, v33;
	v47 =	vld.idx.msk [tilespmem:v34+s18+$0x0], $0xffff;
	v8 =	vmovc v15  }
0x5c4: {  	v18 =	vand.u32 $0x1C00, v46;
	v16 =	vadd.f32 v16, v22;
	v15 =	vand.u32 $0x7F, v41;
	[tilespmem:v35+s25+$0x0] =	vst.idx.msk $0xffff, v11;
	v35 =	vld.idx.msk [tilespmem:v34+s25+$0x0], $0xffff  }
0x5c5: {  	s11 =	sadd.s32 $0x3, s10;
	v22 =	vadd.f32 v25, v27;
	v18 =	vor.u32 v15, v18;
	v15 =	vadd.f32 v11, v38;
	v38 =	vld.idx.msk [tilespmem:v21+s25+$0x0], $0xffff  }
0x5c6: {  	v36 =	vadd.f32 v36, v39;
	v27 =	vmov s11;
	v25 =	vadd.s32 v4, v18;
	v46 =	vld.idx.msk [tilespmem:v21+s18+$0x0], $0xffff  }
0x5c7: {  	v48 =	vxor.u32 s11, v0;
	v33 =	vmul.f32 v1, v1;
	v27 =	vshll.u32 v27, $0x3;
	v39 =	vld.idx.msk [tilespmem:v44+s18+$0x0], $0xffff  }
0x5c8: {  	v50 =	vand.u32 $0x7F, v48;
	v27 =	vand.u32 $0x1C00, v27;
	v1 =	vadd.f32 v1, v22;
	v49 =	vld.idx.msk [tilespmem:v44+s25+$0x0], $0xffff  }
0x5c9: {  	v22 =	vadd.f32 v33, v16;
	v27 =	vor.u32 v50, v27;
	v50 =	vmul.f32 v26, v26;
	v51 =	vld.idx.msk [tilespmem:v23+s25+$0x0], $0xffff  }
0x5ca: {  	v52 =	vadd.s32 v4, v27;
	v15 =	vadd.f32 v29, v15;
	v33 =	vadd.f32 v40, v1;
	v16 =	vld.idx.msk [tilespmem:v19+s26+$0x0], $0xffff  }
0x5cb: {  	v29 =	vmul.f32 v11, v11;
	v22 =	vadd.f32 v12, v22;
	v35 =	vadd.f32 v47, v35;
	v1 =	vld.idx.msk [tilespmem:v25+s25+$0x0], $0xffff  }
0x5cc: {  	v12 =	vadd.s32 v6, v24;
	v38 =	vadd.f32 v46, v38;
	v46 =	vadd.f32 v26, v15;
	v40 =	vld.idx.msk [tilespmem:v25+s18+$0x0], $0xffff  }
0x5cd: {  	v24 =	vadd.f32 v43, v13;
	v11 =	vadd.s32 v6, v14;
	v47 =	vadd.f32 v35, v7;
	v19 =	vld.idx.msk [tilespmem:v48+s26+$0x0], $0xffff  }
0x5ce: {  	v13 =	vadd.s32 v6, v9;
	v26 =	vadd.f32 v39, v49;
	v14 =	vadd.f32 v38, v17;
	v15 =	vld.idx.msk [tilespmem:v41+s26+$0x0], $0xffff  }
0x5cf: {  	v38 =	vadd.f32 v24, v32;
	v41 =	vadd.f32 v45, v51;
	v39 =	vld.idx.msk [tilespmem:v52+s18+$0x0], $0xffff;
	[tilespmem:v34+s25+$0x0] =	vst.idx.msk $0xffff, v47  }
0x5d0: {  	v35 =	vmov s10;
	v30 =	vadd.f32 v14, v30;
	[tilespmem:v21+s25+$0x0] =	vst.idx.msk $0xffff, v14;
	v21 =	vmul.f32 v14, v14;
	v34 =	vld.idx.msk [tilespmem:v10+s25+$0x0], $0xffff  }
0x5d1: {  	v28 =	vadd.f32 v29, v28;
	v35 =	vshll.u32 v35, $0x3;
	v45 =	vxor.u32 s10, v0;
	[tilespmem:v31+s25+$0x0] =	vst.idx.msk $0xffff, v38;
	v31 =	vld.idx.msk [tilespmem:v10+s18+$0x0], $0xffff  }
0x5d2: {  	v9 =	vmovc v42;
	v29 =	vand.u32 $0x1C00, v35;
	v24 =	vand.u32 $0x7F, v45;
	v43 =	vmul.f32 v38, v38;
	v14 =	vmovc v18;
	v48 =	vld.idx.msk [tilespmem:v12+s25+$0x0], $0xffff  }
0x5d3: {  	v24 =	vor.u32 v24, v29;
	v1 =	vadd.f32 v40, v1;
	v42 =	vadd.f32 v21, v36;
	v18 =	vld.idx.msk [tilespmem:v52+s25+$0x0], $0xffff  }
0x5d4: {  	v51 =	vadd.f32 v41, v8;
	v35 =	vadd.s32 v4, v24;
	v21 =	vadd.s32 v5, v24;
	v49 =	vld.idx.msk [tilespmem:v13+s25+$0x0], $0xffff  }
0x5d5: {  	v53 =	vmul.f32 v20, v20;
	v28 =	vadd.f32 v37, v28;
	v29 =	vadd.f32 v26, v16;
	v37 =	vld.idx.msk [tilespmem:v13+s18+$0x0], $0xffff  }
0x5d6: {  	v30 =	vadd.f32 v38, v30;
	v26 =	vadd.f32 v1, v15;
	v1 =	vld.idx.msk [tilespmem:v12+s18+$0x0], $0xffff;
	[tilespmem:v23+s25+$0x0] =	vst.idx.msk $0xffff, v51  }
0x5d7: {  	v36 =	vmul.f32 v47, v47;
	v23 =	vadd.f32 v50, v28;
	v40 =	vadd.f32 v31, v34;
	v41 =	vld.idx.msk [tilespmem:v11+s25+$0x0], $0xffff  }
0x5d8: {  	v38 =	vadd.f32 v20, v46;
	v28 =	vadd.f32 v43, v42;
	v31 =	vmul.f32 v51, v51;
	v43 =	vld.idx.msk [tilespmem:v11+s18+$0x0], $0xffff  }
0x5d9: {  	v30 =	vadd.f32 v51, v30;
	v20 =	vadd.f32 v39, v18;
	v42 =	vld.idx.msk [tilespmem:v35+s25+$0x0], $0xffff;
	[tilespmem:v44+s25+$0x0] =	vst.idx.msk $0xffff, v29  }
.Ltmp8:
0x5da: {  	v39 =	vadd.f32 v31, v28;
	v28 =	vadd.f32 v53, v23;
	v44 =	vld.idx.msk [tilespmem:v35+s18+$0x0], $0xffff;
	(pc) =	sbr.rel @p0 .LBB2_18-.Ltmp8, $4  }
0x5db: {  	v30 =	vadd.f32 v47, v30;
	v18 =	vadd.s32 v6, v27;
	v37 =	vadd.f32 v37, v49  }
0x5dc: {  	v31 =	vadd.s32 v5, v9;
	v20 =	vadd.f32 v20, v19;
	v1 =	vadd.f32 v1, v48  }
0x5dd: {  	v34 =	vadd.s32 v5, v27;
	v23 =	vadd.s32 v5, v14;
	[tilespmem:v25+s25+$0x0] =	vst.idx.msk $0xffff, v26  }
0x5de: {  	v27 =	vadd.f32 v1, v17;
	v25 =	vadd.f32 v37, v32;
	[tilespmem:v52+s25+$0x0] =	vst.idx.msk $0xffff, v20;
	v17 =	vld.idx.msk [tilespmem:v45+s26+$0x0], $0xffff  }
0x5df: {  	_ =	sdelay $0x3  }
0x5e0: {  	v1 =	vadd.f32 v44, v42;
	v37 =	vld.idx.msk [tilespmem:v31+s18+$0x0], $0xffff  }
0x5e1: {  	v59 =	vld.idx.msk [tilespmem:v34+s18+$0x0], $0xffff  }
0x5e2: {  	v60 =	vld.idx.msk [tilespmem:v34+s25+$0x0], $0xffff;
	v1 =	vadd.f32 v1, v17  }
0x5e3: {  	v63 =	vadd.f32 v40, v7;
	v7 =	vld.idx.msk [tilespmem:v31+s25+$0x0], $0xffff  }
0x5e4: {  	v50 =	vld.idx.msk [tilespmem:v23+s18+$0x0], $0xffff;
	v32 =	vmul.f32 v27, v27;
	[tilespmem:v35+s25+$0x0] =	vst.idx.msk $0xffff, v1  }
0x5e5: {  	v41 =	vadd.f32 v43, v41;
	v33 =	vadd.f32 v27, v33;
	v61 =	vld.idx.msk [tilespmem:v21+s25+$0x0], $0xffff  }
0x5e6: {  	v36 =	vadd.f32 v36, v39;
	v62 =	vmul.f32 v25, v25;
	v45 =	vadd.f32 v32, v22;
	v46 =	vld.idx.msk [tilespmem:v21+s18+$0x0], $0xffff  }
0x5e7: {  	v53 =	vld.idx.msk [tilespmem:v23+s25+$0x0], $0xffff;
	v24 =	vadd.s32 v6, v24;
	v22 =	vadd.f32 v41, v8;
	v33 =	vadd.f32 v25, v33  }
0x5e8: {  	v54 =	vadd.s32 v6, v9;
	v48 =	vadd.f32 v62, v45;
	v7 =	vadd.f32 v37, v7  }
0x5e9: {  	v14 =	vadd.s32 v6, v14;
	v52 =	vadd.f32 v22, v33;
	v35 =	vadd.f32 v59, v60  }
0x5ea: {  	v8 =	vmul.f32 v29, v29;
	v38 =	vadd.f32 v1, v38;
	v7 =	vadd.f32 v7, v16  }
0x5eb: {  	v51 =	vmul.f32 v22, v22;
	v35 =	vadd.f32 v35, v19;
	v43 =	vadd.f32 v46, v61  }
0x5ec: {  	v57 =	vadd.f32 v50, v53;
	v1 =	vmul.f32 v1, v1;
	[tilespmem:v31+s25+$0x0] =	vst.idx.msk $0xffff, v7  }
0x5ed: {  	v9 =	vadd.f32 v29, v38;
	[tilespmem:v34+s25+$0x0] =	vst.idx.msk $0xffff, v35;
	v58 =	vld.idx.msk [tilespmem:v54+s25+$0x0], $0xffff;
	v29 =	vadd.f32 v43, v17  }
0x5ee: {  	v49 =	vmul.f32 v63, v63;
	v39 =	vadd.f32 v51, v48;
	v55 =	vadd.f32 v63, v52;
	v56 =	vld.idx.msk [tilespmem:v18+s25+$0x0], $0xffff  }
0x5ef: {  	v1 =	vadd.f32 v1, v28;
	v38 =	vadd.f32 v57, v15;
	[tilespmem:v21+s25+$0x0] =	vst.idx.msk $0xffff, v29;
	v21 =	vld.idx.msk [tilespmem:v18+s18+$0x0], $0xffff  }
0x5f0: {  	v39 =	vadd.f32 v49, v39;
	v9 =	vadd.f32 v26, v9;
	v31 =	vmul.f32 v29, v29;
	v28 =	vld.idx.msk [tilespmem:v24+s25+$0x0], $0xffff  }
0x5f1: {  	v26 =	vmul.f32 v26, v26;
	v1 =	vadd.f32 v8, v1;
	v29 =	vadd.f32 v29, v30;
	v8 =	vld.idx.msk [tilespmem:v24+s18+$0x0], $0xffff  }
0x5f2: {  	v59 =	vld.idx.msk [tilespmem:v54+s18+$0x0], $0xffff;
	[tilespmem:v23+s25+$0x0] =	vst.idx.msk $0xffff, v38;
	v30 =	vmul.f32 v7, v7;
	v31 =	vadd.f32 v31, v36  }
0x5f3: {  	v23 =	vld.idx.msk [tilespmem:v14+s25+$0x0], $0xffff;
	v1 =	vadd.f32 v26, v1;
	v7 =	vadd.f32 v7, v29  }
0x5f4: {  	v9 =	vadd.f32 v20, v9;
	v29 =	vmul.f32 v38, v38;
	v26 =	vadd.f32 v30, v31;
	v30 =	vld.idx.msk [tilespmem:v14+s18+$0x0], $0xffff  }
0x5f5: {  	v31 =	vmul.f32 v20, v20;
	v7 =	vadd.f32 v38, v7;
	v21 =	vadd.f32 v21, v56  }
0x5f6: {  	v20 =	vadd.f32 v29, v26;
	v8 =	vadd.f32 v8, v28  }
0x5f7: {  	v1 =	vadd.f32 v31, v1;
	v26 =	vadd.f32 v59, v58  }
0x5f8: {  	v7 =	vadd.f32 v35, v7;
	v19 =	vadd.f32 v21, v19  }
0x5f9: {  	v9 =	vmul.f32 $1.302083370e-03, v9;
	v17 =	vadd.f32 v8, v17;
	v23 =	vadd.f32 v30, v23  }
0x5fa: {  	v8 =	vmul.f32 v35, v35;
	v16 =	vadd.f32 v26, v16;
	v1 =	vmul.f32 $1.302083370e-03, v1  }
0x5fb: {  	v21 =	vmul.f32 v17, v17;
	v15 =	vadd.f32 v23, v15;
	v23 =	vadd.f32 v17, v55  }
0x5fc: {  	v26 =	vmul.f32 v9, v9;
	v20 =	vadd.f32 v8, v20;
	v8 =	vmul.f32 $1.302083370e-03, v7  }
0x5fd: {  	v7 =	vmul.f32 v16, v16;
	v21 =	vadd.f32 v21, v39;
	v23 =	vadd.f32 v16, v23  }
0x5fe: {  	v1 =	vsub.f32 v1, v26;
	v20 =	vmul.f32 $1.302083370e-03, v20;
	v26 =	vmul.f32 v8, v8  }
0x5ff: {  	v7 =	vadd.f32 v7, v21;
	v21 =	vmul.f32 v15, v15;
	v23 =	vadd.f32 v15, v23  }
0x600: {  	v1 =	vadd.f32 $9.999999960e-13, v1;
	v20 =	vsub.f32 v20, v26  }
0x601: {  	v26 =	vmul.f32 v19, v19;
	v7 =	vadd.f32 v21, v7;
	v21 =	vadd.f32 v19, v23  }
0x602: {  	v20 =	vadd.f32 $9.999999960e-13, v20;
	v23 =	vshra.s32 v1, $0x1;
	v1 =	vmul.f32 $5.000000000e-01, v1  }
0x603: {  	v26 =	vadd.f32 v26, v7;
	v23 =	vsub.s32 $0x5F3759DF, v23;
	v7 =	vmul.f32 $1.302083370e-03, v21  }
0x604: {  	v28 =	vshra.s32 v20, $0x1;
	v20 =	vmul.f32 $5.000000000e-01, v20;
	v21 =	vmul.f32 v23, v1  }
0x605: {  	v28 =	vsub.s32 $0x5F3759DF, v28;
	v26 =	vmul.f32 $1.302083370e-03, v26;
	v29 =	vmul.f32 v7, v7  }
0x606: {  	v30 =	vmul.f32 v28, v20;
	v21 =	vmul.f32 v23, v21  }
0x607: {  	v26 =	vsub.f32 v26, v29  }
0x608: {  	v21 =	vsub.f32 $1.500000000e+00, v21;
	v29 =	vmul.f32 v28, v30  }
0x609: {  	v26 =	vadd.f32 $9.999999960e-13, v26  }
0x60a: {  	v21 =	vmul.f32 v23, v21;
	v23 =	vsub.f32 $1.500000000e+00, v29  }
0x60b: {  	v29 =	vshra.s32 v26, $0x1;
	v26 =	vmul.f32 $5.000000000e-01, v26  }
0x60c: {  	v30 =	vmul.f32 v21, v1;
	v23 =	vmul.f32 v28, v23;
	v28 =	vsub.s32 $0x5F3759DF, v29  }
0x60d: {  	v29 =	vmul.f32 v28, v26  }
0x60e: {  	v30 =	vmul.f32 v30, v21;
	v31 =	vmul.f32 v23, v20  }
0x60f: {  	v29 =	vmul.f32 v28, v29  }
0x610: {  	v30 =	vsub.f32 $1.500000000e+00, v30;
	v31 =	vmul.f32 v31, v23  }
0x611: {  	v29 =	vsub.f32 $1.500000000e+00, v29  }
0x612: {  	v21 =	vmul.f32 v30, v21;
	v30 =	vsub.f32 $1.500000000e+00, v31  }
0x613: {  	v28 =	vmul.f32 v28, v29  }
0x614: {  	v29 =	vmul.f32 v21, v1;
	v23 =	vmul.f32 v30, v23  }
0x615: {  	s11 =	simm.s32 $0x0;
	v30 =	vmul.f32 v28, v26  }
0x616: {  	s12 =	simm.s32 $0x3;
	[tilespmem:v13+s25+$0x0] =	vst.idx.msk $0xffff, v25;
	v13 =	vmov s11;
	v29 =	vmul.f32 v29, v21;
	v31 =	vmul.f32 v23, v20  }
0x617: {  	[tilespmem:v12+s25+$0x0] =	vst.idx.msk $0xffff, v27;
	v12 =	vmov s12;
	v13 =	vshll.u32 v13, $0x3;
	v30 =	vmul.f32 v30, v28  }
0x618: {  	v12 =	vshll.u32 v12, $0x3;
	v29 =	vsub.f32 $1.500000000e+00, v29;
	v31 =	vmul.f32 v31, v23  }
0x619: {  	s10 =	simm.s32 $0x2;
	v25 =	vxor.u32 s12, v0;
	v13 =	vand.u32 $0x1C00, v13;
	v30 =	vsub.f32 $1.500000000e+00, v30  }
0x61a: {  	s7 =	simm.s32 $0x1;
	v21 =	vmul.f32 v29, v21;
	v29 =	vsub.f32 $1.500000000e+00, v31;
	v31 =	vmov s10  }
0x61b: {  	[tilespmem:v10+s25+$0x0] =	vst.idx.msk $0xffff, v63;
	v60 =	vxor.u32 s7, v0;
	v31 =	vshll.u32 v31, $0x3;
	v28 =	vmul.f32 v30, v28  }
0x61c: {  	[tilespmem:v11+s25+$0x0] =	vst.idx.msk $0xffff, v22;
	v30 =	vmov s7;
	v10 =	vand.u32 $0x1C00, v31;
	v31 =	vxor.u32 s11, v0  }
0x61d: {  	v11 =	vand.u32 $0x7F, v60;
	[tilespmem:v18+s25+$0x0] =	vst.idx.msk $0xffff, v19;
	v30 =	vshll.u32 v30, $0x3;
	v27 =	vand.u32 $0x7F, v31  }
0x61e: {  	v61 =	vxor.u32 s10, v0;
	[tilespmem:v54+s25+$0x0] =	vst.idx.msk $0xffff, v16;
	v22 =	vand.u32 $0x1C00, v30;
	v27 =	vor.u32 v27, v13  }
0x61f: {  	v1 =	vmul.f32 v21, v1;
	v62 =	vor.u32 v11, v22;
	v22 =	vadd.s32 v4, v27  }
0x620: {  	[tilespmem:v24+s25+$0x0] =	vst.idx.msk $0xffff, v17;
	v13 =	vmul.f32 v29, v23;
	v11 =	vand.u32 $0x7F, v61;
	v18 =	vadd.s32 v4, v62  }
0x621: {  	[tilespmem:v14+s25+$0x0] =	vst.idx.msk $0xffff, v15;
	v63 =	vor.u32 v11, v10;
	v10 =	vand.u32 $0x7F, v25;
	v11 =	vand.u32 $0x1C00, v12  }
0x622: {  	s13 =	rddreg [dreg:$0x12];
	v12 =	vmul.f32 v28, v26;
	v52 =	vadd.s32 v4, v63;
	v40 =	vor.u32 v10, v11  }
0x623: {  	[tilespmem:s18], [sflag:$0x3] =	stream.linear.gather [hbm4b:s13+s11], $0x3000, $0x38;
	v1 =	vmul.f32 v1, v21;
	v23 =	vadd.s32 v4, v40;
	[tilespmem:$0x1BA00] =	vst v63  }
0x624: {  	v11 =	vmul.f32 v13, v20;
	v10 =	vmul.f32 v12, v28;
	v12 =	vld.idx.msk [tilespmem:v22+s25+$0x0], $0xffff  }
0x625: {  	v14 =	vld.idx.msk [tilespmem:v18+s25+$0x0], $0xffff  }
0x626: {  	s13 =	simm.s32 $0x4;
	s10 =	simm.s32 $0x5;
	v1 =	vsub.f32 $1.500000000e+00, v1;
	v11 =	vmul.f32 v11, v13;
	v15 =	vsub.f32 $1.500000000e+00, v10;
	v10 =	vld.idx.msk [tilespmem:v31+s28+$0x0], $0xffff  }
0x627: {  	v39 =	vxor.u32 s13, v0;
	v41 =	vxor.u32 s10, v0;
	v20 =	vld.idx.msk [tilespmem:v52+s25+$0x0], $0xffff  }
0x628: {  	s11 =	simm.s32 $0x6;
	v19 =	vmul.f32 v1, v21;
	v1 =	vsub.f32 $1.500000000e+00, v11;
	v28 =	vmul.f32 v15, v28;
	v15 =	vld.idx.msk [tilespmem:v23+s25+$0x0], $0xffff  }
0x629: {  	v56 =	vand.u32 $0x7F, v41;
	v54 =	vmov s11;
	v43 =	vxor.u32 s11, v0;
	v11 =	vld.idx.msk [tilespmem:v60+s28+$0x0], $0xffff  }
0x62a: {  	v17 =	vmul.f32 v1, v13;
	v13 =	vld.idx.msk [tilespmem:v60+s29+$0x0], $0xffff;
	v21 =	vsub.f32 v12, v9;
	v14 =	vsub.f32 v14, v9  }
0x62b: {  	v35 =	vshll.u32 v54, $0x3;
	v30 =	vadd.s32 v5, v27;
	v24 =	vmul.f32 v28, v26;
	v12 =	vld.idx.msk [tilespmem:v31+s29+$0x0], $0xffff  }
0x62c: {  	v16 =	vld.idx.msk [tilespmem:v61+s28+$0x0], $0xffff;
	v35 =	vand.u32 $0x1C00, v35;
	v1 =	vmul.f32 v21, v19;
	v14 =	vmul.f32 v14, v19  }
0x62d: {  	v21 =	vmul.f32 v24, v28;
	v20 =	vsub.f32 v20, v9;
	v26 =	vsub.f32 v15, v9  }
0x62e: {  	v34 =	vadd.s32 v5, v62;
	v15 =	vld.idx.msk [tilespmem:v25+s28+$0x0], $0xffff;
	v1 =	vmul.f32 v1, v10;
	v29 =	vmul.f32 v14, v11  }
0x62f: {  	v24 =	vadd.s32 v5, v40;
	v20 =	vmul.f32 v20, v19;
	v14 =	vld.idx.msk [tilespmem:v61+s29+$0x0], $0xffff;
	v31 =	vmul.f32 v26, v19  }
0x630: {  	v25 =	vld.idx.msk [tilespmem:v25+s29+$0x0], $0xffff;
	v26 =	vmov s10;
	v1 =	vadd.f32 v1, v12;
	v29 =	vadd.f32 v29, v13  }
0x631: {  	s12 =	simm.s32 $0x7;
	v53 =	vmul.f32 v20, v16;
	v20 =	vadd.s32 v5, v63;
	v55 =	vshll.u32 v26, $0x3  }
0x632: {  	v26 =	vxor.u32 s12, v0;
	v38 =	vand.u32 $0x1C00, v55;
	[tilespmem:v18+s25+$0x0] =	vst.idx.msk $0xffff, v29;
	v29 =	vmov s13  }
0x633: {  	v31 =	vmul.f32 v31, v15;
	v47 =	vor.u32 v56, v38;
	v57 =	vld.idx.msk [tilespmem:v34+s25+$0x0], $0xffff;
	v29 =	vshll.u32 v29, $0x3  }
0x634: {  	[tilespmem:v22+s25+$0x0] =	vst.idx.msk $0xffff, v1;
	v22 =	vand.u32 $0x7F, v39;
	v18 =	vadd.f32 v53, v14;
	v1 =	vand.u32 $0x1C00, v29  }
0x635: {  	v58 =	vadd.f32 v31, v25;
	v29 =	vadd.s32 v4, v47;
	v31 =	vor.u32 v22, v1  }
0x636: {  	v1 =	vld.idx.msk [tilespmem:v30+s25+$0x0], $0xffff;
	v22 =	vmov s12;
	[tilespmem:v52+s25+$0x0] =	vst.idx.msk $0xffff, v18;
	v18 =	vand.u32 $0x7F, v43;
	v38 =	vadd.s32 v4, v31  }
0x637: {  	v59 =	vand.u32 $0x7F, v26;
	[tilespmem:v23+s25+$0x0] =	vst.idx.msk $0xffff, v58;
	v22 =	vshll.u32 v22, $0x3;
	v60 =	vld.idx.msk [tilespmem:v20+s25+$0x0], $0xffff;
	v46 =	vor.u32 v18, v35  }
0x638: {  	v61 =	vld.idx.msk [tilespmem:v24+s25+$0x0], $0xffff;
	v18 =	vand.u32 $0x1C00, v22;
	v33 =	vadd.s32 v4, v46;
	v22 =	vsub.f32 v57, v8  }
0x639: {  	v44 =	vor.u32 v59, v18  }
0x63a: {  	v21 =	vsub.f32 $1.500000000e+00, v21;
	v48 =	vld.idx.msk [tilespmem:v29+s25+$0x0], $0xffff;
	v32 =	vadd.s32 v4, v44;
	v42 =	vmul.f32 v22, v17  }
0x63b: {  	v36 =	vadd.s32 v6, v27;
	v37 =	vadd.s32 v6, v40;
	v18 =	vadd.s32 v6, v62;
	v62 =	vld.idx.msk [tilespmem:v38+s25+$0x0], $0xffff  }
0x63c: {  	v22 =	vmul.f32 v21, v28;
	v1 =	vsub.f32 v1, v8;
	v28 =	vld.idx.msk [tilespmem:v41+s28+$0x0], $0xffff;
	v42 =	vmul.f32 v42, v11  }
0x63d: {  	v23 =	vadd.s32 v6, v63;
	v45 =	vsub.f32 v60, v8;
	v27 =	vsub.f32 v61, v8;
	v63 =	vld.idx.msk [tilespmem:v33+s25+$0x0], $0xffff  }
0x63e: {  	v21 =	vadd.s32 v6, v47;
	v1 =	vmul.f32 v1, v17;
	v50 =	vadd.f32 v42, v13;
	v42 =	vld.idx.msk [tilespmem:v39+s28+$0x0], $0xffff  }
0x63f: {  	v49 =	vmul.f32 v45, v17;
	v45 =	vadd.s32 v5, v44;
	v27 =	vmul.f32 v27, v17;
	v52 =	vld.idx.msk [tilespmem:v32+s25+$0x0], $0xffff  }
0x640: {  	v48 =	vsub.f32 v48, v9;
	v39 =	vld.idx.msk [tilespmem:v39+s29+$0x0], $0xffff;
	[tilespmem:v34+s25+$0x0] =	vst.idx.msk $0xffff, v50;
	v60 =	vsub.f32 v62, v9  }
0x641: {  	v1 =	vmul.f32 v1, v10;
	v53 =	vmul.f32 v27, v15;
	v27 =	vadd.s32 v5, v47;
	v56 =	vld.idx.msk [tilespmem:v18+s25+$0x0], $0xffff  }
0x642: {  	v40 =	vld.idx.msk [tilespmem:v43+s28+$0x0], $0xffff;
	v51 =	vmul.f32 v49, v16;
	v47 =	vadd.s32 v5, v31;
	v62 =	vmul.f32 v60, v19  }
0x643: {  	v41 =	vld.idx.msk [tilespmem:v41+s29+$0x0], $0xffff;
	v61 =	vmul.f32 v48, v19;
	v34 =	vadd.s32 v6, v46;
	v63 =	vsub.f32 v63, v9  }
0x644: {  	v49 =	vadd.f32 v1, v12;
	v52 =	vsub.f32 v52, v9;
	v1 =	vmul.f32 v62, v42  }
0x645: {  	v43 =	vld.idx.msk [tilespmem:v43+s29+$0x0], $0xffff;
	v53 =	vadd.f32 v53, v25;
	v50 =	vmul.f32 v61, v28;
	v55 =	vmul.f32 v63, v19  }
0x646: {  	s7 =	simm.s32 $0x8;
	v35 =	vld.idx.msk [tilespmem:v26+s28+$0x0], $0xffff;
	v48 =	vmul.f32 v52, v19;
	v54 =	vadd.f32 v1, v39;
	v52 =	vsub.f32 v56, v7  }
.LBB2_20:
0x647: {  	s10 =	sadd.s32 $0x1, s7;
	v1 =	vmul.f32 v55, v40;
	v46 =	vadd.s32 v5, v46;
	v55 =	vmov v12  }
0x648: {  	s11 =	sadd.s32 $0x2, s7;
	s12 =	sadd.s32 $0x3, s7;
	[tilespmem:v30+s25+$0x0] =	vst.idx.msk $0xffff, v49;
	v12 =	vmovc v39;
	v49 =	vmovc v44;
	v56 =	vmov v13;
	v13 =	vmov v41;
	v57 =	vmov v36;
	s13 =	smov.u32 s7  }
0x649: {  	p0 =	slt.u32 s7, $0x2FC;
	s7 =	sadd.s32 $0x4, s7;
	v30 =	vmov s10;
	v39 =	vmov s11;
	v41 =	vadd.f32 v50, v13;
	v50 =	vld.idx.msk [tilespmem:v26+s29+$0x0], $0xffff;
	[tilespmem:v24+s25+$0x0] =	vst.idx.msk $0xffff, v53;
	v53 =	vmovc v10;
	v10 =	vmovc v42  }
0x64a: {  	v44 =	vadd.f32 v51, v14;
	v51 =	vmovc v16;
	v42 =	vxor.u32 s10, v0;
	v24 =	vmovc v45;
	v30 =	vshll.u32 v30, $0x3;
	v36 =	vld.idx.msk [tilespmem:v36+s25+$0x0], $0xffff  }
0x64b: {  	v26 =	vxor.u32 s12, v0;
	v16 =	vshll.u32 v39, $0x3;
	[tilespmem:v38+s25+$0x0] =	vst.idx.msk $0xffff, v54;
	v38 =	vmul.f32 v48, v35;
	v39 =	vld.idx.msk [tilespmem:v37+s25+$0x0], $0xffff  }
0x64c: {  	v61 =	vmul.f32 v52, v22;
	v48 =	vxor.u32 s11, v0;
	v45 =	vand.u32 $0x1C00, v16;
	v54 =	vld.idx.msk [tilespmem:v47+s25+$0x0], $0xffff;
	[tilespmem:v20+s25+$0x0] =	vst.idx.msk $0xffff, v44  }
0x64d: {  	v52 =	vxor.u32 s13, v0;
	v44 =	vmov s12;
	v1 =	vadd.f32 v1, v43;
	v20 =	vmovc v46;
	[tilespmem:v29+s25+$0x0] =	vst.idx.msk $0xffff, v41;
	v58 =	vld.idx.msk [tilespmem:v23+s25+$0x0], $0xffff  }
0x64e: {  	v59 =	vmul.f32 v61, v11;
	v11 =	vmovc v28;
	v29 =	vand.u32 $0x7F, v42;
	v41 =	vand.u32 $0x7F, v26;
	v16 =	vmovc v40  }
0x64f: {  	v60 =	vmovc v37;
	v28 =	vmov s13;
	v30 =	vand.u32 $0x1C00, v30;
	v40 =	vld.idx.msk [tilespmem:v27+s25+$0x0], $0xffff;
	[tilespmem:v33+s25+$0x0] =	vst.idx.msk $0xffff, v1;
	v1 =	vadd.f32 v38, v50  }
0x650: {  	v28 =	vshll.u32 v28, $0x3;
	v61 =	vmovc v23;
	v23 =	vmovc v34;
	v33 =	vshll.u32 v44, $0x3;
	v36 =	vsub.f32 v36, v7;
	v37 =	vld.idx.msk [tilespmem:v46+s25+$0x0], $0xffff  }
0x651: {  	v28 =	vand.u32 $0x1C00, v28;
	v34 =	vor.u32 v29, v30;
	[tilespmem:v32+s25+$0x0] =	vst.idx.msk $0xffff, v1;
	v1 =	vsub.f32 v39, v7  }
0x652: {  	v30 =	vmovc v47;
	v47 =	vmovc v14;
	v29 =	vadd.s32 v4, v34;
	v62 =	vadd.s32 v6, v34;
	v32 =	vand.u32 $0x7F, v52  }
0x653: {  	v14 =	vmovc v43;
	v63 =	vor.u32 v32, v28;
	v28 =	vand.u32 $0x1C00, v33;
	v1 =	vmul.f32 v1, v22  }
0x654: {  	v36 =	vmul.f32 v36, v22;
	v32 =	vand.u32 $0x7F, v48;
	v38 =	vadd.s32 v4, v63;
	v43 =	vld.idx.msk [tilespmem:v24+s25+$0x0], $0xffff  }
0x655: {  	v46 =	vor.u32 v32, v45;
	v40 =	vsub.f32 v40, v8;
	v1 =	vmul.f32 v1, v15;
	v15 =	vmovc v35  }
0x656: {  	v44 =	vor.u32 v41, v28;
	v28 =	vmul.f32 v36, v53;
	v33 =	vadd.s32 v4, v46;
	v39 =	vld.idx.msk [tilespmem:v52+s29+$0x0], $0xffff  }
0x657: {  	v32 =	vadd.s32 v4, v44;
	v37 =	vsub.f32 v37, v8;
	v40 =	vmul.f32 v40, v17;
	v35 =	vld.idx.msk [tilespmem:v29+s25+$0x0], $0xffff  }
0x658: {  	v45 =	vsub.f32 v54, v8;
	v36 =	vadd.s32 v6, v31;
	v1 =	vadd.f32 v1, v25;
	v41 =	vld.idx.msk [tilespmem:v42+s29+$0x0], $0xffff  }
0x659: {  	v53 =	vsub.f32 v58, v7;
	v31 =	vmul.f32 v40, v11;
	v40 =	vadd.f32 v28, v55;
	v25 =	vld.idx.msk [tilespmem:v38+s25+$0x0], $0xffff  }
0x65a: {  	v54 =	vmul.f32 v37, v17;
	v37 =	vsub.f32 v43, v8;
	v43 =	vadd.f32 v59, v56;
	v28 =	vld.idx.msk [tilespmem:v42+s28+$0x0], $0xffff  }
0x65b: {  	v53 =	vmul.f32 v53, v22;
	v56 =	vmul.f32 v45, v17;
	v31 =	vadd.f32 v31, v13;
	v55 =	vld.idx.msk [tilespmem:v33+s25+$0x0], $0xffff  }
0x65c: {  	v45 =	vadd.s32 v5, v44;
	v37 =	vmul.f32 v37, v17;
	v42 =	vld.idx.msk [tilespmem:v52+s28+$0x0], $0xffff;
	[tilespmem:v57+s25+$0x0] =	vst.idx.msk $0xffff, v40  }
0x65d: {  	v51 =	vmul.f32 v53, v51;
	v56 =	vmul.f32 v56, v10;
	v35 =	vsub.f32 v35, v9;
	v52 =	vld.idx.msk [tilespmem:v32+s25+$0x0], $0xffff  }
0x65e: {  	v53 =	vmul.f32 v37, v15;
	v37 =	vadd.s32 v6, v49;
	v40 =	vld.idx.msk [tilespmem:v48+s28+$0x0], $0xffff;
	[tilespmem:v27+s25+$0x0] =	vst.idx.msk $0xffff, v31  }
0x65f: {  	v47 =	vadd.f32 v51, v47;
	v58 =	vsub.f32 v25, v9;
	v49 =	vmul.f32 v35, v19;
	v57 =	vld.idx.msk [tilespmem:v21+s25+$0x0], $0xffff  }
0x660: {  	v51 =	vmul.f32 v54, v16;
	v27 =	vadd.s32 v5, v34;
	v34 =	vadd.s32 v6, v46;
	v25 =	vmovc v50  }
.Ltmp9:
0x661: {  	v54 =	vmul.f32 v58, v19;
	v55 =	vsub.f32 v55, v9;
	v35 =	vld.idx.msk [tilespmem:v26+s28+$0x0], $0xffff;
	[tilespmem:v60+s25+$0x0] =	vst.idx.msk $0xffff, v1;
	(pc) =	sbr.rel @p0 .LBB2_20-.Ltmp9, $4  }
0x662: {  	v31 =	vmov v63;
	v50 =	vmul.f32 v49, v28;
	v49 =	vadd.f32 v56, v12;
	[tilespmem:v61+s25+$0x0] =	vst.idx.msk $0xffff, v47  }
0x663: {  	v1 =	vmul.f32 v54, v42;
	v52 =	vsub.f32 v52, v9;
	[tilespmem:v18+s25+$0x0] =	vst.idx.msk $0xffff, v43;
	v18 =	vmov v21  }
0x664: {  	v53 =	vadd.f32 v53, v25;
	v47 =	vadd.s32 v5, v31;
	v55 =	vmul.f32 v55, v19;
	v21 =	vmovc v62  }
0x665: {  	v54 =	vadd.f32 v1, v39;
	v43 =	vld.idx.msk [tilespmem:v48+s29+$0x0], $0xffff;
	v48 =	vmul.f32 v52, v19;
	v52 =	vsub.f32 v57, v7  }
0x666: {  	_ =	sdelay $0x3  }
0x667: {  	v1 =	vld.idx.msk [tilespmem:v26+s29+$0x0], $0xffff;
	_ =	sdelay $0x1  }
0x668: {  	v19 =	vmul.f32 v55, v40;
	v26 =	vadd.s32 v5, v46  }
0x669: {  	v9 =	vmul.f32 v48, v35  }
0x66a: {  	v19 =	vadd.f32 v19, v43  }
0x66b: {  	[tilespmem:v38+s25+$0x0] =	vst.idx.msk $0xffff, v54;
	v9 =	vadd.f32 v9, v1  }
0x66c: {  	v54 =	vadd.f32 v50, v41;
	v55 =	vld.idx.msk [tilespmem:v47+s25+$0x0], $0xffff;
	[tilespmem:v33+s25+$0x0] =	vst.idx.msk $0xffff, v19  }
0x66d: {  	[tilespmem:v32+s25+$0x0] =	vst.idx.msk $0xffff, v9;
	v19 =	vld.idx.msk [tilespmem:v26+s25+$0x0], $0xffff  }
0x66e: {  	[tilespmem:v29+s25+$0x0] =	vst.idx.msk $0xffff, v54;
	v9 =	vld.idx.msk [tilespmem:v45+s25+$0x0], $0xffff  }
0x66f: {  	v29 =	vld.idx.msk [tilespmem:v27+s25+$0x0], $0xffff;
	_ =	sdelay $0x1  }
0x670: {  	[tilespmem:v24+s25+$0x0] =	vst.idx.msk $0xffff, v53;
	v56 =	vsub.f32 v55, v8  }
0x671: {  	[tilespmem:v30+s25+$0x0] =	vst.idx.msk $0xffff, v49;
	v24 =	vld.idx.msk [tilespmem:v37+s25+$0x0], $0xffff;
	v19 =	vsub.f32 v19, v8  }
0x672: {  	v58 =	vadd.f32 v51, v14;
	v30 =	vmul.f32 v56, v17;
	v9 =	vsub.f32 v9, v8  }
0x673: {  	v57 =	vld.idx.msk [tilespmem:v36+s25+$0x0], $0xffff;
	v8 =	vsub.f32 v29, v8;
	v19 =	vmul.f32 v19, v17  }
0x674: {  	[tilespmem:v20+s25+$0x0] =	vst.idx.msk $0xffff, v58;
	v30 =	vmul.f32 v30, v42;
	v9 =	vmul.f32 v9, v17  }
0x675: {  	v29 =	vadd.s32 v6, v31;
	v8 =	vmul.f32 v8, v17;
	v19 =	vmul.f32 v19, v40  }
0x676: {  	v24 =	vsub.f32 v24, v7;
	v20 =	vadd.f32 v30, v39;
	v9 =	vmul.f32 v9, v35  }
0x677: {  	v30 =	vld.idx.msk [tilespmem:v23+s25+$0x0], $0xffff;
	v17 =	vadd.s32 v6, v44;
	v8 =	vmul.f32 v8, v28;
	v19 =	vadd.f32 v19, v43  }
0x678: {  	v31 =	vsub.f32 v57, v7;
	[tilespmem:v47+s25+$0x0] =	vst.idx.msk $0xffff, v20;
	v9 =	vadd.f32 v9, v1  }
0x679: {  	v8 =	vadd.f32 v8, v41;
	[tilespmem:v26+s25+$0x0] =	vst.idx.msk $0xffff, v19  }
0x67a: {  	v20 =	vmul.f32 v24, v22;
	v24 =	vmul.f32 v31, v22;
	[tilespmem:v45+s25+$0x0] =	vst.idx.msk $0xffff, v9;
	v9 =	vld.idx.msk [tilespmem:v29+s25+$0x0], $0xffff  }
0x67b: {  	[tilespmem:v27+s25+$0x0] =	vst.idx.msk $0xffff, v8;
	v8 =	vld.idx.msk [tilespmem:v34+s25+$0x0], $0xffff  }
0x67c: {  	v15 =	vmul.f32 v20, v15;
	v10 =	vmul.f32 v24, v10;
	v20 =	vsub.f32 v30, v7;
	v31 =	vld.idx.msk [tilespmem:v17+s25+$0x0], $0xffff  }
0x67d: {  	v19 =	vmul.f32 v52, v22;
	v24 =	vld.idx.msk [tilespmem:v21+s25+$0x0], $0xffff  }
0x67e: {  	v10 =	vadd.f32 v10, v12;
	v12 =	vmul.f32 v20, v22  }
0x67f: {  	v11 =	vmul.f32 v19, v11;
	v9 =	vsub.f32 v9, v7  }
0x680: {  	v15 =	vadd.f32 v15, v25;
	v12 =	vmul.f32 v12, v16;
	v8 =	vsub.f32 v8, v7  }
0x681: {  	v11 =	vadd.f32 v11, v13;
	v13 =	vsub.f32 v31, v7;
	v9 =	vmul.f32 v9, v22  }
0x682: {  	[tilespmem:v36+s25+$0x0] =	vst.idx.msk $0xffff, v10;
	v7 =	vsub.f32 v24, v7;
	v8 =	vmul.f32 v8, v22  }
0x683: {  	v12 =	vadd.f32 v12, v14;
	v10 =	vmul.f32 v13, v22;
	v9 =	vmul.f32 v9, v42  }
0x684: {  	[tilespmem:v37+s25+$0x0] =	vst.idx.msk $0xffff, v15;
	v7 =	vmul.f32 v7, v22;
	v8 =	vmul.f32 v8, v40  }
0x685: {  	[tilespmem:v23+s25+$0x0] =	vst.idx.msk $0xffff, v12;
	v10 =	vmul.f32 v10, v35;
	v9 =	vadd.f32 v9, v39  }
0x686: {  	[tilespmem:v18+s25+$0x0] =	vst.idx.msk $0xffff, v11;
	v7 =	vmul.f32 v7, v28;
	v8 =	vadd.f32 v8, v43  }
0x687: {  	v1 =	vadd.f32 v10, v1;
	[tilespmem:v29+s25+$0x0] =	vst.idx.msk $0xffff, v9  }
0x688: {  	v7 =	vadd.f32 v7, v41;
	[tilespmem:v34+s25+$0x0] =	vst.idx.msk $0xffff, v8  }
0x689: {  	[tilespmem:v17+s25+$0x0] =	vst.idx.msk $0xffff, v1  }
0x68a: {  	[tilespmem:v21+s25+$0x0] =	vst.idx.msk $0xffff, v7  }
0x68b: {  	s7 =	simm.s32 $0x0;
	s13 =	simm.s32 $0x1;
	s10 =	rddreg [dreg:$0x13]  }
0x68c: {  	[hbm4b:s10+s7] =	stream.linear.scatter [tilespmem:s25], [sflag:$0x4], $0x9000, $0x38;
	[tilespmem:$0x1BA00] =	vst v63  }
0x68d: {  	s12 =	simm.s32 $0x2;
	v11 =	vxor.u32 s13, v0;
	v12 =	vmov s13;
	v7 =	vmov s7;
	_ =	swait.ge [sflag:s3], $0x3000  }
0x68e: {  	v10 =	vxor.u32 s12, v0;
	v1 =	vxor.u32 s7, v0;
	v7 =	vshll.u32 v7, $0x3;
	[sflag:s3] =	ssyncset.done $0x0  }
0x68f: {  	v8 =	vmov s12;
	v9 =	vand.u32 $0x7F, v1;
	v7 =	vand.u32 $0x1C00, v7;
	[sflag:s3] =	ssyncadd.s32 $0xFFFFD000  }
0x690: {  	v13 =	vand.u32 $0x7F, v10;
	v8 =	vshll.u32 v8, $0x3;
	v7 =	vor.u32 v9, v7;
	_ =	swait.ge [sflag:s1], $0x3000  }
0x691: {  	v8 =	vand.u32 $0x1C00, v8;
	v9 =	vshll.u32 v12, $0x3;
	v7 =	vadd.s32 v4, v7;
	[sflag:s1] =	ssyncset.done $0x0  }
0x692: {  	s10 =	simm.s32 $0x3;
	v8 =	vor.u32 v13, v8;
	v12 =	vand.u32 $0x7F, v11;
	v9 =	vand.u32 $0x1C00, v9;
	[sflag:s1] =	ssyncadd.s32 $0xFFFFD000  }
0x693: {  	v14 =	vmov s10;
	v8 =	vadd.s32 v4, v8;
	v9 =	vor.u32 v12, v9;
	v13 =	vld.idx.msk [tilespmem:v1+s26+$0x0], $0xffff  }
0x694: {  	v14 =	vshll.u32 v14, $0x3;
	v9 =	vadd.s32 v4, v9;
	v1 =	vxor.u32 s10, v0;
	v12 =	vld.idx.msk [tilespmem:v10+s26+$0x0], $0xffff  }
0x695: {  	v15 =	vand.u32 $0x1C00, v14;
	v14 =	vld.idx.msk [tilespmem:v11+s26+$0x0], $0xffff;
	v10 =	vand.u32 $0x7F, v1  }
0x696: {  	s11 =	simm.s32 $0x4;
	v16 =	vimm.f32 $0.0e+00;
	s13 =	simm.s32 $0x6;
	v21 =	vld.idx.msk [tilespmem:v7+s19+$0x0], $0xffff;
	v10 =	vor.u32 v10, v15  }
0x697: {  	v26 =	vmov s13;
	v22 =	vmov s11;
	v27 =	vld.idx.msk [tilespmem:v7+s18+$0x0], $0xffff;
	v11 =	vadd.s32 v4, v10  }
0x698: {  	v18 =	vxor.u32 s13, v0;
	v62 =	vshll.u32 v26, $0x3;
	v28 =	vshll.u32 v22, $0x3;
	s12 =	simm.s32 $0x7;
	v17 =	vld.idx.msk [tilespmem:v8+s19+$0x0], $0xffff  }
0x699: {  	v63 =	vand.u32 $0x1C00, v28;
	v29 =	vand.u32 $0x7F, v18;
	v23 =	vmov s12;
	v20 =	vld.idx.msk [tilespmem:v9+s19+$0x0], $0xffff  }
0x69a: {  	v34 =	vand.u32 $0x1C00, v62;
	v60 =	vshll.u32 v23, $0x3;
	v15 =	vxor.u32 s11, v0;
	s11 =	simm.s32 $0x5;
	v24 =	vld.idx.msk [tilespmem:v9+s18+$0x0], $0xffff  }
0x69b: {  	v28 =	vand.u32 $0x1C00, v60;
	v25 =	vld.idx.msk [tilespmem:v8+s18+$0x0], $0xffff;
	v10 =	vxor.u32 s12, v0;
	v19 =	vxor.u32 s11, v0  }
0x69c: {  	v59 =	vand.u32 $0x7F, v15;
	v31 =	vmov s11;
	v22 =	vand.u32 $0x7F, v10;
	v23 =	vld.idx.msk [tilespmem:v11+s19+$0x0], $0xffff  }
0x69d: {  	v30 =	vand.u32 $0x7F, v19;
	v61 =	vshll.u32 v31, $0x3;
	v31 =	vadd.f32 v27, v21;
	v26 =	vld.idx.msk [tilespmem:v11+s18+$0x0], $0xffff  }
0x69e: {  	s7 =	simm.s32 $0x8;
	v33 =	vor.u32 v59, v63;
	v32 =	vand.u32 $0x1C00, v61;
	v27 =	vld.idx.msk [tilespmem:v1+s26+$0x0], $0xffff;
	v21 =	vimm.f32 $0.0e+00  }
.LBB2_22:
0x69f: {  	p0 =	slt.u32 s7, $0x2FC;
	v1 =	vor.u32 v29, v34;
	v31 =	vadd.f32 v31, v13;
	v13 =	vadd.f32 v24, v20  }
0x6a0: {  	v33 =	vadd.s32 v4, v33;
	v20 =	vor.u32 v30, v32;
	v17 =	vadd.f32 v25, v17  }
0x6a1: {  	v1 =	vadd.s32 v4, v1;
	v24 =	vmul.f32 v31, v31;
	v25 =	vadd.f32 v13, v14  }
0x6a2: {  	v29 =	vadd.s32 v4, v20;
	v30 =	vadd.f32 v17, v12;
	v17 =	vadd.f32 v26, v23;
	v13 =	vld.idx.msk [tilespmem:v15+s26+$0x0], $0xffff  }
0x6a3: {  	v16 =	vadd.f32 v31, v16;
	v12 =	vld.idx.msk [tilespmem:v18+s26+$0x0], $0xffff;
	v18 =	vadd.f32 v24, v21;
	v20 =	vmul.f32 v25, v25  }
0x6a4: {  	v15 =	vxor.u32 s7, v0;
	v14 =	vld.idx.msk [tilespmem:v19+s26+$0x0], $0xffff;
	v19 =	vor.u32 v22, v28;
	v22 =	vadd.f32 v17, v27  }
0x6a5: {  	s10 =	sadd.s32 $0x3, s7;
	v16 =	vadd.f32 v25, v16;
	v27 =	vld.idx.msk [tilespmem:v33+s19+$0x0], $0xffff;
	v18 =	vadd.f32 v20, v18;
	v20 =	vmul.f32 v30, v30  }
0x6a6: {  	v35 =	vxor.u32 s10, v0;
	v23 =	vmov s7;
	v26 =	vadd.s32 v4, v19;
	v32 =	vld.idx.msk [tilespmem:v33+s18+$0x0], $0xffff;
	[tilespmem:v9+s19+$0x0] =	vst.idx.msk $0xffff, v25;
	v9 =	vmovc v29  }
0x6a7: {  	s11 =	sadd.s32 $0x2, s7;
	v16 =	vadd.f32 v30, v16;
	v25 =	vmul.f32 v22, v22;
	v17 =	vld.idx.msk [tilespmem:v1+s19+$0x0], $0xffff;
	v21 =	vadd.f32 v20, v18  }
0x6a8: {  	s12 =	sadd.s32 $0x1, s7;
	v34 =	vmov s10;
	v28 =	vmov s11;
	v18 =	vxor.u32 s11, v0;
	v20 =	vld.idx.msk [tilespmem:v29+s19+$0x0], $0xffff;
	[tilespmem:v8+s19+$0x0] =	vst.idx.msk $0xffff, v30;
	v8 =	vmovc v1  }
0x6a9: {  	v19 =	vxor.u32 s12, v0;
	v16 =	vadd.f32 v22, v16;
	v24 =	vld.idx.msk [tilespmem:v29+s18+$0x0], $0xffff;
	v21 =	vadd.f32 v25, v21  }
.Ltmp10:
0x6aa: {  	v38 =	vmov s12;
	v37 =	vshll.u32 v23, $0x3;
	v36 =	vand.u32 $0x7F, v15;
	v25 =	vld.idx.msk [tilespmem:v1+s18+$0x0], $0xffff;
	[tilespmem:v11+s19+$0x0] =	vst.idx.msk $0xffff, v22;
	v11 =	vmovc v26;
	(pc) =	sbr.rel @p0 .LBB2_22-.Ltmp10, $4  }
0x6ab: {  	v29 =	vand.u32 $0x7F, v18;
	v22 =	vand.u32 $0x7F, v35;
	v1 =	vshll.u32 v34, $0x3;
	v23 =	vld.idx.msk [tilespmem:v26+s19+$0x0], $0xffff;
	[tilespmem:v7+s19+$0x0] =	vst.idx.msk $0xffff, v31;
	v7 =	vmovc v33  }
0x6ac: {  	v30 =	vand.u32 $0x7F, v19;
	v34 =	vshll.u32 v38, $0x3;
	v38 =	vshll.u32 v28, $0x3;
	v26 =	vld.idx.msk [tilespmem:v26+s18+$0x0], $0xffff  }
0x6ad: {  	v33 =	vand.u32 $0x1C00, v37;
	v28 =	vand.u32 $0x1C00, v1;
	v31 =	vadd.f32 v32, v27  }
0x6ae: {  	s7 =	sadd.s32 $0x4, s7;
	v32 =	vand.u32 $0x1C00, v34;
	v34 =	vand.u32 $0x1C00, v38;
	v33 =	vor.u32 v36, v33;
	v27 =	vld.idx.msk [tilespmem:v10+s26+$0x0], $0xffff;
	v10 =	vmovc v35  }
0x6af: {  	_ =	sdelay $0x1  }
0x6b0: {  	v1 =	vadd.s32 v4, v33  }
0x6b1: {  	v29 =	vor.u32 v29, v34  }
0x6b2: {  	v30 =	vor.u32 v30, v32;
	v15 =	vld.idx.msk [tilespmem:v15+s26+$0x0], $0xffff;
	v29 =	vadd.s32 v4, v29  }
0x6b3: {  	v18 =	vld.idx.msk [tilespmem:v18+s26+$0x0], $0xffff;
	v30 =	vadd.s32 v4, v30  }
0x6b4: {  	v19 =	vld.idx.msk [tilespmem:v19+s26+$0x0], $0xffff  }
0x6b5: {  	v13 =	vadd.f32 v31, v13;
	v20 =	vadd.f32 v24, v20;
	v22 =	vor.u32 v22, v28;
	v24 =	vld.idx.msk [tilespmem:v1+s19+$0x0], $0xffff  }
0x6b6: {  	v17 =	vadd.f32 v25, v17;
	v22 =	vadd.s32 v4, v22;
	v25 =	vld.idx.msk [tilespmem:v1+s18+$0x0], $0xffff  }
0x6b7: {  	v28 =	vmul.f32 v13, v13;
	v14 =	vadd.f32 v20, v14;
	v16 =	vadd.f32 v13, v16;
	v20 =	vld.idx.msk [tilespmem:v29+s19+$0x0], $0xffff  }
0x6b8: {  	v12 =	vadd.f32 v17, v12;
	v17 =	vadd.f32 v26, v23;
	v23 =	vld.idx.msk [tilespmem:v30+s19+$0x0], $0xffff  }
0x6b9: {  	v21 =	vadd.f32 v28, v21;
	v26 =	vmul.f32 v14, v14;
	v16 =	vadd.f32 v14, v16;
	v28 =	vld.idx.msk [tilespmem:v30+s18+$0x0], $0xffff  }
0x6ba: {  	v17 =	vadd.f32 v17, v27;
	v27 =	vld.idx.msk [tilespmem:v29+s18+$0x0], $0xffff  }
0x6bb: {  	v21 =	vadd.f32 v26, v21;
	v26 =	vmul.f32 v12, v12;
	v16 =	vadd.f32 v12, v16;
	v31 =	vld.idx.msk [tilespmem:v22+s19+$0x0], $0xffff  }
0x6bc: {  	v58 =	vld.idx.msk [tilespmem:v22+s18+$0x0], $0xffff;
	v24 =	vadd.f32 v25, v24  }
0x6bd: {  	v21 =	vadd.f32 v26, v21;
	v16 =	vadd.f32 v17, v16;
	v25 =	vmul.f32 v17, v17  }
0x6be: {  	v10 =	vld.idx.msk [tilespmem:v10+s26+$0x0], $0xffff;
	v23 =	vadd.f32 v28, v23;
	v15 =	vadd.f32 v24, v15  }
0x6bf: {  	v20 =	vadd.f32 v27, v20;
	v21 =	vadd.f32 v25, v21  }
0x6c0: {  	v19 =	vadd.f32 v23, v19;
	v24 =	vmul.f32 v15, v15;
	v16 =	vadd.f32 v15, v16  }
0x6c1: {  	v18 =	vadd.f32 v20, v18;
	v20 =	vadd.f32 v58, v31  }
0x6c2: {  	v23 =	vmul.f32 v19, v19;
	v21 =	vadd.f32 v24, v21;
	v16 =	vadd.f32 v19, v16  }
0x6c3: {  	v20 =	vadd.f32 v20, v10  }
0x6c4: {  	v10 =	vadd.f32 v23, v21;
	v21 =	vmul.f32 v18, v18;
	v16 =	vadd.f32 v18, v16;
	_ =	sdelay $0x1  }
0x6c5: {  	v10 =	vadd.f32 v21, v10;
	v21 =	vmul.f32 v20, v20;
	v16 =	vadd.f32 v20, v16;
	_ =	sdelay $0x1  }
0x6c6: {  	v21 =	vadd.f32 v21, v10;
	v10 =	vmul.f32 $1.302083370e-03, v16;
	_ =	sdelay $0x1  }
0x6c7: {  	v16 =	vmul.f32 $1.302083370e-03, v21;
	v21 =	vmul.f32 v10, v10;
	_ =	sdelay $0x1  }
0x6c8: {  	v16 =	vsub.f32 v16, v21;
	_ =	sdelay $0x1  }
0x6c9: {  	v16 =	vadd.f32 $9.999999960e-13, v16;
	_ =	sdelay $0x1  }
0x6ca: {  	v21 =	vshra.s32 v16, $0x1;
	v16 =	vmul.f32 $5.000000000e-01, v16  }
0x6cb: {  	v21 =	vsub.s32 $0x5F3759DF, v21  }
0x6cc: {  	v23 =	vmul.f32 v21, v16;
	_ =	sdelay $0x1  }
0x6cd: {  	v23 =	vmul.f32 v21, v23;
	_ =	sdelay $0x1  }
0x6ce: {  	v23 =	vsub.f32 $1.500000000e+00, v23;
	_ =	sdelay $0x1  }
0x6cf: {  	v21 =	vmul.f32 v21, v23;
	_ =	sdelay $0x1  }
0x6d0: {  	v23 =	vmul.f32 v21, v16;
	_ =	sdelay $0x1  }
0x6d1: {  	v23 =	vmul.f32 v23, v21;
	_ =	sdelay $0x1  }
0x6d2: {  	v23 =	vsub.f32 $1.500000000e+00, v23;
	_ =	sdelay $0x1  }
0x6d3: {  	v21 =	vmul.f32 v23, v21;
	_ =	sdelay $0x1  }
0x6d4: {  	s10 =	simm.s32 $0x2;
	s11 =	simm.s32 $0x3;
	s13 =	simm.s32 $0x0;
	[tilespmem:v7+s19+$0x0] =	vst.idx.msk $0xffff, v13;
	v23 =	vmul.f32 v21, v16  }
0x6d5: {  	v59 =	vxor.u32 s10, v0;
	[tilespmem:v9+s19+$0x0] =	vst.idx.msk $0xffff, v14;
	v14 =	vmov s13;
	v26 =	vmov s11  }
0x6d6: {  	s12 =	simm.s32 $0x7;
	[tilespmem:v8+s19+$0x0] =	vst.idx.msk $0xffff, v12;
	v12 =	vshll.u32 v14, $0x3;
	v26 =	vshll.u32 v26, $0x3;
	v23 =	vmul.f32 v23, v21  }
0x6d7: {  	s7 =	simm.s32 $0x1;
	[tilespmem:v11+s19+$0x0] =	vst.idx.msk $0xffff, v17;
	v12 =	vand.u32 $0x1C00, v12;
	v13 =	vand.u32 $0x1C00, v26;
	v17 =	vmov s12  }
0x6d8: {  	v17 =	vshll.u32 v17, $0x3;
	v25 =	vxor.u32 s7, v0;
	v23 =	vsub.f32 $1.500000000e+00, v23  }
0x6d9: {  	v17 =	vand.u32 $0x1C00, v17;
	v31 =	vxor.u32 s11, v0;
	v28 =	vand.u32 $0x7F, v25  }
0x6da: {  	v24 =	vmov s10;
	v21 =	vmul.f32 v23, v21;
	v23 =	vmov s7  }
0x6db: {  	v27 =	vand.u32 $0x7F, v31;
	s10 =	simm.s32 $0x6;
	v24 =	vshll.u32 v24, $0x3;
	v23 =	vshll.u32 v23, $0x3  }
0x6dc: {  	[tilespmem:v1+s19+$0x0] =	vst.idx.msk $0xffff, v15;
	v15 =	vmov s10;
	v9 =	vand.u32 $0x1C00, v23;
	v23 =	vxor.u32 s13, v0  }
0x6dd: {  	[tilespmem:v29+s19+$0x0] =	vst.idx.msk $0xffff, v18;
	v8 =	vand.u32 $0x1C00, v24;
	v18 =	vshll.u32 v15, $0x3;
	v11 =	vand.u32 $0x7F, v23  }
0x6de: {  	v15 =	vxor.u32 s12, v0;
	v16 =	vmul.f32 v21, v16;
	v7 =	vor.u32 v11, v12  }
0x6df: {  	[tilespmem:v30+s19+$0x0] =	vst.idx.msk $0xffff, v19;
	v9 =	vor.u32 v28, v9;
	v12 =	vand.u32 $0x7F, v59;
	v11 =	vadd.s32 v4, v7  }
0x6e0: {  	[tilespmem:v22+s19+$0x0] =	vst.idx.msk $0xffff, v20;
	v24 =	vand.u32 $0x7F, v15;
	v9 =	vadd.s32 v4, v9;
	v7 =	vor.u32 v12, v8  }
0x6e1: {  	v16 =	vmul.f32 v16, v21;
	v8 =	vor.u32 v27, v13;
	v12 =	vadd.s32 v4, v7  }
0x6e2: {  	v17 =	vor.u32 v24, v17;
	v24 =	vld.idx.msk [tilespmem:v31+s28+$0x0], $0xffff;
	v7 =	vadd.s32 v4, v8  }
0x6e3: {  	s11 =	simm.s32 $0x5;
	v13 =	vsub.f32 $1.500000000e+00, v16;
	v30 =	vld.idx.msk [tilespmem:v23+s28+$0x0], $0xffff  }
0x6e4: {  	v14 =	vxor.u32 s11, v0;
	v16 =	vld.idx.msk [tilespmem:v11+s19+$0x0], $0xffff  }
0x6e5: {  	v19 =	vxor.u32 s10, v0;
	s13 =	simm.s32 $0x4;
	v8 =	vmul.f32 v13, v21;
	v13 =	vmov s11;
	v1 =	vld.idx.msk [tilespmem:v9+s19+$0x0], $0xffff  }
0x6e6: {  	v29 =	vand.u32 $0x1C00, v18;
	v18 =	vxor.u32 s13, v0;
	v13 =	vshll.u32 v13, $0x3;
	v20 =	vld.idx.msk [tilespmem:v12+s19+$0x0], $0xffff  }
0x6e7: {  	v27 =	vmov s13;
	v21 =	vand.u32 $0x7F, v14;
	v22 =	vand.u32 $0x1C00, v13;
	v26 =	vld.idx.msk [tilespmem:v7+s19+$0x0], $0xffff  }
0x6e8: {  	v61 =	vand.u32 $0x7F, v18;
	v27 =	vshll.u32 v27, $0x3;
	v28 =	vld.idx.msk [tilespmem:v23+s29+$0x0], $0xffff;
	v21 =	vor.u32 v21, v22  }
0x6e9: {  	v27 =	vand.u32 $0x1C00, v27;
	v13 =	vld.idx.msk [tilespmem:v31+s29+$0x0], $0xffff;
	v60 =	vsub.f32 v16, v10;
	v16 =	vadd.s32 v4, v21  }
0x6ea: {  	v62 =	vand.u32 $0x7F, v19;
	v22 =	vld.idx.msk [tilespmem:v59+s28+$0x0], $0xffff;
	v21 =	vor.u32 v61, v27  }
0x6eb: {  	v27 =	vld.idx.msk [tilespmem:v25+s28+$0x0], $0xffff;
	v20 =	vsub.f32 v20, v10;
	v21 =	vadd.s32 v4, v21;
	v23 =	vmul.f32 v60, v8  }
0x6ec: {  	v29 =	vor.u32 v62, v29;
	v1 =	vsub.f32 v1, v10;
	v25 =	vld.idx.msk [tilespmem:v25+s29+$0x0], $0xffff;
	v63 =	vsub.f32 v26, v10  }
0x6ed: {  	v17 =	vadd.s32 v4, v17;
	v31 =	vmul.f32 v23, v30;
	v23 =	vld.idx.msk [tilespmem:v59+s29+$0x0], $0xffff;
	v30 =	vmul.f32 v20, v8  }
0x6ee: {  	s7 =	simm.s32 $0x8;
	v32 =	vmul.f32 v1, v8;
	v20 =	vadd.s32 v4, v29;
	v29 =	vmul.f32 v63, v8;
	v26 =	vld.idx.msk [tilespmem:v16+s19+$0x0], $0xffff  }
.LBB2_24:
0x6ef: {  	s10 =	sadd.s32 $0x1, s7;
	s11 =	sadd.s32 $0x2, s7;
	s12 =	sadd.s32 $0x3, s7;
	v1 =	vadd.f32 v31, v28;
	v22 =	vmul.f32 v30, v22;
	v30 =	vmovc v15;
	v33 =	vmov v19  }
0x6f0: {  	p0 =	slt.u32 s7, $0x2FC;
	s13 =	smov.u32 s7;
	s7 =	sadd.s32 $0x4, s7;
	v15 =	vmov s10;
	v19 =	vmov s11;
	v28 =	vld.idx.msk [tilespmem:v21+s19+$0x0], $0xffff;
	v27 =	vmul.f32 v32, v27  }
0x6f1: {  	v31 =	vxor.u32 s10, v0;
	v34 =	vmov s12;
	v32 =	vshll.u32 v15, $0x3;
	[tilespmem:v11+s19+$0x0] =	vst.idx.msk $0xffff, v1;
	v11 =	vmovc v21  }
0x6f2: {  	v1 =	vshll.u32 v19, $0x3;
	v15 =	vxor.u32 s12, v0;
	v21 =	vadd.f32 v27, v25  }
0x6f3: {  	v24 =	vmul.f32 v29, v24;
	v25 =	vand.u32 $0x7F, v15;
	v27 =	vshll.u32 v34, $0x3;
	v34 =	vld.idx.msk [tilespmem:v20+s19+$0x0], $0xffff  }
0x6f4: {  	v29 =	vand.u32 $0x7F, v31;
	v19 =	vxor.u32 s11, v0;
	v35 =	vld.idx.msk [tilespmem:v17+s19+$0x0], $0xffff;
	[tilespmem:v9+s19+$0x0] =	vst.idx.msk $0xffff, v21;
	v21 =	vadd.f32 v22, v23  }
0x6f5: {  	v1 =	vand.u32 $0x1C00, v1;
	v22 =	vand.u32 $0x1C00, v32;
	v23 =	vadd.f32 v24, v13;
	v9 =	vmovc v16;
	v13 =	vld.idx.msk [tilespmem:v30+s29+$0x0], $0xffff  }
0x6f6: {  	v16 =	vmov s13;
	v32 =	vsub.f32 v26, v10;
	v24 =	vor.u32 v29, v22;
	v29 =	vld.idx.msk [tilespmem:v18+s28+$0x0], $0xffff;
	[tilespmem:v12+s19+$0x0] =	vst.idx.msk $0xffff, v21  }
0x6f7: {  	v36 =	vxor.u32 s13, v0;
	v16 =	vshll.u32 v16, $0x3;
	v26 =	vsub.f32 v28, v10;
	v22 =	vld.idx.msk [tilespmem:v33+s28+$0x0], $0xffff;
	[tilespmem:v7+s19+$0x0] =	vst.idx.msk $0xffff, v23  }
0x6f8: {  	v21 =	vand.u32 $0x7F, v36;
	v23 =	vand.u32 $0x1C00, v16;
	v16 =	vadd.s32 v4, v24;
	v7 =	vmovc v17;
	v28 =	vld.idx.msk [tilespmem:v18+s29+$0x0], $0xffff;
	v18 =	vmovc v36  }
.Ltmp11:
0x6f9: {  	v12 =	vmovc v20;
	v17 =	vor.u32 v21, v23;
	v23 =	vand.u32 $0x1C00, v27;
	v34 =	vsub.f32 v34, v10;
	v27 =	vld.idx.msk [tilespmem:v14+s28+$0x0], $0xffff;
	(pc) =	sbr.rel @p0 .LBB2_24-.Ltmp11, $4  }
0x6fa: {  	v20 =	vmul.f32 v26, v8;
	v21 =	vadd.s32 v4, v17;
	v17 =	vor.u32 v25, v23;
	v25 =	vld.idx.msk [tilespmem:v14+s29+$0x0], $0xffff  }
0x6fb: {  	v23 =	vand.u32 $0x7F, v19;
	v35 =	vsub.f32 v35, v10;
	v17 =	vadd.s32 v4, v17;
	v14 =	vmovc v31;
	v24 =	vld.idx.msk [tilespmem:v30+s28+$0x0], $0xffff  }
0x6fc: {  	v1 =	vor.u32 v23, v1;
	v31 =	vmul.f32 v20, v29;
	v30 =	vmul.f32 v34, v8;
	v23 =	vld.idx.msk [tilespmem:v33+s29+$0x0], $0xffff  }
0x6fd: {  	v32 =	vmul.f32 v32, v8;
	v20 =	vadd.s32 v4, v1;
	v29 =	vmul.f32 v35, v8;
	v26 =	vld.idx.msk [tilespmem:v16+s19+$0x0], $0xffff  }
0x6fe: {  	_ =	sdelay $0x3  }
0x6ff: {  	v1 =	vld.idx.msk [tilespmem:v21+s19+$0x0], $0xffff  }
0x700: {  	v33 =	vld.idx.msk [tilespmem:v20+s19+$0x0], $0xffff  }
0x701: {  	v34 =	vld.idx.msk [tilespmem:v17+s19+$0x0], $0xffff  }
0x702: {  	v35 =	vld.idx.msk [tilespmem:v18+s28+$0x0], $0xffff  }
0x703: {  	v51 =	vld.idx.msk [tilespmem:v19+s28+$0x0], $0xffff  }
0x704: {  	v28 =	vadd.f32 v31, v28;
	v53 =	vld.idx.msk [tilespmem:v14+s28+$0x0], $0xffff  }
0x705: {  	v22 =	vmul.f32 v30, v22;
	v54 =	vld.idx.msk [tilespmem:v14+s29+$0x0], $0xffff;
	v27 =	vmul.f32 v32, v27;
	v26 =	vsub.f32 v26, v10  }
0x706: {  	v56 =	vld.idx.msk [tilespmem:v15+s28+$0x0], $0xffff;
	[tilespmem:v11+s19+$0x0] =	vst.idx.msk $0xffff, v28;
	v1 =	vsub.f32 v1, v10;
	v55 =	vsub.f32 v33, v10  }
0x707: {  	v52 =	vld.idx.msk [tilespmem:v18+s29+$0x0], $0xffff;
	v24 =	vmul.f32 v29, v24;
	v57 =	vsub.f32 v34, v10;
	v59 =	vmul.f32 v26, v8  }
0x708: {  	v60 =	vld.idx.msk [tilespmem:v15+s29+$0x0], $0xffff;
	v25 =	vadd.f32 v27, v25;
	v1 =	vmul.f32 v1, v8;
	v61 =	vmul.f32 v55, v8  }
0x709: {  	v58 =	vld.idx.msk [tilespmem:v19+s29+$0x0], $0xffff;
	v13 =	vadd.f32 v24, v13;
	v8 =	vmul.f32 v57, v8;
	v62 =	vmul.f32 v59, v53  }
0x70a: {  	v22 =	vadd.f32 v22, v23;
	[tilespmem:v9+s19+$0x0] =	vst.idx.msk $0xffff, v25;
	v1 =	vmul.f32 v1, v35  }
0x70b: {  	[tilespmem:v7+s19+$0x0] =	vst.idx.msk $0xffff, v13;
	v8 =	vmul.f32 v8, v56;
	v7 =	vadd.f32 v62, v54  }
0x70c: {  	[tilespmem:v12+s19+$0x0] =	vst.idx.msk $0xffff, v22;
	v63 =	vmul.f32 v61, v51;
	v1 =	vadd.f32 v1, v52  }
0x70d: {  	[tilespmem:v16+s19+$0x0] =	vst.idx.msk $0xffff, v7;
	v7 =	vadd.f32 v8, v60  }
0x70e: {  	[tilespmem:v21+s19+$0x0] =	vst.idx.msk $0xffff, v1;
	v1 =	vadd.f32 v63, v58  }
0x70f: {  	[tilespmem:v17+s19+$0x0] =	vst.idx.msk $0xffff, v7  }
0x710: {  	[tilespmem:v20+s19+$0x0] =	vst.idx.msk $0xffff, v1  }
0x711: {  	s7 =	rddreg [dreg:$0x14]  }
0x712: {  	[hbm4b:s7+s6] =	stream.linear.scatter [tilespmem:s19], [sflag:$0x5], $0x3000, $0x38;
	[tilespmem:$0x1BA00] =	vst v63  }
0x713: {  	_ =	swait.ge [sflag:s2], $0x9000  }
0x714: {  	[sflag:s2] =	ssyncset.done $0x0  }
0x715: {  	[sflag:s2] =	ssyncadd.s32 $0xFFFF7000  }
0x716: {  	_ =	swait.ge [sflag:s5], $0x3000  }
0x717: {  	s24 =	sadd.s32 $0x1, s24;
	s13 =	rddreg [dreg:$0x15]  }
0x718: {  	p0 =	sne.s32 s24, s13  }
.Ltmp12:
0x719: {  	_ = 	snop;
	(pc) =	sbr.rel @p0 .LBB2_1-.Ltmp12, $3  }
0x71a: {  	_ =	sdelay $0x1  }
0x71b: {  	[sflag:s5] =	ssyncset.done $0x0  }
0x71c: {  	[sflag:s5] =	ssyncadd.s32 $0xFFFFD000  }
0x71d: {  	_ =	sfence.sel $0x180000  }
0x71e: {  	[bflag:$0x0] =	sbarrier.arrive $0xFFFF  }
0x71f: {  	_ =	strace $0x90000047  }
0x720: {  	s0 =	stileid.u32;
	[bflag:$0x2] =	sbarrier.arrive $0xFFFF  }
0x721: {  	p0 =	sne.s32 s0, $0x0;
	s0 =	rddreg [dreg:$0x7]  }
0x722: {  	s0 =	sadd.s32 @!p0 $0x100000, s0  }
0x723: {  	[sflag:s0] =	ssyncadd.tile.s32 @!p0 $0x1;
	_ =	shalt  }
.Lfunc_end2:
_tile_overlayer_lowered:
.L_overlay_start_2:
0x724: {  	(tag) =	ssettag $0x2  }
0x725: {  	s0 =	rddreg [dreg:$0x0];
	s2 =	stileid.u32  }
0x726: {  	s1 =	rddreg [dreg:$0x1];
	p0 =	sne.s32 s2, $0x0  }
0x727: {  	s3 =	rddreg [dreg:$0x2];
	[bflag:$0x3] =	sbarrier.arrive $0xFFFF;
	s2 =	simm.s32 @!p0 $0x1C06  }
0x728: {  	[timem:s3], [sflag:s2] =	dma.local @!p0 [hbm:s0], s1  }
0x729: {  	s0 =	simm.s32 @!p0 $0x6  }
0x72a: {  	_ =	swait.ge @!p0 [sflag:s0], s1  }
0x72b: {  	s1 =	ssub.s32 @!p0 $0x0, s1;
	[sflag:s0] =	ssyncset.done @!p0 $0x0  }
0x72c: {  	[sflag:s0] =	ssyncadd.s32 @!p0 s1  }
0x72d: {  	[bflag:$0x3] =	sbarrier.arrive $0xFFFF  }
0x72e: {  	_ =	shalt  }

</sc_bundles>
